<compile_context>
chip_gen: v7x
topology: tpu7x:2x2x1
jax: 0.10.2.dev20260603
libtpu: 0.0.44.dev20260713+nightly
codegen_flags: <defaults>
</compile_context>

<pallas_src>
import functools

import jax
import jax.numpy as jnp
from jax import lax
from jax.experimental import pallas as pl
from jax.experimental.pallas import tpu as pltpu
from jax.experimental.pallas import tpu_sc as plsc

N = 10000
E = 160000
HID = 512
LANE = 128

NUM_SC = 2
NUM_TILES = 16
EPT = E // NUM_TILES
EB = 128
SLACK = 184
CAP = EPT + 2 * SLACK
RMAX = 24
CAP2 = CAP + EB * RMAX
NB = CAP2 // EB
GLEN = 35
GROUPS = NB // GLEN
NJUNK = 8
ROWS_PT = 632
ROWS_LAST = N + NJUNK - (NUM_TILES - 1) * ROWS_PT


@functools.partial(jax.jit, static_argnames=("nchunks",))
def _sc_segsum(h_ch, src_main, dst_main, zeros, *, nchunks):
    cpc = nchunks // NUM_SC
    mesh = plsc.VectorSubcoreMesh(core_axis_name="c", subcore_axis_name="s",
                                  num_cores=NUM_SC, num_subcores=NUM_TILES)

    @functools.partial(
        pl.kernel,
        out_type=jax.ShapeDtypeStruct((nchunks, N, LANE), jnp.float32),
        mesh=mesh,
        scratch_types=[
            pltpu.VMEM((GLEN, EB), jnp.int32),
            pltpu.VMEM((GLEN, EB), jnp.int32),
            pltpu.VMEM((EB, LANE), jnp.float32),
            pltpu.VMEM((EB, LANE), jnp.float32),
            pltpu.VMEM_SHARED((N + NJUNK, LANE), jnp.float32),
            pltpu.SemaphoreType.DMA,
            pltpu.SemaphoreType.DMA,
        ],
    )
    def seg(h_hbm, srcm_hbm, dstm_hbm, zeros_hbm, out_hbm,
            src_v, dst_v, rows_a, rows_b, acc, sem_a, sem_b):
        sid = lax.axis_index("s")
        cid = lax.axis_index("c")
        rows = (rows_a, rows_b)
        sems = (sem_a, sem_b)

        def run_core(core):
            def _go():
                off = pl.multiple_of(sid * ROWS_PT, 8)
                for j in range(cpc):
                    chunk = core * cpc + j
                    hc = h_hbm.at[chunk]
                    @pl.when(sid < NUM_TILES - 1)
                    def _():
                        pltpu.sync_copy(zeros_hbm, acc.at[pl.ds(off, ROWS_PT)])

                    @pl.when(sid == NUM_TILES - 1)
                    def _():
                        pltpu.sync_copy(zeros_hbm.at[pl.ds(0, ROWS_LAST)],
                                        acc.at[pl.ds((NUM_TILES - 1) * ROWS_PT,
                                                     ROWS_LAST)])
                    plsc.subcore_barrier()

                    def gbody(g, _):
                        pltpu.sync_copy(srcm_hbm.at[sid].at[g], src_v)
                        pltpu.sync_copy(dstm_hbm.at[sid].at[g], dst_v)
                        pltpu.async_copy(hc.at[src_v.at[0]], rows[0], sems[0])
                        for b in range(GLEN):
                            pltpu.make_async_copy(hc.at[src_v.at[b]],
                                                  rows[b % 2], sems[b % 2]).wait()
                            if b + 1 < GLEN:
                                pltpu.async_copy(hc.at[src_v.at[b + 1]],
                                                 rows[(b + 1) % 2],
                                                 sems[(b + 1) % 2])
                            pltpu.sync_copy(rows[b % 2],
                                            acc.at[dst_v.at[b]], add=True)
                        return 0

                    lax.fori_loop(0, GROUPS, gbody, 0)
                    plsc.subcore_barrier()

                    @pl.when(sid < NUM_TILES - 1)
                    def _():
                        pltpu.sync_copy(acc.at[pl.ds(off, ROWS_PT)],
                                        out_hbm.at[chunk].at[pl.ds(off, ROWS_PT)])

                    @pl.when(sid == NUM_TILES - 1)
                    def _():
                        base = (NUM_TILES - 1) * ROWS_PT
                        nlast = N - base
                        pltpu.sync_copy(acc.at[pl.ds(base, nlast)],
                                        out_hbm.at[chunk].at[pl.ds(base, nlast)])
            return _go

        for core in range(NUM_SC):
            pl.when(cid == core)(run_core(core))

    return seg(h_ch, src_main, dst_main, zeros)


BN_ROWS = 400
GRID = N // BN_ROWS


def _mlp_body(h_ref, a_ref, eps_ref, w1_ref, b1_ref, w2_ref, b2_ref,
              z_ref, s_ref, *, cin):
    i = pl.program_id(0)
    epsv = 1.0 + eps_ref[0, 0]
    z = jnp.concatenate([epsv * h_ref[c] + a_ref[c] for c in range(cin)], axis=1)
    z1 = jnp.dot(z, w1_ref[...], preferred_element_type=jnp.float32) + b1_ref[...]
    z1 = jnp.maximum(z1, 0.0)
    z2 = jnp.dot(z1, w2_ref[...], preferred_element_type=jnp.float32) + b2_ref[...]
    for k in range(HID // LANE):
        z_ref[k] = z2[:, k * LANE:(k + 1) * LANE]
    ps = jnp.concatenate([jnp.sum(z2, axis=0, keepdims=True),
                          jnp.sum(z2 * z2, axis=0, keepdims=True)], axis=0)

    @pl.when(i == 0)
    def _():
        s_ref[...] = ps

    @pl.when(i > 0)
    def _():
        s_ref[...] = s_ref[...] + ps


def _tc_mlp(h_ch, agg_ch, eps, w1, b1, w2, b2):
    cin = h_ch.shape[0]
    co = HID // LANE
    return pl.pallas_call(
        functools.partial(_mlp_body, cin=cin),
        grid=(GRID,),
        in_specs=[
            pl.BlockSpec((cin, BN_ROWS, LANE), lambda i: (0, i, 0)),
            pl.BlockSpec((cin, BN_ROWS, LANE), lambda i: (0, i, 0)),
            pl.BlockSpec(memory_space=pltpu.SMEM),
            pl.BlockSpec((cin * LANE, HID), lambda i: (0, 0)),
            pl.BlockSpec((1, HID), lambda i: (0, 0)),
            pl.BlockSpec((HID, HID), lambda i: (0, 0)),
            pl.BlockSpec((1, HID), lambda i: (0, 0)),
        ],
        out_specs=[
            pl.BlockSpec((co, BN_ROWS, LANE), lambda i: (0, i, 0)),
            pl.BlockSpec((2, HID), lambda i: (0, 0)),
        ],
        out_shape=[
            jax.ShapeDtypeStruct((co, N, LANE), jnp.float32),
            jax.ShapeDtypeStruct((2, HID), jnp.float32),
        ],
    )(h_ch, agg_ch, eps, w1, b1, w2, b2)


def _norm_body(z_ref, sc_ref, sh_ref, h_ref):
    for k in range(HID // LANE):
        h_ref[k] = jnp.maximum(z_ref[k] * sc_ref[k] + sh_ref[k], 0.0)


def _tc_norm(z_ch, scale4, shift4):
    co = HID // LANE
    return pl.pallas_call(
        _norm_body,
        grid=(GRID,),
        in_specs=[
            pl.BlockSpec((co, BN_ROWS, LANE), lambda i: (0, i, 0)),
            pl.BlockSpec((co, 1, LANE), lambda i: (0, 0, 0)),
            pl.BlockSpec((co, 1, LANE), lambda i: (0, 0, 0)),
        ],
        out_specs=pl.BlockSpec((co, BN_ROWS, LANE), lambda i: (0, i, 0)),
        out_shape=jax.ShapeDtypeStruct((co, N, LANE), jnp.float32),
    )(z_ch, scale4, shift4)


def _heads_body(h_ref, wo_ref, bo_ref, wm_ref, bm_ref, wl_ref, bl_ref,
                mu_ref, lv_ref):
    h = jnp.concatenate([h_ref[k] for k in range(HID // LANE)], axis=1)
    ne = jnp.dot(h, wo_ref[...], preferred_element_type=jnp.float32) + bo_ref[...]
    mu_ref[...] = jnp.dot(ne, wm_ref[...], preferred_element_type=jnp.float32) + bm_ref[...]
    lv_ref[...] = jnp.dot(ne, wl_ref[...], preferred_element_type=jnp.float32) + bl_ref[...]


def _tc_heads(h_ch, wo, bo, wm, bm, wl, bl):
    co = HID // LANE
    dv = wm.shape[1]
    return pl.pallas_call(
        _heads_body,
        grid=(GRID,),
        in_specs=[
            pl.BlockSpec((co, BN_ROWS, LANE), lambda i: (0, i, 0)),
            pl.BlockSpec((HID, HID), lambda i: (0, 0)),
            pl.BlockSpec((1, HID), lambda i: (0, 0)),
            pl.BlockSpec((HID, dv), lambda i: (0, 0)),
            pl.BlockSpec((1, dv), lambda i: (0, 0)),
            pl.BlockSpec((HID, dv), lambda i: (0, 0)),
            pl.BlockSpec((1, dv), lambda i: (0, 0)),
        ],
        out_specs=[
            pl.BlockSpec((BN_ROWS, dv), lambda i: (i, 0)),
            pl.BlockSpec((BN_ROWS, dv), lambda i: (i, 0)),
        ],
        out_shape=[
            jax.ShapeDtypeStruct((N, dv), jnp.float32),
            jax.ShapeDtypeStruct((N, dv), jnp.float32),
        ],
    )(h_ch, wo, bo, wm, bm, wl, bl)


def kernel(x, edge_index, params):
    order = jnp.argsort(edge_index[1], stable=True)
    src = edge_index[0][order]
    dst = edge_index[1][order]
    targets = jnp.arange(1, NUM_TILES) * EPT
    raw = jnp.searchsorted(dst, dst[targets], side='left')
    bnd = jnp.clip(raw, targets - SLACK, targets + SLACK)
    bnd = jnp.concatenate([jnp.zeros((1,), bnd.dtype), bnd,
                           jnp.full((1,), E, bnd.dtype)])
    pos = bnd[:NUM_TILES, None] + jnp.arange(CAP)[None, :]
    valid = pos < bnd[1:, None]
    posc = jnp.minimum(pos, E - 1)
    src_t = jnp.where(valid, src[posc], 0).astype(jnp.int32)
    dst_t = jnp.where(valid, dst[posc], N).astype(jnp.int32)

    def _wave(dst_row, src_row):
        run_start = jnp.searchsorted(dst_row, dst_row, side='left')
        rank = jnp.minimum(jnp.arange(CAP, dtype=jnp.int32) - run_start, RMAX)
        sort_ids = jnp.argsort(rank, stable=True)
        ranks_sorted = rank[sort_ids]
        w = jnp.sum(ranks_sorted[None, :] == jnp.arange(RMAX + 1)[:, None],
                    axis=1)
        wpad = jnp.where(jnp.arange(RMAX + 1) < RMAX,
                         ((w + EB - 1) // EB) * EB, w)
        offs = jnp.concatenate([jnp.zeros((1,), jnp.int32),
                                jnp.cumsum(wpad)[:-1].astype(jnp.int32)])
        in_wave = (jnp.arange(CAP, dtype=jnp.int32)
                   - jnp.searchsorted(ranks_sorted, ranks_sorted, side='left'
                                      ).astype(jnp.int32))
        newpos = offs[ranks_sorted] + in_wave
        out_dst = jnp.full((CAP2,), N, jnp.int32).at[newpos].set(dst_row[sort_ids])
        out_src = jnp.zeros((CAP2,), jnp.int32).at[newpos].set(src_row[sort_ids])
        return out_src, out_dst

    src_main, dst_main = jax.vmap(_wave)(dst_t, src_t)
    src_main = src_main.reshape(NUM_TILES, GROUPS, GLEN, EB)
    dst_main = dst_main.reshape(NUM_TILES, GROUPS, GLEN, EB)
    zeros = jnp.zeros((ROWS_PT, LANE), jnp.float32)

    h_ch = x.reshape(N, 2, LANE).transpose(1, 0, 2)
    nlayers = 4
    for l in range(nlayers):
        cin = h_ch.shape[0]
        agg_ch = _sc_segsum(h_ch, src_main, dst_main, zeros, nchunks=cin)
        eps = params[f'eps_{l}'].reshape(1, 1)
        b1 = params[f'b1_{l}'].reshape(1, HID)
        b2 = params[f'b2_{l}'].reshape(1, HID)
        z_ch, sums = _tc_mlp(h_ch, agg_ch, eps, params[f'W1_{l}'], b1,
                             params[f'W2_{l}'], b2)
        mean = sums[0] / N
        var = sums[1] / N - mean * mean
        inv = lax.rsqrt(var + 1e-5)
        scale = params[f'gamma_{l}'] * inv
        shift = params[f'beta_{l}'] - mean * scale
        h_ch = _tc_norm(z_ch, scale.reshape(HID // LANE, 1, LANE),
                        shift.reshape(HID // LANE, 1, LANE))

    bo = params['b_out'].reshape(1, HID)
    bm = params['b_mu'].reshape(1, -1)
    bl = params['b_lv'].reshape(1, -1)
    return _tc_heads(h_ch, params['W_out'], bo, params['W_mu'], bm,
                     params['W_lv'], bl)

# --- scband reference (transcript-rebuilt; emitter-appended) ---
"""Pipeline reference for scband-ginencoder-9216999817891 (READ-ONLY COPY).

The authoritative reference and input builder live on the scoring server;
editing this copy changes nothing except your own understanding.
"""

import jax, jax.numpy as jnp
import numpy as np

N = 10000
E = 160000
D_IN = 256
HID = 512
D_OUT = 512
D_VAE = 128
L = 4  # num_layers - 1 GIN message-passing layers


def _glorot(key, shape):
    lim = np.sqrt(6.0 / (shape[0] + shape[1]))
    return jax.random.uniform(key, shape, jnp.float32, -lim, lim)


def setup_inputs(seed: int = 0) -> dict:
    key = jax.random.key(seed)
    ks = jax.random.split(key, 64)
    x = jax.random.normal(ks[0], (N, D_IN), jnp.float32)
    edge_index = jax.random.randint(ks[1], (2, E), 0, N, jnp.int32)
    params = {}
    ki = 2
    din = D_IN
    for l in range(L):
        params[f'W1_{l}'] = _glorot(ks[ki], (din, HID)); ki += 1
        params[f'b1_{l}'] = jnp.zeros((HID,), jnp.float32)
        params[f'W2_{l}'] = _glorot(ks[ki], (HID, HID)); ki += 1
        params[f'b2_{l}'] = jnp.zeros((HID,), jnp.float32)
        params[f'eps_{l}'] = jnp.zeros((), jnp.float32)
        params[f'gamma_{l}'] = jnp.ones((HID,), jnp.float32)
        params[f'beta_{l}'] = jnp.zeros((HID,), jnp.float32)
        din = HID
    params['W_out'] = _glorot(ks[ki], (HID, D_OUT)); ki += 1
    params['b_out'] = jnp.zeros((D_OUT,), jnp.float32)
    params['W_mu'] = _glorot(ks[ki], (D_OUT, D_VAE)); ki += 1
    params['b_mu'] = jnp.zeros((D_VAE,), jnp.float32)
    params['W_lv'] = _glorot(ks[ki], (D_OUT, D_VAE)); ki += 1
    params['b_lv'] = jnp.zeros((D_VAE,), jnp.float32)
    return {'x': x, 'edge_index': edge_index, 'params': params}


def _gin_forward(x, edge_index, params):
    src = edge_index[0]
    dst = edge_index[1]
    h = x
    for l in range(L):
        # neighbor_pooling_type='sum': scatter-add of source features to dst
        agg = jax.ops.segment_sum(h[src], dst, num_segments=N)
        z = (1.0 + params[f'eps_{l}']) * h + agg
        # 2-layer MLP (num_mlp_layers=2)
        z = z @ params[f'W1_{l}'] + params[f'b1_{l}']
        z = jax.nn.relu(z)
        z = z @ params[f'W2_{l}'] + params[f'b2_{l}']
        # batch norm over nodes (train-style statistics, eval affine)
        mu = jnp.mean(z, axis=0)
        var = jnp.var(z, axis=0)
        z = (z - mu) / jnp.sqrt(var + 1e-5)
        z = z * params[f'gamma_{l}'] + params[f'beta_{l}']
        h = jax.nn.relu(z)
    node_embs = h @ params['W_out'] + params['b_out']
    mean = node_embs @ params['W_mu'] + params['b_mu']
    log_var = node_embs @ params['W_lv'] + params['b_lv']
    return mean, log_var


def reference(x, edge_index, params):
    return _gin_forward(x, edge_index, params)

if __name__ == "__main__":
    import jax
    _d = setup_inputs()
    print(jax.jit(kernel)(*tuple(_d.values())))

</pallas_src>

<mosaic_0001>
#map = affine_map<(d0, d1) -> (0, 0, 0)>
#map1 = affine_map<(d0, d1) -> (0, 0, 0, 0)>
#map2 = affine_map<(d0, d1) -> (0, 0)>
module attributes {stable_mosaic.version = 14 : i64} {
  func.func @seg(%arg0: i32, %arg1: i32, %arg2: memref<2x10000x128xf32, #tpu.memory_space<hbm>>, %arg3: memref<16x3x35x128xi32, #tpu.memory_space<hbm>>, %arg4: memref<16x3x35x128xi32, #tpu.memory_space<hbm>>, %arg5: memref<632x128xf32, #tpu.memory_space<hbm>>, %arg6: memref<2x10000x128xf32, #tpu.memory_space<hbm>>, %arg7: memref<35x128xi32, #tpu.memory_space<vmem>>, %arg8: memref<35x128xi32, #tpu.memory_space<vmem>>, %arg9: memref<128x128xf32, #tpu.memory_space<vmem>>, %arg10: memref<128x128xf32, #tpu.memory_space<vmem>>, %arg11: memref<10008x128xf32, #tpu.memory_space<vmem_shared>>, %arg12: memref<!tpu.dma_semaphore, #tpu.memory_space<semaphore_mem>>, %arg13: memref<!tpu.dma_semaphore, #tpu.memory_space<semaphore_mem>>) attributes {dimension_semantics = [#tpu.dimension_semantics<core_parallel>, #tpu.dimension_semantics<subcore_parallel>], iteration_bounds = array<i64: 2, 16>, scalar_prefetch = 0 : i64, scratch_operands = 7 : i64, tpu.core_type = #tpu.core_type<sc_vector_subcore>, window_params = [{transform_indices = #map}, {transform_indices = #map1}, {transform_indices = #map1}, {transform_indices = #map2}, {transform_indices = #map}]} {
    %eq3A = arith.constant 0 : i32
    %eq3A_0 = arith.cmpi eq, %arg0, %eq3A : i32
    %convert_element_type3A = arith.extui %eq3A_0 : i1 to i32
    %cond3A = arith.constant 0 : i32
    %cond3A_1 = arith.cmpi ne, %convert_element_type3A, %cond3A : i32
    scf.if %cond3A_1 {
      %mul3A = arith.constant 632 : i32
      %mul3A_7 = arith.muli %arg1, %mul3A : i32
      %multiple_of3A = tpu.assume_multiple %mul3A_7, 8 : i32
      %lt3A = arith.constant 15 : i32
      %lt3A_8 = arith.cmpi slt, %arg1, %lt3A : i32
      %convert_element_type3A_9 = arith.extui %lt3A_8 : i1 to i32
      %cond3A_10 = arith.constant 0 : i32
      %cond3A_11 = arith.cmpi ne, %convert_element_type3A_9, %cond3A_10 : i32
      scf.if %cond3A_11 {
        "tpu.region"() ({
          %run_scoped3A = tpu.sem_alloc : memref<!tpu.dma_semaphore, #tpu.memory_space<semaphore_mem>>
          %dma_start3A = arith.constant 0 : i32
          %dma_start3A_35 = tpu.memref_slice %arg11[%multiple_of3A, %dma_start3A] : memref<10008x128xf32, #tpu.memory_space<vmem_shared>> -> memref<632x128xf32, #tpu.memory_space<vmem_shared>>
          tpu.enqueue_dma source(%arg5 : memref<632x128xf32, #tpu.memory_space<hbm>>) target(%dma_start3A_35 : memref<632x128xf32, #tpu.memory_space<vmem_shared>>) target_semaphore(%run_scoped3A : memref<!tpu.dma_semaphore, #tpu.memory_space<semaphore_mem>>)
          %dma_wait3A = arith.constant 0 : i32
          %dma_wait3A_36 = tpu.memref_slice %arg11[%multiple_of3A, %dma_wait3A] : memref<10008x128xf32, #tpu.memory_space<vmem_shared>> -> memref<632x128xf32, #tpu.memory_space<vmem_shared>>
          tpu.wait_dma2 semaphore(%run_scoped3A : memref<!tpu.dma_semaphore, #tpu.memory_space<semaphore_mem>>) src(%arg5 : memref<632x128xf32, #tpu.memory_space<hbm>>) dst(%dma_wait3A_36 : memref<632x128xf32, #tpu.memory_space<vmem_shared>>)
          tpu.yield
        }) : () -> ()
      } else {
      }
      %eq3A_12 = arith.constant 15 : i32
      %eq3A_13 = arith.cmpi eq, %arg1, %eq3A_12 : i32
      %convert_element_type3A_14 = arith.extui %eq3A_13 : i1 to i32
      %cond3A_15 = arith.constant 0 : i32
      %cond3A_16 = arith.cmpi ne, %convert_element_type3A_14, %cond3A_15 : i32
      scf.if %cond3A_16 {
        "tpu.region"() ({
          %run_scoped3A = tpu.sem_alloc : memref<!tpu.dma_semaphore, #tpu.memory_space<semaphore_mem>>
          %dma_start3A = arith.constant 9480 : i32
          %dma_start3A_35 = arith.constant 0 : i32
          %dma_start3A_36 = tpu.memref_slice %arg11[%dma_start3A, %dma_start3A_35] : memref<10008x128xf32, #tpu.memory_space<vmem_shared>> -> memref<528x128xf32, #tpu.memory_space<vmem_shared>>
          %dma_start3A_37 = arith.constant 0 : i32
          %dma_start3A_38 = arith.constant 0 : i32
          %dma_start3A_39 = tpu.memref_slice %arg5[%dma_start3A_37, %dma_start3A_38] : memref<632x128xf32, #tpu.memory_space<hbm>> -> memref<528x128xf32, #tpu.memory_space<hbm>>
          tpu.enqueue_dma source(%dma_start3A_39 : memref<528x128xf32, #tpu.memory_space<hbm>>) target(%dma_start3A_36 : memref<528x128xf32, #tpu.memory_space<vmem_shared>>) target_semaphore(%run_scoped3A : memref<!tpu.dma_semaphore, #tpu.memory_space<semaphore_mem>>)
          %dma_wait3A = arith.constant 9480 : i32
          %dma_wait3A_40 = arith.constant 0 : i32
          %dma_wait3A_41 = tpu.memref_slice %arg11[%dma_wait3A, %dma_wait3A_40] : memref<10008x128xf32, #tpu.memory_space<vmem_shared>> -> memref<528x128xf32, #tpu.memory_space<vmem_shared>>
          %dma_wait3A_42 = arith.constant 0 : i32
          %dma_wait3A_43 = arith.constant 0 : i32
          %dma_wait3A_44 = tpu.memref_slice %arg5[%dma_wait3A_42, %dma_wait3A_43] : memref<632x128xf32, #tpu.memory_space<hbm>> -> memref<528x128xf32, #tpu.memory_space<hbm>>
          tpu.wait_dma2 semaphore(%run_scoped3A : memref<!tpu.dma_semaphore, #tpu.memory_space<semaphore_mem>>) src(%dma_wait3A_44 : memref<528x128xf32, #tpu.memory_space<hbm>>) dst(%dma_wait3A_41 : memref<528x128xf32, #tpu.memory_space<vmem_shared>>)
          tpu.yield
        }) : () -> ()
      } else {
      }
      %barrier3A = arith.constant 0 : index
      tpu.barrier barrier_id(%barrier3A)
      %scan3A = arith.constant 0 : i32
      %scan3A_17 = arith.constant 0 : i32
      %scan3A_18 = arith.constant 0 : i32
      %scan3A_19 = arith.constant 3 : i32
      %scan3A_20 = arith.addi %scan3A_18, %scan3A_19 : i32
      %scan3A_21 = arith.constant 1 : i32
      %scan3A_22 = scf.for %scan3A_35 = %scan3A_18 to %scan3A_20 step %scan3A_21 iter_args(%scan3A_36 = %scan3A_17) -> (i32)  : i32 {
        "tpu.region"() ({
          %run_scoped3A_840 = tpu.sem_alloc : memref<!tpu.dma_semaphore, #tpu.memory_space<semaphore_mem>>
          %dma_start3A_841 = arith.constant 0 : i32
          %dma_start3A_842 = arith.constant 0 : i32
          %dma_start3A_843 = arith.constant 0 : i32
          %dma_start3A_844 = tpu.memref_slice %arg3[%arg1, %dma_start3A_841, %dma_start3A_842, %dma_start3A_843] : memref<16x3x35x128xi32, #tpu.memory_space<hbm>> -> memref<1x3x35x128xi32, #tpu.memory_space<hbm>>
          %dma_start3A_845 = tpu.memref_squeeze %dma_start3A_844 : memref<1x3x35x128xi32, #tpu.memory_space<hbm>> -> memref<3x35x128xi32, #tpu.memory_space<hbm>>
          %dma_start3A_846 = arith.constant 0 : i32
          %dma_start3A_847 = arith.constant 0 : i32
          %dma_start3A_848 = tpu.memref_slice %dma_start3A_845[%scan3A_35, %dma_start3A_846, %dma_start3A_847] : memref<3x35x128xi32, #tpu.memory_space<hbm>> -> memref<1x35x128xi32, #tpu.memory_space<hbm>>
          %dma_start3A_849 = tpu.memref_squeeze %dma_start3A_848 : memref<1x35x128xi32, #tpu.memory_space<hbm>> -> memref<35x128xi32, #tpu.memory_space<hbm>>
          %dma_start3A_850 = arith.constant 0 : i32
          %dma_start3A_851 = arith.constant 0 : i32
          %dma_start3A_852 = arith.constant 0 : i32
          %dma_start3A_853 = tpu.memref_slice %arg3[%arg1, %dma_start3A_850, %dma_start3A_851, %dma_start3A_852] : memref<16x3x35x128xi32, #tpu.memory_space<hbm>> -> memref<1x3x35x128xi32, #tpu.memory_space<hbm>>
          %dma_start3A_854 = tpu.memref_squeeze %dma_start3A_853 : memref<1x3x35x128xi32, #tpu.memory_space<hbm>> -> memref<3x35x128xi32, #tpu.memory_space<hbm>>
          %dma_start3A_855 = arith.constant 0 : i32
          %dma_start3A_856 = arith.constant 0 : i32
          %dma_start3A_857 = tpu.memref_slice %dma_start3A_854[%scan3A_35, %dma_start3A_855, %dma_start3A_856] : memref<3x35x128xi32, #tpu.memory_space<hbm>> -> memref<1x35x128xi32, #tpu.memory_space<hbm>>
          %dma_start3A_858 = tpu.memref_squeeze %dma_start3A_857 : memref<1x35x128xi32, #tpu.memory_space<hbm>> -> memref<35x128xi32, #tpu.memory_space<hbm>>
          tpu.enqueue_dma source(%dma_start3A_858 : memref<35x128xi32, #tpu.memory_space<hbm>>) target(%arg7 : memref<35x128xi32, #tpu.memory_space<vmem>>) target_semaphore(%run_scoped3A_840 : memref<!tpu.dma_semaphore, #tpu.memory_space<semaphore_mem>>)
          %dma_wait3A_859 = arith.constant 0 : i32
          %dma_wait3A_860 = arith.constant 0 : i32
          %dma_wait3A_861 = arith.constant 0 : i32
          %dma_wait3A_862 = tpu.memref_slice %arg3[%arg1, %dma_wait3A_859, %dma_wait3A_860, %dma_wait3A_861] : memref<16x3x35x128xi32, #tpu.memory_space<hbm>> -> memref<1x3x35x128xi32, #tpu.memory_space<hbm>>
          %dma_wait3A_863 = tpu.memref_squeeze %dma_wait3A_862 : memref<1x3x35x128xi32, #tpu.memory_space<hbm>> -> memref<3x35x128xi32, #tpu.memory_space<hbm>>
          %dma_wait3A_864 = arith.constant 0 : i32
          %dma_wait3A_865 = arith.constant 0 : i32
          %dma_wait3A_866 = tpu.memref_slice %dma_wait3A_863[%scan3A_35, %dma_wait3A_864, %dma_wait3A_865] : memref<3x35x128xi32, #tpu.memory_space<hbm>> -> memref<1x35x128xi32, #tpu.memory_space<hbm>>
          %dma_wait3A_867 = tpu.memref_squeeze %dma_wait3A_866 : memref<1x35x128xi32, #tpu.memory_space<hbm>> -> memref<35x128xi32, #tpu.memory_space<hbm>>
          %dma_wait3A_868 = arith.constant 0 : i32
          %dma_wait3A_869 = arith.constant 0 : i32
          %dma_wait3A_870 = arith.constant 0 : i32
          %dma_wait3A_871 = tpu.memref_slice %arg3[%arg1, %dma_wait3A_868, %dma_wait3A_869, %dma_wait3A_870] : memref<16x3x35x128xi32, #tpu.memory_space<hbm>> -> memref<1x3x35x128xi32, #tpu.memory_space<hbm>>
          %dma_wait3A_872 = tpu.memref_squeeze %dma_wait3A_871 : memref<1x3x35x128xi32, #tpu.memory_space<hbm>> -> memref<3x35x128xi32, #tpu.memory_space<hbm>>
          %dma_wait3A_873 = arith.constant 0 : i32
          %dma_wait3A_874 = arith.constant 0 : i32
          %dma_wait3A_875 = tpu.memref_slice %dma_wait3A_872[%scan3A_35, %dma_wait3A_873, %dma_wait3A_874] : memref<3x35x128xi32, #tpu.memory_space<hbm>> -> memref<1x35x128xi32, #tpu.memory_space<hbm>>
          %dma_wait3A_876 = tpu.memref_squeeze %dma_wait3A_875 : memref<1x35x128xi32, #tpu.memory_space<hbm>> -> memref<35x128xi32, #tpu.memory_space<hbm>>
          tpu.wait_dma2 semaphore(%run_scoped3A_840 : memref<!tpu.dma_semaphore, #tpu.memory_space<semaphore_mem>>) src(%dma_wait3A_876 : memref<35x128xi32, #tpu.memory_space<hbm>>) dst(%arg7 : memref<35x128xi32, #tpu.memory_space<vmem>>)
          tpu.yield
        }) : () -> ()
        "tpu.region"() ({
          %run_scoped3A_840 = tpu.sem_alloc : memref<!tpu.dma_semaphore, #tpu.memory_space<semaphore_mem>>
          %dma_start3A_841 = arith.constant 0 : i32
          %dma_start3A_842 = arith.constant 0 : i32
          %dma_start3A_843 = arith.constant 0 : i32
          %dma_start3A_844 = tpu.memref_slice %arg4[%arg1, %dma_start3A_841, %dma_start3A_842, %dma_start3A_843] : memref<16x3x35x128xi32, #tpu.memory_space<hbm>> -> memref<1x3x35x128xi32, #tpu.memory_space<hbm>>
          %dma_start3A_845 = tpu.memref_squeeze %dma_start3A_844 : memref<1x3x35x128xi32, #tpu.memory_space<hbm>> -> memref<3x35x128xi32, #tpu.memory_space<hbm>>
          %dma_start3A_846 = arith.constant 0 : i32
          %dma_start3A_847 = arith.constant 0 : i32
          %dma_start3A_848 = tpu.memref_slice %dma_start3A_845[%scan3A_35, %dma_start3A_846, %dma_start3A_847] : memref<3x35x128xi32, #tpu.memory_space<hbm>> -> memref<1x35x128xi32, #tpu.memory_space<hbm>>
          %dma_start3A_849 = tpu.memref_squeeze %dma_start3A_848 : memref<1x35x128xi32, #tpu.memory_space<hbm>> -> memref<35x128xi32, #tpu.memory_space<hbm>>
          %dma_start3A_850 = arith.constant 0 : i32
          %dma_start3A_851 = arith.constant 0 : i32
          %dma_start3A_852 = arith.constant 0 : i32
          %dma_start3A_853 = tpu.memref_slice %arg4[%arg1, %dma_start3A_850, %dma_start3A_851, %dma_start3A_852] : memref<16x3x35x128xi32, #tpu.memory_space<hbm>> -> memref<1x3x35x128xi32, #tpu.memory_space<hbm>>
          %dma_start3A_854 = tpu.memref_squeeze %dma_start3A_853 : memref<1x3x35x128xi32, #tpu.memory_space<hbm>> -> memref<3x35x128xi32, #tpu.memory_space<hbm>>
          %dma_start3A_855 = arith.constant 0 : i32
          %dma_start3A_856 = arith.constant 0 : i32
          %dma_start3A_857 = tpu.memref_slice %dma_start3A_854[%scan3A_35, %dma_start3A_855, %dma_start3A_856] : memref<3x35x128xi32, #tpu.memory_space<hbm>> -> memref<1x35x128xi32, #tpu.memory_space<hbm>>
          %dma_start3A_858 = tpu.memref_squeeze %dma_start3A_857 : memref<1x35x128xi32, #tpu.memory_space<hbm>> -> memref<35x128xi32, #tpu.memory_space<hbm>>
          tpu.enqueue_dma source(%dma_start3A_858 : memref<35x128xi32, #tpu.memory_space<hbm>>) target(%arg8 : memref<35x128xi32, #tpu.memory_space<vmem>>) target_semaphore(%run_scoped3A_840 : memref<!tpu.dma_semaphore, #tpu.memory_space<semaphore_mem>>)
          %dma_wait3A_859 = arith.constant 0 : i32
          %dma_wait3A_860 = arith.constant 0 : i32
          %dma_wait3A_861 = arith.constant 0 : i32
          %dma_wait3A_862 = tpu.memref_slice %arg4[%arg1, %dma_wait3A_859, %dma_wait3A_860, %dma_wait3A_861] : memref<16x3x35x128xi32, #tpu.memory_space<hbm>> -> memref<1x3x35x128xi32, #tpu.memory_space<hbm>>
          %dma_wait3A_863 = tpu.memref_squeeze %dma_wait3A_862 : memref<1x3x35x128xi32, #tpu.memory_space<hbm>> -> memref<3x35x128xi32, #tpu.memory_space<hbm>>
          %dma_wait3A_864 = arith.constant 0 : i32
          %dma_wait3A_865 = arith.constant 0 : i32
          %dma_wait3A_866 = tpu.memref_slice %dma_wait3A_863[%scan3A_35, %dma_wait3A_864, %dma_wait3A_865] : memref<3x35x128xi32, #tpu.memory_space<hbm>> -> memref<1x35x128xi32, #tpu.memory_space<hbm>>
          %dma_wait3A_867 = tpu.memref_squeeze %dma_wait3A_866 : memref<1x35x128xi32, #tpu.memory_space<hbm>> -> memref<35x128xi32, #tpu.memory_space<hbm>>
          %dma_wait3A_868 = arith.constant 0 : i32
          %dma_wait3A_869 = arith.constant 0 : i32
          %dma_wait3A_870 = arith.constant 0 : i32
          %dma_wait3A_871 = tpu.memref_slice %arg4[%arg1, %dma_wait3A_868, %dma_wait3A_869, %dma_wait3A_870] : memref<16x3x35x128xi32, #tpu.memory_space<hbm>> -> memref<1x3x35x128xi32, #tpu.memory_space<hbm>>
          %dma_wait3A_872 = tpu.memref_squeeze %dma_wait3A_871 : memref<1x3x35x128xi32, #tpu.memory_space<hbm>> -> memref<3x35x128xi32, #tpu.memory_space<hbm>>
          %dma_wait3A_873 = arith.constant 0 : i32
          %dma_wait3A_874 = arith.constant 0 : i32
          %dma_wait3A_875 = tpu.memref_slice %dma_wait3A_872[%scan3A_35, %dma_wait3A_873, %dma_wait3A_874] : memref<3x35x128xi32, #tpu.memory_space<hbm>> -> memref<1x35x128xi32, #tpu.memory_space<hbm>>
          %dma_wait3A_876 = tpu.memref_squeeze %dma_wait3A_875 : memref<1x35x128xi32, #tpu.memory_space<hbm>> -> memref<35x128xi32, #tpu.memory_space<hbm>>
          tpu.wait_dma2 semaphore(%run_scoped3A_840 : memref<!tpu.dma_semaphore, #tpu.memory_space<semaphore_mem>>) src(%dma_wait3A_876 : memref<35x128xi32, #tpu.memory_space<hbm>>) dst(%arg8 : memref<35x128xi32, #tpu.memory_space<vmem>>)
          tpu.yield
        }) : () -> ()
        %dma_start3A = arith.constant 0 : i32
        %dma_start3A_37 = arith.constant 0 : i32
        %dma_start3A_38 = tpu.memref_slice %arg7[%dma_start3A, %dma_start3A_37] : memref<35x128xi32, #tpu.memory_space<vmem>> -> memref<1x128xi32, #tpu.memory_space<vmem>>
        %dma_start3A_39 = tpu.memref_squeeze %dma_start3A_38 : memref<1x128xi32, #tpu.memory_space<vmem>> -> memref<128xi32, #tpu.memory_space<vmem>>
        %dma_start3A_40 = arith.constant 0 : i32
        %dma_start3A_41 = arith.constant 0 : i32
        %dma_start3A_42 = tpu.memref_slice %arg2[%scan3A, %dma_start3A_40, %dma_start3A_41] : memref<2x10000x128xf32, #tpu.memory_space<hbm>> -> memref<1x10000x128xf32, #tpu.memory_space<hbm>>
        %dma_start3A_43 = tpu.memref_squeeze %dma_start3A_42 : memref<1x10000x128xf32, #tpu.memory_space<hbm>> -> memref<10000x128xf32, #tpu.memory_space<hbm>>
        %dma_start3A_44 = arith.constant 0 : i32
        %dma_start3A_45 = arith.constant 0 : i32
        %dma_start3A_46 = tpu.memref_slice %dma_start3A_43[%dma_start3A_44, %dma_start3A_45] : memref<10000x128xf32, #tpu.memory_space<hbm>> -> memref<10000x128xf32, #tpu.memory_space<hbm>>
        tpu.enqueue_indirect_dma source(%dma_start3A_46 : memref<10000x128xf32, #tpu.memory_space<hbm>>) target(%arg9 : memref<128x128xf32, #tpu.memory_space<vmem>>) offsets(%dma_start3A_39 : memref<128xi32, #tpu.memory_space<vmem>>) semaphore(%arg12 : memref<!tpu.dma_semaphore, #tpu.memory_space<semaphore_mem>>)
        %dma_wait3A = arith.constant 0 : i32
        %dma_wait3A_47 = arith.constant 0 : i32
        %dma_wait3A_48 = tpu.memref_slice %arg7[%dma_wait3A, %dma_wait3A_47] : memref<35x128xi32, #tpu.memory_space<vmem>> -> memref<1x128xi32, #tpu.memory_space<vmem>>
        %dma_wait3A_49 = tpu.memref_squeeze %dma_wait3A_48 : memref<1x128xi32, #tpu.memory_space<vmem>> -> memref<128xi32, #tpu.memory_space<vmem>>
        %dma_wait3A_50 = arith.constant 0 : i32
        %dma_wait3A_51 = arith.constant 0 : i32
        %dma_wait3A_52 = tpu.memref_slice %arg2[%scan3A, %dma_wait3A_50, %dma_wait3A_51] : memref<2x10000x128xf32, #tpu.memory_space<hbm>> -> memref<1x10000x128xf32, #tpu.memory_space<hbm>>
        %dma_wait3A_53 = tpu.memref_squeeze %dma_wait3A_52 : memref<1x10000x128xf32, #tpu.memory_space<hbm>> -> memref<10000x128xf32, #tpu.memory_space<hbm>>
        %dma_wait3A_54 = arith.constant 0 : i32
        %dma_wait3A_55 = arith.constant 0 : i32
        %dma_wait3A_56 = tpu.memref_slice %dma_wait3A_53[%dma_wait3A_54, %dma_wait3A_55] : memref<10000x128xf32, #tpu.memory_space<hbm>> -> memref<10000x128xf32, #tpu.memory_space<hbm>>
        tpu.wait_indirect_dma semaphore(%arg12 : memref<!tpu.dma_semaphore, #tpu.memory_space<semaphore_mem>>) src(%dma_wait3A_56 : memref<10000x128xf32, #tpu.memory_space<hbm>>) dst(%arg9 : memref<128x128xf32, #tpu.memory_space<vmem>>)
        %dma_start3A_57 = arith.constant 1 : i32
        %dma_start3A_58 = arith.constant 0 : i32
        %dma_start3A_59 = tpu.memref_slice %arg7[%dma_start3A_57, %dma_start3A_58] : memref<35x128xi32, #tpu.memory_space<vmem>> -> memref<1x128xi32, #tpu.memory_space<vmem>>
        %dma_start3A_60 = tpu.memref_squeeze %dma_start3A_59 : memref<1x128xi32, #tpu.memory_space<vmem>> -> memref<128xi32, #tpu.memory_space<vmem>>
        %dma_start3A_61 = arith.constant 0 : i32
        %dma_start3A_62 = arith.constant 0 : i32
        %dma_start3A_63 = tpu.memref_slice %arg2[%scan3A, %dma_start3A_61, %dma_start3A_62] : memref<2x10000x128xf32, #tpu.memory_space<hbm>> -> memref<1x10000x128xf32, #tpu.memory_space<hbm>>
        %dma_start3A_64 = tpu.memref_squeeze %dma_start3A_63 : memref<1x10000x128xf32, #tpu.memory_space<hbm>> -> memref<10000x128xf32, #tpu.memory_space<hbm>>
        %dma_start3A_65 = arith.constant 0 : i32
        %dma_start3A_66 = arith.constant 0 : i32
        %dma_start3A_67 = tpu.memref_slice %dma_start3A_64[%dma_start3A_65, %dma_start3A_66] : memref<10000x128xf32, #tpu.memory_space<hbm>> -> memref<10000x128xf32, #tpu.memory_space<hbm>>
        tpu.enqueue_indirect_dma source(%dma_start3A_67 : memref<10000x128xf32, #tpu.memory_space<hbm>>) target(%arg10 : memref<128x128xf32, #tpu.memory_space<vmem>>) offsets(%dma_start3A_60 : memref<128xi32, #tpu.memory_space<vmem>>) semaphore(%arg13 : memref<!tpu.dma_semaphore, #tpu.memory_space<semaphore_mem>>)
        %run_scoped3A = arith.constant 0 : i32
        "tpu.region"() ({
          %run_scoped3A_840 = tpu.sem_alloc : memref<!tpu.dma_semaphore, #tpu.memory_space<semaphore_mem>>
          %dma_start3A_841 = arith.constant 0 : i32
          %dma_start3A_842 = tpu.memref_slice %arg8[%run_scoped3A, %dma_start3A_841] : memref<35x128xi32, #tpu.memory_space<vmem>> -> memref<1x128xi32, #tpu.memory_space<vmem>>
          %dma_start3A_843 = tpu.memref_squeeze %dma_start3A_842 : memref<1x128xi32, #tpu.memory_space<vmem>> -> memref<128xi32, #tpu.memory_space<vmem>>
          %dma_start3A_844 = arith.constant 0 : i32
          %dma_start3A_845 = arith.constant 0 : i32
          %dma_start3A_846 = tpu.memref_slice %arg11[%dma_start3A_844, %dma_start3A_845] : memref<10008x128xf32, #tpu.memory_space<vmem_shared>> -> memref<10008x128xf32, #tpu.memory_space<vmem_shared>>
          tpu.enqueue_indirect_dma source(%arg9 : memref<128x128xf32, #tpu.memory_space<vmem>>) target(%dma_start3A_846 : memref<10008x128xf32, #tpu.memory_space<vmem_shared>>) offsets(%dma_start3A_843 : memref<128xi32, #tpu.memory_space<vmem>>) semaphore(%run_scoped3A_840 : memref<!tpu.dma_semaphore, #tpu.memory_space<semaphore_mem>>) {add = true}
          %dma_wait3A_847 = arith.constant 0 : i32
          %dma_wait3A_848 = tpu.memref_slice %arg8[%run_scoped3A, %dma_wait3A_847] : memref<35x128xi32, #tpu.memory_space<vmem>> -> memref<1x128xi32, #tpu.memory_space<vmem>>
          %dma_wait3A_849 = tpu.memref_squeeze %dma_wait3A_848 : memref<1x128xi32, #tpu.memory_space<vmem>> -> memref<128xi32, #tpu.memory_space<vmem>>
          %dma_wait3A_850 = arith.constant 0 : i32
          %dma_wait3A_851 = arith.constant 0 : i32
          %dma_wait3A_852 = tpu.memref_slice %arg11[%dma_wait3A_850, %dma_wait3A_851] : memref<10008x128xf32, #tpu.memory_space<vmem_shared>> -> memref<10008x128xf32, #tpu.memory_space<vmem_shared>>
          tpu.wait_indirect_dma semaphore(%run_scoped3A_840 : memref<!tpu.dma_semaphore, #tpu.memory_space<semaphore_mem>>) src(%arg9 : memref<128x128xf32, #tpu.memory_space<vmem>>) dst(%dma_wait3A_852 : memref<10008x128xf32, #tpu.memory_space<vmem_shared>>)
          tpu.yield
        }) : () -> ()
        %dma_wait3A_68 = arith.constant 1 : i32
        %dma_wait3A_69 = arith.constant 0 : i32
        %dma_wait3A_70 = tpu.memref_slice %arg7[%dma_wait3A_68, %dma_wait3A_69] : memref<35x128xi32, #tpu.memory_space<vmem>> -> memref<1x128xi32, #tpu.memory_space<vmem>>
        %dma_wait3A_71 = tpu.memref_squeeze %dma_wait3A_70 : memref<1x128xi32, #tpu.memory_space<vmem>> -> memref<128xi32, #tpu.memory_space<vmem>>
        %dma_wait3A_72 = arith.constant 0 : i32
        %dma_wait3A_73 = arith.constant 0 : i32
        %dma_wait3A_74 = tpu.memref_slice %arg2[%scan3A, %dma_wait3A_72, %dma_wait3A_73] : memref<2x10000x128xf32, #tpu.memory_space<hbm>> -> memref<1x10000x128xf32, #tpu.memory_space<hbm>>
        %dma_wait3A_75 = tpu.memref_squeeze %dma_wait3A_74 : memref<1x10000x128xf32, #tpu.memory_space<hbm>> -> memref<10000x128xf32, #tpu.memory_space<hbm>>
        %dma_wait3A_76 = arith.constant 0 : i32
        %dma_wait3A_77 = arith.constant 0 : i32
        %dma_wait3A_78 = tpu.memref_slice %dma_wait3A_75[%dma_wait3A_76, %dma_wait3A_77] : memref<10000x128xf32, #tpu.memory_space<hbm>> -> memref<10000x128xf32, #tpu.memory_space<hbm>>
        tpu.wait_indirect_dma semaphore(%arg13 : memref<!tpu.dma_semaphore, #tpu.memory_space<semaphore_mem>>) src(%dma_wait3A_78 : memref<10000x128xf32, #tpu.memory_space<hbm>>) dst(%arg10 : memref<128x128xf32, #tpu.memory_space<vmem>>)
        %dma_start3A_79 = arith.constant 2 : i32
        %dma_start3A_80 = arith.constant 0 : i32
        %dma_start3A_81 = tpu.memref_slice %arg7[%dma_start3A_79, %dma_start3A_80] : memref<35x128xi32, #tpu.memory_space<vmem>> -> memref<1x128xi32, #tpu.memory_space<vmem>>
        %dma_start3A_82 = tpu.memref_squeeze %dma_start3A_81 : memref<1x128xi32, #tpu.memory_space<vmem>> -> memref<128xi32, #tpu.memory_space<vmem>>
        %dma_start3A_83 = arith.constant 0 : i32
        %dma_start3A_84 = arith.constant 0 : i32
        %dma_start3A_85 = tpu.memref_slice %arg2[%scan3A, %dma_start3A_83, %dma_start3A_84] : memref<2x10000x128xf32, #tpu.memory_space<hbm>> -> memref<1x10000x128xf32, #tpu.memory_space<hbm>>
        %dma_start3A_86 = tpu.memref_squeeze %dma_start3A_85 : memref<1x10000x128xf32, #tpu.memory_space<hbm>> -> memref<10000x128xf32, #tpu.memory_space<hbm>>
        %dma_start3A_87 = arith.constant 0 : i32
        %dma_start3A_88 = arith.constant 0 : i32
        %dma_start3A_89 = tpu.memref_slice %dma_start3A_86[%dma_start3A_87, %dma_start3A_88] : memref<10000x128xf32, #tpu.memory_space<hbm>> -> memref<10000x128xf32, #tpu.memory_space<hbm>>
        tpu.enqueue_indirect_dma source(%dma_start3A_89 : memref<10000x128xf32, #tpu.memory_space<hbm>>) target(%arg9 : memref<128x128xf32, #tpu.memory_space<vmem>>) offsets(%dma_start3A_82 : memref<128xi32, #tpu.memory_space<vmem>>) semaphore(%arg12 : memref<!tpu.dma_semaphore, #tpu.memory_space<semaphore_mem>>)
        %run_scoped3A_90 = arith.constant 1 : i32
        "tpu.region"() ({
          %run_scoped3A_840 = tpu.sem_alloc : memref<!tpu.dma_semaphore, #tpu.memory_space<semaphore_mem>>
          %dma_start3A_841 = arith.constant 0 : i32
          %dma_start3A_842 = tpu.memref_slice %arg8[%run_scoped3A_90, %dma_start3A_841] : memref<35x128xi32, #tpu.memory_space<vmem>> -> memref<1x128xi32, #tpu.memory_space<vmem>>
          %dma_start3A_843 = tpu.memref_squeeze %dma_start3A_842 : memref<1x128xi32, #tpu.memory_space<vmem>> -> memref<128xi32, #tpu.memory_space<vmem>>
          %dma_start3A_844 = arith.constant 0 : i32
          %dma_start3A_845 = arith.constant 0 : i32
          %dma_start3A_846 = tpu.memref_slice %arg11[%dma_start3A_844, %dma_start3A_845] : memref<10008x128xf32, #tpu.memory_space<vmem_shared>> -> memref<10008x128xf32, #tpu.memory_space<vmem_shared>>
          tpu.enqueue_indirect_dma source(%arg10 : memref<128x128xf32, #tpu.memory_space<vmem>>) target(%dma_start3A_846 : memref<10008x128xf32, #tpu.memory_space<vmem_shared>>) offsets(%dma_start3A_843 : memref<128xi32, #tpu.memory_space<vmem>>) semaphore(%run_scoped3A_840 : memref<!tpu.dma_semaphore, #tpu.memory_space<semaphore_mem>>) {add = true}
          %dma_wait3A_847 = arith.constant 0 : i32
          %dma_wait3A_848 = tpu.memref_slice %arg8[%run_scoped3A_90, %dma_wait3A_847] : memref<35x128xi32, #tpu.memory_space<vmem>> -> memref<1x128xi32, #tpu.memory_space<vmem>>
          %dma_wait3A_849 = tpu.memref_squeeze %dma_wait3A_848 : memref<1x128xi32, #tpu.memory_space<vmem>> -> memref<128xi32, #tpu.memory_space<vmem>>
          %dma_wait3A_850 = arith.constant 0 : i32
          %dma_wait3A_851 = arith.constant 0 : i32
          %dma_wait3A_852 = tpu.memref_slice %arg11[%dma_wait3A_850, %dma_wait3A_851] : memref<10008x128xf32, #tpu.memory_space<vmem_shared>> -> memref<10008x128xf32, #tpu.memory_space<vmem_shared>>
          tpu.wait_indirect_dma semaphore(%run_scoped3A_840 : memref<!tpu.dma_semaphore, #tpu.memory_space<semaphore_mem>>) src(%arg10 : memref<128x128xf32, #tpu.memory_space<vmem>>) dst(%dma_wait3A_852 : memref<10008x128xf32, #tpu.memory_space<vmem_shared>>)
          tpu.yield
        }) : () -> ()
        %dma_wait3A_91 = arith.constant 2 : i32
        %dma_wait3A_92 = arith.constant 0 : i32
        %dma_wait3A_93 = tpu.memref_slice %arg7[%dma_wait3A_91, %dma_wait3A_92] : memref<35x128xi32, #tpu.memory_space<vmem>> -> memref<1x128xi32, #tpu.memory_space<vmem>>
        %dma_wait3A_94 = tpu.memref_squeeze %dma_wait3A_93 : memref<1x128xi32, #tpu.memory_space<vmem>> -> memref<128xi32, #tpu.memory_space<vmem>>
        %dma_wait3A_95 = arith.constant 0 : i32
        %dma_wait3A_96 = arith.constant 0 : i32
        %dma_wait3A_97 = tpu.memref_slice %arg2[%scan3A, %dma_wait3A_95, %dma_wait3A_96] : memref<2x10000x128xf32, #tpu.memory_space<hbm>> -> memref<1x10000x128xf32, #tpu.memory_space<hbm>>
        %dma_wait3A_98 = tpu.memref_squeeze %dma_wait3A_97 : memref<1x10000x128xf32, #tpu.memory_space<hbm>> -> memref<10000x128xf32, #tpu.memory_space<hbm>>
        %dma_wait3A_99 = arith.constant 0 : i32
        %dma_wait3A_100 = arith.constant 0 : i32
        %dma_wait3A_101 = tpu.memref_slice %dma_wait3A_98[%dma_wait3A_99, %dma_wait3A_100] : memref<10000x128xf32, #tpu.memory_space<hbm>> -> memref<10000x128xf32, #tpu.memory_space<hbm>>
        tpu.wait_indirect_dma semaphore(%arg12 : memref<!tpu.dma_semaphore, #tpu.memory_space<semaphore_mem>>) src(%dma_wait3A_101 : memref<10000x128xf32, #tpu.memory_space<hbm>>) dst(%arg9 : memref<128x128xf32, #tpu.memory_space<vmem>>)
        %dma_start3A_102 = arith.constant 3 : i32
        %dma_start3A_103 = arith.constant 0 : i32
        %dma_start3A_104 = tpu.memref_slice %arg7[%dma_start3A_102, %dma_start3A_103] : memref<35x128xi32, #tpu.memory_space<vmem>> -> memref<1x128xi32, #tpu.memory_space<vmem>>
        %dma_start3A_105 = tpu.memref_squeeze %dma_start3A_104 : memref<1x128xi32, #tpu.memory_space<vmem>> -> memref<128xi32, #tpu.memory_space<vmem>>
        %dma_start3A_106 = arith.constant 0 : i32
        %dma_start3A_107 = arith.constant 0 : i32
        %dma_start3A_108 = tpu.memref_slice %arg2[%scan3A, %dma_start3A_106, %dma_start3A_107] : memref<2x10000x128xf32, #tpu.memory_space<hbm>> -> memref<1x10000x128xf32, #tpu.memory_space<hbm>>
        %dma_start3A_109 = tpu.memref_squeeze %dma_start3A_108 : memref<1x10000x128xf32, #tpu.memory_space<hbm>> -> memref<10000x128xf32, #tpu.memory_space<hbm>>
        %dma_start3A_110 = arith.constant 0 : i32
        %dma_start3A_111 = arith.constant 0 : i32
        %dma_start3A_112 = tpu.memref_slice %dma_start3A_109[%dma_start3A_110, %dma_start3A_111] : memref<10000x128xf32, #tpu.memory_space<hbm>> -> memref<10000x128xf32, #tpu.memory_space<hbm>>
        tpu.enqueue_indirect_dma source(%dma_start3A_112 : memref<10000x128xf32, #tpu.memory_space<hbm>>) target(%arg10 : memref<128x128xf32, #tpu.memory_space<vmem>>) offsets(%dma_start3A_105 : memref<128xi32, #tpu.memory_space<vmem>>) semaphore(%arg13 : memref<!tpu.dma_semaphore, #tpu.memory_space<semaphore_mem>>)
        %run_scoped3A_113 = arith.constant 2 : i32
        "tpu.region"() ({
          %run_scoped3A_840 = tpu.sem_alloc : memref<!tpu.dma_semaphore, #tpu.memory_space<semaphore_mem>>
          %dma_start3A_841 = arith.constant 0 : i32
          %dma_start3A_842 = tpu.memref_slice %arg8[%run_scoped3A_113, %dma_start3A_841] : memref<35x128xi32, #tpu.memory_space<vmem>> -> memref<1x128xi32, #tpu.memory_space<vmem>>
          %dma_start3A_843 = tpu.memref_squeeze %dma_start3A_842 : memref<1x128xi32, #tpu.memory_space<vmem>> -> memref<128xi32, #tpu.memory_space<vmem>>
          %dma_start3A_844 = arith.constant 0 : i32
          %dma_start3A_845 = arith.constant 0 : i32
          %dma_start3A_846 = tpu.memref_slice %arg11[%dma_start3A_844, %dma_start3A_845] : memref<10008x128xf32, #tpu.memory_space<vmem_shared>> -> memref<10008x128xf32, #tpu.memory_space<vmem_shared>>
          tpu.enqueue_indirect_dma source(%arg9 : memref<128x128xf32, #tpu.memory_space<vmem>>) target(%dma_start3A_846 : memref<10008x128xf32, #tpu.memory_space<vmem_shared>>) offsets(%dma_start3A_843 : memref<128xi32, #tpu.memory_space<vmem>>) semaphore(%run_scoped3A_840 : memref<!tpu.dma_semaphore, #tpu.memory_space<semaphore_mem>>) {add = true}
          %dma_wait3A_847 = arith.constant 0 : i32
          %dma_wait3A_848 = tpu.memref_slice %arg8[%run_scoped3A_113, %dma_wait3A_847] : memref<35x128xi32, #tpu.memory_space<vmem>> -> memref<1x128xi32, #tpu.memory_space<vmem>>
          %dma_wait3A_849 = tpu.memref_squeeze %dma_wait3A_848 : memref<1x128xi32, #tpu.memory_space<vmem>> -> memref<128xi32, #tpu.memory_space<vmem>>
          %dma_wait3A_850 = arith.constant 0 : i32
          %dma_wait3A_851 = arith.constant 0 : i32
          %dma_wait3A_852 = tpu.memref_slice %arg11[%dma_wait3A_850, %dma_wait3A_851] : memref<10008x128xf32, #tpu.memory_space<vmem_shared>> -> memref<10008x128xf32, #tpu.memory_space<vmem_shared>>
          tpu.wait_indirect_dma semaphore(%run_scoped3A_840 : memref<!tpu.dma_semaphore, #tpu.memory_space<semaphore_mem>>) src(%arg9 : memref<128x128xf32, #tpu.memory_space<vmem>>) dst(%dma_wait3A_852 : memref<10008x128xf32, #tpu.memory_space<vmem_shared>>)
          tpu.yield
        }) : () -> ()
        %dma_wait3A_114 = arith.constant 3 : i32
        %dma_wait3A_115 = arith.constant 0 : i32
        %dma_wait3A_116 = tpu.memref_slice %arg7[%dma_wait3A_114, %dma_wait3A_115] : memref<35x128xi32, #tpu.memory_space<vmem>> -> memref<1x128xi32, #tpu.memory_space<vmem>>
        %dma_wait3A_117 = tpu.memref_squeeze %dma_wait3A_116 : memref<1x128xi32, #tpu.memory_space<vmem>> -> memref<128xi32, #tpu.memory_space<vmem>>
        %dma_wait3A_118 = arith.constant 0 : i32
        %dma_wait3A_119 = arith.constant 0 : i32
        %dma_wait3A_120 = tpu.memref_slice %arg2[%scan3A, %dma_wait3A_118, %dma_wait3A_119] : memref<2x10000x128xf32, #tpu.memory_space<hbm>> -> memref<1x10000x128xf32, #tpu.memory_space<hbm>>
        %dma_wait3A_121 = tpu.memref_squeeze %dma_wait3A_120 : memref<1x10000x128xf32, #tpu.memory_space<hbm>> -> memref<10000x128xf32, #tpu.memory_space<hbm>>
        %dma_wait3A_122 = arith.constant 0 : i32
        %dma_wait3A_123 = arith.constant 0 : i32
        %dma_wait3A_124 = tpu.memref_slice %dma_wait3A_121[%dma_wait3A_122, %dma_wait3A_123] : memref<10000x128xf32, #tpu.memory_space<hbm>> -> memref<10000x128xf32, #tpu.memory_space<hbm>>
        tpu.wait_indirect_dma semaphore(%arg13 : memref<!tpu.dma_semaphore, #tpu.memory_space<semaphore_mem>>) src(%dma_wait3A_124 : memref<10000x128xf32, #tpu.memory_space<hbm>>) dst(%arg10 : memref<128x128xf32, #tpu.memory_space<vmem>>)
        %dma_start3A_125 = arith.constant 4 : i32
        %dma_start3A_126 = arith.constant 0 : i32
        %dma_start3A_127 = tpu.memref_slice %arg7[%dma_start3A_125, %dma_start3A_126] : memref<35x128xi32, #tpu.memory_space<vmem>> -> memref<1x128xi32, #tpu.memory_space<vmem>>
        %dma_start3A_128 = tpu.memref_squeeze %dma_start3A_127 : memref<1x128xi32, #tpu.memory_space<vmem>> -> memref<128xi32, #tpu.memory_space<vmem>>
        %dma_start3A_129 = arith.constant 0 : i32
        %dma_start3A_130 = arith.constant 0 : i32
        %dma_start3A_131 = tpu.memref_slice %arg2[%scan3A, %dma_start3A_129, %dma_start3A_130] : memref<2x10000x128xf32, #tpu.memory_space<hbm>> -> memref<1x10000x128xf32, #tpu.memory_space<hbm>>
        %dma_start3A_132 = tpu.memref_squeeze %dma_start3A_131 : memref<1x10000x128xf32, #tpu.memory_space<hbm>> -> memref<10000x128xf32, #tpu.memory_space<hbm>>
        %dma_start3A_133 = arith.constant 0 : i32
        %dma_start3A_134 = arith.constant 0 : i32
        %dma_start3A_135 = tpu.memref_slice %dma_start3A_132[%dma_start3A_133, %dma_start3A_134] : memref<10000x128xf32, #tpu.memory_space<hbm>> -> memref<10000x128xf32, #tpu.memory_space<hbm>>
        tpu.enqueue_indirect_dma source(%dma_start3A_135 : memref<10000x128xf32, #tpu.memory_space<hbm>>) target(%arg9 : memref<128x128xf32, #tpu.memory_space<vmem>>) offsets(%dma_start3A_128 : memref<128xi32, #tpu.memory_space<vmem>>) semaphore(%arg12 : memref<!tpu.dma_semaphore, #tpu.memory_space<semaphore_mem>>)
        %run_scoped3A_136 = arith.constant 3 : i32
        "tpu.region"() ({
          %run_scoped3A_840 = tpu.sem_alloc : memref<!tpu.dma_semaphore, #tpu.memory_space<semaphore_mem>>
          %dma_start3A_841 = arith.constant 0 : i32
          %dma_start3A_842 = tpu.memref_slice %arg8[%run_scoped3A_136, %dma_start3A_841] : memref<35x128xi32, #tpu.memory_space<vmem>> -> memref<1x128xi32, #tpu.memory_space<vmem>>
          %dma_start3A_843 = tpu.memref_squeeze %dma_start3A_842 : memref<1x128xi32, #tpu.memory_space<vmem>> -> memref<128xi32, #tpu.memory_space<vmem>>
          %dma_start3A_844 = arith.constant 0 : i32
          %dma_start3A_845 = arith.constant 0 : i32
          %dma_start3A_846 = tpu.memref_slice %arg11[%dma_start3A_844, %dma_start3A_845] : memref<10008x128xf32, #tpu.memory_space<vmem_shared>> -> memref<10008x128xf32, #tpu.memory_space<vmem_shared>>
          tpu.enqueue_indirect_dma source(%arg10 : memref<128x128xf32, #tpu.memory_space<vmem>>) target(%dma_start3A_846 : memref<10008x128xf32, #tpu.memory_space<vmem_shared>>) offsets(%dma_start3A_843 : memref<128xi32, #tpu.memory_space<vmem>>) semaphore(%run_scoped3A_840 : memref<!tpu.dma_semaphore, #tpu.memory_space<semaphore_mem>>) {add = true}
          %dma_wait3A_847 = arith.constant 0 : i32
          %dma_wait3A_848 = tpu.memref_slice %arg8[%run_scoped3A_136, %dma_wait3A_847] : memref<35x128xi32, #tpu.memory_space<vmem>> -> memref<1x128xi32, #tpu.memory_space<vmem>>
          %dma_wait3A_849 = tpu.memref_squeeze %dma_wait3A_848 : memref<1x128xi32, #tpu.memory_space<vmem>> -> memref<128xi32, #tpu.memory_space<vmem>>
          %dma_wait3A_850 = arith.constant 0 : i32
          %dma_wait3A_851 = arith.constant 0 : i32
          %dma_wait3A_852 = tpu.memref_slice %arg11[%dma_wait3A_850, %dma_wait3A_851] : memref<10008x128xf32, #tpu.memory_space<vmem_shared>> -> memref<10008x128xf32, #tpu.memory_space<vmem_shared>>
          tpu.wait_indirect_dma semaphore(%run_scoped3A_840 : memref<!tpu.dma_semaphore, #tpu.memory_space<semaphore_mem>>) src(%arg10 : memref<128x128xf32, #tpu.memory_space<vmem>>) dst(%dma_wait3A_852 : memref<10008x128xf32, #tpu.memory_space<vmem_shared>>)
          tpu.yield
        }) : () -> ()
        %dma_wait3A_137 = arith.constant 4 : i32
        %dma_wait3A_138 = arith.constant 0 : i32
        %dma_wait3A_139 = tpu.memref_slice %arg7[%dma_wait3A_137, %dma_wait3A_138] : memref<35x128xi32, #tpu.memory_space<vmem>> -> memref<1x128xi32, #tpu.memory_space<vmem>>
        %dma_wait3A_140 = tpu.memref_squeeze %dma_wait3A_139 : memref<1x128xi32, #tpu.memory_space<vmem>> -> memref<128xi32, #tpu.memory_space<vmem>>
        %dma_wait3A_141 = arith.constant 0 : i32
        %dma_wait3A_142 = arith.constant 0 : i32
        %dma_wait3A_143 = tpu.memref_slice %arg2[%scan3A, %dma_wait3A_141, %dma_wait3A_142] : memref<2x10000x128xf32, #tpu.memory_space<hbm>> -> memref<1x10000x128xf32, #tpu.memory_space<hbm>>
        %dma_wait3A_144 = tpu.memref_squeeze %dma_wait3A_143 : memref<1x10000x128xf32, #tpu.memory_space<hbm>> -> memref<10000x128xf32, #tpu.memory_space<hbm>>
        %dma_wait3A_145 = arith.constant 0 : i32
        %dma_wait3A_146 = arith.constant 0 : i32
        %dma_wait3A_147 = tpu.memref_slice %dma_wait3A_144[%dma_wait3A_145, %dma_wait3A_146] : memref<10000x128xf32, #tpu.memory_space<hbm>> -> memref<10000x128xf32, #tpu.memory_space<hbm>>
        tpu.wait_indirect_dma semaphore(%arg12 : memref<!tpu.dma_semaphore, #tpu.memory_space<semaphore_mem>>) src(%dma_wait3A_147 : memref<10000x128xf32, #tpu.memory_space<hbm>>) dst(%arg9 : memref<128x128xf32, #tpu.memory_space<vmem>>)
        %dma_start3A_148 = arith.constant 5 : i32
        %dma_start3A_149 = arith.constant 0 : i32
        %dma_start3A_150 = tpu.memref_slice %arg7[%dma_start3A_148, %dma_start3A_149] : memref<35x128xi32, #tpu.memory_space<vmem>> -> memref<1x128xi32, #tpu.memory_space<vmem>>
        %dma_start3A_151 = tpu.memref_squeeze %dma_start3A_150 : memref<1x128xi32, #tpu.memory_space<vmem>> -> memref<128xi32, #tpu.memory_space<vmem>>
        %dma_start3A_152 = arith.constant 0 : i32
        %dma_start3A_153 = arith.constant 0 : i32
        %dma_start3A_154 = tpu.memref_slice %arg2[%scan3A, %dma_start3A_152, %dma_start3A_153] : memref<2x10000x128xf32, #tpu.memory_space<hbm>> -> memref<1x10000x128xf32, #tpu.memory_space<hbm>>
        %dma_start3A_155 = tpu.memref_squeeze %dma_start3A_154 : memref<1x10000x128xf32, #tpu.memory_space<hbm>> -> memref<10000x128xf32, #tpu.memory_space<hbm>>
        %dma_start3A_156 = arith.constant 0 : i32
        %dma_start3A_157 = arith.constant 0 : i32
        %dma_start3A_158 = tpu.memref_slice %dma_start3A_155[%dma_start3A_156, %dma_start3A_157] : memref<10000x128xf32, #tpu.memory_space<hbm>> -> memref<10000x128xf32, #tpu.memory_space<hbm>>
        tpu.enqueue_indirect_dma source(%dma_start3A_158 : memref<10000x128xf32, #tpu.memory_space<hbm>>) target(%arg10 : memref<128x128xf32, #tpu.memory_space<vmem>>) offsets(%dma_start3A_151 : memref<128xi32, #tpu.memory_space<vmem>>) semaphore(%arg13 : memref<!tpu.dma_semaphore, #tpu.memory_space<semaphore_mem>>)
        %run_scoped3A_159 = arith.constant 4 : i32
        "tpu.region"() ({
          %run_scoped3A_840 = tpu.sem_alloc : memref<!tpu.dma_semaphore, #tpu.memory_space<semaphore_mem>>
          %dma_start3A_841 = arith.constant 0 : i32
          %dma_start3A_842 = tpu.memref_slice %arg8[%run_scoped3A_159, %dma_start3A_841] : memref<35x128xi32, #tpu.memory_space<vmem>> -> memref<1x128xi32, #tpu.memory_space<vmem>>
          %dma_start3A_843 = tpu.memref_squeeze %dma_start3A_842 : memref<1x128xi32, #tpu.memory_space<vmem>> -> memref<128xi32, #tpu.memory_space<vmem>>
          %dma_start3A_844 = arith.constant 0 : i32
          %dma_start3A_845 = arith.constant 0 : i32
          %dma_start3A_846 = tpu.memref_slice %arg11[%dma_start3A_844, %dma_start3A_845] : memref<10008x128xf32, #tpu.memory_space<vmem_shared>> -> memref<10008x128xf32, #tpu.memory_space<vmem_shared>>
          tpu.enqueue_indirect_dma source(%arg9 : memref<128x128xf32, #tpu.memory_space<vmem>>) target(%dma_start3A_846 : memref<10008x128xf32, #tpu.memory_space<vmem_shared>>) offsets(%dma_start3A_843 : memref<128xi32, #tpu.memory_space<vmem>>) semaphore(%run_scoped3A_840 : memref<!tpu.dma_semaphore, #tpu.memory_space<semaphore_mem>>) {add = true}
          %dma_wait3A_847 = arith.constant 0 : i32
          %dma_wait3A_848 = tpu.memref_slice %arg8[%run_scoped3A_159, %dma_wait3A_847] : memref<35x128xi32, #tpu.memory_space<vmem>> -> memref<1x128xi32, #tpu.memory_space<vmem>>
          %dma_wait3A_849 = tpu.memref_squeeze %dma_wait3A_848 : memref<1x128xi32, #tpu.memory_space<vmem>> -> memref<128xi32, #tpu.memory_space<vmem>>
          %dma_wait3A_850 = arith.constant 0 : i32
          %dma_wait3A_851 = arith.constant 0 : i32
          %dma_wait3A_852 = tpu.memref_slice %arg11[%dma_wait3A_850, %dma_wait3A_851] : memref<10008x128xf32, #tpu.memory_space<vmem_shared>> -> memref<10008x128xf32, #tpu.memory_space<vmem_shared>>
          tpu.wait_indirect_dma semaphore(%run_scoped3A_840 : memref<!tpu.dma_semaphore, #tpu.memory_space<semaphore_mem>>) src(%arg9 : memref<128x128xf32, #tpu.memory_space<vmem>>) dst(%dma_wait3A_852 : memref<10008x128xf32, #tpu.memory_space<vmem_shared>>)
          tpu.yield
        }) : () -> ()
        %dma_wait3A_160 = arith.constant 5 : i32
        %dma_wait3A_161 = arith.constant 0 : i32
        %dma_wait3A_162 = tpu.memref_slice %arg7[%dma_wait3A_160, %dma_wait3A_161] : memref<35x128xi32, #tpu.memory_space<vmem>> -> memref<1x128xi32, #tpu.memory_space<vmem>>
        %dma_wait3A_163 = tpu.memref_squeeze %dma_wait3A_162 : memref<1x128xi32, #tpu.memory_space<vmem>> -> memref<128xi32, #tpu.memory_space<vmem>>
        %dma_wait3A_164 = arith.constant 0 : i32
        %dma_wait3A_165 = arith.constant 0 : i32
        %dma_wait3A_166 = tpu.memref_slice %arg2[%scan3A, %dma_wait3A_164, %dma_wait3A_165] : memref<2x10000x128xf32, #tpu.memory_space<hbm>> -> memref<1x10000x128xf32, #tpu.memory_space<hbm>>
        %dma_wait3A_167 = tpu.memref_squeeze %dma_wait3A_166 : memref<1x10000x128xf32, #tpu.memory_space<hbm>> -> memref<10000x128xf32, #tpu.memory_space<hbm>>
        %dma_wait3A_168 = arith.constant 0 : i32
        %dma_wait3A_169 = arith.constant 0 : i32
        %dma_wait3A_170 = tpu.memref_slice %dma_wait3A_167[%dma_wait3A_168, %dma_wait3A_169] : memref<10000x128xf32, #tpu.memory_space<hbm>> -> memref<10000x128xf32, #tpu.memory_space<hbm>>
        tpu.wait_indirect_dma semaphore(%arg13 : memref<!tpu.dma_semaphore, #tpu.memory_space<semaphore_mem>>) src(%dma_wait3A_170 : memref<10000x128xf32, #tpu.memory_space<hbm>>) dst(%arg10 : memref<128x128xf32, #tpu.memory_space<vmem>>)
        %dma_start3A_171 = arith.constant 6 : i32
        %dma_start3A_172 = arith.constant 0 : i32
        %dma_start3A_173 = tpu.memref_slice %arg7[%dma_start3A_171, %dma_start3A_172] : memref<35x128xi32, #tpu.memory_space<vmem>> -> memref<1x128xi32, #tpu.memory_space<vmem>>
        %dma_start3A_174 = tpu.memref_squeeze %dma_start3A_173 : memref<1x128xi32, #tpu.memory_space<vmem>> -> memref<128xi32, #tpu.memory_space<vmem>>
        %dma_start3A_175 = arith.constant 0 : i32
        %dma_start3A_176 = arith.constant 0 : i32
        %dma_start3A_177 = tpu.memref_slice %arg2[%scan3A, %dma_start3A_175, %dma_start3A_176] : memref<2x10000x128xf32, #tpu.memory_space<hbm>> -> memref<1x10000x128xf32, #tpu.memory_space<hbm>>
        %dma_start3A_178 = tpu.memref_squeeze %dma_start3A_177 : memref<1x10000x128xf32, #tpu.memory_space<hbm>> -> memref<10000x128xf32, #tpu.memory_space<hbm>>
        %dma_start3A_179 = arith.constant 0 : i32
        %dma_start3A_180 = arith.constant 0 : i32
        %dma_start3A_181 = tpu.memref_slice %dma_start3A_178[%dma_start3A_179, %dma_start3A_180] : memref<10000x128xf32, #tpu.memory_space<hbm>> -> memref<10000x128xf32, #tpu.memory_space<hbm>>
        tpu.enqueue_indirect_dma source(%dma_start3A_181 : memref<10000x128xf32, #tpu.memory_space<hbm>>) target(%arg9 : memref<128x128xf32, #tpu.memory_space<vmem>>) offsets(%dma_start3A_174 : memref<128xi32, #tpu.memory_space<vmem>>) semaphore(%arg12 : memref<!tpu.dma_semaphore, #tpu.memory_space<semaphore_mem>>)
        %run_scoped3A_182 = arith.constant 5 : i32
        "tpu.region"() ({
          %run_scoped3A_840 = tpu.sem_alloc : memref<!tpu.dma_semaphore, #tpu.memory_space<semaphore_mem>>
          %dma_start3A_841 = arith.constant 0 : i32
          %dma_start3A_842 = tpu.memref_slice %arg8[%run_scoped3A_182, %dma_start3A_841] : memref<35x128xi32, #tpu.memory_space<vmem>> -> memref<1x128xi32, #tpu.memory_space<vmem>>
          %dma_start3A_843 = tpu.memref_squeeze %dma_start3A_842 : memref<1x128xi32, #tpu.memory_space<vmem>> -> memref<128xi32, #tpu.memory_space<vmem>>
          %dma_start3A_844 = arith.constant 0 : i32
          %dma_start3A_845 = arith.constant 0 : i32
          %dma_start3A_846 = tpu.memref_slice %arg11[%dma_start3A_844, %dma_start3A_845] : memref<10008x128xf32, #tpu.memory_space<vmem_shared>> -> memref<10008x128xf32, #tpu.memory_space<vmem_shared>>
          tpu.enqueue_indirect_dma source(%arg10 : memref<128x128xf32, #tpu.memory_space<vmem>>) target(%dma_start3A_846 : memref<10008x128xf32, #tpu.memory_space<vmem_shared>>) offsets(%dma_start3A_843 : memref<128xi32, #tpu.memory_space<vmem>>) semaphore(%run_scoped3A_840 : memref<!tpu.dma_semaphore, #tpu.memory_space<semaphore_mem>>) {add = true}
          %dma_wait3A_847 = arith.constant 0 : i32
          %dma_wait3A_848 = tpu.memref_slice %arg8[%run_scoped3A_182, %dma_wait3A_847] : memref<35x128xi32, #tpu.memory_space<vmem>> -> memref<1x128xi32, #tpu.memory_space<vmem>>
          %dma_wait3A_849 = tpu.memref_squeeze %dma_wait3A_848 : memref<1x128xi32, #tpu.memory_space<vmem>> -> memref<128xi32, #tpu.memory_space<vmem>>
          %dma_wait3A_850 = arith.constant 0 : i32
          %dma_wait3A_851 = arith.constant 0 : i32
          %dma_wait3A_852 = tpu.memref_slice %arg11[%dma_wait3A_850, %dma_wait3A_851] : memref<10008x128xf32, #tpu.memory_space<vmem_shared>> -> memref<10008x128xf32, #tpu.memory_space<vmem_shared>>
          tpu.wait_indirect_dma semaphore(%run_scoped3A_840 : memref<!tpu.dma_semaphore, #tpu.memory_space<semaphore_mem>>) src(%arg10 : memref<128x128xf32, #tpu.memory_space<vmem>>) dst(%dma_wait3A_852 : memref<10008x128xf32, #tpu.memory_space<vmem_shared>>)
          tpu.yield
        }) : () -> ()
        %dma_wait3A_183 = arith.constant 6 : i32
        %dma_wait3A_184 = arith.constant 0 : i32
        %dma_wait3A_185 = tpu.memref_slice %arg7[%dma_wait3A_183, %dma_wait3A_184] : memref<35x128xi32, #tpu.memory_space<vmem>> -> memref<1x128xi32, #tpu.memory_space<vmem>>
        %dma_wait3A_186 = tpu.memref_squeeze %dma_wait3A_185 : memref<1x128xi32, #tpu.memory_space<vmem>> -> memref<128xi32, #tpu.memory_space<vmem>>
        %dma_wait3A_187 = arith.constant 0 : i32
        %dma_wait3A_188 = arith.constant 0 : i32
        %dma_wait3A_189 = tpu.memref_slice %arg2[%scan3A, %dma_wait3A_187, %dma_wait3A_188] : memref<2x10000x128xf32, #tpu.memory_space<hbm>> -> memref<1x10000x128xf32, #tpu.memory_space<hbm>>
        %dma_wait3A_190 = tpu.memref_squeeze %dma_wait3A_189 : memref<1x10000x128xf32, #tpu.memory_space<hbm>> -> memref<10000x128xf32, #tpu.memory_space<hbm>>
        %dma_wait3A_191 = arith.constant 0 : i32
        %dma_wait3A_192 = arith.constant 0 : i32
        %dma_wait3A_193 = tpu.memref_slice %dma_wait3A_190[%dma_wait3A_191, %dma_wait3A_192] : memref<10000x128xf32, #tpu.memory_space<hbm>> -> memref<10000x128xf32, #tpu.memory_space<hbm>>
        tpu.wait_indirect_dma semaphore(%arg12 : memref<!tpu.dma_semaphore, #tpu.memory_space<semaphore_mem>>) src(%dma_wait3A_193 : memref<10000x128xf32, #tpu.memory_space<hbm>>) dst(%arg9 : memref<128x128xf32, #tpu.memory_space<vmem>>)
        %dma_start3A_194 = arith.constant 7 : i32
        %dma_start3A_195 = arith.constant 0 : i32
        %dma_start3A_196 = tpu.memref_slice %arg7[%dma_start3A_194, %dma_start3A_195] : memref<35x128xi32, #tpu.memory_space<vmem>> -> memref<1x128xi32, #tpu.memory_space<vmem>>
        %dma_start3A_197 = tpu.memref_squeeze %dma_start3A_196 : memref<1x128xi32, #tpu.memory_space<vmem>> -> memref<128xi32, #tpu.memory_space<vmem>>
        %dma_start3A_198 = arith.constant 0 : i32
        %dma_start3A_199 = arith.constant 0 : i32
        %dma_start3A_200 = tpu.memref_slice %arg2[%scan3A, %dma_start3A_198, %dma_start3A_199] : memref<2x10000x128xf32, #tpu.memory_space<hbm>> -> memref<1x10000x128xf32, #tpu.memory_space<hbm>>
        %dma_start3A_201 = tpu.memref_squeeze %dma_start3A_200 : memref<1x10000x128xf32, #tpu.memory_space<hbm>> -> memref<10000x128xf32, #tpu.memory_space<hbm>>
        %dma_start3A_202 = arith.constant 0 : i32
        %dma_start3A_203 = arith.constant 0 : i32
        %dma_start3A_204 = tpu.memref_slice %dma_start3A_201[%dma_start3A_202, %dma_start3A_203] : memref<10000x128xf32, #tpu.memory_space<hbm>> -> memref<10000x128xf32, #tpu.memory_space<hbm>>
        tpu.enqueue_indirect_dma source(%dma_start3A_204 : memref<10000x128xf32, #tpu.memory_space<hbm>>) target(%arg10 : memref<128x128xf32, #tpu.memory_space<vmem>>) offsets(%dma_start3A_197 : memref<128xi32, #tpu.memory_space<vmem>>) semaphore(%arg13 : memref<!tpu.dma_semaphore, #tpu.memory_space<semaphore_mem>>)
        %run_scoped3A_205 = arith.constant 6 : i32
        "tpu.region"() ({
          %run_scoped3A_840 = tpu.sem_alloc : memref<!tpu.dma_semaphore, #tpu.memory_space<semaphore_mem>>
          %dma_start3A_841 = arith.constant 0 : i32
          %dma_start3A_842 = tpu.memref_slice %arg8[%run_scoped3A_205, %dma_start3A_841] : memref<35x128xi32, #tpu.memory_space<vmem>> -> memref<1x128xi32, #tpu.memory_space<vmem>>
          %dma_start3A_843 = tpu.memref_squeeze %dma_start3A_842 : memref<1x128xi32, #tpu.memory_space<vmem>> -> memref<128xi32, #tpu.memory_space<vmem>>
          %dma_start3A_844 = arith.constant 0 : i32
          %dma_start3A_845 = arith.constant 0 : i32
          %dma_start3A_846 = tpu.memref_slice %arg11[%dma_start3A_844, %dma_start3A_845] : memref<10008x128xf32, #tpu.memory_space<vmem_shared>> -> memref<10008x128xf32, #tpu.memory_space<vmem_shared>>
          tpu.enqueue_indirect_dma source(%arg9 : memref<128x128xf32, #tpu.memory_space<vmem>>) target(%dma_start3A_846 : memref<10008x128xf32, #tpu.memory_space<vmem_shared>>) offsets(%dma_start3A_843 : memref<128xi32, #tpu.memory_space<vmem>>) semaphore(%run_scoped3A_840 : memref<!tpu.dma_semaphore, #tpu.memory_space<semaphore_mem>>) {add = true}
          %dma_wait3A_847 = arith.constant 0 : i32
          %dma_wait3A_848 = tpu.memref_slice %arg8[%run_scoped3A_205, %dma_wait3A_847] : memref<35x128xi32, #tpu.memory_space<vmem>> -> memref<1x128xi32, #tpu.memory_space<vmem>>
          %dma_wait3A_849 = tpu.memref_squeeze %dma_wait3A_848 : memref<1x128xi32, #tpu.memory_space<vmem>> -> memref<128xi32, #tpu.memory_space<vmem>>
          %dma_wait3A_850 = arith.constant 0 : i32
          %dma_wait3A_851 = arith.constant 0 : i32
          %dma_wait3A_852 = tpu.memref_slice %arg11[%dma_wait3A_850, %dma_wait3A_851] : memref<10008x128xf32, #tpu.memory_space<vmem_shared>> -> memref<10008x128xf32, #tpu.memory_space<vmem_shared>>
          tpu.wait_indirect_dma semaphore(%run_scoped3A_840 : memref<!tpu.dma_semaphore, #tpu.memory_space<semaphore_mem>>) src(%arg9 : memref<128x128xf32, #tpu.memory_space<vmem>>) dst(%dma_wait3A_852 : memref<10008x128xf32, #tpu.memory_space<vmem_shared>>)
          tpu.yield
        }) : () -> ()
        %dma_wait3A_206 = arith.constant 7 : i32
        %dma_wait3A_207 = arith.constant 0 : i32
        %dma_wait3A_208 = tpu.memref_slice %arg7[%dma_wait3A_206, %dma_wait3A_207] : memref<35x128xi32, #tpu.memory_space<vmem>> -> memref<1x128xi32, #tpu.memory_space<vmem>>
        %dma_wait3A_209 = tpu.memref_squeeze %dma_wait3A_208 : memref<1x128xi32, #tpu.memory_space<vmem>> -> memref<128xi32, #tpu.memory_space<vmem>>
        %dma_wait3A_210 = arith.constant 0 : i32
        %dma_wait3A_211 = arith.constant 0 : i32
        %dma_wait3A_212 = tpu.memref_slice %arg2[%scan3A, %dma_wait3A_210, %dma_wait3A_211] : memref<2x10000x128xf32, #tpu.memory_space<hbm>> -> memref<1x10000x128xf32, #tpu.memory_space<hbm>>
        %dma_wait3A_213 = tpu.memref_squeeze %dma_wait3A_212 : memref<1x10000x128xf32, #tpu.memory_space<hbm>> -> memref<10000x128xf32, #tpu.memory_space<hbm>>
        %dma_wait3A_214 = arith.constant 0 : i32
        %dma_wait3A_215 = arith.constant 0 : i32
        %dma_wait3A_216 = tpu.memref_slice %dma_wait3A_213[%dma_wait3A_214, %dma_wait3A_215] : memref<10000x128xf32, #tpu.memory_space<hbm>> -> memref<10000x128xf32, #tpu.memory_space<hbm>>
        tpu.wait_indirect_dma semaphore(%arg13 : memref<!tpu.dma_semaphore, #tpu.memory_space<semaphore_mem>>) src(%dma_wait3A_216 : memref<10000x128xf32, #tpu.memory_space<hbm>>) dst(%arg10 : memref<128x128xf32, #tpu.memory_space<vmem>>)
        %dma_start3A_217 = arith.constant 8 : i32
        %dma_start3A_218 = arith.constant 0 : i32
        %dma_start3A_219 = tpu.memref_slice %arg7[%dma_start3A_217, %dma_start3A_218] : memref<35x128xi32, #tpu.memory_space<vmem>> -> memref<1x128xi32, #tpu.memory_space<vmem>>
        %dma_start3A_220 = tpu.memref_squeeze %dma_start3A_219 : memref<1x128xi32, #tpu.memory_space<vmem>> -> memref<128xi32, #tpu.memory_space<vmem>>
        %dma_start3A_221 = arith.constant 0 : i32
        %dma_start3A_222 = arith.constant 0 : i32
        %dma_start3A_223 = tpu.memref_slice %arg2[%scan3A, %dma_start3A_221, %dma_start3A_222] : memref<2x10000x128xf32, #tpu.memory_space<hbm>> -> memref<1x10000x128xf32, #tpu.memory_space<hbm>>
        %dma_start3A_224 = tpu.memref_squeeze %dma_start3A_223 : memref<1x10000x128xf32, #tpu.memory_space<hbm>> -> memref<10000x128xf32, #tpu.memory_space<hbm>>
        %dma_start3A_225 = arith.constant 0 : i32
        %dma_start3A_226 = arith.constant 0 : i32
        %dma_start3A_227 = tpu.memref_slice %dma_start3A_224[%dma_start3A_225, %dma_start3A_226] : memref<10000x128xf32, #tpu.memory_space<hbm>> -> memref<10000x128xf32, #tpu.memory_space<hbm>>
        tpu.enqueue_indirect_dma source(%dma_start3A_227 : memref<10000x128xf32, #tpu.memory_space<hbm>>) target(%arg9 : memref<128x128xf32, #tpu.memory_space<vmem>>) offsets(%dma_start3A_220 : memref<128xi32, #tpu.memory_space<vmem>>) semaphore(%arg12 : memref<!tpu.dma_semaphore, #tpu.memory_space<semaphore_mem>>)
        %run_scoped3A_228 = arith.constant 7 : i32
        "tpu.region"() ({
          %run_scoped3A_840 = tpu.sem_alloc : memref<!tpu.dma_semaphore, #tpu.memory_space<semaphore_mem>>
          %dma_start3A_841 = arith.constant 0 : i32
          %dma_start3A_842 = tpu.memref_slice %arg8[%run_scoped3A_228, %dma_start3A_841] : memref<35x128xi32, #tpu.memory_space<vmem>> -> memref<1x128xi32, #tpu.memory_space<vmem>>
          %dma_start3A_843 = tpu.memref_squeeze %dma_start3A_842 : memref<1x128xi32, #tpu.memory_space<vmem>> -> memref<128xi32, #tpu.memory_space<vmem>>
          %dma_start3A_844 = arith.constant 0 : i32
          %dma_start3A_845 = arith.constant 0 : i32
          %dma_start3A_846 = tpu.memref_slice %arg11[%dma_start3A_844, %dma_start3A_845] : memref<10008x128xf32, #tpu.memory_space<vmem_shared>> -> memref<10008x128xf32, #tpu.memory_space<vmem_shared>>
          tpu.enqueue_indirect_dma source(%arg10 : memref<128x128xf32, #tpu.memory_space<vmem>>) target(%dma_start3A_846 : memref<10008x128xf32, #tpu.memory_space<vmem_shared>>) offsets(%dma_start3A_843 : memref<128xi32, #tpu.memory_space<vmem>>) semaphore(%run_scoped3A_840 : memref<!tpu.dma_semaphore, #tpu.memory_space<semaphore_mem>>) {add = true}
          %dma_wait3A_847 = arith.constant 0 : i32
          %dma_wait3A_848 = tpu.memref_slice %arg8[%run_scoped3A_228, %dma_wait3A_847] : memref<35x128xi32, #tpu.memory_space<vmem>> -> memref<1x128xi32, #tpu.memory_space<vmem>>
          %dma_wait3A_849 = tpu.memref_squeeze %dma_wait3A_848 : memref<1x128xi32, #tpu.memory_space<vmem>> -> memref<128xi32, #tpu.memory_space<vmem>>
          %dma_wait3A_850 = arith.constant 0 : i32
          %dma_wait3A_851 = arith.constant 0 : i32
          %dma_wait3A_852 = tpu.memref_slice %arg11[%dma_wait3A_850, %dma_wait3A_851] : memref<10008x128xf32, #tpu.memory_space<vmem_shared>> -> memref<10008x128xf32, #tpu.memory_space<vmem_shared>>
          tpu.wait_indirect_dma semaphore(%run_scoped3A_840 : memref<!tpu.dma_semaphore, #tpu.memory_space<semaphore_mem>>) src(%arg10 : memref<128x128xf32, #tpu.memory_space<vmem>>) dst(%dma_wait3A_852 : memref<10008x128xf32, #tpu.memory_space<vmem_shared>>)
          tpu.yield
        }) : () -> ()
        %dma_wait3A_229 = arith.constant 8 : i32
        %dma_wait3A_230 = arith.constant 0 : i32
        %dma_wait3A_231 = tpu.memref_slice %arg7[%dma_wait3A_229, %dma_wait3A_230] : memref<35x128xi32, #tpu.memory_space<vmem>> -> memref<1x128xi32, #tpu.memory_space<vmem>>
        %dma_wait3A_232 = tpu.memref_squeeze %dma_wait3A_231 : memref<1x128xi32, #tpu.memory_space<vmem>> -> memref<128xi32, #tpu.memory_space<vmem>>
        %dma_wait3A_233 = arith.constant 0 : i32
        %dma_wait3A_234 = arith.constant 0 : i32
        %dma_wait3A_235 = tpu.memref_slice %arg2[%scan3A, %dma_wait3A_233, %dma_wait3A_234] : memref<2x10000x128xf32, #tpu.memory_space<hbm>> -> memref<1x10000x128xf32, #tpu.memory_space<hbm>>
        %dma_wait3A_236 = tpu.memref_squeeze %dma_wait3A_235 : memref<1x10000x128xf32, #tpu.memory_space<hbm>> -> memref<10000x128xf32, #tpu.memory_space<hbm>>
        %dma_wait3A_237 = arith.constant 0 : i32
        %dma_wait3A_238 = arith.constant 0 : i32
        %dma_wait3A_239 = tpu.memref_slice %dma_wait3A_236[%dma_wait3A_237, %dma_wait3A_238] : memref<10000x128xf32, #tpu.memory_space<hbm>> -> memref<10000x128xf32, #tpu.memory_space<hbm>>
        tpu.wait_indirect_dma semaphore(%arg12 : memref<!tpu.dma_semaphore, #tpu.memory_space<semaphore_mem>>) src(%dma_wait3A_239 : memref<10000x128xf32, #tpu.memory_space<hbm>>) dst(%arg9 : memref<128x128xf32, #tpu.memory_space<vmem>>)
        %dma_start3A_240 = arith.constant 9 : i32
        %dma_start3A_241 = arith.constant 0 : i32
        %dma_start3A_242 = tpu.memref_slice %arg7[%dma_start3A_240, %dma_start3A_241] : memref<35x128xi32, #tpu.memory_space<vmem>> -> memref<1x128xi32, #tpu.memory_space<vmem>>
        %dma_start3A_243 = tpu.memref_squeeze %dma_start3A_242 : memref<1x128xi32, #tpu.memory_space<vmem>> -> memref<128xi32, #tpu.memory_space<vmem>>
        %dma_start3A_244 = arith.constant 0 : i32
        %dma_start3A_245 = arith.constant 0 : i32
        %dma_start3A_246 = tpu.memref_slice %arg2[%scan3A, %dma_start3A_244, %dma_start3A_245] : memref<2x10000x128xf32, #tpu.memory_space<hbm>> -> memref<1x10000x128xf32, #tpu.memory_space<hbm>>
        %dma_start3A_247 = tpu.memref_squeeze %dma_start3A_246 : memref<1x10000x128xf32, #tpu.memory_space<hbm>> -> memref<10000x128xf32, #tpu.memory_space<hbm>>
        %dma_start3A_248 = arith.constant 0 : i32
        %dma_start3A_249 = arith.constant 0 : i32
        %dma_start3A_250 = tpu.memref_slice %dma_start3A_247[%dma_start3A_248, %dma_start3A_249] : memref<10000x128xf32, #tpu.memory_space<hbm>> -> memref<10000x128xf32, #tpu.memory_space<hbm>>
        tpu.enqueue_indirect_dma source(%dma_start3A_250 : memref<10000x128xf32, #tpu.memory_space<hbm>>) target(%arg10 : memref<128x128xf32, #tpu.memory_space<vmem>>) offsets(%dma_start3A_243 : memref<128xi32, #tpu.memory_space<vmem>>) semaphore(%arg13 : memref<!tpu.dma_semaphore, #tpu.memory_space<semaphore_mem>>)
        %run_scoped3A_251 = arith.constant 8 : i32
        "tpu.region"() ({
          %run_scoped3A_840 = tpu.sem_alloc : memref<!tpu.dma_semaphore, #tpu.memory_space<semaphore_mem>>
          %dma_start3A_841 = arith.constant 0 : i32
          %dma_start3A_842 = tpu.memref_slice %arg8[%run_scoped3A_251, %dma_start3A_841] : memref<35x128xi32, #tpu.memory_space<vmem>> -> memref<1x128xi32, #tpu.memory_space<vmem>>
          %dma_start3A_843 = tpu.memref_squeeze %dma_start3A_842 : memref<1x128xi32, #tpu.memory_space<vmem>> -> memref<128xi32, #tpu.memory_space<vmem>>
          %dma_start3A_844 = arith.constant 0 : i32
          %dma_start3A_845 = arith.constant 0 : i32
          %dma_start3A_846 = tpu.memref_slice %arg11[%dma_start3A_844, %dma_start3A_845] : memref<10008x128xf32, #tpu.memory_space<vmem_shared>> -> memref<10008x128xf32, #tpu.memory_space<vmem_shared>>
          tpu.enqueue_indirect_dma source(%arg9 : memref<128x128xf32, #tpu.memory_space<vmem>>) target(%dma_start3A_846 : memref<10008x128xf32, #tpu.memory_space<vmem_shared>>) offsets(%dma_start3A_843 : memref<128xi32, #tpu.memory_space<vmem>>) semaphore(%run_scoped3A_840 : memref<!tpu.dma_semaphore, #tpu.memory_space<semaphore_mem>>) {add = true}
          %dma_wait3A_847 = arith.constant 0 : i32
          %dma_wait3A_848 = tpu.memref_slice %arg8[%run_scoped3A_251, %dma_wait3A_847] : memref<35x128xi32, #tpu.memory_space<vmem>> -> memref<1x128xi32, #tpu.memory_space<vmem>>
          %dma_wait3A_849 = tpu.memref_squeeze %dma_wait3A_848 : memref<1x128xi32, #tpu.memory_space<vmem>> -> memref<128xi32, #tpu.memory_space<vmem>>
          %dma_wait3A_850 = arith.constant 0 : i32
          %dma_wait3A_851 = arith.constant 0 : i32
          %dma_wait3A_852 = tpu.memref_slice %arg11[%dma_wait3A_850, %dma_wait3A_851] : memref<10008x128xf32, #tpu.memory_space<vmem_shared>> -> memref<10008x128xf32, #tpu.memory_space<vmem_shared>>
          tpu.wait_indirect_dma semaphore(%run_scoped3A_840 : memref<!tpu.dma_semaphore, #tpu.memory_space<semaphore_mem>>) src(%arg9 : memref<128x128xf32, #tpu.memory_space<vmem>>) dst(%dma_wait3A_852 : memref<10008x128xf32, #tpu.memory_space<vmem_shared>>)
          tpu.yield
        }) : () -> ()
        %dma_wait3A_252 = arith.constant 9 : i32
        %dma_wait3A_253 = arith.constant 0 : i32
        %dma_wait3A_254 = tpu.memref_slice %arg7[%dma_wait3A_252, %dma_wait3A_253] : memref<35x128xi32, #tpu.memory_space<vmem>> -> memref<1x128xi32, #tpu.memory_space<vmem>>
        %dma_wait3A_255 = tpu.memref_squeeze %dma_wait3A_254 : memref<1x128xi32, #tpu.memory_space<vmem>> -> memref<128xi32, #tpu.memory_space<vmem>>
        %dma_wait3A_256 = arith.constant 0 : i32
        %dma_wait3A_257 = arith.constant 0 : i32
        %dma_wait3A_258 = tpu.memref_slice %arg2[%scan3A, %dma_wait3A_256, %dma_wait3A_257] : memref<2x10000x128xf32, #tpu.memory_space<hbm>> -> memref<1x10000x128xf32, #tpu.memory_space<hbm>>
        %dma_wait3A_259 = tpu.memref_squeeze %dma_wait3A_258 : memref<1x10000x128xf32, #tpu.memory_space<hbm>> -> memref<10000x128xf32, #tpu.memory_space<hbm>>
        %dma_wait3A_260 = arith.constant 0 : i32
        %dma_wait3A_261 = arith.constant 0 : i32
        %dma_wait3A_262 = tpu.memref_slice %dma_wait3A_259[%dma_wait3A_260, %dma_wait3A_261] : memref<10000x128xf32, #tpu.memory_space<hbm>> -> memref<10000x128xf32, #tpu.memory_space<hbm>>
        tpu.wait_indirect_dma semaphore(%arg13 : memref<!tpu.dma_semaphore, #tpu.memory_space<semaphore_mem>>) src(%dma_wait3A_262 : memref<10000x128xf32, #tpu.memory_space<hbm>>) dst(%arg10 : memref<128x128xf32, #tpu.memory_space<vmem>>)
        %dma_start3A_263 = arith.constant 10 : i32
        %dma_start3A_264 = arith.constant 0 : i32
        %dma_start3A_265 = tpu.memref_slice %arg7[%dma_start3A_263, %dma_start3A_264] : memref<35x128xi32, #tpu.memory_space<vmem>> -> memref<1x128xi32, #tpu.memory_space<vmem>>
        %dma_start3A_266 = tpu.memref_squeeze %dma_start3A_265 : memref<1x128xi32, #tpu.memory_space<vmem>> -> memref<128xi32, #tpu.memory_space<vmem>>
        %dma_start3A_267 = arith.constant 0 : i32
        %dma_start3A_268 = arith.constant 0 : i32
        %dma_start3A_269 = tpu.memref_slice %arg2[%scan3A, %dma_start3A_267, %dma_start3A_268] : memref<2x10000x128xf32, #tpu.memory_space<hbm>> -> memref<1x10000x128xf32, #tpu.memory_space<hbm>>
        %dma_start3A_270 = tpu.memref_squeeze %dma_start3A_269 : memref<1x10000x128xf32, #tpu.memory_space<hbm>> -> memref<10000x128xf32, #tpu.memory_space<hbm>>
        %dma_start3A_271 = arith.constant 0 : i32
        %dma_start3A_272 = arith.constant 0 : i32
        %dma_start3A_273 = tpu.memref_slice %dma_start3A_270[%dma_start3A_271, %dma_start3A_272] : memref<10000x128xf32, #tpu.memory_space<hbm>> -> memref<10000x128xf32, #tpu.memory_space<hbm>>
        tpu.enqueue_indirect_dma source(%dma_start3A_273 : memref<10000x128xf32, #tpu.memory_space<hbm>>) target(%arg9 : memref<128x128xf32, #tpu.memory_space<vmem>>) offsets(%dma_start3A_266 : memref<128xi32, #tpu.memory_space<vmem>>) semaphore(%arg12 : memref<!tpu.dma_semaphore, #tpu.memory_space<semaphore_mem>>)
        %run_scoped3A_274 = arith.constant 9 : i32
        "tpu.region"() ({
          %run_scoped3A_840 = tpu.sem_alloc : memref<!tpu.dma_semaphore, #tpu.memory_space<semaphore_mem>>
          %dma_start3A_841 = arith.constant 0 : i32
          %dma_start3A_842 = tpu.memref_slice %arg8[%run_scoped3A_274, %dma_start3A_841] : memref<35x128xi32, #tpu.memory_space<vmem>> -> memref<1x128xi32, #tpu.memory_space<vmem>>
          %dma_start3A_843 = tpu.memref_squeeze %dma_start3A_842 : memref<1x128xi32, #tpu.memory_space<vmem>> -> memref<128xi32, #tpu.memory_space<vmem>>
          %dma_start3A_844 = arith.constant 0 : i32
          %dma_start3A_845 = arith.constant 0 : i32
          %dma_start3A_846 = tpu.memref_slice %arg11[%dma_start3A_844, %dma_start3A_845] : memref<10008x128xf32, #tpu.memory_space<vmem_shared>> -> memref<10008x128xf32, #tpu.memory_space<vmem_shared>>
          tpu.enqueue_indirect_dma source(%arg10 : memref<128x128xf32, #tpu.memory_space<vmem>>) target(%dma_start3A_846 : memref<10008x128xf32, #tpu.memory_space<vmem_shared>>) offsets(%dma_start3A_843 : memref<128xi32, #tpu.memory_space<vmem>>) semaphore(%run_scoped3A_840 : memref<!tpu.dma_semaphore, #tpu.memory_space<semaphore_mem>>) {add = true}
          %dma_wait3A_847 = arith.constant 0 : i32
          %dma_wait3A_848 = tpu.memref_slice %arg8[%run_scoped3A_274, %dma_wait3A_847] : memref<35x128xi32, #tpu.memory_space<vmem>> -> memref<1x128xi32, #tpu.memory_space<vmem>>
          %dma_wait3A_849 = tpu.memref_squeeze %dma_wait3A_848 : memref<1x128xi32, #tpu.memory_space<vmem>> -> memref<128xi32, #tpu.memory_space<vmem>>
          %dma_wait3A_850 = arith.constant 0 : i32
          %dma_wait3A_851 = arith.constant 0 : i32
          %dma_wait3A_852 = tpu.memref_slice %arg11[%dma_wait3A_850, %dma_wait3A_851] : memref<10008x128xf32, #tpu.memory_space<vmem_shared>> -> memref<10008x128xf32, #tpu.memory_space<vmem_shared>>
          tpu.wait_indirect_dma semaphore(%run_scoped3A_840 : memref<!tpu.dma_semaphore, #tpu.memory_space<semaphore_mem>>) src(%arg10 : memref<128x128xf32, #tpu.memory_space<vmem>>) dst(%dma_wait3A_852 : memref<10008x128xf32, #tpu.memory_space<vmem_shared>>)
          tpu.yield
        }) : () -> ()
        %dma_wait3A_275 = arith.constant 10 : i32
        %dma_wait3A_276 = arith.constant 0 : i32
        %dma_wait3A_277 = tpu.memref_slice %arg7[%dma_wait3A_275, %dma_wait3A_276] : memref<35x128xi32, #tpu.memory_space<vmem>> -> memref<1x128xi32, #tpu.memory_space<vmem>>
        %dma_wait3A_278 = tpu.memref_squeeze %dma_wait3A_277 : memref<1x128xi32, #tpu.memory_space<vmem>> -> memref<128xi32, #tpu.memory_space<vmem>>
        %dma_wait3A_279 = arith.constant 0 : i32
        %dma_wait3A_280 = arith.constant 0 : i32
        %dma_wait3A_281 = tpu.memref_slice %arg2[%scan3A, %dma_wait3A_279, %dma_wait3A_280] : memref<2x10000x128xf32, #tpu.memory_space<hbm>> -> memref<1x10000x128xf32, #tpu.memory_space<hbm>>
        %dma_wait3A_282 = tpu.memref_squeeze %dma_wait3A_281 : memref<1x10000x128xf32, #tpu.memory_space<hbm>> -> memref<10000x128xf32, #tpu.memory_space<hbm>>
        %dma_wait3A_283 = arith.constant 0 : i32
        %dma_wait3A_284 = arith.constant 0 : i32
        %dma_wait3A_285 = tpu.memref_slice %dma_wait3A_282[%dma_wait3A_283, %dma_wait3A_284] : memref<10000x128xf32, #tpu.memory_space<hbm>> -> memref<10000x128xf32, #tpu.memory_space<hbm>>
        tpu.wait_indirect_dma semaphore(%arg12 : memref<!tpu.dma_semaphore, #tpu.memory_space<semaphore_mem>>) src(%dma_wait3A_285 : memref<10000x128xf32, #tpu.memory_space<hbm>>) dst(%arg9 : memref<128x128xf32, #tpu.memory_space<vmem>>)
        %dma_start3A_286 = arith.constant 11 : i32
        %dma_start3A_287 = arith.constant 0 : i32
        %dma_start3A_288 = tpu.memref_slice %arg7[%dma_start3A_286, %dma_start3A_287] : memref<35x128xi32, #tpu.memory_space<vmem>> -> memref<1x128xi32, #tpu.memory_space<vmem>>
        %dma_start3A_289 = tpu.memref_squeeze %dma_start3A_288 : memref<1x128xi32, #tpu.memory_space<vmem>> -> memref<128xi32, #tpu.memory_space<vmem>>
        %dma_start3A_290 = arith.constant 0 : i32
        %dma_start3A_291 = arith.constant 0 : i32
        %dma_start3A_292 = tpu.memref_slice %arg2[%scan3A, %dma_start3A_290, %dma_start3A_291] : memref<2x10000x128xf32, #tpu.memory_space<hbm>> -> memref<1x10000x128xf32, #tpu.memory_space<hbm>>
        %dma_start3A_293 = tpu.memref_squeeze %dma_start3A_292 : memref<1x10000x128xf32, #tpu.memory_space<hbm>> -> memref<10000x128xf32, #tpu.memory_space<hbm>>
        %dma_start3A_294 = arith.constant 0 : i32
        %dma_start3A_295 = arith.constant 0 : i32
        %dma_start3A_296 = tpu.memref_slice %dma_start3A_293[%dma_start3A_294, %dma_start3A_295] : memref<10000x128xf32, #tpu.memory_space<hbm>> -> memref<10000x128xf32, #tpu.memory_space<hbm>>
        tpu.enqueue_indirect_dma source(%dma_start3A_296 : memref<10000x128xf32, #tpu.memory_space<hbm>>) target(%arg10 : memref<128x128xf32, #tpu.memory_space<vmem>>) offsets(%dma_start3A_289 : memref<128xi32, #tpu.memory_space<vmem>>) semaphore(%arg13 : memref<!tpu.dma_semaphore, #tpu.memory_space<semaphore_mem>>)
        %run_scoped3A_297 = arith.constant 10 : i32
        "tpu.region"() ({
          %run_scoped3A_840 = tpu.sem_alloc : memref<!tpu.dma_semaphore, #tpu.memory_space<semaphore_mem>>
          %dma_start3A_841 = arith.constant 0 : i32
          %dma_start3A_842 = tpu.memref_slice %arg8[%run_scoped3A_297, %dma_start3A_841] : memref<35x128xi32, #tpu.memory_space<vmem>> -> memref<1x128xi32, #tpu.memory_space<vmem>>
          %dma_start3A_843 = tpu.memref_squeeze %dma_start3A_842 : memref<1x128xi32, #tpu.memory_space<vmem>> -> memref<128xi32, #tpu.memory_space<vmem>>
          %dma_start3A_844 = arith.constant 0 : i32
          %dma_start3A_845 = arith.constant 0 : i32
          %dma_start3A_846 = tpu.memref_slice %arg11[%dma_start3A_844, %dma_start3A_845] : memref<10008x128xf32, #tpu.memory_space<vmem_shared>> -> memref<10008x128xf32, #tpu.memory_space<vmem_shared>>
          tpu.enqueue_indirect_dma source(%arg9 : memref<128x128xf32, #tpu.memory_space<vmem>>) target(%dma_start3A_846 : memref<10008x128xf32, #tpu.memory_space<vmem_shared>>) offsets(%dma_start3A_843 : memref<128xi32, #tpu.memory_space<vmem>>) semaphore(%run_scoped3A_840 : memref<!tpu.dma_semaphore, #tpu.memory_space<semaphore_mem>>) {add = true}
          %dma_wait3A_847 = arith.constant 0 : i32
          %dma_wait3A_848 = tpu.memref_slice %arg8[%run_scoped3A_297, %dma_wait3A_847] : memref<35x128xi32, #tpu.memory_space<vmem>> -> memref<1x128xi32, #tpu.memory_space<vmem>>
          %dma_wait3A_849 = tpu.memref_squeeze %dma_wait3A_848 : memref<1x128xi32, #tpu.memory_space<vmem>> -> memref<128xi32, #tpu.memory_space<vmem>>
          %dma_wait3A_850 = arith.constant 0 : i32
          %dma_wait3A_851 = arith.constant 0 : i32
          %dma_wait3A_852 = tpu.memref_slice %arg11[%dma_wait3A_850, %dma_wait3A_851] : memref<10008x128xf32, #tpu.memory_space<vmem_shared>> -> memref<10008x128xf32, #tpu.memory_space<vmem_shared>>
          tpu.wait_indirect_dma semaphore(%run_scoped3A_840 : memref<!tpu.dma_semaphore, #tpu.memory_space<semaphore_mem>>) src(%arg9 : memref<128x128xf32, #tpu.memory_space<vmem>>) dst(%dma_wait3A_852 : memref<10008x128xf32, #tpu.memory_space<vmem_shared>>)
          tpu.yield
        }) : () -> ()
        %dma_wait3A_298 = arith.constant 11 : i32
        %dma_wait3A_299 = arith.constant 0 : i32
        %dma_wait3A_300 = tpu.memref_slice %arg7[%dma_wait3A_298, %dma_wait3A_299] : memref<35x128xi32, #tpu.memory_space<vmem>> -> memref<1x128xi32, #tpu.memory_space<vmem>>
        %dma_wait3A_301 = tpu.memref_squeeze %dma_wait3A_300 : memref<1x128xi32, #tpu.memory_space<vmem>> -> memref<128xi32, #tpu.memory_space<vmem>>
        %dma_wait3A_302 = arith.constant 0 : i32
        %dma_wait3A_303 = arith.constant 0 : i32
        %dma_wait3A_304 = tpu.memref_slice %arg2[%scan3A, %dma_wait3A_302, %dma_wait3A_303] : memref<2x10000x128xf32, #tpu.memory_space<hbm>> -> memref<1x10000x128xf32, #tpu.memory_space<hbm>>
        %dma_wait3A_305 = tpu.memref_squeeze %dma_wait3A_304 : memref<1x10000x128xf32, #tpu.memory_space<hbm>> -> memref<10000x128xf32, #tpu.memory_space<hbm>>
        %dma_wait3A_306 = arith.constant 0 : i32
        %dma_wait3A_307 = arith.constant 0 : i32
        %dma_wait3A_308 = tpu.memref_slice %dma_wait3A_305[%dma_wait3A_306, %dma_wait3A_307] : memref<10000x128xf32, #tpu.memory_space<hbm>> -> memref<10000x128xf32, #tpu.memory_space<hbm>>
        tpu.wait_indirect_dma semaphore(%arg13 : memref<!tpu.dma_semaphore, #tpu.memory_space<semaphore_mem>>) src(%dma_wait3A_308 : memref<10000x128xf32, #tpu.memory_space<hbm>>) dst(%arg10 : memref<128x128xf32, #tpu.memory_space<vmem>>)
        %dma_start3A_309 = arith.constant 12 : i32
        %dma_start3A_310 = arith.constant 0 : i32
        %dma_start3A_311 = tpu.memref_slice %arg7[%dma_start3A_309, %dma_start3A_310] : memref<35x128xi32, #tpu.memory_space<vmem>> -> memref<1x128xi32, #tpu.memory_space<vmem>>
        %dma_start3A_312 = tpu.memref_squeeze %dma_start3A_311 : memref<1x128xi32, #tpu.memory_space<vmem>> -> memref<128xi32, #tpu.memory_space<vmem>>
        %dma_start3A_313 = arith.constant 0 : i32
        %dma_start3A_314 = arith.constant 0 : i32
        %dma_start3A_315 = tpu.memref_slice %arg2[%scan3A, %dma_start3A_313, %dma_start3A_314] : memref<2x10000x128xf32, #tpu.memory_space<hbm>> -> memref<1x10000x128xf32, #tpu.memory_space<hbm>>
        %dma_start3A_316 = tpu.memref_squeeze %dma_start3A_315 : memref<1x10000x128xf32, #tpu.memory_space<hbm>> -> memref<10000x128xf32, #tpu.memory_space<hbm>>
        %dma_start3A_317 = arith.constant 0 : i32
        %dma_start3A_318 = arith.constant 0 : i32
        %dma_start3A_319 = tpu.memref_slice %dma_start3A_316[%dma_start3A_317, %dma_start3A_318] : memref<10000x128xf32, #tpu.memory_space<hbm>> -> memref<10000x128xf32, #tpu.memory_space<hbm>>
        tpu.enqueue_indirect_dma source(%dma_start3A_319 : memref<10000x128xf32, #tpu.memory_space<hbm>>) target(%arg9 : memref<128x128xf32, #tpu.memory_space<vmem>>) offsets(%dma_start3A_312 : memref<128xi32, #tpu.memory_space<vmem>>) semaphore(%arg12 : memref<!tpu.dma_semaphore, #tpu.memory_space<semaphore_mem>>)
        %run_scoped3A_320 = arith.constant 11 : i32
        "tpu.region"() ({
          %run_scoped3A_840 = tpu.sem_alloc : memref<!tpu.dma_semaphore, #tpu.memory_space<semaphore_mem>>
          %dma_start3A_841 = arith.constant 0 : i32
          %dma_start3A_842 = tpu.memref_slice %arg8[%run_scoped3A_320, %dma_start3A_841] : memref<35x128xi32, #tpu.memory_space<vmem>> -> memref<1x128xi32, #tpu.memory_space<vmem>>
          %dma_start3A_843 = tpu.memref_squeeze %dma_start3A_842 : memref<1x128xi32, #tpu.memory_space<vmem>> -> memref<128xi32, #tpu.memory_space<vmem>>
          %dma_start3A_844 = arith.constant 0 : i32
          %dma_start3A_845 = arith.constant 0 : i32
          %dma_start3A_846 = tpu.memref_slice %arg11[%dma_start3A_844, %dma_start3A_845] : memref<10008x128xf32, #tpu.memory_space<vmem_shared>> -> memref<10008x128xf32, #tpu.memory_space<vmem_shared>>
          tpu.enqueue_indirect_dma source(%arg10 : memref<128x128xf32, #tpu.memory_space<vmem>>) target(%dma_start3A_846 : memref<10008x128xf32, #tpu.memory_space<vmem_shared>>) offsets(%dma_start3A_843 : memref<128xi32, #tpu.memory_space<vmem>>) semaphore(%run_scoped3A_840 : memref<!tpu.dma_semaphore, #tpu.memory_space<semaphore_mem>>) {add = true}
          %dma_wait3A_847 = arith.constant 0 : i32
          %dma_wait3A_848 = tpu.memref_slice %arg8[%run_scoped3A_320, %dma_wait3A_847] : memref<35x128xi32, #tpu.memory_space<vmem>> -> memref<1x128xi32, #tpu.memory_space<vmem>>
          %dma_wait3A_849 = tpu.memref_squeeze %dma_wait3A_848 : memref<1x128xi32, #tpu.memory_space<vmem>> -> memref<128xi32, #tpu.memory_space<vmem>>
          %dma_wait3A_850 = arith.constant 0 : i32
          %dma_wait3A_851 = arith.constant 0 : i32
          %dma_wait3A_852 = tpu.memref_slice %arg11[%dma_wait3A_850, %dma_wait3A_851] : memref<10008x128xf32, #tpu.memory_space<vmem_shared>> -> memref<10008x128xf32, #tpu.memory_space<vmem_shared>>
          tpu.wait_indirect_dma semaphore(%run_scoped3A_840 : memref<!tpu.dma_semaphore, #tpu.memory_space<semaphore_mem>>) src(%arg10 : memref<128x128xf32, #tpu.memory_space<vmem>>) dst(%dma_wait3A_852 : memref<10008x128xf32, #tpu.memory_space<vmem_shared>>)
          tpu.yield
        }) : () -> ()
        %dma_wait3A_321 = arith.constant 12 : i32
        %dma_wait3A_322 = arith.constant 0 : i32
        %dma_wait3A_323 = tpu.memref_slice %arg7[%dma_wait3A_321, %dma_wait3A_322] : memref<35x128xi32, #tpu.memory_space<vmem>> -> memref<1x128xi32, #tpu.memory_space<vmem>>
        %dma_wait3A_324 = tpu.memref_squeeze %dma_wait3A_323 : memref<1x128xi32, #tpu.memory_space<vmem>> -> memref<128xi32, #tpu.memory_space<vmem>>
        %dma_wait3A_325 = arith.constant 0 : i32
        %dma_wait3A_326 = arith.constant 0 : i32
        %dma_wait3A_327 = tpu.memref_slice %arg2[%scan3A, %dma_wait3A_325, %dma_wait3A_326] : memref<2x10000x128xf32, #tpu.memory_space<hbm>> -> memref<1x10000x128xf32, #tpu.memory_space<hbm>>
        %dma_wait3A_328 = tpu.memref_squeeze %dma_wait3A_327 : memref<1x10000x128xf32, #tpu.memory_space<hbm>> -> memref<10000x128xf32, #tpu.memory_space<hbm>>
        %dma_wait3A_329 = arith.constant 0 : i32
        %dma_wait3A_330 = arith.constant 0 : i32
        %dma_wait3A_331 = tpu.memref_slice %dma_wait3A_328[%dma_wait3A_329, %dma_wait3A_330] : memref<10000x128xf32, #tpu.memory_space<hbm>> -> memref<10000x128xf32, #tpu.memory_space<hbm>>
        tpu.wait_indirect_dma semaphore(%arg12 : memref<!tpu.dma_semaphore, #tpu.memory_space<semaphore_mem>>) src(%dma_wait3A_331 : memref<10000x128xf32, #tpu.memory_space<hbm>>) dst(%arg9 : memref<128x128xf32, #tpu.memory_space<vmem>>)
        %dma_start3A_332 = arith.constant 13 : i32
        %dma_start3A_333 = arith.constant 0 : i32
        %dma_start3A_334 = tpu.memref_slice %arg7[%dma_start3A_332, %dma_start3A_333] : memref<35x128xi32, #tpu.memory_space<vmem>> -> memref<1x128xi32, #tpu.memory_space<vmem>>
        %dma_start3A_335 = tpu.memref_squeeze %dma_start3A_334 : memref<1x128xi32, #tpu.memory_space<vmem>> -> memref<128xi32, #tpu.memory_space<vmem>>
        %dma_start3A_336 = arith.constant 0 : i32
        %dma_start3A_337 = arith.constant 0 : i32
        %dma_start3A_338 = tpu.memref_slice %arg2[%scan3A, %dma_start3A_336, %dma_start3A_337] : memref<2x10000x128xf32, #tpu.memory_space<hbm>> -> memref<1x10000x128xf32, #tpu.memory_space<hbm>>
        %dma_start3A_339 = tpu.memref_squeeze %dma_start3A_338 : memref<1x10000x128xf32, #tpu.memory_space<hbm>> -> memref<10000x128xf32, #tpu.memory_space<hbm>>
        %dma_start3A_340 = arith.constant 0 : i32
        %dma_start3A_341 = arith.constant 0 : i32
        %dma_start3A_342 = tpu.memref_slice %dma_start3A_339[%dma_start3A_340, %dma_start3A_341] : memref<10000x128xf32, #tpu.memory_space<hbm>> -> memref<10000x128xf32, #tpu.memory_space<hbm>>
        tpu.enqueue_indirect_dma source(%dma_start3A_342 : memref<10000x128xf32, #tpu.memory_space<hbm>>) target(%arg10 : memref<128x128xf32, #tpu.memory_space<vmem>>) offsets(%dma_start3A_335 : memref<128xi32, #tpu.memory_space<vmem>>) semaphore(%arg13 : memref<!tpu.dma_semaphore, #tpu.memory_space<semaphore_mem>>)
        %run_scoped3A_343 = arith.constant 12 : i32
        "tpu.region"() ({
          %run_scoped3A_840 = tpu.sem_alloc : memref<!tpu.dma_semaphore, #tpu.memory_space<semaphore_mem>>
          %dma_start3A_841 = arith.constant 0 : i32
          %dma_start3A_842 = tpu.memref_slice %arg8[%run_scoped3A_343, %dma_start3A_841] : memref<35x128xi32, #tpu.memory_space<vmem>> -> memref<1x128xi32, #tpu.memory_space<vmem>>
          %dma_start3A_843 = tpu.memref_squeeze %dma_start3A_842 : memref<1x128xi32, #tpu.memory_space<vmem>> -> memref<128xi32, #tpu.memory_space<vmem>>
          %dma_start3A_844 = arith.constant 0 : i32
          %dma_start3A_845 = arith.constant 0 : i32
          %dma_start3A_846 = tpu.memref_slice %arg11[%dma_start3A_844, %dma_start3A_845] : memref<10008x128xf32, #tpu.memory_space<vmem_shared>> -> memref<10008x128xf32, #tpu.memory_space<vmem_shared>>
          tpu.enqueue_indirect_dma source(%arg9 : memref<128x128xf32, #tpu.memory_space<vmem>>) target(%dma_start3A_846 : memref<10008x128xf32, #tpu.memory_space<vmem_shared>>) offsets(%dma_start3A_843 : memref<128xi32, #tpu.memory_space<vmem>>) semaphore(%run_scoped3A_840 : memref<!tpu.dma_semaphore, #tpu.memory_space<semaphore_mem>>) {add = true}
          %dma_wait3A_847 = arith.constant 0 : i32
          %dma_wait3A_848 = tpu.memref_slice %arg8[%run_scoped3A_343, %dma_wait3A_847] : memref<35x128xi32, #tpu.memory_space<vmem>> -> memref<1x128xi32, #tpu.memory_space<vmem>>
          %dma_wait3A_849 = tpu.memref_squeeze %dma_wait3A_848 : memref<1x128xi32, #tpu.memory_space<vmem>> -> memref<128xi32, #tpu.memory_space<vmem>>
          %dma_wait3A_850 = arith.constant 0 : i32
          %dma_wait3A_851 = arith.constant 0 : i32
          %dma_wait3A_852 = tpu.memref_slice %arg11[%dma_wait3A_850, %dma_wait3A_851] : memref<10008x128xf32, #tpu.memory_space<vmem_shared>> -> memref<10008x128xf32, #tpu.memory_space<vmem_shared>>
          tpu.wait_indirect_dma semaphore(%run_scoped3A_840 : memref<!tpu.dma_semaphore, #tpu.memory_space<semaphore_mem>>) src(%arg9 : memref<128x128xf32, #tpu.memory_space<vmem>>) dst(%dma_wait3A_852 : memref<10008x128xf32, #tpu.memory_space<vmem_shared>>)
          tpu.yield
        }) : () -> ()
        %dma_wait3A_344 = arith.constant 13 : i32
        %dma_wait3A_345 = arith.constant 0 : i32
        %dma_wait3A_346 = tpu.memref_slice %arg7[%dma_wait3A_344, %dma_wait3A_345] : memref<35x128xi32, #tpu.memory_space<vmem>> -> memref<1x128xi32, #tpu.memory_space<vmem>>
        %dma_wait3A_347 = tpu.memref_squeeze %dma_wait3A_346 : memref<1x128xi32, #tpu.memory_space<vmem>> -> memref<128xi32, #tpu.memory_space<vmem>>
        %dma_wait3A_348 = arith.constant 0 : i32
        %dma_wait3A_349 = arith.constant 0 : i32
        %dma_wait3A_350 = tpu.memref_slice %arg2[%scan3A, %dma_wait3A_348, %dma_wait3A_349] : memref<2x10000x128xf32, #tpu.memory_space<hbm>> -> memref<1x10000x128xf32, #tpu.memory_space<hbm>>
        %dma_wait3A_351 = tpu.memref_squeeze %dma_wait3A_350 : memref<1x10000x128xf32, #tpu.memory_space<hbm>> -> memref<10000x128xf32, #tpu.memory_space<hbm>>
        %dma_wait3A_352 = arith.constant 0 : i32
        %dma_wait3A_353 = arith.constant 0 : i32
        %dma_wait3A_354 = tpu.memref_slice %dma_wait3A_351[%dma_wait3A_352, %dma_wait3A_353] : memref<10000x128xf32, #tpu.memory_space<hbm>> -> memref<10000x128xf32, #tpu.memory_space<hbm>>
        tpu.wait_indirect_dma semaphore(%arg13 : memref<!tpu.dma_semaphore, #tpu.memory_space<semaphore_mem>>) src(%dma_wait3A_354 : memref<10000x128xf32, #tpu.memory_space<hbm>>) dst(%arg10 : memref<128x128xf32, #tpu.memory_space<vmem>>)
        %dma_start3A_355 = arith.constant 14 : i32
        %dma_start3A_356 = arith.constant 0 : i32
        %dma_start3A_357 = tpu.memref_slice %arg7[%dma_start3A_355, %dma_start3A_356] : memref<35x128xi32, #tpu.memory_space<vmem>> -> memref<1x128xi32, #tpu.memory_space<vmem>>
        %dma_start3A_358 = tpu.memref_squeeze %dma_start3A_357 : memref<1x128xi32, #tpu.memory_space<vmem>> -> memref<128xi32, #tpu.memory_space<vmem>>
        %dma_start3A_359 = arith.constant 0 : i32
        %dma_start3A_360 = arith.constant 0 : i32
        %dma_start3A_361 = tpu.memref_slice %arg2[%scan3A, %dma_start3A_359, %dma_start3A_360] : memref<2x10000x128xf32, #tpu.memory_space<hbm>> -> memref<1x10000x128xf32, #tpu.memory_space<hbm>>
        %dma_start3A_362 = tpu.memref_squeeze %dma_start3A_361 : memref<1x10000x128xf32, #tpu.memory_space<hbm>> -> memref<10000x128xf32, #tpu.memory_space<hbm>>
        %dma_start3A_363 = arith.constant 0 : i32
        %dma_start3A_364 = arith.constant 0 : i32
        %dma_start3A_365 = tpu.memref_slice %dma_start3A_362[%dma_start3A_363, %dma_start3A_364] : memref<10000x128xf32, #tpu.memory_space<hbm>> -> memref<10000x128xf32, #tpu.memory_space<hbm>>
        tpu.enqueue_indirect_dma source(%dma_start3A_365 : memref<10000x128xf32, #tpu.memory_space<hbm>>) target(%arg9 : memref<128x128xf32, #tpu.memory_space<vmem>>) offsets(%dma_start3A_358 : memref<128xi32, #tpu.memory_space<vmem>>) semaphore(%arg12 : memref<!tpu.dma_semaphore, #tpu.memory_space<semaphore_mem>>)
        %run_scoped3A_366 = arith.constant 13 : i32
        "tpu.region"() ({
          %run_scoped3A_840 = tpu.sem_alloc : memref<!tpu.dma_semaphore, #tpu.memory_space<semaphore_mem>>
          %dma_start3A_841 = arith.constant 0 : i32
          %dma_start3A_842 = tpu.memref_slice %arg8[%run_scoped3A_366, %dma_start3A_841] : memref<35x128xi32, #tpu.memory_space<vmem>> -> memref<1x128xi32, #tpu.memory_space<vmem>>
          %dma_start3A_843 = tpu.memref_squeeze %dma_start3A_842 : memref<1x128xi32, #tpu.memory_space<vmem>> -> memref<128xi32, #tpu.memory_space<vmem>>
          %dma_start3A_844 = arith.constant 0 : i32
          %dma_start3A_845 = arith.constant 0 : i32
          %dma_start3A_846 = tpu.memref_slice %arg11[%dma_start3A_844, %dma_start3A_845] : memref<10008x128xf32, #tpu.memory_space<vmem_shared>> -> memref<10008x128xf32, #tpu.memory_space<vmem_shared>>
          tpu.enqueue_indirect_dma source(%arg10 : memref<128x128xf32, #tpu.memory_space<vmem>>) target(%dma_start3A_846 : memref<10008x128xf32, #tpu.memory_space<vmem_shared>>) offsets(%dma_start3A_843 : memref<128xi32, #tpu.memory_space<vmem>>) semaphore(%run_scoped3A_840 : memref<!tpu.dma_semaphore, #tpu.memory_space<semaphore_mem>>) {add = true}
          %dma_wait3A_847 = arith.constant 0 : i32
          %dma_wait3A_848 = tpu.memref_slice %arg8[%run_scoped3A_366, %dma_wait3A_847] : memref<35x128xi32, #tpu.memory_space<vmem>> -> memref<1x128xi32, #tpu.memory_space<vmem>>
          %dma_wait3A_849 = tpu.memref_squeeze %dma_wait3A_848 : memref<1x128xi32, #tpu.memory_space<vmem>> -> memref<128xi32, #tpu.memory_space<vmem>>
          %dma_wait3A_850 = arith.constant 0 : i32
          %dma_wait3A_851 = arith.constant 0 : i32
          %dma_wait3A_852 = tpu.memref_slice %arg11[%dma_wait3A_850, %dma_wait3A_851] : memref<10008x128xf32, #tpu.memory_space<vmem_shared>> -> memref<10008x128xf32, #tpu.memory_space<vmem_shared>>
          tpu.wait_indirect_dma semaphore(%run_scoped3A_840 : memref<!tpu.dma_semaphore, #tpu.memory_space<semaphore_mem>>) src(%arg10 : memref<128x128xf32, #tpu.memory_space<vmem>>) dst(%dma_wait3A_852 : memref<10008x128xf32, #tpu.memory_space<vmem_shared>>)
          tpu.yield
        }) : () -> ()
        %dma_wait3A_367 = arith.constant 14 : i32
        %dma_wait3A_368 = arith.constant 0 : i32
        %dma_wait3A_369 = tpu.memref_slice %arg7[%dma_wait3A_367, %dma_wait3A_368] : memref<35x128xi32, #tpu.memory_space<vmem>> -> memref<1x128xi32, #tpu.memory_space<vmem>>
        %dma_wait3A_370 = tpu.memref_squeeze %dma_wait3A_369 : memref<1x128xi32, #tpu.memory_space<vmem>> -> memref<128xi32, #tpu.memory_space<vmem>>
        %dma_wait3A_371 = arith.constant 0 : i32
        %dma_wait3A_372 = arith.constant 0 : i32
        %dma_wait3A_373 = tpu.memref_slice %arg2[%scan3A, %dma_wait3A_371, %dma_wait3A_372] : memref<2x10000x128xf32, #tpu.memory_space<hbm>> -> memref<1x10000x128xf32, #tpu.memory_space<hbm>>
        %dma_wait3A_374 = tpu.memref_squeeze %dma_wait3A_373 : memref<1x10000x128xf32, #tpu.memory_space<hbm>> -> memref<10000x128xf32, #tpu.memory_space<hbm>>
        %dma_wait3A_375 = arith.constant 0 : i32
        %dma_wait3A_376 = arith.constant 0 : i32
        %dma_wait3A_377 = tpu.memref_slice %dma_wait3A_374[%dma_wait3A_375, %dma_wait3A_376] : memref<10000x128xf32, #tpu.memory_space<hbm>> -> memref<10000x128xf32, #tpu.memory_space<hbm>>
        tpu.wait_indirect_dma semaphore(%arg12 : memref<!tpu.dma_semaphore, #tpu.memory_space<semaphore_mem>>) src(%dma_wait3A_377 : memref<10000x128xf32, #tpu.memory_space<hbm>>) dst(%arg9 : memref<128x128xf32, #tpu.memory_space<vmem>>)
        %dma_start3A_378 = arith.constant 15 : i32
        %dma_start3A_379 = arith.constant 0 : i32
        %dma_start3A_380 = tpu.memref_slice %arg7[%dma_start3A_378, %dma_start3A_379] : memref<35x128xi32, #tpu.memory_space<vmem>> -> memref<1x128xi32, #tpu.memory_space<vmem>>
        %dma_start3A_381 = tpu.memref_squeeze %dma_start3A_380 : memref<1x128xi32, #tpu.memory_space<vmem>> -> memref<128xi32, #tpu.memory_space<vmem>>
        %dma_start3A_382 = arith.constant 0 : i32
        %dma_start3A_383 = arith.constant 0 : i32
        %dma_start3A_384 = tpu.memref_slice %arg2[%scan3A, %dma_start3A_382, %dma_start3A_383] : memref<2x10000x128xf32, #tpu.memory_space<hbm>> -> memref<1x10000x128xf32, #tpu.memory_space<hbm>>
        %dma_start3A_385 = tpu.memref_squeeze %dma_start3A_384 : memref<1x10000x128xf32, #tpu.memory_space<hbm>> -> memref<10000x128xf32, #tpu.memory_space<hbm>>
        %dma_start3A_386 = arith.constant 0 : i32
        %dma_start3A_387 = arith.constant 0 : i32
        %dma_start3A_388 = tpu.memref_slice %dma_start3A_385[%dma_start3A_386, %dma_start3A_387] : memref<10000x128xf32, #tpu.memory_space<hbm>> -> memref<10000x128xf32, #tpu.memory_space<hbm>>
        tpu.enqueue_indirect_dma source(%dma_start3A_388 : memref<10000x128xf32, #tpu.memory_space<hbm>>) target(%arg10 : memref<128x128xf32, #tpu.memory_space<vmem>>) offsets(%dma_start3A_381 : memref<128xi32, #tpu.memory_space<vmem>>) semaphore(%arg13 : memref<!tpu.dma_semaphore, #tpu.memory_space<semaphore_mem>>)
        %run_scoped3A_389 = arith.constant 14 : i32
        "tpu.region"() ({
          %run_scoped3A_840 = tpu.sem_alloc : memref<!tpu.dma_semaphore, #tpu.memory_space<semaphore_mem>>
          %dma_start3A_841 = arith.constant 0 : i32
          %dma_start3A_842 = tpu.memref_slice %arg8[%run_scoped3A_389, %dma_start3A_841] : memref<35x128xi32, #tpu.memory_space<vmem>> -> memref<1x128xi32, #tpu.memory_space<vmem>>
          %dma_start3A_843 = tpu.memref_squeeze %dma_start3A_842 : memref<1x128xi32, #tpu.memory_space<vmem>> -> memref<128xi32, #tpu.memory_space<vmem>>
          %dma_start3A_844 = arith.constant 0 : i32
          %dma_start3A_845 = arith.constant 0 : i32
          %dma_start3A_846 = tpu.memref_slice %arg11[%dma_start3A_844, %dma_start3A_845] : memref<10008x128xf32, #tpu.memory_space<vmem_shared>> -> memref<10008x128xf32, #tpu.memory_space<vmem_shared>>
          tpu.enqueue_indirect_dma source(%arg9 : memref<128x128xf32, #tpu.memory_space<vmem>>) target(%dma_start3A_846 : memref<10008x128xf32, #tpu.memory_space<vmem_shared>>) offsets(%dma_start3A_843 : memref<128xi32, #tpu.memory_space<vmem>>) semaphore(%run_scoped3A_840 : memref<!tpu.dma_semaphore, #tpu.memory_space<semaphore_mem>>) {add = true}
          %dma_wait3A_847 = arith.constant 0 : i32
          %dma_wait3A_848 = tpu.memref_slice %arg8[%run_scoped3A_389, %dma_wait3A_847] : memref<35x128xi32, #tpu.memory_space<vmem>> -> memref<1x128xi32, #tpu.memory_space<vmem>>
          %dma_wait3A_849 = tpu.memref_squeeze %dma_wait3A_848 : memref<1x128xi32, #tpu.memory_space<vmem>> -> memref<128xi32, #tpu.memory_space<vmem>>
          %dma_wait3A_850 = arith.constant 0 : i32
          %dma_wait3A_851 = arith.constant 0 : i32
          %dma_wait3A_852 = tpu.memref_slice %arg11[%dma_wait3A_850, %dma_wait3A_851] : memref<10008x128xf32, #tpu.memory_space<vmem_shared>> -> memref<10008x128xf32, #tpu.memory_space<vmem_shared>>
          tpu.wait_indirect_dma semaphore(%run_scoped3A_840 : memref<!tpu.dma_semaphore, #tpu.memory_space<semaphore_mem>>) src(%arg9 : memref<128x128xf32, #tpu.memory_space<vmem>>) dst(%dma_wait3A_852 : memref<10008x128xf32, #tpu.memory_space<vmem_shared>>)
          tpu.yield
        }) : () -> ()
        %dma_wait3A_390 = arith.constant 15 : i32
        %dma_wait3A_391 = arith.constant 0 : i32
        %dma_wait3A_392 = tpu.memref_slice %arg7[%dma_wait3A_390, %dma_wait3A_391] : memref<35x128xi32, #tpu.memory_space<vmem>> -> memref<1x128xi32, #tpu.memory_space<vmem>>
        %dma_wait3A_393 = tpu.memref_squeeze %dma_wait3A_392 : memref<1x128xi32, #tpu.memory_space<vmem>> -> memref<128xi32, #tpu.memory_space<vmem>>
        %dma_wait3A_394 = arith.constant 0 : i32
        %dma_wait3A_395 = arith.constant 0 : i32
        %dma_wait3A_396 = tpu.memref_slice %arg2[%scan3A, %dma_wait3A_394, %dma_wait3A_395] : memref<2x10000x128xf32, #tpu.memory_space<hbm>> -> memref<1x10000x128xf32, #tpu.memory_space<hbm>>
        %dma_wait3A_397 = tpu.memref_squeeze %dma_wait3A_396 : memref<1x10000x128xf32, #tpu.memory_space<hbm>> -> memref<10000x128xf32, #tpu.memory_space<hbm>>
        %dma_wait3A_398 = arith.constant 0 : i32
        %dma_wait3A_399 = arith.constant 0 : i32
        %dma_wait3A_400 = tpu.memref_slice %dma_wait3A_397[%dma_wait3A_398, %dma_wait3A_399] : memref<10000x128xf32, #tpu.memory_space<hbm>> -> memref<10000x128xf32, #tpu.memory_space<hbm>>
        tpu.wait_indirect_dma semaphore(%arg13 : memref<!tpu.dma_semaphore, #tpu.memory_space<semaphore_mem>>) src(%dma_wait3A_400 : memref<10000x128xf32, #tpu.memory_space<hbm>>) dst(%arg10 : memref<128x128xf32, #tpu.memory_space<vmem>>)
        %dma_start3A_401 = arith.constant 16 : i32
        %dma_start3A_402 = arith.constant 0 : i32
        %dma_start3A_403 = tpu.memref_slice %arg7[%dma_start3A_401, %dma_start3A_402] : memref<35x128xi32, #tpu.memory_space<vmem>> -> memref<1x128xi32, #tpu.memory_space<vmem>>
        %dma_start3A_404 = tpu.memref_squeeze %dma_start3A_403 : memref<1x128xi32, #tpu.memory_space<vmem>> -> memref<128xi32, #tpu.memory_space<vmem>>
        %dma_start3A_405 = arith.constant 0 : i32
        %dma_start3A_406 = arith.constant 0 : i32
        %dma_start3A_407 = tpu.memref_slice %arg2[%scan3A, %dma_start3A_405, %dma_start3A_406] : memref<2x10000x128xf32, #tpu.memory_space<hbm>> -> memref<1x10000x128xf32, #tpu.memory_space<hbm>>
        %dma_start3A_408 = tpu.memref_squeeze %dma_start3A_407 : memref<1x10000x128xf32, #tpu.memory_space<hbm>> -> memref<10000x128xf32, #tpu.memory_space<hbm>>
        %dma_start3A_409 = arith.constant 0 : i32
        %dma_start3A_410 = arith.constant 0 : i32
        %dma_start3A_411 = tpu.memref_slice %dma_start3A_408[%dma_start3A_409, %dma_start3A_410] : memref<10000x128xf32, #tpu.memory_space<hbm>> -> memref<10000x128xf32, #tpu.memory_space<hbm>>
        tpu.enqueue_indirect_dma source(%dma_start3A_411 : memref<10000x128xf32, #tpu.memory_space<hbm>>) target(%arg9 : memref<128x128xf32, #tpu.memory_space<vmem>>) offsets(%dma_start3A_404 : memref<128xi32, #tpu.memory_space<vmem>>) semaphore(%arg12 : memref<!tpu.dma_semaphore, #tpu.memory_space<semaphore_mem>>)
        %run_scoped3A_412 = arith.constant 15 : i32
        "tpu.region"() ({
          %run_scoped3A_840 = tpu.sem_alloc : memref<!tpu.dma_semaphore, #tpu.memory_space<semaphore_mem>>
          %dma_start3A_841 = arith.constant 0 : i32
          %dma_start3A_842 = tpu.memref_slice %arg8[%run_scoped3A_412, %dma_start3A_841] : memref<35x128xi32, #tpu.memory_space<vmem>> -> memref<1x128xi32, #tpu.memory_space<vmem>>
          %dma_start3A_843 = tpu.memref_squeeze %dma_start3A_842 : memref<1x128xi32, #tpu.memory_space<vmem>> -> memref<128xi32, #tpu.memory_space<vmem>>
          %dma_start3A_844 = arith.constant 0 : i32
          %dma_start3A_845 = arith.constant 0 : i32
          %dma_start3A_846 = tpu.memref_slice %arg11[%dma_start3A_844, %dma_start3A_845] : memref<10008x128xf32, #tpu.memory_space<vmem_shared>> -> memref<10008x128xf32, #tpu.memory_space<vmem_shared>>
          tpu.enqueue_indirect_dma source(%arg10 : memref<128x128xf32, #tpu.memory_space<vmem>>) target(%dma_start3A_846 : memref<10008x128xf32, #tpu.memory_space<vmem_shared>>) offsets(%dma_start3A_843 : memref<128xi32, #tpu.memory_space<vmem>>) semaphore(%run_scoped3A_840 : memref<!tpu.dma_semaphore, #tpu.memory_space<semaphore_mem>>) {add = true}
          %dma_wait3A_847 = arith.constant 0 : i32
          %dma_wait3A_848 = tpu.memref_slice %arg8[%run_scoped3A_412, %dma_wait3A_847] : memref<35x128xi32, #tpu.memory_space<vmem>> -> memref<1x128xi32, #tpu.memory_space<vmem>>
          %dma_wait3A_849 = tpu.memref_squeeze %dma_wait3A_848 : memref<1x128xi32, #tpu.memory_space<vmem>> -> memref<128xi32, #tpu.memory_space<vmem>>
          %dma_wait3A_850 = arith.constant 0 : i32
          %dma_wait3A_851 = arith.constant 0 : i32
          %dma_wait3A_852 = tpu.memref_slice %arg11[%dma_wait3A_850, %dma_wait3A_851] : memref<10008x128xf32, #tpu.memory_space<vmem_shared>> -> memref<10008x128xf32, #tpu.memory_space<vmem_shared>>
          tpu.wait_indirect_dma semaphore(%run_scoped3A_840 : memref<!tpu.dma_semaphore, #tpu.memory_space<semaphore_mem>>) src(%arg10 : memref<128x128xf32, #tpu.memory_space<vmem>>) dst(%dma_wait3A_852 : memref<10008x128xf32, #tpu.memory_space<vmem_shared>>)
          tpu.yield
        }) : () -> ()
        %dma_wait3A_413 = arith.constant 16 : i32
        %dma_wait3A_414 = arith.constant 0 : i32
        %dma_wait3A_415 = tpu.memref_slice %arg7[%dma_wait3A_413, %dma_wait3A_414] : memref<35x128xi32, #tpu.memory_space<vmem>> -> memref<1x128xi32, #tpu.memory_space<vmem>>
        %dma_wait3A_416 = tpu.memref_squeeze %dma_wait3A_415 : memref<1x128xi32, #tpu.memory_space<vmem>> -> memref<128xi32, #tpu.memory_space<vmem>>
        %dma_wait3A_417 = arith.constant 0 : i32
        %dma_wait3A_418 = arith.constant 0 : i32
        %dma_wait3A_419 = tpu.memref_slice %arg2[%scan3A, %dma_wait3A_417, %dma_wait3A_418] : memref<2x10000x128xf32, #tpu.memory_space<hbm>> -> memref<1x10000x128xf32, #tpu.memory_space<hbm>>
        %dma_wait3A_420 = tpu.memref_squeeze %dma_wait3A_419 : memref<1x10000x128xf32, #tpu.memory_space<hbm>> -> memref<10000x128xf32, #tpu.memory_space<hbm>>
        %dma_wait3A_421 = arith.constant 0 : i32
        %dma_wait3A_422 = arith.constant 0 : i32
        %dma_wait3A_423 = tpu.memref_slice %dma_wait3A_420[%dma_wait3A_421, %dma_wait3A_422] : memref<10000x128xf32, #tpu.memory_space<hbm>> -> memref<10000x128xf32, #tpu.memory_space<hbm>>
        tpu.wait_indirect_dma semaphore(%arg12 : memref<!tpu.dma_semaphore, #tpu.memory_space<semaphore_mem>>) src(%dma_wait3A_423 : memref<10000x128xf32, #tpu.memory_space<hbm>>) dst(%arg9 : memref<128x128xf32, #tpu.memory_space<vmem>>)
        %dma_start3A_424 = arith.constant 17 : i32
        %dma_start3A_425 = arith.constant 0 : i32
        %dma_start3A_426 = tpu.memref_slice %arg7[%dma_start3A_424, %dma_start3A_425] : memref<35x128xi32, #tpu.memory_space<vmem>> -> memref<1x128xi32, #tpu.memory_space<vmem>>
        %dma_start3A_427 = tpu.memref_squeeze %dma_start3A_426 : memref<1x128xi32, #tpu.memory_space<vmem>> -> memref<128xi32, #tpu.memory_space<vmem>>
        %dma_start3A_428 = arith.constant 0 : i32
        %dma_start3A_429 = arith.constant 0 : i32
        %dma_start3A_430 = tpu.memref_slice %arg2[%scan3A, %dma_start3A_428, %dma_start3A_429] : memref<2x10000x128xf32, #tpu.memory_space<hbm>> -> memref<1x10000x128xf32, #tpu.memory_space<hbm>>
        %dma_start3A_431 = tpu.memref_squeeze %dma_start3A_430 : memref<1x10000x128xf32, #tpu.memory_space<hbm>> -> memref<10000x128xf32, #tpu.memory_space<hbm>>
        %dma_start3A_432 = arith.constant 0 : i32
        %dma_start3A_433 = arith.constant 0 : i32
        %dma_start3A_434 = tpu.memref_slice %dma_start3A_431[%dma_start3A_432, %dma_start3A_433] : memref<10000x128xf32, #tpu.memory_space<hbm>> -> memref<10000x128xf32, #tpu.memory_space<hbm>>
        tpu.enqueue_indirect_dma source(%dma_start3A_434 : memref<10000x128xf32, #tpu.memory_space<hbm>>) target(%arg10 : memref<128x128xf32, #tpu.memory_space<vmem>>) offsets(%dma_start3A_427 : memref<128xi32, #tpu.memory_space<vmem>>) semaphore(%arg13 : memref<!tpu.dma_semaphore, #tpu.memory_space<semaphore_mem>>)
        %run_scoped3A_435 = arith.constant 16 : i32
        "tpu.region"() ({
          %run_scoped3A_840 = tpu.sem_alloc : memref<!tpu.dma_semaphore, #tpu.memory_space<semaphore_mem>>
          %dma_start3A_841 = arith.constant 0 : i32
          %dma_start3A_842 = tpu.memref_slice %arg8[%run_scoped3A_435, %dma_start3A_841] : memref<35x128xi32, #tpu.memory_space<vmem>> -> memref<1x128xi32, #tpu.memory_space<vmem>>
          %dma_start3A_843 = tpu.memref_squeeze %dma_start3A_842 : memref<1x128xi32, #tpu.memory_space<vmem>> -> memref<128xi32, #tpu.memory_space<vmem>>
          %dma_start3A_844 = arith.constant 0 : i32
          %dma_start3A_845 = arith.constant 0 : i32
          %dma_start3A_846 = tpu.memref_slice %arg11[%dma_start3A_844, %dma_start3A_845] : memref<10008x128xf32, #tpu.memory_space<vmem_shared>> -> memref<10008x128xf32, #tpu.memory_space<vmem_shared>>
          tpu.enqueue_indirect_dma source(%arg9 : memref<128x128xf32, #tpu.memory_space<vmem>>) target(%dma_start3A_846 : memref<10008x128xf32, #tpu.memory_space<vmem_shared>>) offsets(%dma_start3A_843 : memref<128xi32, #tpu.memory_space<vmem>>) semaphore(%run_scoped3A_840 : memref<!tpu.dma_semaphore, #tpu.memory_space<semaphore_mem>>) {add = true}
          %dma_wait3A_847 = arith.constant 0 : i32
          %dma_wait3A_848 = tpu.memref_slice %arg8[%run_scoped3A_435, %dma_wait3A_847] : memref<35x128xi32, #tpu.memory_space<vmem>> -> memref<1x128xi32, #tpu.memory_space<vmem>>
          %dma_wait3A_849 = tpu.memref_squeeze %dma_wait3A_848 : memref<1x128xi32, #tpu.memory_space<vmem>> -> memref<128xi32, #tpu.memory_space<vmem>>
          %dma_wait3A_850 = arith.constant 0 : i32
          %dma_wait3A_851 = arith.constant 0 : i32
          %dma_wait3A_852 = tpu.memref_slice %arg11[%dma_wait3A_850, %dma_wait3A_851] : memref<10008x128xf32, #tpu.memory_space<vmem_shared>> -> memref<10008x128xf32, #tpu.memory_space<vmem_shared>>
          tpu.wait_indirect_dma semaphore(%run_scoped3A_840 : memref<!tpu.dma_semaphore, #tpu.memory_space<semaphore_mem>>) src(%arg9 : memref<128x128xf32, #tpu.memory_space<vmem>>) dst(%dma_wait3A_852 : memref<10008x128xf32, #tpu.memory_space<vmem_shared>>)
          tpu.yield
        }) : () -> ()
        %dma_wait3A_436 = arith.constant 17 : i32
        %dma_wait3A_437 = arith.constant 0 : i32
        %dma_wait3A_438 = tpu.memref_slice %arg7[%dma_wait3A_436, %dma_wait3A_437] : memref<35x128xi32, #tpu.memory_space<vmem>> -> memref<1x128xi32, #tpu.memory_space<vmem>>
        %dma_wait3A_439 = tpu.memref_squeeze %dma_wait3A_438 : memref<1x128xi32, #tpu.memory_space<vmem>> -> memref<128xi32, #tpu.memory_space<vmem>>
        %dma_wait3A_440 = arith.constant 0 : i32
        %dma_wait3A_441 = arith.constant 0 : i32
        %dma_wait3A_442 = tpu.memref_slice %arg2[%scan3A, %dma_wait3A_440, %dma_wait3A_441] : memref<2x10000x128xf32, #tpu.memory_space<hbm>> -> memref<1x10000x128xf32, #tpu.memory_space<hbm>>
        %dma_wait3A_443 = tpu.memref_squeeze %dma_wait3A_442 : memref<1x10000x128xf32, #tpu.memory_space<hbm>> -> memref<10000x128xf32, #tpu.memory_space<hbm>>
        %dma_wait3A_444 = arith.constant 0 : i32
        %dma_wait3A_445 = arith.constant 0 : i32
        %dma_wait3A_446 = tpu.memref_slice %dma_wait3A_443[%dma_wait3A_444, %dma_wait3A_445] : memref<10000x128xf32, #tpu.memory_space<hbm>> -> memref<10000x128xf32, #tpu.memory_space<hbm>>
        tpu.wait_indirect_dma semaphore(%arg13 : memref<!tpu.dma_semaphore, #tpu.memory_space<semaphore_mem>>) src(%dma_wait3A_446 : memref<10000x128xf32, #tpu.memory_space<hbm>>) dst(%arg10 : memref<128x128xf32, #tpu.memory_space<vmem>>)
        %dma_start3A_447 = arith.constant 18 : i32
        %dma_start3A_448 = arith.constant 0 : i32
        %dma_start3A_449 = tpu.memref_slice %arg7[%dma_start3A_447, %dma_start3A_448] : memref<35x128xi32, #tpu.memory_space<vmem>> -> memref<1x128xi32, #tpu.memory_space<vmem>>
        %dma_start3A_450 = tpu.memref_squeeze %dma_start3A_449 : memref<1x128xi32, #tpu.memory_space<vmem>> -> memref<128xi32, #tpu.memory_space<vmem>>
        %dma_start3A_451 = arith.constant 0 : i32
        %dma_start3A_452 = arith.constant 0 : i32
        %dma_start3A_453 = tpu.memref_slice %arg2[%scan3A, %dma_start3A_451, %dma_start3A_452] : memref<2x10000x128xf32, #tpu.memory_space<hbm>> -> memref<1x10000x128xf32, #tpu.memory_space<hbm>>
        %dma_start3A_454 = tpu.memref_squeeze %dma_start3A_453 : memref<1x10000x128xf32, #tpu.memory_space<hbm>> -> memref<10000x128xf32, #tpu.memory_space<hbm>>
        %dma_start3A_455 = arith.constant 0 : i32
        %dma_start3A_456 = arith.constant 0 : i32
        %dma_start3A_457 = tpu.memref_slice %dma_start3A_454[%dma_start3A_455, %dma_start3A_456] : memref<10000x128xf32, #tpu.memory_space<hbm>> -> memref<10000x128xf32, #tpu.memory_space<hbm>>
        tpu.enqueue_indirect_dma source(%dma_start3A_457 : memref<10000x128xf32, #tpu.memory_space<hbm>>) target(%arg9 : memref<128x128xf32, #tpu.memory_space<vmem>>) offsets(%dma_start3A_450 : memref<128xi32, #tpu.memory_space<vmem>>) semaphore(%arg12 : memref<!tpu.dma_semaphore, #tpu.memory_space<semaphore_mem>>)
        %run_scoped3A_458 = arith.constant 17 : i32
        "tpu.region"() ({
          %run_scoped3A_840 = tpu.sem_alloc : memref<!tpu.dma_semaphore, #tpu.memory_space<semaphore_mem>>
          %dma_start3A_841 = arith.constant 0 : i32
          %dma_start3A_842 = tpu.memref_slice %arg8[%run_scoped3A_458, %dma_start3A_841] : memref<35x128xi32, #tpu.memory_space<vmem>> -> memref<1x128xi32, #tpu.memory_space<vmem>>
          %dma_start3A_843 = tpu.memref_squeeze %dma_start3A_842 : memref<1x128xi32, #tpu.memory_space<vmem>> -> memref<128xi32, #tpu.memory_space<vmem>>
          %dma_start3A_844 = arith.constant 0 : i32
          %dma_start3A_845 = arith.constant 0 : i32
          %dma_start3A_846 = tpu.memref_slice %arg11[%dma_start3A_844, %dma_start3A_845] : memref<10008x128xf32, #tpu.memory_space<vmem_shared>> -> memref<10008x128xf32, #tpu.memory_space<vmem_shared>>
          tpu.enqueue_indirect_dma source(%arg10 : memref<128x128xf32, #tpu.memory_space<vmem>>) target(%dma_start3A_846 : memref<10008x128xf32, #tpu.memory_space<vmem_shared>>) offsets(%dma_start3A_843 : memref<128xi32, #tpu.memory_space<vmem>>) semaphore(%run_scoped3A_840 : memref<!tpu.dma_semaphore, #tpu.memory_space<semaphore_mem>>) {add = true}
          %dma_wait3A_847 = arith.constant 0 : i32
          %dma_wait3A_848 = tpu.memref_slice %arg8[%run_scoped3A_458, %dma_wait3A_847] : memref<35x128xi32, #tpu.memory_space<vmem>> -> memref<1x128xi32, #tpu.memory_space<vmem>>
          %dma_wait3A_849 = tpu.memref_squeeze %dma_wait3A_848 : memref<1x128xi32, #tpu.memory_space<vmem>> -> memref<128xi32, #tpu.memory_space<vmem>>
          %dma_wait3A_850 = arith.constant 0 : i32
          %dma_wait3A_851 = arith.constant 0 : i32
          %dma_wait3A_852 = tpu.memref_slice %arg11[%dma_wait3A_850, %dma_wait3A_851] : memref<10008x128xf32, #tpu.memory_space<vmem_shared>> -> memref<10008x128xf32, #tpu.memory_space<vmem_shared>>
          tpu.wait_indirect_dma semaphore(%run_scoped3A_840 : memref<!tpu.dma_semaphore, #tpu.memory_space<semaphore_mem>>) src(%arg10 : memref<128x128xf32, #tpu.memory_space<vmem>>) dst(%dma_wait3A_852 : memref<10008x128xf32, #tpu.memory_space<vmem_shared>>)
          tpu.yield
        }) : () -> ()
        %dma_wait3A_459 = arith.constant 18 : i32
        %dma_wait3A_460 = arith.constant 0 : i32
        %dma_wait3A_461 = tpu.memref_slice %arg7[%dma_wait3A_459, %dma_wait3A_460] : memref<35x128xi32, #tpu.memory_space<vmem>> -> memref<1x128xi32, #tpu.memory_space<vmem>>
        %dma_wait3A_462 = tpu.memref_squeeze %dma_wait3A_461 : memref<1x128xi32, #tpu.memory_space<vmem>> -> memref<128xi32, #tpu.memory_space<vmem>>
        %dma_wait3A_463 = arith.constant 0 : i32
        %dma_wait3A_464 = arith.constant 0 : i32
        %dma_wait3A_465 = tpu.memref_slice %arg2[%scan3A, %dma_wait3A_463, %dma_wait3A_464] : memref<2x10000x128xf32, #tpu.memory_space<hbm>> -> memref<1x10000x128xf32, #tpu.memory_space<hbm>>
        %dma_wait3A_466 = tpu.memref_squeeze %dma_wait3A_465 : memref<1x10000x128xf32, #tpu.memory_space<hbm>> -> memref<10000x128xf32, #tpu.memory_space<hbm>>
        %dma_wait3A_467 = arith.constant 0 : i32
        %dma_wait3A_468 = arith.constant 0 : i32
        %dma_wait3A_469 = tpu.memref_slice %dma_wait3A_466[%dma_wait3A_467, %dma_wait3A_468] : memref<10000x128xf32, #tpu.memory_space<hbm>> -> memref<10000x128xf32, #tpu.memory_space<hbm>>
        tpu.wait_indirect_dma semaphore(%arg12 : memref<!tpu.dma_semaphore, #tpu.memory_space<semaphore_mem>>) src(%dma_wait3A_469 : memref<10000x128xf32, #tpu.memory_space<hbm>>) dst(%arg9 : memref<128x128xf32, #tpu.memory_space<vmem>>)
        %dma_start3A_470 = arith.constant 19 : i32
        %dma_start3A_471 = arith.constant 0 : i32
        %dma_start3A_472 = tpu.memref_slice %arg7[%dma_start3A_470, %dma_start3A_471] : memref<35x128xi32, #tpu.memory_space<vmem>> -> memref<1x128xi32, #tpu.memory_space<vmem>>
        %dma_start3A_473 = tpu.memref_squeeze %dma_start3A_472 : memref<1x128xi32, #tpu.memory_space<vmem>> -> memref<128xi32, #tpu.memory_space<vmem>>
        %dma_start3A_474 = arith.constant 0 : i32
        %dma_start3A_475 = arith.constant 0 : i32
        %dma_start3A_476 = tpu.memref_slice %arg2[%scan3A, %dma_start3A_474, %dma_start3A_475] : memref<2x10000x128xf32, #tpu.memory_space<hbm>> -> memref<1x10000x128xf32, #tpu.memory_space<hbm>>
        %dma_start3A_477 = tpu.memref_squeeze %dma_start3A_476 : memref<1x10000x128xf32, #tpu.memory_space<hbm>> -> memref<10000x128xf32, #tpu.memory_space<hbm>>
        %dma_start3A_478 = arith.constant 0 : i32
        %dma_start3A_479 = arith.constant 0 : i32
        %dma_start3A_480 = tpu.memref_slice %dma_start3A_477[%dma_start3A_478, %dma_start3A_479] : memref<10000x128xf32, #tpu.memory_space<hbm>> -> memref<10000x128xf32, #tpu.memory_space<hbm>>
        tpu.enqueue_indirect_dma source(%dma_start3A_480 : memref<10000x128xf32, #tpu.memory_space<hbm>>) target(%arg10 : memref<128x128xf32, #tpu.memory_space<vmem>>) offsets(%dma_start3A_473 : memref<128xi32, #tpu.memory_space<vmem>>) semaphore(%arg13 : memref<!tpu.dma_semaphore, #tpu.memory_space<semaphore_mem>>)
        %run_scoped3A_481 = arith.constant 18 : i32
        "tpu.region"() ({
          %run_scoped3A_840 = tpu.sem_alloc : memref<!tpu.dma_semaphore, #tpu.memory_space<semaphore_mem>>
          %dma_start3A_841 = arith.constant 0 : i32
          %dma_start3A_842 = tpu.memref_slice %arg8[%run_scoped3A_481, %dma_start3A_841] : memref<35x128xi32, #tpu.memory_space<vmem>> -> memref<1x128xi32, #tpu.memory_space<vmem>>
          %dma_start3A_843 = tpu.memref_squeeze %dma_start3A_842 : memref<1x128xi32, #tpu.memory_space<vmem>> -> memref<128xi32, #tpu.memory_space<vmem>>
          %dma_start3A_844 = arith.constant 0 : i32
          %dma_start3A_845 = arith.constant 0 : i32
          %dma_start3A_846 = tpu.memref_slice %arg11[%dma_start3A_844, %dma_start3A_845] : memref<10008x128xf32, #tpu.memory_space<vmem_shared>> -> memref<10008x128xf32, #tpu.memory_space<vmem_shared>>
          tpu.enqueue_indirect_dma source(%arg9 : memref<128x128xf32, #tpu.memory_space<vmem>>) target(%dma_start3A_846 : memref<10008x128xf32, #tpu.memory_space<vmem_shared>>) offsets(%dma_start3A_843 : memref<128xi32, #tpu.memory_space<vmem>>) semaphore(%run_scoped3A_840 : memref<!tpu.dma_semaphore, #tpu.memory_space<semaphore_mem>>) {add = true}
          %dma_wait3A_847 = arith.constant 0 : i32
          %dma_wait3A_848 = tpu.memref_slice %arg8[%run_scoped3A_481, %dma_wait3A_847] : memref<35x128xi32, #tpu.memory_space<vmem>> -> memref<1x128xi32, #tpu.memory_space<vmem>>
          %dma_wait3A_849 = tpu.memref_squeeze %dma_wait3A_848 : memref<1x128xi32, #tpu.memory_space<vmem>> -> memref<128xi32, #tpu.memory_space<vmem>>
          %dma_wait3A_850 = arith.constant 0 : i32
          %dma_wait3A_851 = arith.constant 0 : i32
          %dma_wait3A_852 = tpu.memref_slice %arg11[%dma_wait3A_850, %dma_wait3A_851] : memref<10008x128xf32, #tpu.memory_space<vmem_shared>> -> memref<10008x128xf32, #tpu.memory_space<vmem_shared>>
          tpu.wait_indirect_dma semaphore(%run_scoped3A_840 : memref<!tpu.dma_semaphore, #tpu.memory_space<semaphore_mem>>) src(%arg9 : memref<128x128xf32, #tpu.memory_space<vmem>>) dst(%dma_wait3A_852 : memref<10008x128xf32, #tpu.memory_space<vmem_shared>>)
          tpu.yield
        }) : () -> ()
        %dma_wait3A_482 = arith.constant 19 : i32
        %dma_wait3A_483 = arith.constant 0 : i32
        %dma_wait3A_484 = tpu.memref_slice %arg7[%dma_wait3A_482, %dma_wait3A_483] : memref<35x128xi32, #tpu.memory_space<vmem>> -> memref<1x128xi32, #tpu.memory_space<vmem>>
        %dma_wait3A_485 = tpu.memref_squeeze %dma_wait3A_484 : memref<1x128xi32, #tpu.memory_space<vmem>> -> memref<128xi32, #tpu.memory_space<vmem>>
        %dma_wait3A_486 = arith.constant 0 : i32
        %dma_wait3A_487 = arith.constant 0 : i32
        %dma_wait3A_488 = tpu.memref_slice %arg2[%scan3A, %dma_wait3A_486, %dma_wait3A_487] : memref<2x10000x128xf32, #tpu.memory_space<hbm>> -> memref<1x10000x128xf32, #tpu.memory_space<hbm>>
        %dma_wait3A_489 = tpu.memref_squeeze %dma_wait3A_488 : memref<1x10000x128xf32, #tpu.memory_space<hbm>> -> memref<10000x128xf32, #tpu.memory_space<hbm>>
        %dma_wait3A_490 = arith.constant 0 : i32
        %dma_wait3A_491 = arith.constant 0 : i32
        %dma_wait3A_492 = tpu.memref_slice %dma_wait3A_489[%dma_wait3A_490, %dma_wait3A_491] : memref<10000x128xf32, #tpu.memory_space<hbm>> -> memref<10000x128xf32, #tpu.memory_space<hbm>>
        tpu.wait_indirect_dma semaphore(%arg13 : memref<!tpu.dma_semaphore, #tpu.memory_space<semaphore_mem>>) src(%dma_wait3A_492 : memref<10000x128xf32, #tpu.memory_space<hbm>>) dst(%arg10 : memref<128x128xf32, #tpu.memory_space<vmem>>)
        %dma_start3A_493 = arith.constant 20 : i32
        %dma_start3A_494 = arith.constant 0 : i32
        %dma_start3A_495 = tpu.memref_slice %arg7[%dma_start3A_493, %dma_start3A_494] : memref<35x128xi32, #tpu.memory_space<vmem>> -> memref<1x128xi32, #tpu.memory_space<vmem>>
        %dma_start3A_496 = tpu.memref_squeeze %dma_start3A_495 : memref<1x128xi32, #tpu.memory_space<vmem>> -> memref<128xi32, #tpu.memory_space<vmem>>
        %dma_start3A_497 = arith.constant 0 : i32
        %dma_start3A_498 = arith.constant 0 : i32
        %dma_start3A_499 = tpu.memref_slice %arg2[%scan3A, %dma_start3A_497, %dma_start3A_498] : memref<2x10000x128xf32, #tpu.memory_space<hbm>> -> memref<1x10000x128xf32, #tpu.memory_space<hbm>>
        %dma_start3A_500 = tpu.memref_squeeze %dma_start3A_499 : memref<1x10000x128xf32, #tpu.memory_space<hbm>> -> memref<10000x128xf32, #tpu.memory_space<hbm>>
        %dma_start3A_501 = arith.constant 0 : i32
        %dma_start3A_502 = arith.constant 0 : i32
        %dma_start3A_503 = tpu.memref_slice %dma_start3A_500[%dma_start3A_501, %dma_start3A_502] : memref<10000x128xf32, #tpu.memory_space<hbm>> -> memref<10000x128xf32, #tpu.memory_space<hbm>>
        tpu.enqueue_indirect_dma source(%dma_start3A_503 : memref<10000x128xf32, #tpu.memory_space<hbm>>) target(%arg9 : memref<128x128xf32, #tpu.memory_space<vmem>>) offsets(%dma_start3A_496 : memref<128xi32, #tpu.memory_space<vmem>>) semaphore(%arg12 : memref<!tpu.dma_semaphore, #tpu.memory_space<semaphore_mem>>)
        %run_scoped3A_504 = arith.constant 19 : i32
        "tpu.region"() ({
          %run_scoped3A_840 = tpu.sem_alloc : memref<!tpu.dma_semaphore, #tpu.memory_space<semaphore_mem>>
          %dma_start3A_841 = arith.constant 0 : i32
          %dma_start3A_842 = tpu.memref_slice %arg8[%run_scoped3A_504, %dma_start3A_841] : memref<35x128xi32, #tpu.memory_space<vmem>> -> memref<1x128xi32, #tpu.memory_space<vmem>>
          %dma_start3A_843 = tpu.memref_squeeze %dma_start3A_842 : memref<1x128xi32, #tpu.memory_space<vmem>> -> memref<128xi32, #tpu.memory_space<vmem>>
          %dma_start3A_844 = arith.constant 0 : i32
          %dma_start3A_845 = arith.constant 0 : i32
          %dma_start3A_846 = tpu.memref_slice %arg11[%dma_start3A_844, %dma_start3A_845] : memref<10008x128xf32, #tpu.memory_space<vmem_shared>> -> memref<10008x128xf32, #tpu.memory_space<vmem_shared>>
          tpu.enqueue_indirect_dma source(%arg10 : memref<128x128xf32, #tpu.memory_space<vmem>>) target(%dma_start3A_846 : memref<10008x128xf32, #tpu.memory_space<vmem_shared>>) offsets(%dma_start3A_843 : memref<128xi32, #tpu.memory_space<vmem>>) semaphore(%run_scoped3A_840 : memref<!tpu.dma_semaphore, #tpu.memory_space<semaphore_mem>>) {add = true}
          %dma_wait3A_847 = arith.constant 0 : i32
          %dma_wait3A_848 = tpu.memref_slice %arg8[%run_scoped3A_504, %dma_wait3A_847] : memref<35x128xi32, #tpu.memory_space<vmem>> -> memref<1x128xi32, #tpu.memory_space<vmem>>
          %dma_wait3A_849 = tpu.memref_squeeze %dma_wait3A_848 : memref<1x128xi32, #tpu.memory_space<vmem>> -> memref<128xi32, #tpu.memory_space<vmem>>
          %dma_wait3A_850 = arith.constant 0 : i32
          %dma_wait3A_851 = arith.constant 0 : i32
          %dma_wait3A_852 = tpu.memref_slice %arg11[%dma_wait3A_850, %dma_wait3A_851] : memref<10008x128xf32, #tpu.memory_space<vmem_shared>> -> memref<10008x128xf32, #tpu.memory_space<vmem_shared>>
          tpu.wait_indirect_dma semaphore(%run_scoped3A_840 : memref<!tpu.dma_semaphore, #tpu.memory_space<semaphore_mem>>) src(%arg10 : memref<128x128xf32, #tpu.memory_space<vmem>>) dst(%dma_wait3A_852 : memref<10008x128xf32, #tpu.memory_space<vmem_shared>>)
          tpu.yield
        }) : () -> ()
        %dma_wait3A_505 = arith.constant 20 : i32
        %dma_wait3A_506 = arith.constant 0 : i32
        %dma_wait3A_507 = tpu.memref_slice %arg7[%dma_wait3A_505, %dma_wait3A_506] : memref<35x128xi32, #tpu.memory_space<vmem>> -> memref<1x128xi32, #tpu.memory_space<vmem>>
        %dma_wait3A_508 = tpu.memref_squeeze %dma_wait3A_507 : memref<1x128xi32, #tpu.memory_space<vmem>> -> memref<128xi32, #tpu.memory_space<vmem>>
        %dma_wait3A_509 = arith.constant 0 : i32
        %dma_wait3A_510 = arith.constant 0 : i32
        %dma_wait3A_511 = tpu.memref_slice %arg2[%scan3A, %dma_wait3A_509, %dma_wait3A_510] : memref<2x10000x128xf32, #tpu.memory_space<hbm>> -> memref<1x10000x128xf32, #tpu.memory_space<hbm>>
        %dma_wait3A_512 = tpu.memref_squeeze %dma_wait3A_511 : memref<1x10000x128xf32, #tpu.memory_space<hbm>> -> memref<10000x128xf32, #tpu.memory_space<hbm>>
        %dma_wait3A_513 = arith.constant 0 : i32
        %dma_wait3A_514 = arith.constant 0 : i32
        %dma_wait3A_515 = tpu.memref_slice %dma_wait3A_512[%dma_wait3A_513, %dma_wait3A_514] : memref<10000x128xf32, #tpu.memory_space<hbm>> -> memref<10000x128xf32, #tpu.memory_space<hbm>>
        tpu.wait_indirect_dma semaphore(%arg12 : memref<!tpu.dma_semaphore, #tpu.memory_space<semaphore_mem>>) src(%dma_wait3A_515 : memref<10000x128xf32, #tpu.memory_space<hbm>>) dst(%arg9 : memref<128x128xf32, #tpu.memory_space<vmem>>)
        %dma_start3A_516 = arith.constant 21 : i32
        %dma_start3A_517 = arith.constant 0 : i32
        %dma_start3A_518 = tpu.memref_slice %arg7[%dma_start3A_516, %dma_start3A_517] : memref<35x128xi32, #tpu.memory_space<vmem>> -> memref<1x128xi32, #tpu.memory_space<vmem>>
        %dma_start3A_519 = tpu.memref_squeeze %dma_start3A_518 : memref<1x128xi32, #tpu.memory_space<vmem>> -> memref<128xi32, #tpu.memory_space<vmem>>
        %dma_start3A_520 = arith.constant 0 : i32
        %dma_start3A_521 = arith.constant 0 : i32
        %dma_start3A_522 = tpu.memref_slice %arg2[%scan3A, %dma_start3A_520, %dma_start3A_521] : memref<2x10000x128xf32, #tpu.memory_space<hbm>> -> memref<1x10000x128xf32, #tpu.memory_space<hbm>>
        %dma_start3A_523 = tpu.memref_squeeze %dma_start3A_522 : memref<1x10000x128xf32, #tpu.memory_space<hbm>> -> memref<10000x128xf32, #tpu.memory_space<hbm>>
        %dma_start3A_524 = arith.constant 0 : i32
        %dma_start3A_525 = arith.constant 0 : i32
        %dma_start3A_526 = tpu.memref_slice %dma_start3A_523[%dma_start3A_524, %dma_start3A_525] : memref<10000x128xf32, #tpu.memory_space<hbm>> -> memref<10000x128xf32, #tpu.memory_space<hbm>>
        tpu.enqueue_indirect_dma source(%dma_start3A_526 : memref<10000x128xf32, #tpu.memory_space<hbm>>) target(%arg10 : memref<128x128xf32, #tpu.memory_space<vmem>>) offsets(%dma_start3A_519 : memref<128xi32, #tpu.memory_space<vmem>>) semaphore(%arg13 : memref<!tpu.dma_semaphore, #tpu.memory_space<semaphore_mem>>)
        %run_scoped3A_527 = arith.constant 20 : i32
        "tpu.region"() ({
          %run_scoped3A_840 = tpu.sem_alloc : memref<!tpu.dma_semaphore, #tpu.memory_space<semaphore_mem>>
          %dma_start3A_841 = arith.constant 0 : i32
          %dma_start3A_842 = tpu.memref_slice %arg8[%run_scoped3A_527, %dma_start3A_841] : memref<35x128xi32, #tpu.memory_space<vmem>> -> memref<1x128xi32, #tpu.memory_space<vmem>>
          %dma_start3A_843 = tpu.memref_squeeze %dma_start3A_842 : memref<1x128xi32, #tpu.memory_space<vmem>> -> memref<128xi32, #tpu.memory_space<vmem>>
          %dma_start3A_844 = arith.constant 0 : i32
          %dma_start3A_845 = arith.constant 0 : i32
          %dma_start3A_846 = tpu.memref_slice %arg11[%dma_start3A_844, %dma_start3A_845] : memref<10008x128xf32, #tpu.memory_space<vmem_shared>> -> memref<10008x128xf32, #tpu.memory_space<vmem_shared>>
          tpu.enqueue_indirect_dma source(%arg9 : memref<128x128xf32, #tpu.memory_space<vmem>>) target(%dma_start3A_846 : memref<10008x128xf32, #tpu.memory_space<vmem_shared>>) offsets(%dma_start3A_843 : memref<128xi32, #tpu.memory_space<vmem>>) semaphore(%run_scoped3A_840 : memref<!tpu.dma_semaphore, #tpu.memory_space<semaphore_mem>>) {add = true}
          %dma_wait3A_847 = arith.constant 0 : i32
          %dma_wait3A_848 = tpu.memref_slice %arg8[%run_scoped3A_527, %dma_wait3A_847] : memref<35x128xi32, #tpu.memory_space<vmem>> -> memref<1x128xi32, #tpu.memory_space<vmem>>
          %dma_wait3A_849 = tpu.memref_squeeze %dma_wait3A_848 : memref<1x128xi32, #tpu.memory_space<vmem>> -> memref<128xi32, #tpu.memory_space<vmem>>
          %dma_wait3A_850 = arith.constant 0 : i32
          %dma_wait3A_851 = arith.constant 0 : i32
          %dma_wait3A_852 = tpu.memref_slice %arg11[%dma_wait3A_850, %dma_wait3A_851] : memref<10008x128xf32, #tpu.memory_space<vmem_shared>> -> memref<10008x128xf32, #tpu.memory_space<vmem_shared>>
          tpu.wait_indirect_dma semaphore(%run_scoped3A_840 : memref<!tpu.dma_semaphore, #tpu.memory_space<semaphore_mem>>) src(%arg9 : memref<128x128xf32, #tpu.memory_space<vmem>>) dst(%dma_wait3A_852 : memref<10008x128xf32, #tpu.memory_space<vmem_shared>>)
          tpu.yield
        }) : () -> ()
        %dma_wait3A_528 = arith.constant 21 : i32
        %dma_wait3A_529 = arith.constant 0 : i32
        %dma_wait3A_530 = tpu.memref_slice %arg7[%dma_wait3A_528, %dma_wait3A_529] : memref<35x128xi32, #tpu.memory_space<vmem>> -> memref<1x128xi32, #tpu.memory_space<vmem>>
        %dma_wait3A_531 = tpu.memref_squeeze %dma_wait3A_530 : memref<1x128xi32, #tpu.memory_space<vmem>> -> memref<128xi32, #tpu.memory_space<vmem>>
        %dma_wait3A_532 = arith.constant 0 : i32
        %dma_wait3A_533 = arith.constant 0 : i32
        %dma_wait3A_534 = tpu.memref_slice %arg2[%scan3A, %dma_wait3A_532, %dma_wait3A_533] : memref<2x10000x128xf32, #tpu.memory_space<hbm>> -> memref<1x10000x128xf32, #tpu.memory_space<hbm>>
        %dma_wait3A_535 = tpu.memref_squeeze %dma_wait3A_534 : memref<1x10000x128xf32, #tpu.memory_space<hbm>> -> memref<10000x128xf32, #tpu.memory_space<hbm>>
        %dma_wait3A_536 = arith.constant 0 : i32
        %dma_wait3A_537 = arith.constant 0 : i32
        %dma_wait3A_538 = tpu.memref_slice %dma_wait3A_535[%dma_wait3A_536, %dma_wait3A_537] : memref<10000x128xf32, #tpu.memory_space<hbm>> -> memref<10000x128xf32, #tpu.memory_space<hbm>>
        tpu.wait_indirect_dma semaphore(%arg13 : memref<!tpu.dma_semaphore, #tpu.memory_space<semaphore_mem>>) src(%dma_wait3A_538 : memref<10000x128xf32, #tpu.memory_space<hbm>>) dst(%arg10 : memref<128x128xf32, #tpu.memory_space<vmem>>)
        %dma_start3A_539 = arith.constant 22 : i32
        %dma_start3A_540 = arith.constant 0 : i32
        %dma_start3A_541 = tpu.memref_slice %arg7[%dma_start3A_539, %dma_start3A_540] : memref<35x128xi32, #tpu.memory_space<vmem>> -> memref<1x128xi32, #tpu.memory_space<vmem>>
        %dma_start3A_542 = tpu.memref_squeeze %dma_start3A_541 : memref<1x128xi32, #tpu.memory_space<vmem>> -> memref<128xi32, #tpu.memory_space<vmem>>
        %dma_start3A_543 = arith.constant 0 : i32
        %dma_start3A_544 = arith.constant 0 : i32
        %dma_start3A_545 = tpu.memref_slice %arg2[%scan3A, %dma_start3A_543, %dma_start3A_544] : memref<2x10000x128xf32, #tpu.memory_space<hbm>> -> memref<1x10000x128xf32, #tpu.memory_space<hbm>>
        %dma_start3A_546 = tpu.memref_squeeze %dma_start3A_545 : memref<1x10000x128xf32, #tpu.memory_space<hbm>> -> memref<10000x128xf32, #tpu.memory_space<hbm>>
        %dma_start3A_547 = arith.constant 0 : i32
        %dma_start3A_548 = arith.constant 0 : i32
        %dma_start3A_549 = tpu.memref_slice %dma_start3A_546[%dma_start3A_547, %dma_start3A_548] : memref<10000x128xf32, #tpu.memory_space<hbm>> -> memref<10000x128xf32, #tpu.memory_space<hbm>>
        tpu.enqueue_indirect_dma source(%dma_start3A_549 : memref<10000x128xf32, #tpu.memory_space<hbm>>) target(%arg9 : memref<128x128xf32, #tpu.memory_space<vmem>>) offsets(%dma_start3A_542 : memref<128xi32, #tpu.memory_space<vmem>>) semaphore(%arg12 : memref<!tpu.dma_semaphore, #tpu.memory_space<semaphore_mem>>)
        %run_scoped3A_550 = arith.constant 21 : i32
        "tpu.region"() ({
          %run_scoped3A_840 = tpu.sem_alloc : memref<!tpu.dma_semaphore, #tpu.memory_space<semaphore_mem>>
          %dma_start3A_841 = arith.constant 0 : i32
          %dma_start3A_842 = tpu.memref_slice %arg8[%run_scoped3A_550, %dma_start3A_841] : memref<35x128xi32, #tpu.memory_space<vmem>> -> memref<1x128xi32, #tpu.memory_space<vmem>>
          %dma_start3A_843 = tpu.memref_squeeze %dma_start3A_842 : memref<1x128xi32, #tpu.memory_space<vmem>> -> memref<128xi32, #tpu.memory_space<vmem>>
          %dma_start3A_844 = arith.constant 0 : i32
          %dma_start3A_845 = arith.constant 0 : i32
          %dma_start3A_846 = tpu.memref_slice %arg11[%dma_start3A_844, %dma_start3A_845] : memref<10008x128xf32, #tpu.memory_space<vmem_shared>> -> memref<10008x128xf32, #tpu.memory_space<vmem_shared>>
          tpu.enqueue_indirect_dma source(%arg10 : memref<128x128xf32, #tpu.memory_space<vmem>>) target(%dma_start3A_846 : memref<10008x128xf32, #tpu.memory_space<vmem_shared>>) offsets(%dma_start3A_843 : memref<128xi32, #tpu.memory_space<vmem>>) semaphore(%run_scoped3A_840 : memref<!tpu.dma_semaphore, #tpu.memory_space<semaphore_mem>>) {add = true}
          %dma_wait3A_847 = arith.constant 0 : i32
          %dma_wait3A_848 = tpu.memref_slice %arg8[%run_scoped3A_550, %dma_wait3A_847] : memref<35x128xi32, #tpu.memory_space<vmem>> -> memref<1x128xi32, #tpu.memory_space<vmem>>
          %dma_wait3A_849 = tpu.memref_squeeze %dma_wait3A_848 : memref<1x128xi32, #tpu.memory_space<vmem>> -> memref<128xi32, #tpu.memory_space<vmem>>
          %dma_wait3A_850 = arith.constant 0 : i32
          %dma_wait3A_851 = arith.constant 0 : i32
          %dma_wait3A_852 = tpu.memref_slice %arg11[%dma_wait3A_850, %dma_wait3A_851] : memref<10008x128xf32, #tpu.memory_space<vmem_shared>> -> memref<10008x128xf32, #tpu.memory_space<vmem_shared>>
          tpu.wait_indirect_dma semaphore(%run_scoped3A_840 : memref<!tpu.dma_semaphore, #tpu.memory_space<semaphore_mem>>) src(%arg10 : memref<128x128xf32, #tpu.memory_space<vmem>>) dst(%dma_wait3A_852 : memref<10008x128xf32, #tpu.memory_space<vmem_shared>>)
          tpu.yield
        }) : () -> ()
        %dma_wait3A_551 = arith.constant 22 : i32
        %dma_wait3A_552 = arith.constant 0 : i32
        %dma_wait3A_553 = tpu.memref_slice %arg7[%dma_wait3A_551, %dma_wait3A_552] : memref<35x128xi32, #tpu.memory_space<vmem>> -> memref<1x128xi32, #tpu.memory_space<vmem>>
        %dma_wait3A_554 = tpu.memref_squeeze %dma_wait3A_553 : memref<1x128xi32, #tpu.memory_space<vmem>> -> memref<128xi32, #tpu.memory_space<vmem>>
        %dma_wait3A_555 = arith.constant 0 : i32
        %dma_wait3A_556 = arith.constant 0 : i32
        %dma_wait3A_557 = tpu.memref_slice %arg2[%scan3A, %dma_wait3A_555, %dma_wait3A_556] : memref<2x10000x128xf32, #tpu.memory_space<hbm>> -> memref<1x10000x128xf32, #tpu.memory_space<hbm>>
        %dma_wait3A_558 = tpu.memref_squeeze %dma_wait3A_557 : memref<1x10000x128xf32, #tpu.memory_space<hbm>> -> memref<10000x128xf32, #tpu.memory_space<hbm>>
        %dma_wait3A_559 = arith.constant 0 : i32
        %dma_wait3A_560 = arith.constant 0 : i32
        %dma_wait3A_561 = tpu.memref_slice %dma_wait3A_558[%dma_wait3A_559, %dma_wait3A_560] : memref<10000x128xf32, #tpu.memory_space<hbm>> -> memref<10000x128xf32, #tpu.memory_space<hbm>>
        tpu.wait_indirect_dma semaphore(%arg12 : memref<!tpu.dma_semaphore, #tpu.memory_space<semaphore_mem>>) src(%dma_wait3A_561 : memref<10000x128xf32, #tpu.memory_space<hbm>>) dst(%arg9 : memref<128x128xf32, #tpu.memory_space<vmem>>)
        %dma_start3A_562 = arith.constant 23 : i32
        %dma_start3A_563 = arith.constant 0 : i32
        %dma_start3A_564 = tpu.memref_slice %arg7[%dma_start3A_562, %dma_start3A_563] : memref<35x128xi32, #tpu.memory_space<vmem>> -> memref<1x128xi32, #tpu.memory_space<vmem>>
        %dma_start3A_565 = tpu.memref_squeeze %dma_start3A_564 : memref<1x128xi32, #tpu.memory_space<vmem>> -> memref<128xi32, #tpu.memory_space<vmem>>
        %dma_start3A_566 = arith.constant 0 : i32
        %dma_start3A_567 = arith.constant 0 : i32
        %dma_start3A_568 = tpu.memref_slice %arg2[%scan3A, %dma_start3A_566, %dma_start3A_567] : memref<2x10000x128xf32, #tpu.memory_space<hbm>> -> memref<1x10000x128xf32, #tpu.memory_space<hbm>>
        %dma_start3A_569 = tpu.memref_squeeze %dma_start3A_568 : memref<1x10000x128xf32, #tpu.memory_space<hbm>> -> memref<10000x128xf32, #tpu.memory_space<hbm>>
        %dma_start3A_570 = arith.constant 0 : i32
        %dma_start3A_571 = arith.constant 0 : i32
        %dma_start3A_572 = tpu.memref_slice %dma_start3A_569[%dma_start3A_570, %dma_start3A_571] : memref<10000x128xf32, #tpu.memory_space<hbm>> -> memref<10000x128xf32, #tpu.memory_space<hbm>>
        tpu.enqueue_indirect_dma source(%dma_start3A_572 : memref<10000x128xf32, #tpu.memory_space<hbm>>) target(%arg10 : memref<128x128xf32, #tpu.memory_space<vmem>>) offsets(%dma_start3A_565 : memref<128xi32, #tpu.memory_space<vmem>>) semaphore(%arg13 : memref<!tpu.dma_semaphore, #tpu.memory_space<semaphore_mem>>)
        %run_scoped3A_573 = arith.constant 22 : i32
        "tpu.region"() ({
          %run_scoped3A_840 = tpu.sem_alloc : memref<!tpu.dma_semaphore, #tpu.memory_space<semaphore_mem>>
          %dma_start3A_841 = arith.constant 0 : i32
          %dma_start3A_842 = tpu.memref_slice %arg8[%run_scoped3A_573, %dma_start3A_841] : memref<35x128xi32, #tpu.memory_space<vmem>> -> memref<1x128xi32, #tpu.memory_space<vmem>>
          %dma_start3A_843 = tpu.memref_squeeze %dma_start3A_842 : memref<1x128xi32, #tpu.memory_space<vmem>> -> memref<128xi32, #tpu.memory_space<vmem>>
          %dma_start3A_844 = arith.constant 0 : i32
          %dma_start3A_845 = arith.constant 0 : i32
          %dma_start3A_846 = tpu.memref_slice %arg11[%dma_start3A_844, %dma_start3A_845] : memref<10008x128xf32, #tpu.memory_space<vmem_shared>> -> memref<10008x128xf32, #tpu.memory_space<vmem_shared>>
          tpu.enqueue_indirect_dma source(%arg9 : memref<128x128xf32, #tpu.memory_space<vmem>>) target(%dma_start3A_846 : memref<10008x128xf32, #tpu.memory_space<vmem_shared>>) offsets(%dma_start3A_843 : memref<128xi32, #tpu.memory_space<vmem>>) semaphore(%run_scoped3A_840 : memref<!tpu.dma_semaphore, #tpu.memory_space<semaphore_mem>>) {add = true}
          %dma_wait3A_847 = arith.constant 0 : i32
          %dma_wait3A_848 = tpu.memref_slice %arg8[%run_scoped3A_573, %dma_wait3A_847] : memref<35x128xi32, #tpu.memory_space<vmem>> -> memref<1x128xi32, #tpu.memory_space<vmem>>
          %dma_wait3A_849 = tpu.memref_squeeze %dma_wait3A_848 : memref<1x128xi32, #tpu.memory_space<vmem>> -> memref<128xi32, #tpu.memory_space<vmem>>
          %dma_wait3A_850 = arith.constant 0 : i32
          %dma_wait3A_851 = arith.constant 0 : i32
          %dma_wait3A_852 = tpu.memref_slice %arg11[%dma_wait3A_850, %dma_wait3A_851] : memref<10008x128xf32, #tpu.memory_space<vmem_shared>> -> memref<10008x128xf32, #tpu.memory_space<vmem_shared>>
          tpu.wait_indirect_dma semaphore(%run_scoped3A_840 : memref<!tpu.dma_semaphore, #tpu.memory_space<semaphore_mem>>) src(%arg9 : memref<128x128xf32, #tpu.memory_space<vmem>>) dst(%dma_wait3A_852 : memref<10008x128xf32, #tpu.memory_space<vmem_shared>>)
          tpu.yield
        }) : () -> ()
        %dma_wait3A_574 = arith.constant 23 : i32
        %dma_wait3A_575 = arith.constant 0 : i32
        %dma_wait3A_576 = tpu.memref_slice %arg7[%dma_wait3A_574, %dma_wait3A_575] : memref<35x128xi32, #tpu.memory_space<vmem>> -> memref<1x128xi32, #tpu.memory_space<vmem>>
        %dma_wait3A_577 = tpu.memref_squeeze %dma_wait3A_576 : memref<1x128xi32, #tpu.memory_space<vmem>> -> memref<128xi32, #tpu.memory_space<vmem>>
        %dma_wait3A_578 = arith.constant 0 : i32
        %dma_wait3A_579 = arith.constant 0 : i32
        %dma_wait3A_580 = tpu.memref_slice %arg2[%scan3A, %dma_wait3A_578, %dma_wait3A_579] : memref<2x10000x128xf32, #tpu.memory_space<hbm>> -> memref<1x10000x128xf32, #tpu.memory_space<hbm>>
        %dma_wait3A_581 = tpu.memref_squeeze %dma_wait3A_580 : memref<1x10000x128xf32, #tpu.memory_space<hbm>> -> memref<10000x128xf32, #tpu.memory_space<hbm>>
        %dma_wait3A_582 = arith.constant 0 : i32
        %dma_wait3A_583 = arith.constant 0 : i32
        %dma_wait3A_584 = tpu.memref_slice %dma_wait3A_581[%dma_wait3A_582, %dma_wait3A_583] : memref<10000x128xf32, #tpu.memory_space<hbm>> -> memref<10000x128xf32, #tpu.memory_space<hbm>>
        tpu.wait_indirect_dma semaphore(%arg13 : memref<!tpu.dma_semaphore, #tpu.memory_space<semaphore_mem>>) src(%dma_wait3A_584 : memref<10000x128xf32, #tpu.memory_space<hbm>>) dst(%arg10 : memref<128x128xf32, #tpu.memory_space<vmem>>)
        %dma_start3A_585 = arith.constant 24 : i32
        %dma_start3A_586 = arith.constant 0 : i32
        %dma_start3A_587 = tpu.memref_slice %arg7[%dma_start3A_585, %dma_start3A_586] : memref<35x128xi32, #tpu.memory_space<vmem>> -> memref<1x128xi32, #tpu.memory_space<vmem>>
        %dma_start3A_588 = tpu.memref_squeeze %dma_start3A_587 : memref<1x128xi32, #tpu.memory_space<vmem>> -> memref<128xi32, #tpu.memory_space<vmem>>
        %dma_start3A_589 = arith.constant 0 : i32
        %dma_start3A_590 = arith.constant 0 : i32
        %dma_start3A_591 = tpu.memref_slice %arg2[%scan3A, %dma_start3A_589, %dma_start3A_590] : memref<2x10000x128xf32, #tpu.memory_space<hbm>> -> memref<1x10000x128xf32, #tpu.memory_space<hbm>>
        %dma_start3A_592 = tpu.memref_squeeze %dma_start3A_591 : memref<1x10000x128xf32, #tpu.memory_space<hbm>> -> memref<10000x128xf32, #tpu.memory_space<hbm>>
        %dma_start3A_593 = arith.constant 0 : i32
        %dma_start3A_594 = arith.constant 0 : i32
        %dma_start3A_595 = tpu.memref_slice %dma_start3A_592[%dma_start3A_593, %dma_start3A_594] : memref<10000x128xf32, #tpu.memory_space<hbm>> -> memref<10000x128xf32, #tpu.memory_space<hbm>>
        tpu.enqueue_indirect_dma source(%dma_start3A_595 : memref<10000x128xf32, #tpu.memory_space<hbm>>) target(%arg9 : memref<128x128xf32, #tpu.memory_space<vmem>>) offsets(%dma_start3A_588 : memref<128xi32, #tpu.memory_space<vmem>>) semaphore(%arg12 : memref<!tpu.dma_semaphore, #tpu.memory_space<semaphore_mem>>)
        %run_scoped3A_596 = arith.constant 23 : i32
        "tpu.region"() ({
          %run_scoped3A_840 = tpu.sem_alloc : memref<!tpu.dma_semaphore, #tpu.memory_space<semaphore_mem>>
          %dma_start3A_841 = arith.constant 0 : i32
          %dma_start3A_842 = tpu.memref_slice %arg8[%run_scoped3A_596, %dma_start3A_841] : memref<35x128xi32, #tpu.memory_space<vmem>> -> memref<1x128xi32, #tpu.memory_space<vmem>>
          %dma_start3A_843 = tpu.memref_squeeze %dma_start3A_842 : memref<1x128xi32, #tpu.memory_space<vmem>> -> memref<128xi32, #tpu.memory_space<vmem>>
          %dma_start3A_844 = arith.constant 0 : i32
          %dma_start3A_845 = arith.constant 0 : i32
          %dma_start3A_846 = tpu.memref_slice %arg11[%dma_start3A_844, %dma_start3A_845] : memref<10008x128xf32, #tpu.memory_space<vmem_shared>> -> memref<10008x128xf32, #tpu.memory_space<vmem_shared>>
          tpu.enqueue_indirect_dma source(%arg10 : memref<128x128xf32, #tpu.memory_space<vmem>>) target(%dma_start3A_846 : memref<10008x128xf32, #tpu.memory_space<vmem_shared>>) offsets(%dma_start3A_843 : memref<128xi32, #tpu.memory_space<vmem>>) semaphore(%run_scoped3A_840 : memref<!tpu.dma_semaphore, #tpu.memory_space<semaphore_mem>>) {add = true}
          %dma_wait3A_847 = arith.constant 0 : i32
          %dma_wait3A_848 = tpu.memref_slice %arg8[%run_scoped3A_596, %dma_wait3A_847] : memref<35x128xi32, #tpu.memory_space<vmem>> -> memref<1x128xi32, #tpu.memory_space<vmem>>
          %dma_wait3A_849 = tpu.memref_squeeze %dma_wait3A_848 : memref<1x128xi32, #tpu.memory_space<vmem>> -> memref<128xi32, #tpu.memory_space<vmem>>
          %dma_wait3A_850 = arith.constant 0 : i32
          %dma_wait3A_851 = arith.constant 0 : i32
          %dma_wait3A_852 = tpu.memref_slice %arg11[%dma_wait3A_850, %dma_wait3A_851] : memref<10008x128xf32, #tpu.memory_space<vmem_shared>> -> memref<10008x128xf32, #tpu.memory_space<vmem_shared>>
          tpu.wait_indirect_dma semaphore(%run_scoped3A_840 : memref<!tpu.dma_semaphore, #tpu.memory_space<semaphore_mem>>) src(%arg10 : memref<128x128xf32, #tpu.memory_space<vmem>>) dst(%dma_wait3A_852 : memref<10008x128xf32, #tpu.memory_space<vmem_shared>>)
          tpu.yield
        }) : () -> ()
        %dma_wait3A_597 = arith.constant 24 : i32
        %dma_wait3A_598 = arith.constant 0 : i32
        %dma_wait3A_599 = tpu.memref_slice %arg7[%dma_wait3A_597, %dma_wait3A_598] : memref<35x128xi32, #tpu.memory_space<vmem>> -> memref<1x128xi32, #tpu.memory_space<vmem>>
        %dma_wait3A_600 = tpu.memref_squeeze %dma_wait3A_599 : memref<1x128xi32, #tpu.memory_space<vmem>> -> memref<128xi32, #tpu.memory_space<vmem>>
        %dma_wait3A_601 = arith.constant 0 : i32
        %dma_wait3A_602 = arith.constant 0 : i32
        %dma_wait3A_603 = tpu.memref_slice %arg2[%scan3A, %dma_wait3A_601, %dma_wait3A_602] : memref<2x10000x128xf32, #tpu.memory_space<hbm>> -> memref<1x10000x128xf32, #tpu.memory_space<hbm>>
        %dma_wait3A_604 = tpu.memref_squeeze %dma_wait3A_603 : memref<1x10000x128xf32, #tpu.memory_space<hbm>> -> memref<10000x128xf32, #tpu.memory_space<hbm>>
        %dma_wait3A_605 = arith.constant 0 : i32
        %dma_wait3A_606 = arith.constant 0 : i32
        %dma_wait3A_607 = tpu.memref_slice %dma_wait3A_604[%dma_wait3A_605, %dma_wait3A_606] : memref<10000x128xf32, #tpu.memory_space<hbm>> -> memref<10000x128xf32, #tpu.memory_space<hbm>>
        tpu.wait_indirect_dma semaphore(%arg12 : memref<!tpu.dma_semaphore, #tpu.memory_space<semaphore_mem>>) src(%dma_wait3A_607 : memref<10000x128xf32, #tpu.memory_space<hbm>>) dst(%arg9 : memref<128x128xf32, #tpu.memory_space<vmem>>)
        %dma_start3A_608 = arith.constant 25 : i32
        %dma_start3A_609 = arith.constant 0 : i32
        %dma_start3A_610 = tpu.memref_slice %arg7[%dma_start3A_608, %dma_start3A_609] : memref<35x128xi32, #tpu.memory_space<vmem>> -> memref<1x128xi32, #tpu.memory_space<vmem>>
        %dma_start3A_611 = tpu.memref_squeeze %dma_start3A_610 : memref<1x128xi32, #tpu.memory_space<vmem>> -> memref<128xi32, #tpu.memory_space<vmem>>
        %dma_start3A_612 = arith.constant 0 : i32
        %dma_start3A_613 = arith.constant 0 : i32
        %dma_start3A_614 = tpu.memref_slice %arg2[%scan3A, %dma_start3A_612, %dma_start3A_613] : memref<2x10000x128xf32, #tpu.memory_space<hbm>> -> memref<1x10000x128xf32, #tpu.memory_space<hbm>>
        %dma_start3A_615 = tpu.memref_squeeze %dma_start3A_614 : memref<1x10000x128xf32, #tpu.memory_space<hbm>> -> memref<10000x128xf32, #tpu.memory_space<hbm>>
        %dma_start3A_616 = arith.constant 0 : i32
        %dma_start3A_617 = arith.constant 0 : i32
        %dma_start3A_618 = tpu.memref_slice %dma_start3A_615[%dma_start3A_616, %dma_start3A_617] : memref<10000x128xf32, #tpu.memory_space<hbm>> -> memref<10000x128xf32, #tpu.memory_space<hbm>>
        tpu.enqueue_indirect_dma source(%dma_start3A_618 : memref<10000x128xf32, #tpu.memory_space<hbm>>) target(%arg10 : memref<128x128xf32, #tpu.memory_space<vmem>>) offsets(%dma_start3A_611 : memref<128xi32, #tpu.memory_space<vmem>>) semaphore(%arg13 : memref<!tpu.dma_semaphore, #tpu.memory_space<semaphore_mem>>)
        %run_scoped3A_619 = arith.constant 24 : i32
        "tpu.region"() ({
          %run_scoped3A_840 = tpu.sem_alloc : memref<!tpu.dma_semaphore, #tpu.memory_space<semaphore_mem>>
          %dma_start3A_841 = arith.constant 0 : i32
          %dma_start3A_842 = tpu.memref_slice %arg8[%run_scoped3A_619, %dma_start3A_841] : memref<35x128xi32, #tpu.memory_space<vmem>> -> memref<1x128xi32, #tpu.memory_space<vmem>>
          %dma_start3A_843 = tpu.memref_squeeze %dma_start3A_842 : memref<1x128xi32, #tpu.memory_space<vmem>> -> memref<128xi32, #tpu.memory_space<vmem>>
          %dma_start3A_844 = arith.constant 0 : i32
          %dma_start3A_845 = arith.constant 0 : i32
          %dma_start3A_846 = tpu.memref_slice %arg11[%dma_start3A_844, %dma_start3A_845] : memref<10008x128xf32, #tpu.memory_space<vmem_shared>> -> memref<10008x128xf32, #tpu.memory_space<vmem_shared>>
          tpu.enqueue_indirect_dma source(%arg9 : memref<128x128xf32, #tpu.memory_space<vmem>>) target(%dma_start3A_846 : memref<10008x128xf32, #tpu.memory_space<vmem_shared>>) offsets(%dma_start3A_843 : memref<128xi32, #tpu.memory_space<vmem>>) semaphore(%run_scoped3A_840 : memref<!tpu.dma_semaphore, #tpu.memory_space<semaphore_mem>>) {add = true}
          %dma_wait3A_847 = arith.constant 0 : i32
          %dma_wait3A_848 = tpu.memref_slice %arg8[%run_scoped3A_619, %dma_wait3A_847] : memref<35x128xi32, #tpu.memory_space<vmem>> -> memref<1x128xi32, #tpu.memory_space<vmem>>
          %dma_wait3A_849 = tpu.memref_squeeze %dma_wait3A_848 : memref<1x128xi32, #tpu.memory_space<vmem>> -> memref<128xi32, #tpu.memory_space<vmem>>
          %dma_wait3A_850 = arith.constant 0 : i32
          %dma_wait3A_851 = arith.constant 0 : i32
          %dma_wait3A_852 = tpu.memref_slice %arg11[%dma_wait3A_850, %dma_wait3A_851] : memref<10008x128xf32, #tpu.memory_space<vmem_shared>> -> memref<10008x128xf32, #tpu.memory_space<vmem_shared>>
          tpu.wait_indirect_dma semaphore(%run_scoped3A_840 : memref<!tpu.dma_semaphore, #tpu.memory_space<semaphore_mem>>) src(%arg9 : memref<128x128xf32, #tpu.memory_space<vmem>>) dst(%dma_wait3A_852 : memref<10008x128xf32, #tpu.memory_space<vmem_shared>>)
          tpu.yield
        }) : () -> ()
        %dma_wait3A_620 = arith.constant 25 : i32
        %dma_wait3A_621 = arith.constant 0 : i32
        %dma_wait3A_622 = tpu.memref_slice %arg7[%dma_wait3A_620, %dma_wait3A_621] : memref<35x128xi32, #tpu.memory_space<vmem>> -> memref<1x128xi32, #tpu.memory_space<vmem>>
        %dma_wait3A_623 = tpu.memref_squeeze %dma_wait3A_622 : memref<1x128xi32, #tpu.memory_space<vmem>> -> memref<128xi32, #tpu.memory_space<vmem>>
        %dma_wait3A_624 = arith.constant 0 : i32
        %dma_wait3A_625 = arith.constant 0 : i32
        %dma_wait3A_626 = tpu.memref_slice %arg2[%scan3A, %dma_wait3A_624, %dma_wait3A_625] : memref<2x10000x128xf32, #tpu.memory_space<hbm>> -> memref<1x10000x128xf32, #tpu.memory_space<hbm>>
        %dma_wait3A_627 = tpu.memref_squeeze %dma_wait3A_626 : memref<1x10000x128xf32, #tpu.memory_space<hbm>> -> memref<10000x128xf32, #tpu.memory_space<hbm>>
        %dma_wait3A_628 = arith.constant 0 : i32
        %dma_wait3A_629 = arith.constant 0 : i32
        %dma_wait3A_630 = tpu.memref_slice %dma_wait3A_627[%dma_wait3A_628, %dma_wait3A_629] : memref<10000x128xf32, #tpu.memory_space<hbm>> -> memref<10000x128xf32, #tpu.memory_space<hbm>>
        tpu.wait_indirect_dma semaphore(%arg13 : memref<!tpu.dma_semaphore, #tpu.memory_space<semaphore_mem>>) src(%dma_wait3A_630 : memref<10000x128xf32, #tpu.memory_space<hbm>>) dst(%arg10 : memref<128x128xf32, #tpu.memory_space<vmem>>)
        %dma_start3A_631 = arith.constant 26 : i32
        %dma_start3A_632 = arith.constant 0 : i32
        %dma_start3A_633 = tpu.memref_slice %arg7[%dma_start3A_631, %dma_start3A_632] : memref<35x128xi32, #tpu.memory_space<vmem>> -> memref<1x128xi32, #tpu.memory_space<vmem>>
        %dma_start3A_634 = tpu.memref_squeeze %dma_start3A_633 : memref<1x128xi32, #tpu.memory_space<vmem>> -> memref<128xi32, #tpu.memory_space<vmem>>
        %dma_start3A_635 = arith.constant 0 : i32
        %dma_start3A_636 = arith.constant 0 : i32
        %dma_start3A_637 = tpu.memref_slice %arg2[%scan3A, %dma_start3A_635, %dma_start3A_636] : memref<2x10000x128xf32, #tpu.memory_space<hbm>> -> memref<1x10000x128xf32, #tpu.memory_space<hbm>>
        %dma_start3A_638 = tpu.memref_squeeze %dma_start3A_637 : memref<1x10000x128xf32, #tpu.memory_space<hbm>> -> memref<10000x128xf32, #tpu.memory_space<hbm>>
        %dma_start3A_639 = arith.constant 0 : i32
        %dma_start3A_640 = arith.constant 0 : i32
        %dma_start3A_641 = tpu.memref_slice %dma_start3A_638[%dma_start3A_639, %dma_start3A_640] : memref<10000x128xf32, #tpu.memory_space<hbm>> -> memref<10000x128xf32, #tpu.memory_space<hbm>>
        tpu.enqueue_indirect_dma source(%dma_start3A_641 : memref<10000x128xf32, #tpu.memory_space<hbm>>) target(%arg9 : memref<128x128xf32, #tpu.memory_space<vmem>>) offsets(%dma_start3A_634 : memref<128xi32, #tpu.memory_space<vmem>>) semaphore(%arg12 : memref<!tpu.dma_semaphore, #tpu.memory_space<semaphore_mem>>)
        %run_scoped3A_642 = arith.constant 25 : i32
        "tpu.region"() ({
          %run_scoped3A_840 = tpu.sem_alloc : memref<!tpu.dma_semaphore, #tpu.memory_space<semaphore_mem>>
          %dma_start3A_841 = arith.constant 0 : i32
          %dma_start3A_842 = tpu.memref_slice %arg8[%run_scoped3A_642, %dma_start3A_841] : memref<35x128xi32, #tpu.memory_space<vmem>> -> memref<1x128xi32, #tpu.memory_space<vmem>>
          %dma_start3A_843 = tpu.memref_squeeze %dma_start3A_842 : memref<1x128xi32, #tpu.memory_space<vmem>> -> memref<128xi32, #tpu.memory_space<vmem>>
          %dma_start3A_844 = arith.constant 0 : i32
          %dma_start3A_845 = arith.constant 0 : i32
          %dma_start3A_846 = tpu.memref_slice %arg11[%dma_start3A_844, %dma_start3A_845] : memref<10008x128xf32, #tpu.memory_space<vmem_shared>> -> memref<10008x128xf32, #tpu.memory_space<vmem_shared>>
          tpu.enqueue_indirect_dma source(%arg10 : memref<128x128xf32, #tpu.memory_space<vmem>>) target(%dma_start3A_846 : memref<10008x128xf32, #tpu.memory_space<vmem_shared>>) offsets(%dma_start3A_843 : memref<128xi32, #tpu.memory_space<vmem>>) semaphore(%run_scoped3A_840 : memref<!tpu.dma_semaphore, #tpu.memory_space<semaphore_mem>>) {add = true}
          %dma_wait3A_847 = arith.constant 0 : i32
          %dma_wait3A_848 = tpu.memref_slice %arg8[%run_scoped3A_642, %dma_wait3A_847] : memref<35x128xi32, #tpu.memory_space<vmem>> -> memref<1x128xi32, #tpu.memory_space<vmem>>
          %dma_wait3A_849 = tpu.memref_squeeze %dma_wait3A_848 : memref<1x128xi32, #tpu.memory_space<vmem>> -> memref<128xi32, #tpu.memory_space<vmem>>
          %dma_wait3A_850 = arith.constant 0 : i32
          %dma_wait3A_851 = arith.constant 0 : i32
          %dma_wait3A_852 = tpu.memref_slice %arg11[%dma_wait3A_850, %dma_wait3A_851] : memref<10008x128xf32, #tpu.memory_space<vmem_shared>> -> memref<10008x128xf32, #tpu.memory_space<vmem_shared>>
          tpu.wait_indirect_dma semaphore(%run_scoped3A_840 : memref<!tpu.dma_semaphore, #tpu.memory_space<semaphore_mem>>) src(%arg10 : memref<128x128xf32, #tpu.memory_space<vmem>>) dst(%dma_wait3A_852 : memref<10008x128xf32, #tpu.memory_space<vmem_shared>>)
          tpu.yield
        }) : () -> ()
        %dma_wait3A_643 = arith.constant 26 : i32
        %dma_wait3A_644 = arith.constant 0 : i32
        %dma_wait3A_645 = tpu.memref_slice %arg7[%dma_wait3A_643, %dma_wait3A_644] : memref<35x128xi32, #tpu.memory_space<vmem>> -> memref<1x128xi32, #tpu.memory_space<vmem>>
        %dma_wait3A_646 = tpu.memref_squeeze %dma_wait3A_645 : memref<1x128xi32, #tpu.memory_space<vmem>> -> memref<128xi32, #tpu.memory_space<vmem>>
        %dma_wait3A_647 = arith.constant 0 : i32
        %dma_wait3A_648 = arith.constant 0 : i32
        %dma_wait3A_649 = tpu.memref_slice %arg2[%scan3A, %dma_wait3A_647, %dma_wait3A_648] : memref<2x10000x128xf32, #tpu.memory_space<hbm>> -> memref<1x10000x128xf32, #tpu.memory_space<hbm>>
        %dma_wait3A_650 = tpu.memref_squeeze %dma_wait3A_649 : memref<1x10000x128xf32, #tpu.memory_space<hbm>> -> memref<10000x128xf32, #tpu.memory_space<hbm>>
        %dma_wait3A_651 = arith.constant 0 : i32
        %dma_wait3A_652 = arith.constant 0 : i32
        %dma_wait3A_653 = tpu.memref_slice %dma_wait3A_650[%dma_wait3A_651, %dma_wait3A_652] : memref<10000x128xf32, #tpu.memory_space<hbm>> -> memref<10000x128xf32, #tpu.memory_space<hbm>>
        tpu.wait_indirect_dma semaphore(%arg12 : memref<!tpu.dma_semaphore, #tpu.memory_space<semaphore_mem>>) src(%dma_wait3A_653 : memref<10000x128xf32, #tpu.memory_space<hbm>>) dst(%arg9 : memref<128x128xf32, #tpu.memory_space<vmem>>)
        %dma_start3A_654 = arith.constant 27 : i32
        %dma_start3A_655 = arith.constant 0 : i32
        %dma_start3A_656 = tpu.memref_slice %arg7[%dma_start3A_654, %dma_start3A_655] : memref<35x128xi32, #tpu.memory_space<vmem>> -> memref<1x128xi32, #tpu.memory_space<vmem>>
        %dma_start3A_657 = tpu.memref_squeeze %dma_start3A_656 : memref<1x128xi32, #tpu.memory_space<vmem>> -> memref<128xi32, #tpu.memory_space<vmem>>
        %dma_start3A_658 = arith.constant 0 : i32
        %dma_start3A_659 = arith.constant 0 : i32
        %dma_start3A_660 = tpu.memref_slice %arg2[%scan3A, %dma_start3A_658, %dma_start3A_659] : memref<2x10000x128xf32, #tpu.memory_space<hbm>> -> memref<1x10000x128xf32, #tpu.memory_space<hbm>>
        %dma_start3A_661 = tpu.memref_squeeze %dma_start3A_660 : memref<1x10000x128xf32, #tpu.memory_space<hbm>> -> memref<10000x128xf32, #tpu.memory_space<hbm>>
        %dma_start3A_662 = arith.constant 0 : i32
        %dma_start3A_663 = arith.constant 0 : i32
        %dma_start3A_664 = tpu.memref_slice %dma_start3A_661[%dma_start3A_662, %dma_start3A_663] : memref<10000x128xf32, #tpu.memory_space<hbm>> -> memref<10000x128xf32, #tpu.memory_space<hbm>>
        tpu.enqueue_indirect_dma source(%dma_start3A_664 : memref<10000x128xf32, #tpu.memory_space<hbm>>) target(%arg10 : memref<128x128xf32, #tpu.memory_space<vmem>>) offsets(%dma_start3A_657 : memref<128xi32, #tpu.memory_space<vmem>>) semaphore(%arg13 : memref<!tpu.dma_semaphore, #tpu.memory_space<semaphore_mem>>)
        %run_scoped3A_665 = arith.constant 26 : i32
        "tpu.region"() ({
          %run_scoped3A_840 = tpu.sem_alloc : memref<!tpu.dma_semaphore, #tpu.memory_space<semaphore_mem>>
          %dma_start3A_841 = arith.constant 0 : i32
          %dma_start3A_842 = tpu.memref_slice %arg8[%run_scoped3A_665, %dma_start3A_841] : memref<35x128xi32, #tpu.memory_space<vmem>> -> memref<1x128xi32, #tpu.memory_space<vmem>>
          %dma_start3A_843 = tpu.memref_squeeze %dma_start3A_842 : memref<1x128xi32, #tpu.memory_space<vmem>> -> memref<128xi32, #tpu.memory_space<vmem>>
          %dma_start3A_844 = arith.constant 0 : i32
          %dma_start3A_845 = arith.constant 0 : i32
          %dma_start3A_846 = tpu.memref_slice %arg11[%dma_start3A_844, %dma_start3A_845] : memref<10008x128xf32, #tpu.memory_space<vmem_shared>> -> memref<10008x128xf32, #tpu.memory_space<vmem_shared>>
          tpu.enqueue_indirect_dma source(%arg9 : memref<128x128xf32, #tpu.memory_space<vmem>>) target(%dma_start3A_846 : memref<10008x128xf32, #tpu.memory_space<vmem_shared>>) offsets(%dma_start3A_843 : memref<128xi32, #tpu.memory_space<vmem>>) semaphore(%run_scoped3A_840 : memref<!tpu.dma_semaphore, #tpu.memory_space<semaphore_mem>>) {add = true}
          %dma_wait3A_847 = arith.constant 0 : i32
          %dma_wait3A_848 = tpu.memref_slice %arg8[%run_scoped3A_665, %dma_wait3A_847] : memref<35x128xi32, #tpu.memory_space<vmem>> -> memref<1x128xi32, #tpu.memory_space<vmem>>
          %dma_wait3A_849 = tpu.memref_squeeze %dma_wait3A_848 : memref<1x128xi32, #tpu.memory_space<vmem>> -> memref<128xi32, #tpu.memory_space<vmem>>
          %dma_wait3A_850 = arith.constant 0 : i32
          %dma_wait3A_851 = arith.constant 0 : i32
          %dma_wait3A_852 = tpu.memref_slice %arg11[%dma_wait3A_850, %dma_wait3A_851] : memref<10008x128xf32, #tpu.memory_space<vmem_shared>> -> memref<10008x128xf32, #tpu.memory_space<vmem_shared>>
          tpu.wait_indirect_dma semaphore(%run_scoped3A_840 : memref<!tpu.dma_semaphore, #tpu.memory_space<semaphore_mem>>) src(%arg9 : memref<128x128xf32, #tpu.memory_space<vmem>>) dst(%dma_wait3A_852 : memref<10008x128xf32, #tpu.memory_space<vmem_shared>>)
          tpu.yield
        }) : () -> ()
        %dma_wait3A_666 = arith.constant 27 : i32
        %dma_wait3A_667 = arith.constant 0 : i32
        %dma_wait3A_668 = tpu.memref_slice %arg7[%dma_wait3A_666, %dma_wait3A_667] : memref<35x128xi32, #tpu.memory_space<vmem>> -> memref<1x128xi32, #tpu.memory_space<vmem>>
        %dma_wait3A_669 = tpu.memref_squeeze %dma_wait3A_668 : memref<1x128xi32, #tpu.memory_space<vmem>> -> memref<128xi32, #tpu.memory_space<vmem>>
        %dma_wait3A_670 = arith.constant 0 : i32
        %dma_wait3A_671 = arith.constant 0 : i32
        %dma_wait3A_672 = tpu.memref_slice %arg2[%scan3A, %dma_wait3A_670, %dma_wait3A_671] : memref<2x10000x128xf32, #tpu.memory_space<hbm>> -> memref<1x10000x128xf32, #tpu.memory_space<hbm>>
        %dma_wait3A_673 = tpu.memref_squeeze %dma_wait3A_672 : memref<1x10000x128xf32, #tpu.memory_space<hbm>> -> memref<10000x128xf32, #tpu.memory_space<hbm>>
        %dma_wait3A_674 = arith.constant 0 : i32
        %dma_wait3A_675 = arith.constant 0 : i32
        %dma_wait3A_676 = tpu.memref_slice %dma_wait3A_673[%dma_wait3A_674, %dma_wait3A_675] : memref<10000x128xf32, #tpu.memory_space<hbm>> -> memref<10000x128xf32, #tpu.memory_space<hbm>>
        tpu.wait_indirect_dma semaphore(%arg13 : memref<!tpu.dma_semaphore, #tpu.memory_space<semaphore_mem>>) src(%dma_wait3A_676 : memref<10000x128xf32, #tpu.memory_space<hbm>>) dst(%arg10 : memref<128x128xf32, #tpu.memory_space<vmem>>)
        %dma_start3A_677 = arith.constant 28 : i32
        %dma_start3A_678 = arith.constant 0 : i32
        %dma_start3A_679 = tpu.memref_slice %arg7[%dma_start3A_677, %dma_start3A_678] : memref<35x128xi32, #tpu.memory_space<vmem>> -> memref<1x128xi32, #tpu.memory_space<vmem>>
        %dma_start3A_680 = tpu.memref_squeeze %dma_start3A_679 : memref<1x128xi32, #tpu.memory_space<vmem>> -> memref<128xi32, #tpu.memory_space<vmem>>
        %dma_start3A_681 = arith.constant 0 : i32
        %dma_start3A_682 = arith.constant 0 : i32
        %dma_start3A_683 = tpu.memref_slice %arg2[%scan3A, %dma_start3A_681, %dma_start3A_682] : memref<2x10000x128xf32, #tpu.memory_space<hbm>> -> memref<1x10000x128xf32, #tpu.memory_space<hbm>>
        %dma_start3A_684 = tpu.memref_squeeze %dma_start3A_683 : memref<1x10000x128xf32, #tpu.memory_space<hbm>> -> memref<10000x128xf32, #tpu.memory_space<hbm>>
        %dma_start3A_685 = arith.constant 0 : i32
        %dma_start3A_686 = arith.constant 0 : i32
        %dma_start3A_687 = tpu.memref_slice %dma_start3A_684[%dma_start3A_685, %dma_start3A_686] : memref<10000x128xf32, #tpu.memory_space<hbm>> -> memref<10000x128xf32, #tpu.memory_space<hbm>>
        tpu.enqueue_indirect_dma source(%dma_start3A_687 : memref<10000x128xf32, #tpu.memory_space<hbm>>) target(%arg9 : memref<128x128xf32, #tpu.memory_space<vmem>>) offsets(%dma_start3A_680 : memref<128xi32, #tpu.memory_space<vmem>>) semaphore(%arg12 : memref<!tpu.dma_semaphore, #tpu.memory_space<semaphore_mem>>)
        %run_scoped3A_688 = arith.constant 27 : i32
        "tpu.region"() ({
          %run_scoped3A_840 = tpu.sem_alloc : memref<!tpu.dma_semaphore, #tpu.memory_space<semaphore_mem>>
          %dma_start3A_841 = arith.constant 0 : i32
          %dma_start3A_842 = tpu.memref_slice %arg8[%run_scoped3A_688, %dma_start3A_841] : memref<35x128xi32, #tpu.memory_space<vmem>> -> memref<1x128xi32, #tpu.memory_space<vmem>>
          %dma_start3A_843 = tpu.memref_squeeze %dma_start3A_842 : memref<1x128xi32, #tpu.memory_space<vmem>> -> memref<128xi32, #tpu.memory_space<vmem>>
          %dma_start3A_844 = arith.constant 0 : i32
          %dma_start3A_845 = arith.constant 0 : i32
          %dma_start3A_846 = tpu.memref_slice %arg11[%dma_start3A_844, %dma_start3A_845] : memref<10008x128xf32, #tpu.memory_space<vmem_shared>> -> memref<10008x128xf32, #tpu.memory_space<vmem_shared>>
          tpu.enqueue_indirect_dma source(%arg10 : memref<128x128xf32, #tpu.memory_space<vmem>>) target(%dma_start3A_846 : memref<10008x128xf32, #tpu.memory_space<vmem_shared>>) offsets(%dma_start3A_843 : memref<128xi32, #tpu.memory_space<vmem>>) semaphore(%run_scoped3A_840 : memref<!tpu.dma_semaphore, #tpu.memory_space<semaphore_mem>>) {add = true}
          %dma_wait3A_847 = arith.constant 0 : i32
          %dma_wait3A_848 = tpu.memref_slice %arg8[%run_scoped3A_688, %dma_wait3A_847] : memref<35x128xi32, #tpu.memory_space<vmem>> -> memref<1x128xi32, #tpu.memory_space<vmem>>
          %dma_wait3A_849 = tpu.memref_squeeze %dma_wait3A_848 : memref<1x128xi32, #tpu.memory_space<vmem>> -> memref<128xi32, #tpu.memory_space<vmem>>
          %dma_wait3A_850 = arith.constant 0 : i32
          %dma_wait3A_851 = arith.constant 0 : i32
          %dma_wait3A_852 = tpu.memref_slice %arg11[%dma_wait3A_850, %dma_wait3A_851] : memref<10008x128xf32, #tpu.memory_space<vmem_shared>> -> memref<10008x128xf32, #tpu.memory_space<vmem_shared>>
          tpu.wait_indirect_dma semaphore(%run_scoped3A_840 : memref<!tpu.dma_semaphore, #tpu.memory_space<semaphore_mem>>) src(%arg10 : memref<128x128xf32, #tpu.memory_space<vmem>>) dst(%dma_wait3A_852 : memref<10008x128xf32, #tpu.memory_space<vmem_shared>>)
          tpu.yield
        }) : () -> ()
        %dma_wait3A_689 = arith.constant 28 : i32
        %dma_wait3A_690 = arith.constant 0 : i32
        %dma_wait3A_691 = tpu.memref_slice %arg7[%dma_wait3A_689, %dma_wait3A_690] : memref<35x128xi32, #tpu.memory_space<vmem>> -> memref<1x128xi32, #tpu.memory_space<vmem>>
        %dma_wait3A_692 = tpu.memref_squeeze %dma_wait3A_691 : memref<1x128xi32, #tpu.memory_space<vmem>> -> memref<128xi32, #tpu.memory_space<vmem>>
        %dma_wait3A_693 = arith.constant 0 : i32
        %dma_wait3A_694 = arith.constant 0 : i32
        %dma_wait3A_695 = tpu.memref_slice %arg2[%scan3A, %dma_wait3A_693, %dma_wait3A_694] : memref<2x10000x128xf32, #tpu.memory_space<hbm>> -> memref<1x10000x128xf32, #tpu.memory_space<hbm>>
        %dma_wait3A_696 = tpu.memref_squeeze %dma_wait3A_695 : memref<1x10000x128xf32, #tpu.memory_space<hbm>> -> memref<10000x128xf32, #tpu.memory_space<hbm>>
        %dma_wait3A_697 = arith.constant 0 : i32
        %dma_wait3A_698 = arith.constant 0 : i32
        %dma_wait3A_699 = tpu.memref_slice %dma_wait3A_696[%dma_wait3A_697, %dma_wait3A_698] : memref<10000x128xf32, #tpu.memory_space<hbm>> -> memref<10000x128xf32, #tpu.memory_space<hbm>>
        tpu.wait_indirect_dma semaphore(%arg12 : memref<!tpu.dma_semaphore, #tpu.memory_space<semaphore_mem>>) src(%dma_wait3A_699 : memref<10000x128xf32, #tpu.memory_space<hbm>>) dst(%arg9 : memref<128x128xf32, #tpu.memory_space<vmem>>)
        %dma_start3A_700 = arith.constant 29 : i32
        %dma_start3A_701 = arith.constant 0 : i32
        %dma_start3A_702 = tpu.memref_slice %arg7[%dma_start3A_700, %dma_start3A_701] : memref<35x128xi32, #tpu.memory_space<vmem>> -> memref<1x128xi32, #tpu.memory_space<vmem>>
        %dma_start3A_703 = tpu.memref_squeeze %dma_start3A_702 : memref<1x128xi32, #tpu.memory_space<vmem>> -> memref<128xi32, #tpu.memory_space<vmem>>
        %dma_start3A_704 = arith.constant 0 : i32
        %dma_start3A_705 = arith.constant 0 : i32
        %dma_start3A_706 = tpu.memref_slice %arg2[%scan3A, %dma_start3A_704, %dma_start3A_705] : memref<2x10000x128xf32, #tpu.memory_space<hbm>> -> memref<1x10000x128xf32, #tpu.memory_space<hbm>>
        %dma_start3A_707 = tpu.memref_squeeze %dma_start3A_706 : memref<1x10000x128xf32, #tpu.memory_space<hbm>> -> memref<10000x128xf32, #tpu.memory_space<hbm>>
        %dma_start3A_708 = arith.constant 0 : i32
        %dma_start3A_709 = arith.constant 0 : i32
        %dma_start3A_710 = tpu.memref_slice %dma_start3A_707[%dma_start3A_708, %dma_start3A_709] : memref<10000x128xf32, #tpu.memory_space<hbm>> -> memref<10000x128xf32, #tpu.memory_space<hbm>>
        tpu.enqueue_indirect_dma source(%dma_start3A_710 : memref<10000x128xf32, #tpu.memory_space<hbm>>) target(%arg10 : memref<128x128xf32, #tpu.memory_space<vmem>>) offsets(%dma_start3A_703 : memref<128xi32, #tpu.memory_space<vmem>>) semaphore(%arg13 : memref<!tpu.dma_semaphore, #tpu.memory_space<semaphore_mem>>)
        %run_scoped3A_711 = arith.constant 28 : i32
        "tpu.region"() ({
          %run_scoped3A_840 = tpu.sem_alloc : memref<!tpu.dma_semaphore, #tpu.memory_space<semaphore_mem>>
          %dma_start3A_841 = arith.constant 0 : i32
          %dma_start3A_842 = tpu.memref_slice %arg8[%run_scoped3A_711, %dma_start3A_841] : memref<35x128xi32, #tpu.memory_space<vmem>> -> memref<1x128xi32, #tpu.memory_space<vmem>>
          %dma_start3A_843 = tpu.memref_squeeze %dma_start3A_842 : memref<1x128xi32, #tpu.memory_space<vmem>> -> memref<128xi32, #tpu.memory_space<vmem>>
          %dma_start3A_844 = arith.constant 0 : i32
          %dma_start3A_845 = arith.constant 0 : i32
          %dma_start3A_846 = tpu.memref_slice %arg11[%dma_start3A_844, %dma_start3A_845] : memref<10008x128xf32, #tpu.memory_space<vmem_shared>> -> memref<10008x128xf32, #tpu.memory_space<vmem_shared>>
          tpu.enqueue_indirect_dma source(%arg9 : memref<128x128xf32, #tpu.memory_space<vmem>>) target(%dma_start3A_846 : memref<10008x128xf32, #tpu.memory_space<vmem_shared>>) offsets(%dma_start3A_843 : memref<128xi32, #tpu.memory_space<vmem>>) semaphore(%run_scoped3A_840 : memref<!tpu.dma_semaphore, #tpu.memory_space<semaphore_mem>>) {add = true}
          %dma_wait3A_847 = arith.constant 0 : i32
          %dma_wait3A_848 = tpu.memref_slice %arg8[%run_scoped3A_711, %dma_wait3A_847] : memref<35x128xi32, #tpu.memory_space<vmem>> -> memref<1x128xi32, #tpu.memory_space<vmem>>
          %dma_wait3A_849 = tpu.memref_squeeze %dma_wait3A_848 : memref<1x128xi32, #tpu.memory_space<vmem>> -> memref<128xi32, #tpu.memory_space<vmem>>
          %dma_wait3A_850 = arith.constant 0 : i32
          %dma_wait3A_851 = arith.constant 0 : i32
          %dma_wait3A_852 = tpu.memref_slice %arg11[%dma_wait3A_850, %dma_wait3A_851] : memref<10008x128xf32, #tpu.memory_space<vmem_shared>> -> memref<10008x128xf32, #tpu.memory_space<vmem_shared>>
          tpu.wait_indirect_dma semaphore(%run_scoped3A_840 : memref<!tpu.dma_semaphore, #tpu.memory_space<semaphore_mem>>) src(%arg9 : memref<128x128xf32, #tpu.memory_space<vmem>>) dst(%dma_wait3A_852 : memref<10008x128xf32, #tpu.memory_space<vmem_shared>>)
          tpu.yield
        }) : () -> ()
        %dma_wait3A_712 = arith.constant 29 : i32
        %dma_wait3A_713 = arith.constant 0 : i32
        %dma_wait3A_714 = tpu.memref_slice %arg7[%dma_wait3A_712, %dma_wait3A_713] : memref<35x128xi32, #tpu.memory_space<vmem>> -> memref<1x128xi32, #tpu.memory_space<vmem>>
        %dma_wait3A_715 = tpu.memref_squeeze %dma_wait3A_714 : memref<1x128xi32, #tpu.memory_space<vmem>> -> memref<128xi32, #tpu.memory_space<vmem>>
        %dma_wait3A_716 = arith.constant 0 : i32
        %dma_wait3A_717 = arith.constant 0 : i32
        %dma_wait3A_718 = tpu.memref_slice %arg2[%scan3A, %dma_wait3A_716, %dma_wait3A_717] : memref<2x10000x128xf32, #tpu.memory_space<hbm>> -> memref<1x10000x128xf32, #tpu.memory_space<hbm>>
        %dma_wait3A_719 = tpu.memref_squeeze %dma_wait3A_718 : memref<1x10000x128xf32, #tpu.memory_space<hbm>> -> memref<10000x128xf32, #tpu.memory_space<hbm>>
        %dma_wait3A_720 = arith.constant 0 : i32
        %dma_wait3A_721 = arith.constant 0 : i32
        %dma_wait3A_722 = tpu.memref_slice %dma_wait3A_719[%dma_wait3A_720, %dma_wait3A_721] : memref<10000x128xf32, #tpu.memory_space<hbm>> -> memref<10000x128xf32, #tpu.memory_space<hbm>>
        tpu.wait_indirect_dma semaphore(%arg13 : memref<!tpu.dma_semaphore, #tpu.memory_space<semaphore_mem>>) src(%dma_wait3A_722 : memref<10000x128xf32, #tpu.memory_space<hbm>>) dst(%arg10 : memref<128x128xf32, #tpu.memory_space<vmem>>)
        %dma_start3A_723 = arith.constant 30 : i32
        %dma_start3A_724 = arith.constant 0 : i32
        %dma_start3A_725 = tpu.memref_slice %arg7[%dma_start3A_723, %dma_start3A_724] : memref<35x128xi32, #tpu.memory_space<vmem>> -> memref<1x128xi32, #tpu.memory_space<vmem>>
        %dma_start3A_726 = tpu.memref_squeeze %dma_start3A_725 : memref<1x128xi32, #tpu.memory_space<vmem>> -> memref<128xi32, #tpu.memory_space<vmem>>
        %dma_start3A_727 = arith.constant 0 : i32
        %dma_start3A_728 = arith.constant 0 : i32
        %dma_start3A_729 = tpu.memref_slice %arg2[%scan3A, %dma_start3A_727, %dma_start3A_728] : memref<2x10000x128xf32, #tpu.memory_space<hbm>> -> memref<1x10000x128xf32, #tpu.memory_space<hbm>>
        %dma_start3A_730 = tpu.memref_squeeze %dma_start3A_729 : memref<1x10000x128xf32, #tpu.memory_space<hbm>> -> memref<10000x128xf32, #tpu.memory_space<hbm>>
        %dma_start3A_731 = arith.constant 0 : i32
        %dma_start3A_732 = arith.constant 0 : i32
        %dma_start3A_733 = tpu.memref_slice %dma_start3A_730[%dma_start3A_731, %dma_start3A_732] : memref<10000x128xf32, #tpu.memory_space<hbm>> -> memref<10000x128xf32, #tpu.memory_space<hbm>>
        tpu.enqueue_indirect_dma source(%dma_start3A_733 : memref<10000x128xf32, #tpu.memory_space<hbm>>) target(%arg9 : memref<128x128xf32, #tpu.memory_space<vmem>>) offsets(%dma_start3A_726 : memref<128xi32, #tpu.memory_space<vmem>>) semaphore(%arg12 : memref<!tpu.dma_semaphore, #tpu.memory_space<semaphore_mem>>)
        %run_scoped3A_734 = arith.constant 29 : i32
        "tpu.region"() ({
          %run_scoped3A_840 = tpu.sem_alloc : memref<!tpu.dma_semaphore, #tpu.memory_space<semaphore_mem>>
          %dma_start3A_841 = arith.constant 0 : i32
          %dma_start3A_842 = tpu.memref_slice %arg8[%run_scoped3A_734, %dma_start3A_841] : memref<35x128xi32, #tpu.memory_space<vmem>> -> memref<1x128xi32, #tpu.memory_space<vmem>>
          %dma_start3A_843 = tpu.memref_squeeze %dma_start3A_842 : memref<1x128xi32, #tpu.memory_space<vmem>> -> memref<128xi32, #tpu.memory_space<vmem>>
          %dma_start3A_844 = arith.constant 0 : i32
          %dma_start3A_845 = arith.constant 0 : i32
          %dma_start3A_846 = tpu.memref_slice %arg11[%dma_start3A_844, %dma_start3A_845] : memref<10008x128xf32, #tpu.memory_space<vmem_shared>> -> memref<10008x128xf32, #tpu.memory_space<vmem_shared>>
          tpu.enqueue_indirect_dma source(%arg10 : memref<128x128xf32, #tpu.memory_space<vmem>>) target(%dma_start3A_846 : memref<10008x128xf32, #tpu.memory_space<vmem_shared>>) offsets(%dma_start3A_843 : memref<128xi32, #tpu.memory_space<vmem>>) semaphore(%run_scoped3A_840 : memref<!tpu.dma_semaphore, #tpu.memory_space<semaphore_mem>>) {add = true}
          %dma_wait3A_847 = arith.constant 0 : i32
          %dma_wait3A_848 = tpu.memref_slice %arg8[%run_scoped3A_734, %dma_wait3A_847] : memref<35x128xi32, #tpu.memory_space<vmem>> -> memref<1x128xi32, #tpu.memory_space<vmem>>
          %dma_wait3A_849 = tpu.memref_squeeze %dma_wait3A_848 : memref<1x128xi32, #tpu.memory_space<vmem>> -> memref<128xi32, #tpu.memory_space<vmem>>
          %dma_wait3A_850 = arith.constant 0 : i32
          %dma_wait3A_851 = arith.constant 0 : i32
          %dma_wait3A_852 = tpu.memref_slice %arg11[%dma_wait3A_850, %dma_wait3A_851] : memref<10008x128xf32, #tpu.memory_space<vmem_shared>> -> memref<10008x128xf32, #tpu.memory_space<vmem_shared>>
          tpu.wait_indirect_dma semaphore(%run_scoped3A_840 : memref<!tpu.dma_semaphore, #tpu.memory_space<semaphore_mem>>) src(%arg10 : memref<128x128xf32, #tpu.memory_space<vmem>>) dst(%dma_wait3A_852 : memref<10008x128xf32, #tpu.memory_space<vmem_shared>>)
          tpu.yield
        }) : () -> ()
        %dma_wait3A_735 = arith.constant 30 : i32
        %dma_wait3A_736 = arith.constant 0 : i32
        %dma_wait3A_737 = tpu.memref_slice %arg7[%dma_wait3A_735, %dma_wait3A_736] : memref<35x128xi32, #tpu.memory_space<vmem>> -> memref<1x128xi32, #tpu.memory_space<vmem>>
        %dma_wait3A_738 = tpu.memref_squeeze %dma_wait3A_737 : memref<1x128xi32, #tpu.memory_space<vmem>> -> memref<128xi32, #tpu.memory_space<vmem>>
        %dma_wait3A_739 = arith.constant 0 : i32
        %dma_wait3A_740 = arith.constant 0 : i32
        %dma_wait3A_741 = tpu.memref_slice %arg2[%scan3A, %dma_wait3A_739, %dma_wait3A_740] : memref<2x10000x128xf32, #tpu.memory_space<hbm>> -> memref<1x10000x128xf32, #tpu.memory_space<hbm>>
        %dma_wait3A_742 = tpu.memref_squeeze %dma_wait3A_741 : memref<1x10000x128xf32, #tpu.memory_space<hbm>> -> memref<10000x128xf32, #tpu.memory_space<hbm>>
        %dma_wait3A_743 = arith.constant 0 : i32
        %dma_wait3A_744 = arith.constant 0 : i32
        %dma_wait3A_745 = tpu.memref_slice %dma_wait3A_742[%dma_wait3A_743, %dma_wait3A_744] : memref<10000x128xf32, #tpu.memory_space<hbm>> -> memref<10000x128xf32, #tpu.memory_space<hbm>>
        tpu.wait_indirect_dma semaphore(%arg12 : memref<!tpu.dma_semaphore, #tpu.memory_space<semaphore_mem>>) src(%dma_wait3A_745 : memref<10000x128xf32, #tpu.memory_space<hbm>>) dst(%arg9 : memref<128x128xf32, #tpu.memory_space<vmem>>)
        %dma_start3A_746 = arith.constant 31 : i32
        %dma_start3A_747 = arith.constant 0 : i32
        %dma_start3A_748 = tpu.memref_slice %arg7[%dma_start3A_746, %dma_start3A_747] : memref<35x128xi32, #tpu.memory_space<vmem>> -> memref<1x128xi32, #tpu.memory_space<vmem>>
        %dma_start3A_749 = tpu.memref_squeeze %dma_start3A_748 : memref<1x128xi32, #tpu.memory_space<vmem>> -> memref<128xi32, #tpu.memory_space<vmem>>
        %dma_start3A_750 = arith.constant 0 : i32
        %dma_start3A_751 = arith.constant 0 : i32
        %dma_start3A_752 = tpu.memref_slice %arg2[%scan3A, %dma_start3A_750, %dma_start3A_751] : memref<2x10000x128xf32, #tpu.memory_space<hbm>> -> memref<1x10000x128xf32, #tpu.memory_space<hbm>>
        %dma_start3A_753 = tpu.memref_squeeze %dma_start3A_752 : memref<1x10000x128xf32, #tpu.memory_space<hbm>> -> memref<10000x128xf32, #tpu.memory_space<hbm>>
        %dma_start3A_754 = arith.constant 0 : i32
        %dma_start3A_755 = arith.constant 0 : i32
        %dma_start3A_756 = tpu.memref_slice %dma_start3A_753[%dma_start3A_754, %dma_start3A_755] : memref<10000x128xf32, #tpu.memory_space<hbm>> -> memref<10000x128xf32, #tpu.memory_space<hbm>>
        tpu.enqueue_indirect_dma source(%dma_start3A_756 : memref<10000x128xf32, #tpu.memory_space<hbm>>) target(%arg10 : memref<128x128xf32, #tpu.memory_space<vmem>>) offsets(%dma_start3A_749 : memref<128xi32, #tpu.memory_space<vmem>>) semaphore(%arg13 : memref<!tpu.dma_semaphore, #tpu.memory_space<semaphore_mem>>)
        %run_scoped3A_757 = arith.constant 30 : i32
        "tpu.region"() ({
          %run_scoped3A_840 = tpu.sem_alloc : memref<!tpu.dma_semaphore, #tpu.memory_space<semaphore_mem>>
          %dma_start3A_841 = arith.constant 0 : i32
          %dma_start3A_842 = tpu.memref_slice %arg8[%run_scoped3A_757, %dma_start3A_841] : memref<35x128xi32, #tpu.memory_space<vmem>> -> memref<1x128xi32, #tpu.memory_space<vmem>>
          %dma_start3A_843 = tpu.memref_squeeze %dma_start3A_842 : memref<1x128xi32, #tpu.memory_space<vmem>> -> memref<128xi32, #tpu.memory_space<vmem>>
          %dma_start3A_844 = arith.constant 0 : i32
          %dma_start3A_845 = arith.constant 0 : i32
          %dma_start3A_846 = tpu.memref_slice %arg11[%dma_start3A_844, %dma_start3A_845] : memref<10008x128xf32, #tpu.memory_space<vmem_shared>> -> memref<10008x128xf32, #tpu.memory_space<vmem_shared>>
          tpu.enqueue_indirect_dma source(%arg9 : memref<128x128xf32, #tpu.memory_space<vmem>>) target(%dma_start3A_846 : memref<10008x128xf32, #tpu.memory_space<vmem_shared>>) offsets(%dma_start3A_843 : memref<128xi32, #tpu.memory_space<vmem>>) semaphore(%run_scoped3A_840 : memref<!tpu.dma_semaphore, #tpu.memory_space<semaphore_mem>>) {add = true}
          %dma_wait3A_847 = arith.constant 0 : i32
          %dma_wait3A_848 = tpu.memref_slice %arg8[%run_scoped3A_757, %dma_wait3A_847] : memref<35x128xi32, #tpu.memory_space<vmem>> -> memref<1x128xi32, #tpu.memory_space<vmem>>
          %dma_wait3A_849 = tpu.memref_squeeze %dma_wait3A_848 : memref<1x128xi32, #tpu.memory_space<vmem>> -> memref<128xi32, #tpu.memory_space<vmem>>
          %dma_wait3A_850 = arith.constant 0 : i32
          %dma_wait3A_851 = arith.constant 0 : i32
          %dma_wait3A_852 = tpu.memref_slice %arg11[%dma_wait3A_850, %dma_wait3A_851] : memref<10008x128xf32, #tpu.memory_space<vmem_shared>> -> memref<10008x128xf32, #tpu.memory_space<vmem_shared>>
          tpu.wait_indirect_dma semaphore(%run_scoped3A_840 : memref<!tpu.dma_semaphore, #tpu.memory_space<semaphore_mem>>) src(%arg9 : memref<128x128xf32, #tpu.memory_space<vmem>>) dst(%dma_wait3A_852 : memref<10008x128xf32, #tpu.memory_space<vmem_shared>>)
          tpu.yield
        }) : () -> ()
        %dma_wait3A_758 = arith.constant 31 : i32
        %dma_wait3A_759 = arith.constant 0 : i32
        %dma_wait3A_760 = tpu.memref_slice %arg7[%dma_wait3A_758, %dma_wait3A_759] : memref<35x128xi32, #tpu.memory_space<vmem>> -> memref<1x128xi32, #tpu.memory_space<vmem>>
        %dma_wait3A_761 = tpu.memref_squeeze %dma_wait3A_760 : memref<1x128xi32, #tpu.memory_space<vmem>> -> memref<128xi32, #tpu.memory_space<vmem>>
        %dma_wait3A_762 = arith.constant 0 : i32
        %dma_wait3A_763 = arith.constant 0 : i32
        %dma_wait3A_764 = tpu.memref_slice %arg2[%scan3A, %dma_wait3A_762, %dma_wait3A_763] : memref<2x10000x128xf32, #tpu.memory_space<hbm>> -> memref<1x10000x128xf32, #tpu.memory_space<hbm>>
        %dma_wait3A_765 = tpu.memref_squeeze %dma_wait3A_764 : memref<1x10000x128xf32, #tpu.memory_space<hbm>> -> memref<10000x128xf32, #tpu.memory_space<hbm>>
        %dma_wait3A_766 = arith.constant 0 : i32
        %dma_wait3A_767 = arith.constant 0 : i32
        %dma_wait3A_768 = tpu.memref_slice %dma_wait3A_765[%dma_wait3A_766, %dma_wait3A_767] : memref<10000x128xf32, #tpu.memory_space<hbm>> -> memref<10000x128xf32, #tpu.memory_space<hbm>>
        tpu.wait_indirect_dma semaphore(%arg13 : memref<!tpu.dma_semaphore, #tpu.memory_space<semaphore_mem>>) src(%dma_wait3A_768 : memref<10000x128xf32, #tpu.memory_space<hbm>>) dst(%arg10 : memref<128x128xf32, #tpu.memory_space<vmem>>)
        %dma_start3A_769 = arith.constant 32 : i32
        %dma_start3A_770 = arith.constant 0 : i32
        %dma_start3A_771 = tpu.memref_slice %arg7[%dma_start3A_769, %dma_start3A_770] : memref<35x128xi32, #tpu.memory_space<vmem>> -> memref<1x128xi32, #tpu.memory_space<vmem>>
        %dma_start3A_772 = tpu.memref_squeeze %dma_start3A_771 : memref<1x128xi32, #tpu.memory_space<vmem>> -> memref<128xi32, #tpu.memory_space<vmem>>
        %dma_start3A_773 = arith.constant 0 : i32
        %dma_start3A_774 = arith.constant 0 : i32
        %dma_start3A_775 = tpu.memref_slice %arg2[%scan3A, %dma_start3A_773, %dma_start3A_774] : memref<2x10000x128xf32, #tpu.memory_space<hbm>> -> memref<1x10000x128xf32, #tpu.memory_space<hbm>>
        %dma_start3A_776 = tpu.memref_squeeze %dma_start3A_775 : memref<1x10000x128xf32, #tpu.memory_space<hbm>> -> memref<10000x128xf32, #tpu.memory_space<hbm>>
        %dma_start3A_777 = arith.constant 0 : i32
        %dma_start3A_778 = arith.constant 0 : i32
        %dma_start3A_779 = tpu.memref_slice %dma_start3A_776[%dma_start3A_777, %dma_start3A_778] : memref<10000x128xf32, #tpu.memory_space<hbm>> -> memref<10000x128xf32, #tpu.memory_space<hbm>>
        tpu.enqueue_indirect_dma source(%dma_start3A_779 : memref<10000x128xf32, #tpu.memory_space<hbm>>) target(%arg9 : memref<128x128xf32, #tpu.memory_space<vmem>>) offsets(%dma_start3A_772 : memref<128xi32, #tpu.memory_space<vmem>>) semaphore(%arg12 : memref<!tpu.dma_semaphore, #tpu.memory_space<semaphore_mem>>)
        %run_scoped3A_780 = arith.constant 31 : i32
        "tpu.region"() ({
          %run_scoped3A_840 = tpu.sem_alloc : memref<!tpu.dma_semaphore, #tpu.memory_space<semaphore_mem>>
          %dma_start3A_841 = arith.constant 0 : i32
          %dma_start3A_842 = tpu.memref_slice %arg8[%run_scoped3A_780, %dma_start3A_841] : memref<35x128xi32, #tpu.memory_space<vmem>> -> memref<1x128xi32, #tpu.memory_space<vmem>>
          %dma_start3A_843 = tpu.memref_squeeze %dma_start3A_842 : memref<1x128xi32, #tpu.memory_space<vmem>> -> memref<128xi32, #tpu.memory_space<vmem>>
          %dma_start3A_844 = arith.constant 0 : i32
          %dma_start3A_845 = arith.constant 0 : i32
          %dma_start3A_846 = tpu.memref_slice %arg11[%dma_start3A_844, %dma_start3A_845] : memref<10008x128xf32, #tpu.memory_space<vmem_shared>> -> memref<10008x128xf32, #tpu.memory_space<vmem_shared>>
          tpu.enqueue_indirect_dma source(%arg10 : memref<128x128xf32, #tpu.memory_space<vmem>>) target(%dma_start3A_846 : memref<10008x128xf32, #tpu.memory_space<vmem_shared>>) offsets(%dma_start3A_843 : memref<128xi32, #tpu.memory_space<vmem>>) semaphore(%run_scoped3A_840 : memref<!tpu.dma_semaphore, #tpu.memory_space<semaphore_mem>>) {add = true}
          %dma_wait3A_847 = arith.constant 0 : i32
          %dma_wait3A_848 = tpu.memref_slice %arg8[%run_scoped3A_780, %dma_wait3A_847] : memref<35x128xi32, #tpu.memory_space<vmem>> -> memref<1x128xi32, #tpu.memory_space<vmem>>
          %dma_wait3A_849 = tpu.memref_squeeze %dma_wait3A_848 : memref<1x128xi32, #tpu.memory_space<vmem>> -> memref<128xi32, #tpu.memory_space<vmem>>
          %dma_wait3A_850 = arith.constant 0 : i32
          %dma_wait3A_851 = arith.constant 0 : i32
          %dma_wait3A_852 = tpu.memref_slice %arg11[%dma_wait3A_850, %dma_wait3A_851] : memref<10008x128xf32, #tpu.memory_space<vmem_shared>> -> memref<10008x128xf32, #tpu.memory_space<vmem_shared>>
          tpu.wait_indirect_dma semaphore(%run_scoped3A_840 : memref<!tpu.dma_semaphore, #tpu.memory_space<semaphore_mem>>) src(%arg10 : memref<128x128xf32, #tpu.memory_space<vmem>>) dst(%dma_wait3A_852 : memref<10008x128xf32, #tpu.memory_space<vmem_shared>>)
          tpu.yield
        }) : () -> ()
        %dma_wait3A_781 = arith.constant 32 : i32
        %dma_wait3A_782 = arith.constant 0 : i32
        %dma_wait3A_783 = tpu.memref_slice %arg7[%dma_wait3A_781, %dma_wait3A_782] : memref<35x128xi32, #tpu.memory_space<vmem>> -> memref<1x128xi32, #tpu.memory_space<vmem>>
        %dma_wait3A_784 = tpu.memref_squeeze %dma_wait3A_783 : memref<1x128xi32, #tpu.memory_space<vmem>> -> memref<128xi32, #tpu.memory_space<vmem>>
        %dma_wait3A_785 = arith.constant 0 : i32
        %dma_wait3A_786 = arith.constant 0 : i32
        %dma_wait3A_787 = tpu.memref_slice %arg2[%scan3A, %dma_wait3A_785, %dma_wait3A_786] : memref<2x10000x128xf32, #tpu.memory_space<hbm>> -> memref<1x10000x128xf32, #tpu.memory_space<hbm>>
        %dma_wait3A_788 = tpu.memref_squeeze %dma_wait3A_787 : memref<1x10000x128xf32, #tpu.memory_space<hbm>> -> memref<10000x128xf32, #tpu.memory_space<hbm>>
        %dma_wait3A_789 = arith.constant 0 : i32
        %dma_wait3A_790 = arith.constant 0 : i32
        %dma_wait3A_791 = tpu.memref_slice %dma_wait3A_788[%dma_wait3A_789, %dma_wait3A_790] : memref<10000x128xf32, #tpu.memory_space<hbm>> -> memref<10000x128xf32, #tpu.memory_space<hbm>>
        tpu.wait_indirect_dma semaphore(%arg12 : memref<!tpu.dma_semaphore, #tpu.memory_space<semaphore_mem>>) src(%dma_wait3A_791 : memref<10000x128xf32, #tpu.memory_space<hbm>>) dst(%arg9 : memref<128x128xf32, #tpu.memory_space<vmem>>)
        %dma_start3A_792 = arith.constant 33 : i32
        %dma_start3A_793 = arith.constant 0 : i32
        %dma_start3A_794 = tpu.memref_slice %arg7[%dma_start3A_792, %dma_start3A_793] : memref<35x128xi32, #tpu.memory_space<vmem>> -> memref<1x128xi32, #tpu.memory_space<vmem>>
        %dma_start3A_795 = tpu.memref_squeeze %dma_start3A_794 : memref<1x128xi32, #tpu.memory_space<vmem>> -> memref<128xi32, #tpu.memory_space<vmem>>
        %dma_start3A_796 = arith.constant 0 : i32
        %dma_start3A_797 = arith.constant 0 : i32
        %dma_start3A_798 = tpu.memref_slice %arg2[%scan3A, %dma_start3A_796, %dma_start3A_797] : memref<2x10000x128xf32, #tpu.memory_space<hbm>> -> memref<1x10000x128xf32, #tpu.memory_space<hbm>>
        %dma_start3A_799 = tpu.memref_squeeze %dma_start3A_798 : memref<1x10000x128xf32, #tpu.memory_space<hbm>> -> memref<10000x128xf32, #tpu.memory_space<hbm>>
        %dma_start3A_800 = arith.constant 0 : i32
        %dma_start3A_801 = arith.constant 0 : i32
        %dma_start3A_802 = tpu.memref_slice %dma_start3A_799[%dma_start3A_800, %dma_start3A_801] : memref<10000x128xf32, #tpu.memory_space<hbm>> -> memref<10000x128xf32, #tpu.memory_space<hbm>>
        tpu.enqueue_indirect_dma source(%dma_start3A_802 : memref<10000x128xf32, #tpu.memory_space<hbm>>) target(%arg10 : memref<128x128xf32, #tpu.memory_space<vmem>>) offsets(%dma_start3A_795 : memref<128xi32, #tpu.memory_space<vmem>>) semaphore(%arg13 : memref<!tpu.dma_semaphore, #tpu.memory_space<semaphore_mem>>)
        %run_scoped3A_803 = arith.constant 32 : i32
        "tpu.region"() ({
          %run_scoped3A_840 = tpu.sem_alloc : memref<!tpu.dma_semaphore, #tpu.memory_space<semaphore_mem>>
          %dma_start3A_841 = arith.constant 0 : i32
          %dma_start3A_842 = tpu.memref_slice %arg8[%run_scoped3A_803, %dma_start3A_841] : memref<35x128xi32, #tpu.memory_space<vmem>> -> memref<1x128xi32, #tpu.memory_space<vmem>>
          %dma_start3A_843 = tpu.memref_squeeze %dma_start3A_842 : memref<1x128xi32, #tpu.memory_space<vmem>> -> memref<128xi32, #tpu.memory_space<vmem>>
          %dma_start3A_844 = arith.constant 0 : i32
          %dma_start3A_845 = arith.constant 0 : i32
          %dma_start3A_846 = tpu.memref_slice %arg11[%dma_start3A_844, %dma_start3A_845] : memref<10008x128xf32, #tpu.memory_space<vmem_shared>> -> memref<10008x128xf32, #tpu.memory_space<vmem_shared>>
          tpu.enqueue_indirect_dma source(%arg9 : memref<128x128xf32, #tpu.memory_space<vmem>>) target(%dma_start3A_846 : memref<10008x128xf32, #tpu.memory_space<vmem_shared>>) offsets(%dma_start3A_843 : memref<128xi32, #tpu.memory_space<vmem>>) semaphore(%run_scoped3A_840 : memref<!tpu.dma_semaphore, #tpu.memory_space<semaphore_mem>>) {add = true}
          %dma_wait3A_847 = arith.constant 0 : i32
          %dma_wait3A_848 = tpu.memref_slice %arg8[%run_scoped3A_803, %dma_wait3A_847] : memref<35x128xi32, #tpu.memory_space<vmem>> -> memref<1x128xi32, #tpu.memory_space<vmem>>
          %dma_wait3A_849 = tpu.memref_squeeze %dma_wait3A_848 : memref<1x128xi32, #tpu.memory_space<vmem>> -> memref<128xi32, #tpu.memory_space<vmem>>
          %dma_wait3A_850 = arith.constant 0 : i32
          %dma_wait3A_851 = arith.constant 0 : i32
          %dma_wait3A_852 = tpu.memref_slice %arg11[%dma_wait3A_850, %dma_wait3A_851] : memref<10008x128xf32, #tpu.memory_space<vmem_shared>> -> memref<10008x128xf32, #tpu.memory_space<vmem_shared>>
          tpu.wait_indirect_dma semaphore(%run_scoped3A_840 : memref<!tpu.dma_semaphore, #tpu.memory_space<semaphore_mem>>) src(%arg9 : memref<128x128xf32, #tpu.memory_space<vmem>>) dst(%dma_wait3A_852 : memref<10008x128xf32, #tpu.memory_space<vmem_shared>>)
          tpu.yield
        }) : () -> ()
        %dma_wait3A_804 = arith.constant 33 : i32
        %dma_wait3A_805 = arith.constant 0 : i32
        %dma_wait3A_806 = tpu.memref_slice %arg7[%dma_wait3A_804, %dma_wait3A_805] : memref<35x128xi32, #tpu.memory_space<vmem>> -> memref<1x128xi32, #tpu.memory_space<vmem>>
        %dma_wait3A_807 = tpu.memref_squeeze %dma_wait3A_806 : memref<1x128xi32, #tpu.memory_space<vmem>> -> memref<128xi32, #tpu.memory_space<vmem>>
        %dma_wait3A_808 = arith.constant 0 : i32
        %dma_wait3A_809 = arith.constant 0 : i32
        %dma_wait3A_810 = tpu.memref_slice %arg2[%scan3A, %dma_wait3A_808, %dma_wait3A_809] : memref<2x10000x128xf32, #tpu.memory_space<hbm>> -> memref<1x10000x128xf32, #tpu.memory_space<hbm>>
        %dma_wait3A_811 = tpu.memref_squeeze %dma_wait3A_810 : memref<1x10000x128xf32, #tpu.memory_space<hbm>> -> memref<10000x128xf32, #tpu.memory_space<hbm>>
        %dma_wait3A_812 = arith.constant 0 : i32
        %dma_wait3A_813 = arith.constant 0 : i32
        %dma_wait3A_814 = tpu.memref_slice %dma_wait3A_811[%dma_wait3A_812, %dma_wait3A_813] : memref<10000x128xf32, #tpu.memory_space<hbm>> -> memref<10000x128xf32, #tpu.memory_space<hbm>>
        tpu.wait_indirect_dma semaphore(%arg13 : memref<!tpu.dma_semaphore, #tpu.memory_space<semaphore_mem>>) src(%dma_wait3A_814 : memref<10000x128xf32, #tpu.memory_space<hbm>>) dst(%arg10 : memref<128x128xf32, #tpu.memory_space<vmem>>)
        %dma_start3A_815 = arith.constant 34 : i32
        %dma_start3A_816 = arith.constant 0 : i32
        %dma_start3A_817 = tpu.memref_slice %arg7[%dma_start3A_815, %dma_start3A_816] : memref<35x128xi32, #tpu.memory_space<vmem>> -> memref<1x128xi32, #tpu.memory_space<vmem>>
        %dma_start3A_818 = tpu.memref_squeeze %dma_start3A_817 : memref<1x128xi32, #tpu.memory_space<vmem>> -> memref<128xi32, #tpu.memory_space<vmem>>
        %dma_start3A_819 = arith.constant 0 : i32
        %dma_start3A_820 = arith.constant 0 : i32
        %dma_start3A_821 = tpu.memref_slice %arg2[%scan3A, %dma_start3A_819, %dma_start3A_820] : memref<2x10000x128xf32, #tpu.memory_space<hbm>> -> memref<1x10000x128xf32, #tpu.memory_space<hbm>>
        %dma_start3A_822 = tpu.memref_squeeze %dma_start3A_821 : memref<1x10000x128xf32, #tpu.memory_space<hbm>> -> memref<10000x128xf32, #tpu.memory_space<hbm>>
        %dma_start3A_823 = arith.constant 0 : i32
        %dma_start3A_824 = arith.constant 0 : i32
        %dma_start3A_825 = tpu.memref_slice %dma_start3A_822[%dma_start3A_823, %dma_start3A_824] : memref<10000x128xf32, #tpu.memory_space<hbm>> -> memref<10000x128xf32, #tpu.memory_space<hbm>>
        tpu.enqueue_indirect_dma source(%dma_start3A_825 : memref<10000x128xf32, #tpu.memory_space<hbm>>) target(%arg9 : memref<128x128xf32, #tpu.memory_space<vmem>>) offsets(%dma_start3A_818 : memref<128xi32, #tpu.memory_space<vmem>>) semaphore(%arg12 : memref<!tpu.dma_semaphore, #tpu.memory_space<semaphore_mem>>)
        %run_scoped3A_826 = arith.constant 33 : i32
        "tpu.region"() ({
          %run_scoped3A_840 = tpu.sem_alloc : memref<!tpu.dma_semaphore, #tpu.memory_space<semaphore_mem>>
          %dma_start3A_841 = arith.constant 0 : i32
          %dma_start3A_842 = tpu.memref_slice %arg8[%run_scoped3A_826, %dma_start3A_841] : memref<35x128xi32, #tpu.memory_space<vmem>> -> memref<1x128xi32, #tpu.memory_space<vmem>>
          %dma_start3A_843 = tpu.memref_squeeze %dma_start3A_842 : memref<1x128xi32, #tpu.memory_space<vmem>> -> memref<128xi32, #tpu.memory_space<vmem>>
          %dma_start3A_844 = arith.constant 0 : i32
          %dma_start3A_845 = arith.constant 0 : i32
          %dma_start3A_846 = tpu.memref_slice %arg11[%dma_start3A_844, %dma_start3A_845] : memref<10008x128xf32, #tpu.memory_space<vmem_shared>> -> memref<10008x128xf32, #tpu.memory_space<vmem_shared>>
          tpu.enqueue_indirect_dma source(%arg10 : memref<128x128xf32, #tpu.memory_space<vmem>>) target(%dma_start3A_846 : memref<10008x128xf32, #tpu.memory_space<vmem_shared>>) offsets(%dma_start3A_843 : memref<128xi32, #tpu.memory_space<vmem>>) semaphore(%run_scoped3A_840 : memref<!tpu.dma_semaphore, #tpu.memory_space<semaphore_mem>>) {add = true}
          %dma_wait3A_847 = arith.constant 0 : i32
          %dma_wait3A_848 = tpu.memref_slice %arg8[%run_scoped3A_826, %dma_wait3A_847] : memref<35x128xi32, #tpu.memory_space<vmem>> -> memref<1x128xi32, #tpu.memory_space<vmem>>
          %dma_wait3A_849 = tpu.memref_squeeze %dma_wait3A_848 : memref<1x128xi32, #tpu.memory_space<vmem>> -> memref<128xi32, #tpu.memory_space<vmem>>
          %dma_wait3A_850 = arith.constant 0 : i32
          %dma_wait3A_851 = arith.constant 0 : i32
          %dma_wait3A_852 = tpu.memref_slice %arg11[%dma_wait3A_850, %dma_wait3A_851] : memref<10008x128xf32, #tpu.memory_space<vmem_shared>> -> memref<10008x128xf32, #tpu.memory_space<vmem_shared>>
          tpu.wait_indirect_dma semaphore(%run_scoped3A_840 : memref<!tpu.dma_semaphore, #tpu.memory_space<semaphore_mem>>) src(%arg10 : memref<128x128xf32, #tpu.memory_space<vmem>>) dst(%dma_wait3A_852 : memref<10008x128xf32, #tpu.memory_space<vmem_shared>>)
          tpu.yield
        }) : () -> ()
        %dma_wait3A_827 = arith.constant 34 : i32
        %dma_wait3A_828 = arith.constant 0 : i32
        %dma_wait3A_829 = tpu.memref_slice %arg7[%dma_wait3A_827, %dma_wait3A_828] : memref<35x128xi32, #tpu.memory_space<vmem>> -> memref<1x128xi32, #tpu.memory_space<vmem>>
        %dma_wait3A_830 = tpu.memref_squeeze %dma_wait3A_829 : memref<1x128xi32, #tpu.memory_space<vmem>> -> memref<128xi32, #tpu.memory_space<vmem>>
        %dma_wait3A_831 = arith.constant 0 : i32
        %dma_wait3A_832 = arith.constant 0 : i32
        %dma_wait3A_833 = tpu.memref_slice %arg2[%scan3A, %dma_wait3A_831, %dma_wait3A_832] : memref<2x10000x128xf32, #tpu.memory_space<hbm>> -> memref<1x10000x128xf32, #tpu.memory_space<hbm>>
        %dma_wait3A_834 = tpu.memref_squeeze %dma_wait3A_833 : memref<1x10000x128xf32, #tpu.memory_space<hbm>> -> memref<10000x128xf32, #tpu.memory_space<hbm>>
        %dma_wait3A_835 = arith.constant 0 : i32
        %dma_wait3A_836 = arith.constant 0 : i32
        %dma_wait3A_837 = tpu.memref_slice %dma_wait3A_834[%dma_wait3A_835, %dma_wait3A_836] : memref<10000x128xf32, #tpu.memory_space<hbm>> -> memref<10000x128xf32, #tpu.memory_space<hbm>>
        tpu.wait_indirect_dma semaphore(%arg12 : memref<!tpu.dma_semaphore, #tpu.memory_space<semaphore_mem>>) src(%dma_wait3A_837 : memref<10000x128xf32, #tpu.memory_space<hbm>>) dst(%arg9 : memref<128x128xf32, #tpu.memory_space<vmem>>)
        %run_scoped3A_838 = arith.constant 34 : i32
        "tpu.region"() ({
          %run_scoped3A_840 = tpu.sem_alloc : memref<!tpu.dma_semaphore, #tpu.memory_space<semaphore_mem>>
          %dma_start3A_841 = arith.constant 0 : i32
          %dma_start3A_842 = tpu.memref_slice %arg8[%run_scoped3A_838, %dma_start3A_841] : memref<35x128xi32, #tpu.memory_space<vmem>> -> memref<1x128xi32, #tpu.memory_space<vmem>>
          %dma_start3A_843 = tpu.memref_squeeze %dma_start3A_842 : memref<1x128xi32, #tpu.memory_space<vmem>> -> memref<128xi32, #tpu.memory_space<vmem>>
          %dma_start3A_844 = arith.constant 0 : i32
          %dma_start3A_845 = arith.constant 0 : i32
          %dma_start3A_846 = tpu.memref_slice %arg11[%dma_start3A_844, %dma_start3A_845] : memref<10008x128xf32, #tpu.memory_space<vmem_shared>> -> memref<10008x128xf32, #tpu.memory_space<vmem_shared>>
          tpu.enqueue_indirect_dma source(%arg9 : memref<128x128xf32, #tpu.memory_space<vmem>>) target(%dma_start3A_846 : memref<10008x128xf32, #tpu.memory_space<vmem_shared>>) offsets(%dma_start3A_843 : memref<128xi32, #tpu.memory_space<vmem>>) semaphore(%run_scoped3A_840 : memref<!tpu.dma_semaphore, #tpu.memory_space<semaphore_mem>>) {add = true}
          %dma_wait3A_847 = arith.constant 0 : i32
          %dma_wait3A_848 = tpu.memref_slice %arg8[%run_scoped3A_838, %dma_wait3A_847] : memref<35x128xi32, #tpu.memory_space<vmem>> -> memref<1x128xi32, #tpu.memory_space<vmem>>
          %dma_wait3A_849 = tpu.memref_squeeze %dma_wait3A_848 : memref<1x128xi32, #tpu.memory_space<vmem>> -> memref<128xi32, #tpu.memory_space<vmem>>
          %dma_wait3A_850 = arith.constant 0 : i32
          %dma_wait3A_851 = arith.constant 0 : i32
          %dma_wait3A_852 = tpu.memref_slice %arg11[%dma_wait3A_850, %dma_wait3A_851] : memref<10008x128xf32, #tpu.memory_space<vmem_shared>> -> memref<10008x128xf32, #tpu.memory_space<vmem_shared>>
          tpu.wait_indirect_dma semaphore(%run_scoped3A_840 : memref<!tpu.dma_semaphore, #tpu.memory_space<semaphore_mem>>) src(%arg9 : memref<128x128xf32, #tpu.memory_space<vmem>>) dst(%dma_wait3A_852 : memref<10008x128xf32, #tpu.memory_space<vmem_shared>>)
          tpu.yield
        }) : () -> ()
        %scan3A_839 = arith.constant 0 : i32
        scf.yield %scan3A_839 : i32
      }
      %scan3A_23 = arith.constant 3 : i32
      %barrier3A_24 = arith.constant 0 : index
      tpu.barrier barrier_id(%barrier3A_24)
      %lt3A_25 = arith.constant 15 : i32
      %lt3A_26 = arith.cmpi slt, %arg1, %lt3A_25 : i32
      %convert_element_type3A_27 = arith.extui %lt3A_26 : i1 to i32
      %cond3A_28 = arith.constant 0 : i32
      %cond3A_29 = arith.cmpi ne, %convert_element_type3A_27, %cond3A_28 : i32
      scf.if %cond3A_29 {
        %run_scoped3A = arith.constant 0 : i32
        "tpu.region"() ({
          %run_scoped3A_35 = tpu.sem_alloc : memref<!tpu.dma_semaphore, #tpu.memory_space<semaphore_mem>>
          %dma_start3A = arith.constant 0 : i32
          %dma_start3A_36 = arith.constant 0 : i32
          %dma_start3A_37 = tpu.memref_slice %arg6[%run_scoped3A, %dma_start3A, %dma_start3A_36] : memref<2x10000x128xf32, #tpu.memory_space<hbm>> -> memref<1x10000x128xf32, #tpu.memory_space<hbm>>
          %dma_start3A_38 = tpu.memref_squeeze %dma_start3A_37 : memref<1x10000x128xf32, #tpu.memory_space<hbm>> -> memref<10000x128xf32, #tpu.memory_space<hbm>>
          %dma_start3A_39 = arith.constant 0 : i32
          %dma_start3A_40 = tpu.memref_slice %dma_start3A_38[%multiple_of3A, %dma_start3A_39] : memref<10000x128xf32, #tpu.memory_space<hbm>> -> memref<632x128xf32, #tpu.memory_space<hbm>>
          %dma_start3A_41 = arith.constant 0 : i32
          %dma_start3A_42 = tpu.memref_slice %arg11[%multiple_of3A, %dma_start3A_41] : memref<10008x128xf32, #tpu.memory_space<vmem_shared>> -> memref<632x128xf32, #tpu.memory_space<vmem_shared>>
          tpu.enqueue_dma source(%dma_start3A_42 : memref<632x128xf32, #tpu.memory_space<vmem_shared>>) target(%dma_start3A_40 : memref<632x128xf32, #tpu.memory_space<hbm>>) target_semaphore(%run_scoped3A_35 : memref<!tpu.dma_semaphore, #tpu.memory_space<semaphore_mem>>)
          %dma_wait3A = arith.constant 0 : i32
          %dma_wait3A_43 = arith.constant 0 : i32
          %dma_wait3A_44 = tpu.memref_slice %arg6[%run_scoped3A, %dma_wait3A, %dma_wait3A_43] : memref<2x10000x128xf32, #tpu.memory_space<hbm>> -> memref<1x10000x128xf32, #tpu.memory_space<hbm>>
          %dma_wait3A_45 = tpu.memref_squeeze %dma_wait3A_44 : memref<1x10000x128xf32, #tpu.memory_space<hbm>> -> memref<10000x128xf32, #tpu.memory_space<hbm>>
          %dma_wait3A_46 = arith.constant 0 : i32
          %dma_wait3A_47 = tpu.memref_slice %dma_wait3A_45[%multiple_of3A, %dma_wait3A_46] : memref<10000x128xf32, #tpu.memory_space<hbm>> -> memref<632x128xf32, #tpu.memory_space<hbm>>
          %dma_wait3A_48 = arith.constant 0 : i32
          %dma_wait3A_49 = tpu.memref_slice %arg11[%multiple_of3A, %dma_wait3A_48] : memref<10008x128xf32, #tpu.memory_space<vmem_shared>> -> memref<632x128xf32, #tpu.memory_space<vmem_shared>>
          tpu.wait_dma2 semaphore(%run_scoped3A_35 : memref<!tpu.dma_semaphore, #tpu.memory_space<semaphore_mem>>) src(%dma_wait3A_49 : memref<632x128xf32, #tpu.memory_space<vmem_shared>>) dst(%dma_wait3A_47 : memref<632x128xf32, #tpu.memory_space<hbm>>)
          tpu.yield
        }) : () -> ()
      } else {
      }
      %eq3A_30 = arith.constant 15 : i32
      %eq3A_31 = arith.cmpi eq, %arg1, %eq3A_30 : i32
      %convert_element_type3A_32 = arith.extui %eq3A_31 : i1 to i32
      %cond3A_33 = arith.constant 0 : i32
      %cond3A_34 = arith.cmpi ne, %convert_element_type3A_32, %cond3A_33 : i32
      scf.if %cond3A_34 {
        %run_scoped3A = arith.constant 0 : i32
        "tpu.region"() ({
          %run_scoped3A_35 = tpu.sem_alloc : memref<!tpu.dma_semaphore, #tpu.memory_space<semaphore_mem>>
          %dma_start3A = arith.constant 0 : i32
          %dma_start3A_36 = arith.constant 0 : i32
          %dma_start3A_37 = tpu.memref_slice %arg6[%run_scoped3A, %dma_start3A, %dma_start3A_36] : memref<2x10000x128xf32, #tpu.memory_space<hbm>> -> memref<1x10000x128xf32, #tpu.memory_space<hbm>>
          %dma_start3A_38 = tpu.memref_squeeze %dma_start3A_37 : memref<1x10000x128xf32, #tpu.memory_space<hbm>> -> memref<10000x128xf32, #tpu.memory_space<hbm>>
          %dma_start3A_39 = arith.constant 9480 : i32
          %dma_start3A_40 = arith.constant 0 : i32
          %dma_start3A_41 = tpu.memref_slice %dma_start3A_38[%dma_start3A_39, %dma_start3A_40] : memref<10000x128xf32, #tpu.memory_space<hbm>> -> memref<520x128xf32, #tpu.memory_space<hbm>>
          %dma_start3A_42 = arith.constant 9480 : i32
          %dma_start3A_43 = arith.constant 0 : i32
          %dma_start3A_44 = tpu.memref_slice %arg11[%dma_start3A_42, %dma_start3A_43] : memref<10008x128xf32, #tpu.memory_space<vmem_shared>> -> memref<520x128xf32, #tpu.memory_space<vmem_shared>>
          tpu.enqueue_dma source(%dma_start3A_44 : memref<520x128xf32, #tpu.memory_space<vmem_shared>>) target(%dma_start3A_41 : memref<520x128xf32, #tpu.memory_space<hbm>>) target_semaphore(%run_scoped3A_35 : memref<!tpu.dma_semaphore, #tpu.memory_space<semaphore_mem>>)
          %dma_wait3A = arith.constant 0 : i32
          %dma_wait3A_45 = arith.constant 0 : i32
          %dma_wait3A_46 = tpu.memref_slice %arg6[%run_scoped3A, %dma_wait3A, %dma_wait3A_45] : memref<2x10000x128xf32, #tpu.memory_space<hbm>> -> memref<1x10000x128xf32, #tpu.memory_space<hbm>>
          %dma_wait3A_47 = tpu.memref_squeeze %dma_wait3A_46 : memref<1x10000x128xf32, #tpu.memory_space<hbm>> -> memref<10000x128xf32, #tpu.memory_space<hbm>>
          %dma_wait3A_48 = arith.constant 9480 : i32
          %dma_wait3A_49 = arith.constant 0 : i32
          %dma_wait3A_50 = tpu.memref_slice %dma_wait3A_47[%dma_wait3A_48, %dma_wait3A_49] : memref<10000x128xf32, #tpu.memory_space<hbm>> -> memref<520x128xf32, #tpu.memory_space<hbm>>
          %dma_wait3A_51 = arith.constant 9480 : i32
          %dma_wait3A_52 = arith.constant 0 : i32
          %dma_wait3A_53 = tpu.memref_slice %arg11[%dma_wait3A_51, %dma_wait3A_52] : memref<10008x128xf32, #tpu.memory_space<vmem_shared>> -> memref<520x128xf32, #tpu.memory_space<vmem_shared>>
          tpu.wait_dma2 semaphore(%run_scoped3A_35 : memref<!tpu.dma_semaphore, #tpu.memory_space<semaphore_mem>>) src(%dma_wait3A_53 : memref<520x128xf32, #tpu.memory_space<vmem_shared>>) dst(%dma_wait3A_50 : memref<520x128xf32, #tpu.memory_space<hbm>>)
          tpu.yield
        }) : () -> ()
      } else {
      }
    } else {
    }
    %eq3A_2 = arith.constant 1 : i32
    %eq3A_3 = arith.cmpi eq, %arg0, %eq3A_2 : i32
    %convert_element_type3A_4 = arith.extui %eq3A_3 : i1 to i32
    %cond3A_5 = arith.constant 0 : i32
    %cond3A_6 = arith.cmpi ne, %convert_element_type3A_4, %cond3A_5 : i32
    scf.if %cond3A_6 {
      %mul3A = arith.constant 632 : i32
      %mul3A_7 = arith.muli %arg1, %mul3A : i32
      %multiple_of3A = tpu.assume_multiple %mul3A_7, 8 : i32
      %lt3A = arith.constant 15 : i32
      %lt3A_8 = arith.cmpi slt, %arg1, %lt3A : i32
      %convert_element_type3A_9 = arith.extui %lt3A_8 : i1 to i32
      %cond3A_10 = arith.constant 0 : i32
      %cond3A_11 = arith.cmpi ne, %convert_element_type3A_9, %cond3A_10 : i32
      scf.if %cond3A_11 {
        "tpu.region"() ({
          %run_scoped3A = tpu.sem_alloc : memref<!tpu.dma_semaphore, #tpu.memory_space<semaphore_mem>>
          %dma_start3A = arith.constant 0 : i32
          %dma_start3A_35 = tpu.memref_slice %arg11[%multiple_of3A, %dma_start3A] : memref<10008x128xf32, #tpu.memory_space<vmem_shared>> -> memref<632x128xf32, #tpu.memory_space<vmem_shared>>
          tpu.enqueue_dma source(%arg5 : memref<632x128xf32, #tpu.memory_space<hbm>>) target(%dma_start3A_35 : memref<632x128xf32, #tpu.memory_space<vmem_shared>>) target_semaphore(%run_scoped3A : memref<!tpu.dma_semaphore, #tpu.memory_space<semaphore_mem>>)
          %dma_wait3A = arith.constant 0 : i32
          %dma_wait3A_36 = tpu.memref_slice %arg11[%multiple_of3A, %dma_wait3A] : memref<10008x128xf32, #tpu.memory_space<vmem_shared>> -> memref<632x128xf32, #tpu.memory_space<vmem_shared>>
          tpu.wait_dma2 semaphore(%run_scoped3A : memref<!tpu.dma_semaphore, #tpu.memory_space<semaphore_mem>>) src(%arg5 : memref<632x128xf32, #tpu.memory_space<hbm>>) dst(%dma_wait3A_36 : memref<632x128xf32, #tpu.memory_space<vmem_shared>>)
          tpu.yield
        }) : () -> ()
      } else {
      }
      %eq3A_12 = arith.constant 15 : i32
      %eq3A_13 = arith.cmpi eq, %arg1, %eq3A_12 : i32
      %convert_element_type3A_14 = arith.extui %eq3A_13 : i1 to i32
      %cond3A_15 = arith.constant 0 : i32
      %cond3A_16 = arith.cmpi ne, %convert_element_type3A_14, %cond3A_15 : i32
      scf.if %cond3A_16 {
        "tpu.region"() ({
          %run_scoped3A = tpu.sem_alloc : memref<!tpu.dma_semaphore, #tpu.memory_space<semaphore_mem>>
          %dma_start3A = arith.constant 9480 : i32
          %dma_start3A_35 = arith.constant 0 : i32
          %dma_start3A_36 = tpu.memref_slice %arg11[%dma_start3A, %dma_start3A_35] : memref<10008x128xf32, #tpu.memory_space<vmem_shared>> -> memref<528x128xf32, #tpu.memory_space<vmem_shared>>
          %dma_start3A_37 = arith.constant 0 : i32
          %dma_start3A_38 = arith.constant 0 : i32
          %dma_start3A_39 = tpu.memref_slice %arg5[%dma_start3A_37, %dma_start3A_38] : memref<632x128xf32, #tpu.memory_space<hbm>> -> memref<528x128xf32, #tpu.memory_space<hbm>>
          tpu.enqueue_dma source(%dma_start3A_39 : memref<528x128xf32, #tpu.memory_space<hbm>>) target(%dma_start3A_36 : memref<528x128xf32, #tpu.memory_space<vmem_shared>>) target_semaphore(%run_scoped3A : memref<!tpu.dma_semaphore, #tpu.memory_space<semaphore_mem>>)
          %dma_wait3A = arith.constant 9480 : i32
          %dma_wait3A_40 = arith.constant 0 : i32
          %dma_wait3A_41 = tpu.memref_slice %arg11[%dma_wait3A, %dma_wait3A_40] : memref<10008x128xf32, #tpu.memory_space<vmem_shared>> -> memref<528x128xf32, #tpu.memory_space<vmem_shared>>
          %dma_wait3A_42 = arith.constant 0 : i32
          %dma_wait3A_43 = arith.constant 0 : i32
          %dma_wait3A_44 = tpu.memref_slice %arg5[%dma_wait3A_42, %dma_wait3A_43] : memref<632x128xf32, #tpu.memory_space<hbm>> -> memref<528x128xf32, #tpu.memory_space<hbm>>
          tpu.wait_dma2 semaphore(%run_scoped3A : memref<!tpu.dma_semaphore, #tpu.memory_space<semaphore_mem>>) src(%dma_wait3A_44 : memref<528x128xf32, #tpu.memory_space<hbm>>) dst(%dma_wait3A_41 : memref<528x128xf32, #tpu.memory_space<vmem_shared>>)
          tpu.yield
        }) : () -> ()
      } else {
      }
      %barrier3A = arith.constant 0 : index
      tpu.barrier barrier_id(%barrier3A)
      %scan3A = arith.constant 1 : i32
      %scan3A_17 = arith.constant 0 : i32
      %scan3A_18 = arith.constant 0 : i32
      %scan3A_19 = arith.constant 3 : i32
      %scan3A_20 = arith.addi %scan3A_18, %scan3A_19 : i32
      %scan3A_21 = arith.constant 1 : i32
      %scan3A_22 = scf.for %scan3A_35 = %scan3A_18 to %scan3A_20 step %scan3A_21 iter_args(%scan3A_36 = %scan3A_17) -> (i32)  : i32 {
        "tpu.region"() ({
          %run_scoped3A_840 = tpu.sem_alloc : memref<!tpu.dma_semaphore, #tpu.memory_space<semaphore_mem>>
          %dma_start3A_841 = arith.constant 0 : i32
          %dma_start3A_842 = arith.constant 0 : i32
          %dma_start3A_843 = arith.constant 0 : i32
          %dma_start3A_844 = tpu.memref_slice %arg3[%arg1, %dma_start3A_841, %dma_start3A_842, %dma_start3A_843] : memref<16x3x35x128xi32, #tpu.memory_space<hbm>> -> memref<1x3x35x128xi32, #tpu.memory_space<hbm>>
          %dma_start3A_845 = tpu.memref_squeeze %dma_start3A_844 : memref<1x3x35x128xi32, #tpu.memory_space<hbm>> -> memref<3x35x128xi32, #tpu.memory_space<hbm>>
          %dma_start3A_846 = arith.constant 0 : i32
          %dma_start3A_847 = arith.constant 0 : i32
          %dma_start3A_848 = tpu.memref_slice %dma_start3A_845[%scan3A_35, %dma_start3A_846, %dma_start3A_847] : memref<3x35x128xi32, #tpu.memory_space<hbm>> -> memref<1x35x128xi32, #tpu.memory_space<hbm>>
          %dma_start3A_849 = tpu.memref_squeeze %dma_start3A_848 : memref<1x35x128xi32, #tpu.memory_space<hbm>> -> memref<35x128xi32, #tpu.memory_space<hbm>>
          %dma_start3A_850 = arith.constant 0 : i32
          %dma_start3A_851 = arith.constant 0 : i32
          %dma_start3A_852 = arith.constant 0 : i32
          %dma_start3A_853 = tpu.memref_slice %arg3[%arg1, %dma_start3A_850, %dma_start3A_851, %dma_start3A_852] : memref<16x3x35x128xi32, #tpu.memory_space<hbm>> -> memref<1x3x35x128xi32, #tpu.memory_space<hbm>>
          %dma_start3A_854 = tpu.memref_squeeze %dma_start3A_853 : memref<1x3x35x128xi32, #tpu.memory_space<hbm>> -> memref<3x35x128xi32, #tpu.memory_space<hbm>>
          %dma_start3A_855 = arith.constant 0 : i32
          %dma_start3A_856 = arith.constant 0 : i32
          %dma_start3A_857 = tpu.memref_slice %dma_start3A_854[%scan3A_35, %dma_start3A_855, %dma_start3A_856] : memref<3x35x128xi32, #tpu.memory_space<hbm>> -> memref<1x35x128xi32, #tpu.memory_space<hbm>>
          %dma_start3A_858 = tpu.memref_squeeze %dma_start3A_857 : memref<1x35x128xi32, #tpu.memory_space<hbm>> -> memref<35x128xi32, #tpu.memory_space<hbm>>
          tpu.enqueue_dma source(%dma_start3A_858 : memref<35x128xi32, #tpu.memory_space<hbm>>) target(%arg7 : memref<35x128xi32, #tpu.memory_space<vmem>>) target_semaphore(%run_scoped3A_840 : memref<!tpu.dma_semaphore, #tpu.memory_space<semaphore_mem>>)
          %dma_wait3A_859 = arith.constant 0 : i32
          %dma_wait3A_860 = arith.constant 0 : i32
          %dma_wait3A_861 = arith.constant 0 : i32
          %dma_wait3A_862 = tpu.memref_slice %arg3[%arg1, %dma_wait3A_859, %dma_wait3A_860, %dma_wait3A_861] : memref<16x3x35x128xi32, #tpu.memory_space<hbm>> -> memref<1x3x35x128xi32, #tpu.memory_space<hbm>>
          %dma_wait3A_863 = tpu.memref_squeeze %dma_wait3A_862 : memref<1x3x35x128xi32, #tpu.memory_space<hbm>> -> memref<3x35x128xi32, #tpu.memory_space<hbm>>
          %dma_wait3A_864 = arith.constant 0 : i32
          %dma_wait3A_865 = arith.constant 0 : i32
          %dma_wait3A_866 = tpu.memref_slice %dma_wait3A_863[%scan3A_35, %dma_wait3A_864, %dma_wait3A_865] : memref<3x35x128xi32, #tpu.memory_space<hbm>> -> memref<1x35x128xi32, #tpu.memory_space<hbm>>
          %dma_wait3A_867 = tpu.memref_squeeze %dma_wait3A_866 : memref<1x35x128xi32, #tpu.memory_space<hbm>> -> memref<35x128xi32, #tpu.memory_space<hbm>>
          %dma_wait3A_868 = arith.constant 0 : i32
          %dma_wait3A_869 = arith.constant 0 : i32
          %dma_wait3A_870 = arith.constant 0 : i32
          %dma_wait3A_871 = tpu.memref_slice %arg3[%arg1, %dma_wait3A_868, %dma_wait3A_869, %dma_wait3A_870] : memref<16x3x35x128xi32, #tpu.memory_space<hbm>> -> memref<1x3x35x128xi32, #tpu.memory_space<hbm>>
          %dma_wait3A_872 = tpu.memref_squeeze %dma_wait3A_871 : memref<1x3x35x128xi32, #tpu.memory_space<hbm>> -> memref<3x35x128xi32, #tpu.memory_space<hbm>>
          %dma_wait3A_873 = arith.constant 0 : i32
          %dma_wait3A_874 = arith.constant 0 : i32
          %dma_wait3A_875 = tpu.memref_slice %dma_wait3A_872[%scan3A_35, %dma_wait3A_873, %dma_wait3A_874] : memref<3x35x128xi32, #tpu.memory_space<hbm>> -> memref<1x35x128xi32, #tpu.memory_space<hbm>>
          %dma_wait3A_876 = tpu.memref_squeeze %dma_wait3A_875 : memref<1x35x128xi32, #tpu.memory_space<hbm>> -> memref<35x128xi32, #tpu.memory_space<hbm>>
          tpu.wait_dma2 semaphore(%run_scoped3A_840 : memref<!tpu.dma_semaphore, #tpu.memory_space<semaphore_mem>>) src(%dma_wait3A_876 : memref<35x128xi32, #tpu.memory_space<hbm>>) dst(%arg7 : memref<35x128xi32, #tpu.memory_space<vmem>>)
          tpu.yield
        }) : () -> ()
        "tpu.region"() ({
          %run_scoped3A_840 = tpu.sem_alloc : memref<!tpu.dma_semaphore, #tpu.memory_space<semaphore_mem>>
          %dma_start3A_841 = arith.constant 0 : i32
          %dma_start3A_842 = arith.constant 0 : i32
          %dma_start3A_843 = arith.constant 0 : i32
          %dma_start3A_844 = tpu.memref_slice %arg4[%arg1, %dma_start3A_841, %dma_start3A_842, %dma_start3A_843] : memref<16x3x35x128xi32, #tpu.memory_space<hbm>> -> memref<1x3x35x128xi32, #tpu.memory_space<hbm>>
          %dma_start3A_845 = tpu.memref_squeeze %dma_start3A_844 : memref<1x3x35x128xi32, #tpu.memory_space<hbm>> -> memref<3x35x128xi32, #tpu.memory_space<hbm>>
          %dma_start3A_846 = arith.constant 0 : i32
          %dma_start3A_847 = arith.constant 0 : i32
          %dma_start3A_848 = tpu.memref_slice %dma_start3A_845[%scan3A_35, %dma_start3A_846, %dma_start3A_847] : memref<3x35x128xi32, #tpu.memory_space<hbm>> -> memref<1x35x128xi32, #tpu.memory_space<hbm>>
          %dma_start3A_849 = tpu.memref_squeeze %dma_start3A_848 : memref<1x35x128xi32, #tpu.memory_space<hbm>> -> memref<35x128xi32, #tpu.memory_space<hbm>>
          %dma_start3A_850 = arith.constant 0 : i32
          %dma_start3A_851 = arith.constant 0 : i32
          %dma_start3A_852 = arith.constant 0 : i32
          %dma_start3A_853 = tpu.memref_slice %arg4[%arg1, %dma_start3A_850, %dma_start3A_851, %dma_start3A_852] : memref<16x3x35x128xi32, #tpu.memory_space<hbm>> -> memref<1x3x35x128xi32, #tpu.memory_space<hbm>>
          %dma_start3A_854 = tpu.memref_squeeze %dma_start3A_853 : memref<1x3x35x128xi32, #tpu.memory_space<hbm>> -> memref<3x35x128xi32, #tpu.memory_space<hbm>>
          %dma_start3A_855 = arith.constant 0 : i32
          %dma_start3A_856 = arith.constant 0 : i32
          %dma_start3A_857 = tpu.memref_slice %dma_start3A_854[%scan3A_35, %dma_start3A_855, %dma_start3A_856] : memref<3x35x128xi32, #tpu.memory_space<hbm>> -> memref<1x35x128xi32, #tpu.memory_space<hbm>>
          %dma_start3A_858 = tpu.memref_squeeze %dma_start3A_857 : memref<1x35x128xi32, #tpu.memory_space<hbm>> -> memref<35x128xi32, #tpu.memory_space<hbm>>
          tpu.enqueue_dma source(%dma_start3A_858 : memref<35x128xi32, #tpu.memory_space<hbm>>) target(%arg8 : memref<35x128xi32, #tpu.memory_space<vmem>>) target_semaphore(%run_scoped3A_840 : memref<!tpu.dma_semaphore, #tpu.memory_space<semaphore_mem>>)
          %dma_wait3A_859 = arith.constant 0 : i32
          %dma_wait3A_860 = arith.constant 0 : i32
          %dma_wait3A_861 = arith.constant 0 : i32
          %dma_wait3A_862 = tpu.memref_slice %arg4[%arg1, %dma_wait3A_859, %dma_wait3A_860, %dma_wait3A_861] : memref<16x3x35x128xi32, #tpu.memory_space<hbm>> -> memref<1x3x35x128xi32, #tpu.memory_space<hbm>>
          %dma_wait3A_863 = tpu.memref_squeeze %dma_wait3A_862 : memref<1x3x35x128xi32, #tpu.memory_space<hbm>> -> memref<3x35x128xi32, #tpu.memory_space<hbm>>
          %dma_wait3A_864 = arith.constant 0 : i32
          %dma_wait3A_865 = arith.constant 0 : i32
          %dma_wait3A_866 = tpu.memref_slice %dma_wait3A_863[%scan3A_35, %dma_wait3A_864, %dma_wait3A_865] : memref<3x35x128xi32, #tpu.memory_space<hbm>> -> memref<1x35x128xi32, #tpu.memory_space<hbm>>
          %dma_wait3A_867 = tpu.memref_squeeze %dma_wait3A_866 : memref<1x35x128xi32, #tpu.memory_space<hbm>> -> memref<35x128xi32, #tpu.memory_space<hbm>>
          %dma_wait3A_868 = arith.constant 0 : i32
          %dma_wait3A_869 = arith.constant 0 : i32
          %dma_wait3A_870 = arith.constant 0 : i32
          %dma_wait3A_871 = tpu.memref_slice %arg4[%arg1, %dma_wait3A_868, %dma_wait3A_869, %dma_wait3A_870] : memref<16x3x35x128xi32, #tpu.memory_space<hbm>> -> memref<1x3x35x128xi32, #tpu.memory_space<hbm>>
          %dma_wait3A_872 = tpu.memref_squeeze %dma_wait3A_871 : memref<1x3x35x128xi32, #tpu.memory_space<hbm>> -> memref<3x35x128xi32, #tpu.memory_space<hbm>>
          %dma_wait3A_873 = arith.constant 0 : i32
          %dma_wait3A_874 = arith.constant 0 : i32
          %dma_wait3A_875 = tpu.memref_slice %dma_wait3A_872[%scan3A_35, %dma_wait3A_873, %dma_wait3A_874] : memref<3x35x128xi32, #tpu.memory_space<hbm>> -> memref<1x35x128xi32, #tpu.memory_space<hbm>>
          %dma_wait3A_876 = tpu.memref_squeeze %dma_wait3A_875 : memref<1x35x128xi32, #tpu.memory_space<hbm>> -> memref<35x128xi32, #tpu.memory_space<hbm>>
          tpu.wait_dma2 semaphore(%run_scoped3A_840 : memref<!tpu.dma_semaphore, #tpu.memory_space<semaphore_mem>>) src(%dma_wait3A_876 : memref<35x128xi32, #tpu.memory_space<hbm>>) dst(%arg8 : memref<35x128xi32, #tpu.memory_space<vmem>>)
          tpu.yield
        }) : () -> ()
        %dma_start3A = arith.constant 0 : i32
        %dma_start3A_37 = arith.constant 0 : i32
        %dma_start3A_38 = tpu.memref_slice %arg7[%dma_start3A, %dma_start3A_37] : memref<35x128xi32, #tpu.memory_space<vmem>> -> memref<1x128xi32, #tpu.memory_space<vmem>>
        %dma_start3A_39 = tpu.memref_squeeze %dma_start3A_38 : memref<1x128xi32, #tpu.memory_space<vmem>> -> memref<128xi32, #tpu.memory_space<vmem>>
        %dma_start3A_40 = arith.constant 0 : i32
        %dma_start3A_41 = arith.constant 0 : i32
        %dma_start3A_42 = tpu.memref_slice %arg2[%scan3A, %dma_start3A_40, %dma_start3A_41] : memref<2x10000x128xf32, #tpu.memory_space<hbm>> -> memref<1x10000x128xf32, #tpu.memory_space<hbm>>
        %dma_start3A_43 = tpu.memref_squeeze %dma_start3A_42 : memref<1x10000x128xf32, #tpu.memory_space<hbm>> -> memref<10000x128xf32, #tpu.memory_space<hbm>>
        %dma_start3A_44 = arith.constant 0 : i32
        %dma_start3A_45 = arith.constant 0 : i32
        %dma_start3A_46 = tpu.memref_slice %dma_start3A_43[%dma_start3A_44, %dma_start3A_45] : memref<10000x128xf32, #tpu.memory_space<hbm>> -> memref<10000x128xf32, #tpu.memory_space<hbm>>
        tpu.enqueue_indirect_dma source(%dma_start3A_46 : memref<10000x128xf32, #tpu.memory_space<hbm>>) target(%arg9 : memref<128x128xf32, #tpu.memory_space<vmem>>) offsets(%dma_start3A_39 : memref<128xi32, #tpu.memory_space<vmem>>) semaphore(%arg12 : memref<!tpu.dma_semaphore, #tpu.memory_space<semaphore_mem>>)
        %dma_wait3A = arith.constant 0 : i32
        %dma_wait3A_47 = arith.constant 0 : i32
        %dma_wait3A_48 = tpu.memref_slice %arg7[%dma_wait3A, %dma_wait3A_47] : memref<35x128xi32, #tpu.memory_space<vmem>> -> memref<1x128xi32, #tpu.memory_space<vmem>>
        %dma_wait3A_49 = tpu.memref_squeeze %dma_wait3A_48 : memref<1x128xi32, #tpu.memory_space<vmem>> -> memref<128xi32, #tpu.memory_space<vmem>>
        %dma_wait3A_50 = arith.constant 0 : i32
        %dma_wait3A_51 = arith.constant 0 : i32
        %dma_wait3A_52 = tpu.memref_slice %arg2[%scan3A, %dma_wait3A_50, %dma_wait3A_51] : memref<2x10000x128xf32, #tpu.memory_space<hbm>> -> memref<1x10000x128xf32, #tpu.memory_space<hbm>>
        %dma_wait3A_53 = tpu.memref_squeeze %dma_wait3A_52 : memref<1x10000x128xf32, #tpu.memory_space<hbm>> -> memref<10000x128xf32, #tpu.memory_space<hbm>>
        %dma_wait3A_54 = arith.constant 0 : i32
        %dma_wait3A_55 = arith.constant 0 : i32
        %dma_wait3A_56 = tpu.memref_slice %dma_wait3A_53[%dma_wait3A_54, %dma_wait3A_55] : memref<10000x128xf32, #tpu.memory_space<hbm>> -> memref<10000x128xf32, #tpu.memory_space<hbm>>
        tpu.wait_indirect_dma semaphore(%arg12 : memref<!tpu.dma_semaphore, #tpu.memory_space<semaphore_mem>>) src(%dma_wait3A_56 : memref<10000x128xf32, #tpu.memory_space<hbm>>) dst(%arg9 : memref<128x128xf32, #tpu.memory_space<vmem>>)
        %dma_start3A_57 = arith.constant 1 : i32
        %dma_start3A_58 = arith.constant 0 : i32
        %dma_start3A_59 = tpu.memref_slice %arg7[%dma_start3A_57, %dma_start3A_58] : memref<35x128xi32, #tpu.memory_space<vmem>> -> memref<1x128xi32, #tpu.memory_space<vmem>>
        %dma_start3A_60 = tpu.memref_squeeze %dma_start3A_59 : memref<1x128xi32, #tpu.memory_space<vmem>> -> memref<128xi32, #tpu.memory_space<vmem>>
        %dma_start3A_61 = arith.constant 0 : i32
        %dma_start3A_62 = arith.constant 0 : i32
        %dma_start3A_63 = tpu.memref_slice %arg2[%scan3A, %dma_start3A_61, %dma_start3A_62] : memref<2x10000x128xf32, #tpu.memory_space<hbm>> -> memref<1x10000x128xf32, #tpu.memory_space<hbm>>
        %dma_start3A_64 = tpu.memref_squeeze %dma_start3A_63 : memref<1x10000x128xf32, #tpu.memory_space<hbm>> -> memref<10000x128xf32, #tpu.memory_space<hbm>>
        %dma_start3A_65 = arith.constant 0 : i32
        %dma_start3A_66 = arith.constant 0 : i32
        %dma_start3A_67 = tpu.memref_slice %dma_start3A_64[%dma_start3A_65, %dma_start3A_66] : memref<10000x128xf32, #tpu.memory_space<hbm>> -> memref<10000x128xf32, #tpu.memory_space<hbm>>
        tpu.enqueue_indirect_dma source(%dma_start3A_67 : memref<10000x128xf32, #tpu.memory_space<hbm>>) target(%arg10 : memref<128x128xf32, #tpu.memory_space<vmem>>) offsets(%dma_start3A_60 : memref<128xi32, #tpu.memory_space<vmem>>) semaphore(%arg13 : memref<!tpu.dma_semaphore, #tpu.memory_space<semaphore_mem>>)
        %run_scoped3A = arith.constant 0 : i32
        "tpu.region"() ({
          %run_scoped3A_840 = tpu.sem_alloc : memref<!tpu.dma_semaphore, #tpu.memory_space<semaphore_mem>>
          %dma_start3A_841 = arith.constant 0 : i32
          %dma_start3A_842 = tpu.memref_slice %arg8[%run_scoped3A, %dma_start3A_841] : memref<35x128xi32, #tpu.memory_space<vmem>> -> memref<1x128xi32, #tpu.memory_space<vmem>>
          %dma_start3A_843 = tpu.memref_squeeze %dma_start3A_842 : memref<1x128xi32, #tpu.memory_space<vmem>> -> memref<128xi32, #tpu.memory_space<vmem>>
          %dma_start3A_844 = arith.constant 0 : i32
          %dma_start3A_845 = arith.constant 0 : i32
          %dma_start3A_846 = tpu.memref_slice %arg11[%dma_start3A_844, %dma_start3A_845] : memref<10008x128xf32, #tpu.memory_space<vmem_shared>> -> memref<10008x128xf32, #tpu.memory_space<vmem_shared>>
          tpu.enqueue_indirect_dma source(%arg9 : memref<128x128xf32, #tpu.memory_space<vmem>>) target(%dma_start3A_846 : memref<10008x128xf32, #tpu.memory_space<vmem_shared>>) offsets(%dma_start3A_843 : memref<128xi32, #tpu.memory_space<vmem>>) semaphore(%run_scoped3A_840 : memref<!tpu.dma_semaphore, #tpu.memory_space<semaphore_mem>>) {add = true}
          %dma_wait3A_847 = arith.constant 0 : i32
          %dma_wait3A_848 = tpu.memref_slice %arg8[%run_scoped3A, %dma_wait3A_847] : memref<35x128xi32, #tpu.memory_space<vmem>> -> memref<1x128xi32, #tpu.memory_space<vmem>>
          %dma_wait3A_849 = tpu.memref_squeeze %dma_wait3A_848 : memref<1x128xi32, #tpu.memory_space<vmem>> -> memref<128xi32, #tpu.memory_space<vmem>>
          %dma_wait3A_850 = arith.constant 0 : i32
          %dma_wait3A_851 = arith.constant 0 : i32
          %dma_wait3A_852 = tpu.memref_slice %arg11[%dma_wait3A_850, %dma_wait3A_851] : memref<10008x128xf32, #tpu.memory_space<vmem_shared>> -> memref<10008x128xf32, #tpu.memory_space<vmem_shared>>
          tpu.wait_indirect_dma semaphore(%run_scoped3A_840 : memref<!tpu.dma_semaphore, #tpu.memory_space<semaphore_mem>>) src(%arg9 : memref<128x128xf32, #tpu.memory_space<vmem>>) dst(%dma_wait3A_852 : memref<10008x128xf32, #tpu.memory_space<vmem_shared>>)
          tpu.yield
        }) : () -> ()
        %dma_wait3A_68 = arith.constant 1 : i32
        %dma_wait3A_69 = arith.constant 0 : i32
        %dma_wait3A_70 = tpu.memref_slice %arg7[%dma_wait3A_68, %dma_wait3A_69] : memref<35x128xi32, #tpu.memory_space<vmem>> -> memref<1x128xi32, #tpu.memory_space<vmem>>
        %dma_wait3A_71 = tpu.memref_squeeze %dma_wait3A_70 : memref<1x128xi32, #tpu.memory_space<vmem>> -> memref<128xi32, #tpu.memory_space<vmem>>
        %dma_wait3A_72 = arith.constant 0 : i32
        %dma_wait3A_73 = arith.constant 0 : i32
        %dma_wait3A_74 = tpu.memref_slice %arg2[%scan3A, %dma_wait3A_72, %dma_wait3A_73] : memref<2x10000x128xf32, #tpu.memory_space<hbm>> -> memref<1x10000x128xf32, #tpu.memory_space<hbm>>
        %dma_wait3A_75 = tpu.memref_squeeze %dma_wait3A_74 : memref<1x10000x128xf32, #tpu.memory_space<hbm>> -> memref<10000x128xf32, #tpu.memory_space<hbm>>
        %dma_wait3A_76 = arith.constant 0 : i32
        %dma_wait3A_77 = arith.constant 0 : i32
        %dma_wait3A_78 = tpu.memref_slice %dma_wait3A_75[%dma_wait3A_76, %dma_wait3A_77] : memref<10000x128xf32, #tpu.memory_space<hbm>> -> memref<10000x128xf32, #tpu.memory_space<hbm>>
        tpu.wait_indirect_dma semaphore(%arg13 : memref<!tpu.dma_semaphore, #tpu.memory_space<semaphore_mem>>) src(%dma_wait3A_78 : memref<10000x128xf32, #tpu.memory_space<hbm>>) dst(%arg10 : memref<128x128xf32, #tpu.memory_space<vmem>>)
        %dma_start3A_79 = arith.constant 2 : i32
        %dma_start3A_80 = arith.constant 0 : i32
        %dma_start3A_81 = tpu.memref_slice %arg7[%dma_start3A_79, %dma_start3A_80] : memref<35x128xi32, #tpu.memory_space<vmem>> -> memref<1x128xi32, #tpu.memory_space<vmem>>
        %dma_start3A_82 = tpu.memref_squeeze %dma_start3A_81 : memref<1x128xi32, #tpu.memory_space<vmem>> -> memref<128xi32, #tpu.memory_space<vmem>>
        %dma_start3A_83 = arith.constant 0 : i32
        %dma_start3A_84 = arith.constant 0 : i32
        %dma_start3A_85 = tpu.memref_slice %arg2[%scan3A, %dma_start3A_83, %dma_start3A_84] : memref<2x10000x128xf32, #tpu.memory_space<hbm>> -> memref<1x10000x128xf32, #tpu.memory_space<hbm>>
        %dma_start3A_86 = tpu.memref_squeeze %dma_start3A_85 : memref<1x10000x128xf32, #tpu.memory_space<hbm>> -> memref<10000x128xf32, #tpu.memory_space<hbm>>
        %dma_start3A_87 = arith.constant 0 : i32
        %dma_start3A_88 = arith.constant 0 : i32
        %dma_start3A_89 = tpu.memref_slice %dma_start3A_86[%dma_start3A_87, %dma_start3A_88] : memref<10000x128xf32, #tpu.memory_space<hbm>> -> memref<10000x128xf32, #tpu.memory_space<hbm>>
        tpu.enqueue_indirect_dma source(%dma_start3A_89 : memref<10000x128xf32, #tpu.memory_space<hbm>>) target(%arg9 : memref<128x128xf32, #tpu.memory_space<vmem>>) offsets(%dma_start3A_82 : memref<128xi32, #tpu.memory_space<vmem>>) semaphore(%arg12 : memref<!tpu.dma_semaphore, #tpu.memory_space<semaphore_mem>>)
        %run_scoped3A_90 = arith.constant 1 : i32
        "tpu.region"() ({
          %run_scoped3A_840 = tpu.sem_alloc : memref<!tpu.dma_semaphore, #tpu.memory_space<semaphore_mem>>
          %dma_start3A_841 = arith.constant 0 : i32
          %dma_start3A_842 = tpu.memref_slice %arg8[%run_scoped3A_90, %dma_start3A_841] : memref<35x128xi32, #tpu.memory_space<vmem>> -> memref<1x128xi32, #tpu.memory_space<vmem>>
          %dma_start3A_843 = tpu.memref_squeeze %dma_start3A_842 : memref<1x128xi32, #tpu.memory_space<vmem>> -> memref<128xi32, #tpu.memory_space<vmem>>
          %dma_start3A_844 = arith.constant 0 : i32
          %dma_start3A_845 = arith.constant 0 : i32
          %dma_start3A_846 = tpu.memref_slice %arg11[%dma_start3A_844, %dma_start3A_845] : memref<10008x128xf32, #tpu.memory_space<vmem_shared>> -> memref<10008x128xf32, #tpu.memory_space<vmem_shared>>
          tpu.enqueue_indirect_dma source(%arg10 : memref<128x128xf32, #tpu.memory_space<vmem>>) target(%dma_start3A_846 : memref<10008x128xf32, #tpu.memory_space<vmem_shared>>) offsets(%dma_start3A_843 : memref<128xi32, #tpu.memory_space<vmem>>) semaphore(%run_scoped3A_840 : memref<!tpu.dma_semaphore, #tpu.memory_space<semaphore_mem>>) {add = true}
          %dma_wait3A_847 = arith.constant 0 : i32
          %dma_wait3A_848 = tpu.memref_slice %arg8[%run_scoped3A_90, %dma_wait3A_847] : memref<35x128xi32, #tpu.memory_space<vmem>> -> memref<1x128xi32, #tpu.memory_space<vmem>>
          %dma_wait3A_849 = tpu.memref_squeeze %dma_wait3A_848 : memref<1x128xi32, #tpu.memory_space<vmem>> -> memref<128xi32, #tpu.memory_space<vmem>>
          %dma_wait3A_850 = arith.constant 0 : i32
          %dma_wait3A_851 = arith.constant 0 : i32
          %dma_wait3A_852 = tpu.memref_slice %arg11[%dma_wait3A_850, %dma_wait3A_851] : memref<10008x128xf32, #tpu.memory_space<vmem_shared>> -> memref<10008x128xf32, #tpu.memory_space<vmem_shared>>
          tpu.wait_indirect_dma semaphore(%run_scoped3A_840 : memref<!tpu.dma_semaphore, #tpu.memory_space<semaphore_mem>>) src(%arg10 : memref<128x128xf32, #tpu.memory_space<vmem>>) dst(%dma_wait3A_852 : memref<10008x128xf32, #tpu.memory_space<vmem_shared>>)
          tpu.yield
        }) : () -> ()
        %dma_wait3A_91 = arith.constant 2 : i32
        %dma_wait3A_92 = arith.constant 0 : i32
        %dma_wait3A_93 = tpu.memref_slice %arg7[%dma_wait3A_91, %dma_wait3A_92] : memref<35x128xi32, #tpu.memory_space<vmem>> -> memref<1x128xi32, #tpu.memory_space<vmem>>
        %dma_wait3A_94 = tpu.memref_squeeze %dma_wait3A_93 : memref<1x128xi32, #tpu.memory_space<vmem>> -> memref<128xi32, #tpu.memory_space<vmem>>
        %dma_wait3A_95 = arith.constant 0 : i32
        %dma_wait3A_96 = arith.constant 0 : i32
        %dma_wait3A_97 = tpu.memref_slice %arg2[%scan3A, %dma_wait3A_95, %dma_wait3A_96] : memref<2x10000x128xf32, #tpu.memory_space<hbm>> -> memref<1x10000x128xf32, #tpu.memory_space<hbm>>
        %dma_wait3A_98 = tpu.memref_squeeze %dma_wait3A_97 : memref<1x10000x128xf32, #tpu.memory_space<hbm>> -> memref<10000x128xf32, #tpu.memory_space<hbm>>
        %dma_wait3A_99 = arith.constant 0 : i32
        %dma_wait3A_100 = arith.constant 0 : i32
        %dma_wait3A_101 = tpu.memref_slice %dma_wait3A_98[%dma_wait3A_99, %dma_wait3A_100] : memref<10000x128xf32, #tpu.memory_space<hbm>> -> memref<10000x128xf32, #tpu.memory_space<hbm>>
        tpu.wait_indirect_dma semaphore(%arg12 : memref<!tpu.dma_semaphore, #tpu.memory_space<semaphore_mem>>) src(%dma_wait3A_101 : memref<10000x128xf32, #tpu.memory_space<hbm>>) dst(%arg9 : memref<128x128xf32, #tpu.memory_space<vmem>>)
        %dma_start3A_102 = arith.constant 3 : i32
        %dma_start3A_103 = arith.constant 0 : i32
        %dma_start3A_104 = tpu.memref_slice %arg7[%dma_start3A_102, %dma_start3A_103] : memref<35x128xi32, #tpu.memory_space<vmem>> -> memref<1x128xi32, #tpu.memory_space<vmem>>
        %dma_start3A_105 = tpu.memref_squeeze %dma_start3A_104 : memref<1x128xi32, #tpu.memory_space<vmem>> -> memref<128xi32, #tpu.memory_space<vmem>>
        %dma_start3A_106 = arith.constant 0 : i32
        %dma_start3A_107 = arith.constant 0 : i32
        %dma_start3A_108 = tpu.memref_slice %arg2[%scan3A, %dma_start3A_106, %dma_start3A_107] : memref<2x10000x128xf32, #tpu.memory_space<hbm>> -> memref<1x10000x128xf32, #tpu.memory_space<hbm>>
        %dma_start3A_109 = tpu.memref_squeeze %dma_start3A_108 : memref<1x10000x128xf32, #tpu.memory_space<hbm>> -> memref<10000x128xf32, #tpu.memory_space<hbm>>
        %dma_start3A_110 = arith.constant 0 : i32
        %dma_start3A_111 = arith.constant 0 : i32
        %dma_start3A_112 = tpu.memref_slice %dma_start3A_109[%dma_start3A_110, %dma_start3A_111] : memref<10000x128xf32, #tpu.memory_space<hbm>> -> memref<10000x128xf32, #tpu.memory_space<hbm>>
        tpu.enqueue_indirect_dma source(%dma_start3A_112 : memref<10000x128xf32, #tpu.memory_space<hbm>>) target(%arg10 : memref<128x128xf32, #tpu.memory_space<vmem>>) offsets(%dma_start3A_105 : memref<128xi32, #tpu.memory_space<vmem>>) semaphore(%arg13 : memref<!tpu.dma_semaphore, #tpu.memory_space<semaphore_mem>>)
        %run_scoped3A_113 = arith.constant 2 : i32
        "tpu.region"() ({
          %run_scoped3A_840 = tpu.sem_alloc : memref<!tpu.dma_semaphore, #tpu.memory_space<semaphore_mem>>
          %dma_start3A_841 = arith.constant 0 : i32
          %dma_start3A_842 = tpu.memref_slice %arg8[%run_scoped3A_113, %dma_start3A_841] : memref<35x128xi32, #tpu.memory_space<vmem>> -> memref<1x128xi32, #tpu.memory_space<vmem>>
          %dma_start3A_843 = tpu.memref_squeeze %dma_start3A_842 : memref<1x128xi32, #tpu.memory_space<vmem>> -> memref<128xi32, #tpu.memory_space<vmem>>
          %dma_start3A_844 = arith.constant 0 : i32
          %dma_start3A_845 = arith.constant 0 : i32
          %dma_start3A_846 = tpu.memref_slice %arg11[%dma_start3A_844, %dma_start3A_845] : memref<10008x128xf32, #tpu.memory_space<vmem_shared>> -> memref<10008x128xf32, #tpu.memory_space<vmem_shared>>
          tpu.enqueue_indirect_dma source(%arg9 : memref<128x128xf32, #tpu.memory_space<vmem>>) target(%dma_start3A_846 : memref<10008x128xf32, #tpu.memory_space<vmem_shared>>) offsets(%dma_start3A_843 : memref<128xi32, #tpu.memory_space<vmem>>) semaphore(%run_scoped3A_840 : memref<!tpu.dma_semaphore, #tpu.memory_space<semaphore_mem>>) {add = true}
          %dma_wait3A_847 = arith.constant 0 : i32
          %dma_wait3A_848 = tpu.memref_slice %arg8[%run_scoped3A_113, %dma_wait3A_847] : memref<35x128xi32, #tpu.memory_space<vmem>> -> memref<1x128xi32, #tpu.memory_space<vmem>>
          %dma_wait3A_849 = tpu.memref_squeeze %dma_wait3A_848 : memref<1x128xi32, #tpu.memory_space<vmem>> -> memref<128xi32, #tpu.memory_space<vmem>>
          %dma_wait3A_850 = arith.constant 0 : i32
          %dma_wait3A_851 = arith.constant 0 : i32
          %dma_wait3A_852 = tpu.memref_slice %arg11[%dma_wait3A_850, %dma_wait3A_851] : memref<10008x128xf32, #tpu.memory_space<vmem_shared>> -> memref<10008x128xf32, #tpu.memory_space<vmem_shared>>
          tpu.wait_indirect_dma semaphore(%run_scoped3A_840 : memref<!tpu.dma_semaphore, #tpu.memory_space<semaphore_mem>>) src(%arg9 : memref<128x128xf32, #tpu.memory_space<vmem>>) dst(%dma_wait3A_852 : memref<10008x128xf32, #tpu.memory_space<vmem_shared>>)
          tpu.yield
        }) : () -> ()
        %dma_wait3A_114 = arith.constant 3 : i32
        %dma_wait3A_115 = arith.constant 0 : i32
        %dma_wait3A_116 = tpu.memref_slice %arg7[%dma_wait3A_114, %dma_wait3A_115] : memref<35x128xi32, #tpu.memory_space<vmem>> -> memref<1x128xi32, #tpu.memory_space<vmem>>
        %dma_wait3A_117 = tpu.memref_squeeze %dma_wait3A_116 : memref<1x128xi32, #tpu.memory_space<vmem>> -> memref<128xi32, #tpu.memory_space<vmem>>
        %dma_wait3A_118 = arith.constant 0 : i32
        %dma_wait3A_119 = arith.constant 0 : i32
        %dma_wait3A_120 = tpu.memref_slice %arg2[%scan3A, %dma_wait3A_118, %dma_wait3A_119] : memref<2x10000x128xf32, #tpu.memory_space<hbm>> -> memref<1x10000x128xf32, #tpu.memory_space<hbm>>
        %dma_wait3A_121 = tpu.memref_squeeze %dma_wait3A_120 : memref<1x10000x128xf32, #tpu.memory_space<hbm>> -> memref<10000x128xf32, #tpu.memory_space<hbm>>
        %dma_wait3A_122 = arith.constant 0 : i32
        %dma_wait3A_123 = arith.constant 0 : i32
        %dma_wait3A_124 = tpu.memref_slice %dma_wait3A_121[%dma_wait3A_122, %dma_wait3A_123] : memref<10000x128xf32, #tpu.memory_space<hbm>> -> memref<10000x128xf32, #tpu.memory_space<hbm>>
        tpu.wait_indirect_dma semaphore(%arg13 : memref<!tpu.dma_semaphore, #tpu.memory_space<semaphore_mem>>) src(%dma_wait3A_124 : memref<10000x128xf32, #tpu.memory_space<hbm>>) dst(%arg10 : memref<128x128xf32, #tpu.memory_space<vmem>>)
        %dma_start3A_125 = arith.constant 4 : i32
        %dma_start3A_126 = arith.constant 0 : i32
        %dma_start3A_127 = tpu.memref_slice %arg7[%dma_start3A_125, %dma_start3A_126] : memref<35x128xi32, #tpu.memory_space<vmem>> -> memref<1x128xi32, #tpu.memory_space<vmem>>
        %dma_start3A_128 = tpu.memref_squeeze %dma_start3A_127 : memref<1x128xi32, #tpu.memory_space<vmem>> -> memref<128xi32, #tpu.memory_space<vmem>>
        %dma_start3A_129 = arith.constant 0 : i32
        %dma_start3A_130 = arith.constant 0 : i32
        %dma_start3A_131 = tpu.memref_slice %arg2[%scan3A, %dma_start3A_129, %dma_start3A_130] : memref<2x10000x128xf32, #tpu.memory_space<hbm>> -> memref<1x10000x128xf32, #tpu.memory_space<hbm>>
        %dma_start3A_132 = tpu.memref_squeeze %dma_start3A_131 : memref<1x10000x128xf32, #tpu.memory_space<hbm>> -> memref<10000x128xf32, #tpu.memory_space<hbm>>
        %dma_start3A_133 = arith.constant 0 : i32
        %dma_start3A_134 = arith.constant 0 : i32
        %dma_start3A_135 = tpu.memref_slice %dma_start3A_132[%dma_start3A_133, %dma_start3A_134] : memref<10000x128xf32, #tpu.memory_space<hbm>> -> memref<10000x128xf32, #tpu.memory_space<hbm>>
        tpu.enqueue_indirect_dma source(%dma_start3A_135 : memref<10000x128xf32, #tpu.memory_space<hbm>>) target(%arg9 : memref<128x128xf32, #tpu.memory_space<vmem>>) offsets(%dma_start3A_128 : memref<128xi32, #tpu.memory_space<vmem>>) semaphore(%arg12 : memref<!tpu.dma_semaphore, #tpu.memory_space<semaphore_mem>>)
        %run_scoped3A_136 = arith.constant 3 : i32
        "tpu.region"() ({
          %run_scoped3A_840 = tpu.sem_alloc : memref<!tpu.dma_semaphore, #tpu.memory_space<semaphore_mem>>
          %dma_start3A_841 = arith.constant 0 : i32
          %dma_start3A_842 = tpu.memref_slice %arg8[%run_scoped3A_136, %dma_start3A_841] : memref<35x128xi32, #tpu.memory_space<vmem>> -> memref<1x128xi32, #tpu.memory_space<vmem>>
          %dma_start3A_843 = tpu.memref_squeeze %dma_start3A_842 : memref<1x128xi32, #tpu.memory_space<vmem>> -> memref<128xi32, #tpu.memory_space<vmem>>
          %dma_start3A_844 = arith.constant 0 : i32
          %dma_start3A_845 = arith.constant 0 : i32
          %dma_start3A_846 = tpu.memref_slice %arg11[%dma_start3A_844, %dma_start3A_845] : memref<10008x128xf32, #tpu.memory_space<vmem_shared>> -> memref<10008x128xf32, #tpu.memory_space<vmem_shared>>
          tpu.enqueue_indirect_dma source(%arg10 : memref<128x128xf32, #tpu.memory_space<vmem>>) target(%dma_start3A_846 : memref<10008x128xf32, #tpu.memory_space<vmem_shared>>) offsets(%dma_start3A_843 : memref<128xi32, #tpu.memory_space<vmem>>) semaphore(%run_scoped3A_840 : memref<!tpu.dma_semaphore, #tpu.memory_space<semaphore_mem>>) {add = true}
          %dma_wait3A_847 = arith.constant 0 : i32
          %dma_wait3A_848 = tpu.memref_slice %arg8[%run_scoped3A_136, %dma_wait3A_847] : memref<35x128xi32, #tpu.memory_space<vmem>> -> memref<1x128xi32, #tpu.memory_space<vmem>>
          %dma_wait3A_849 = tpu.memref_squeeze %dma_wait3A_848 : memref<1x128xi32, #tpu.memory_space<vmem>> -> memref<128xi32, #tpu.memory_space<vmem>>
          %dma_wait3A_850 = arith.constant 0 : i32
          %dma_wait3A_851 = arith.constant 0 : i32
          %dma_wait3A_852 = tpu.memref_slice %arg11[%dma_wait3A_850, %dma_wait3A_851] : memref<10008x128xf32, #tpu.memory_space<vmem_shared>> -> memref<10008x128xf32, #tpu.memory_space<vmem_shared>>
          tpu.wait_indirect_dma semaphore(%run_scoped3A_840 : memref<!tpu.dma_semaphore, #tpu.memory_space<semaphore_mem>>) src(%arg10 : memref<128x128xf32, #tpu.memory_space<vmem>>) dst(%dma_wait3A_852 : memref<10008x128xf32, #tpu.memory_space<vmem_shared>>)
          tpu.yield
        }) : () -> ()
        %dma_wait3A_137 = arith.constant 4 : i32
        %dma_wait3A_138 = arith.constant 0 : i32
        %dma_wait3A_139 = tpu.memref_slice %arg7[%dma_wait3A_137, %dma_wait3A_138] : memref<35x128xi32, #tpu.memory_space<vmem>> -> memref<1x128xi32, #tpu.memory_space<vmem>>
        %dma_wait3A_140 = tpu.memref_squeeze %dma_wait3A_139 : memref<1x128xi32, #tpu.memory_space<vmem>> -> memref<128xi32, #tpu.memory_space<vmem>>
        %dma_wait3A_141 = arith.constant 0 : i32
        %dma_wait3A_142 = arith.constant 0 : i32
        %dma_wait3A_143 = tpu.memref_slice %arg2[%scan3A, %dma_wait3A_141, %dma_wait3A_142] : memref<2x10000x128xf32, #tpu.memory_space<hbm>> -> memref<1x10000x128xf32, #tpu.memory_space<hbm>>
        %dma_wait3A_144 = tpu.memref_squeeze %dma_wait3A_143 : memref<1x10000x128xf32, #tpu.memory_space<hbm>> -> memref<10000x128xf32, #tpu.memory_space<hbm>>
        %dma_wait3A_145 = arith.constant 0 : i32
        %dma_wait3A_146 = arith.constant 0 : i32
        %dma_wait3A_147 = tpu.memref_slice %dma_wait3A_144[%dma_wait3A_145, %dma_wait3A_146] : memref<10000x128xf32, #tpu.memory_space<hbm>> -> memref<10000x128xf32, #tpu.memory_space<hbm>>
        tpu.wait_indirect_dma semaphore(%arg12 : memref<!tpu.dma_semaphore, #tpu.memory_space<semaphore_mem>>) src(%dma_wait3A_147 : memref<10000x128xf32, #tpu.memory_space<hbm>>) dst(%arg9 : memref<128x128xf32, #tpu.memory_space<vmem>>)
        %dma_start3A_148 = arith.constant 5 : i32
        %dma_start3A_149 = arith.constant 0 : i32
        %dma_start3A_150 = tpu.memref_slice %arg7[%dma_start3A_148, %dma_start3A_149] : memref<35x128xi32, #tpu.memory_space<vmem>> -> memref<1x128xi32, #tpu.memory_space<vmem>>
        %dma_start3A_151 = tpu.memref_squeeze %dma_start3A_150 : memref<1x128xi32, #tpu.memory_space<vmem>> -> memref<128xi32, #tpu.memory_space<vmem>>
        %dma_start3A_152 = arith.constant 0 : i32
        %dma_start3A_153 = arith.constant 0 : i32
        %dma_start3A_154 = tpu.memref_slice %arg2[%scan3A, %dma_start3A_152, %dma_start3A_153] : memref<2x10000x128xf32, #tpu.memory_space<hbm>> -> memref<1x10000x128xf32, #tpu.memory_space<hbm>>
        %dma_start3A_155 = tpu.memref_squeeze %dma_start3A_154 : memref<1x10000x128xf32, #tpu.memory_space<hbm>> -> memref<10000x128xf32, #tpu.memory_space<hbm>>
        %dma_start3A_156 = arith.constant 0 : i32
        %dma_start3A_157 = arith.constant 0 : i32
        %dma_start3A_158 = tpu.memref_slice %dma_start3A_155[%dma_start3A_156, %dma_start3A_157] : memref<10000x128xf32, #tpu.memory_space<hbm>> -> memref<10000x128xf32, #tpu.memory_space<hbm>>
        tpu.enqueue_indirect_dma source(%dma_start3A_158 : memref<10000x128xf32, #tpu.memory_space<hbm>>) target(%arg10 : memref<128x128xf32, #tpu.memory_space<vmem>>) offsets(%dma_start3A_151 : memref<128xi32, #tpu.memory_space<vmem>>) semaphore(%arg13 : memref<!tpu.dma_semaphore, #tpu.memory_space<semaphore_mem>>)
        %run_scoped3A_159 = arith.constant 4 : i32
        "tpu.region"() ({
          %run_scoped3A_840 = tpu.sem_alloc : memref<!tpu.dma_semaphore, #tpu.memory_space<semaphore_mem>>
          %dma_start3A_841 = arith.constant 0 : i32
          %dma_start3A_842 = tpu.memref_slice %arg8[%run_scoped3A_159, %dma_start3A_841] : memref<35x128xi32, #tpu.memory_space<vmem>> -> memref<1x128xi32, #tpu.memory_space<vmem>>
          %dma_start3A_843 = tpu.memref_squeeze %dma_start3A_842 : memref<1x128xi32, #tpu.memory_space<vmem>> -> memref<128xi32, #tpu.memory_space<vmem>>
          %dma_start3A_844 = arith.constant 0 : i32
          %dma_start3A_845 = arith.constant 0 : i32
          %dma_start3A_846 = tpu.memref_slice %arg11[%dma_start3A_844, %dma_start3A_845] : memref<10008x128xf32, #tpu.memory_space<vmem_shared>> -> memref<10008x128xf32, #tpu.memory_space<vmem_shared>>
          tpu.enqueue_indirect_dma source(%arg9 : memref<128x128xf32, #tpu.memory_space<vmem>>) target(%dma_start3A_846 : memref<10008x128xf32, #tpu.memory_space<vmem_shared>>) offsets(%dma_start3A_843 : memref<128xi32, #tpu.memory_space<vmem>>) semaphore(%run_scoped3A_840 : memref<!tpu.dma_semaphore, #tpu.memory_space<semaphore_mem>>) {add = true}
          %dma_wait3A_847 = arith.constant 0 : i32
          %dma_wait3A_848 = tpu.memref_slice %arg8[%run_scoped3A_159, %dma_wait3A_847] : memref<35x128xi32, #tpu.memory_space<vmem>> -> memref<1x128xi32, #tpu.memory_space<vmem>>
          %dma_wait3A_849 = tpu.memref_squeeze %dma_wait3A_848 : memref<1x128xi32, #tpu.memory_space<vmem>> -> memref<128xi32, #tpu.memory_space<vmem>>
          %dma_wait3A_850 = arith.constant 0 : i32
          %dma_wait3A_851 = arith.constant 0 : i32
          %dma_wait3A_852 = tpu.memref_slice %arg11[%dma_wait3A_850, %dma_wait3A_851] : memref<10008x128xf32, #tpu.memory_space<vmem_shared>> -> memref<10008x128xf32, #tpu.memory_space<vmem_shared>>
          tpu.wait_indirect_dma semaphore(%run_scoped3A_840 : memref<!tpu.dma_semaphore, #tpu.memory_space<semaphore_mem>>) src(%arg9 : memref<128x128xf32, #tpu.memory_space<vmem>>) dst(%dma_wait3A_852 : memref<10008x128xf32, #tpu.memory_space<vmem_shared>>)
          tpu.yield
        }) : () -> ()
        %dma_wait3A_160 = arith.constant 5 : i32
        %dma_wait3A_161 = arith.constant 0 : i32
        %dma_wait3A_162 = tpu.memref_slice %arg7[%dma_wait3A_160, %dma_wait3A_161] : memref<35x128xi32, #tpu.memory_space<vmem>> -> memref<1x128xi32, #tpu.memory_space<vmem>>
        %dma_wait3A_163 = tpu.memref_squeeze %dma_wait3A_162 : memref<1x128xi32, #tpu.memory_space<vmem>> -> memref<128xi32, #tpu.memory_space<vmem>>
        %dma_wait3A_164 = arith.constant 0 : i32
        %dma_wait3A_165 = arith.constant 0 : i32
        %dma_wait3A_166 = tpu.memref_slice %arg2[%scan3A, %dma_wait3A_164, %dma_wait3A_165] : memref<2x10000x128xf32, #tpu.memory_space<hbm>> -> memref<1x10000x128xf32, #tpu.memory_space<hbm>>
        %dma_wait3A_167 = tpu.memref_squeeze %dma_wait3A_166 : memref<1x10000x128xf32, #tpu.memory_space<hbm>> -> memref<10000x128xf32, #tpu.memory_space<hbm>>
        %dma_wait3A_168 = arith.constant 0 : i32
        %dma_wait3A_169 = arith.constant 0 : i32
        %dma_wait3A_170 = tpu.memref_slice %dma_wait3A_167[%dma_wait3A_168, %dma_wait3A_169] : memref<10000x128xf32, #tpu.memory_space<hbm>> -> memref<10000x128xf32, #tpu.memory_space<hbm>>
        tpu.wait_indirect_dma semaphore(%arg13 : memref<!tpu.dma_semaphore, #tpu.memory_space<semaphore_mem>>) src(%dma_wait3A_170 : memref<10000x128xf32, #tpu.memory_space<hbm>>) dst(%arg10 : memref<128x128xf32, #tpu.memory_space<vmem>>)
        %dma_start3A_171 = arith.constant 6 : i32
        %dma_start3A_172 = arith.constant 0 : i32
        %dma_start3A_173 = tpu.memref_slice %arg7[%dma_start3A_171, %dma_start3A_172] : memref<35x128xi32, #tpu.memory_space<vmem>> -> memref<1x128xi32, #tpu.memory_space<vmem>>
        %dma_start3A_174 = tpu.memref_squeeze %dma_start3A_173 : memref<1x128xi32, #tpu.memory_space<vmem>> -> memref<128xi32, #tpu.memory_space<vmem>>
        %dma_start3A_175 = arith.constant 0 : i32
        %dma_start3A_176 = arith.constant 0 : i32
        %dma_start3A_177 = tpu.memref_slice %arg2[%scan3A, %dma_start3A_175, %dma_start3A_176] : memref<2x10000x128xf32, #tpu.memory_space<hbm>> -> memref<1x10000x128xf32, #tpu.memory_space<hbm>>
        %dma_start3A_178 = tpu.memref_squeeze %dma_start3A_177 : memref<1x10000x128xf32, #tpu.memory_space<hbm>> -> memref<10000x128xf32, #tpu.memory_space<hbm>>
        %dma_start3A_179 = arith.constant 0 : i32
        %dma_start3A_180 = arith.constant 0 : i32
        %dma_start3A_181 = tpu.memref_slice %dma_start3A_178[%dma_start3A_179, %dma_start3A_180] : memref<10000x128xf32, #tpu.memory_space<hbm>> -> memref<10000x128xf32, #tpu.memory_space<hbm>>
        tpu.enqueue_indirect_dma source(%dma_start3A_181 : memref<10000x128xf32, #tpu.memory_space<hbm>>) target(%arg9 : memref<128x128xf32, #tpu.memory_space<vmem>>) offsets(%dma_start3A_174 : memref<128xi32, #tpu.memory_space<vmem>>) semaphore(%arg12 : memref<!tpu.dma_semaphore, #tpu.memory_space<semaphore_mem>>)
        %run_scoped3A_182 = arith.constant 5 : i32
        "tpu.region"() ({
          %run_scoped3A_840 = tpu.sem_alloc : memref<!tpu.dma_semaphore, #tpu.memory_space<semaphore_mem>>
          %dma_start3A_841 = arith.constant 0 : i32
          %dma_start3A_842 = tpu.memref_slice %arg8[%run_scoped3A_182, %dma_start3A_841] : memref<35x128xi32, #tpu.memory_space<vmem>> -> memref<1x128xi32, #tpu.memory_space<vmem>>
          %dma_start3A_843 = tpu.memref_squeeze %dma_start3A_842 : memref<1x128xi32, #tpu.memory_space<vmem>> -> memref<128xi32, #tpu.memory_space<vmem>>
          %dma_start3A_844 = arith.constant 0 : i32
          %dma_start3A_845 = arith.constant 0 : i32
          %dma_start3A_846 = tpu.memref_slice %arg11[%dma_start3A_844, %dma_start3A_845] : memref<10008x128xf32, #tpu.memory_space<vmem_shared>> -> memref<10008x128xf32, #tpu.memory_space<vmem_shared>>
          tpu.enqueue_indirect_dma source(%arg10 : memref<128x128xf32, #tpu.memory_space<vmem>>) target(%dma_start3A_846 : memref<10008x128xf32, #tpu.memory_space<vmem_shared>>) offsets(%dma_start3A_843 : memref<128xi32, #tpu.memory_space<vmem>>) semaphore(%run_scoped3A_840 : memref<!tpu.dma_semaphore, #tpu.memory_space<semaphore_mem>>) {add = true}
          %dma_wait3A_847 = arith.constant 0 : i32
          %dma_wait3A_848 = tpu.memref_slice %arg8[%run_scoped3A_182, %dma_wait3A_847] : memref<35x128xi32, #tpu.memory_space<vmem>> -> memref<1x128xi32, #tpu.memory_space<vmem>>
          %dma_wait3A_849 = tpu.memref_squeeze %dma_wait3A_848 : memref<1x128xi32, #tpu.memory_space<vmem>> -> memref<128xi32, #tpu.memory_space<vmem>>
          %dma_wait3A_850 = arith.constant 0 : i32
          %dma_wait3A_851 = arith.constant 0 : i32
          %dma_wait3A_852 = tpu.memref_slice %arg11[%dma_wait3A_850, %dma_wait3A_851] : memref<10008x128xf32, #tpu.memory_space<vmem_shared>> -> memref<10008x128xf32, #tpu.memory_space<vmem_shared>>
          tpu.wait_indirect_dma semaphore(%run_scoped3A_840 : memref<!tpu.dma_semaphore, #tpu.memory_space<semaphore_mem>>) src(%arg10 : memref<128x128xf32, #tpu.memory_space<vmem>>) dst(%dma_wait3A_852 : memref<10008x128xf32, #tpu.memory_space<vmem_shared>>)
          tpu.yield
        }) : () -> ()
        %dma_wait3A_183 = arith.constant 6 : i32
        %dma_wait3A_184 = arith.constant 0 : i32
        %dma_wait3A_185 = tpu.memref_slice %arg7[%dma_wait3A_183, %dma_wait3A_184] : memref<35x128xi32, #tpu.memory_space<vmem>> -> memref<1x128xi32, #tpu.memory_space<vmem>>
        %dma_wait3A_186 = tpu.memref_squeeze %dma_wait3A_185 : memref<1x128xi32, #tpu.memory_space<vmem>> -> memref<128xi32, #tpu.memory_space<vmem>>
        %dma_wait3A_187 = arith.constant 0 : i32
        %dma_wait3A_188 = arith.constant 0 : i32
        %dma_wait3A_189 = tpu.memref_slice %arg2[%scan3A, %dma_wait3A_187, %dma_wait3A_188] : memref<2x10000x128xf32, #tpu.memory_space<hbm>> -> memref<1x10000x128xf32, #tpu.memory_space<hbm>>
        %dma_wait3A_190 = tpu.memref_squeeze %dma_wait3A_189 : memref<1x10000x128xf32, #tpu.memory_space<hbm>> -> memref<10000x128xf32, #tpu.memory_space<hbm>>
        %dma_wait3A_191 = arith.constant 0 : i32
        %dma_wait3A_192 = arith.constant 0 : i32
        %dma_wait3A_193 = tpu.memref_slice %dma_wait3A_190[%dma_wait3A_191, %dma_wait3A_192] : memref<10000x128xf32, #tpu.memory_space<hbm>> -> memref<10000x128xf32, #tpu.memory_space<hbm>>
        tpu.wait_indirect_dma semaphore(%arg12 : memref<!tpu.dma_semaphore, #tpu.memory_space<semaphore_mem>>) src(%dma_wait3A_193 : memref<10000x128xf32, #tpu.memory_space<hbm>>) dst(%arg9 : memref<128x128xf32, #tpu.memory_space<vmem>>)
        %dma_start3A_194 = arith.constant 7 : i32
        %dma_start3A_195 = arith.constant 0 : i32
        %dma_start3A_196 = tpu.memref_slice %arg7[%dma_start3A_194, %dma_start3A_195] : memref<35x128xi32, #tpu.memory_space<vmem>> -> memref<1x128xi32, #tpu.memory_space<vmem>>
        %dma_start3A_197 = tpu.memref_squeeze %dma_start3A_196 : memref<1x128xi32, #tpu.memory_space<vmem>> -> memref<128xi32, #tpu.memory_space<vmem>>
        %dma_start3A_198 = arith.constant 0 : i32
        %dma_start3A_199 = arith.constant 0 : i32
        %dma_start3A_200 = tpu.memref_slice %arg2[%scan3A, %dma_start3A_198, %dma_start3A_199] : memref<2x10000x128xf32, #tpu.memory_space<hbm>> -> memref<1x10000x128xf32, #tpu.memory_space<hbm>>
        %dma_start3A_201 = tpu.memref_squeeze %dma_start3A_200 : memref<1x10000x128xf32, #tpu.memory_space<hbm>> -> memref<10000x128xf32, #tpu.memory_space<hbm>>
        %dma_start3A_202 = arith.constant 0 : i32
        %dma_start3A_203 = arith.constant 0 : i32
        %dma_start3A_204 = tpu.memref_slice %dma_start3A_201[%dma_start3A_202, %dma_start3A_203] : memref<10000x128xf32, #tpu.memory_space<hbm>> -> memref<10000x128xf32, #tpu.memory_space<hbm>>
        tpu.enqueue_indirect_dma source(%dma_start3A_204 : memref<10000x128xf32, #tpu.memory_space<hbm>>) target(%arg10 : memref<128x128xf32, #tpu.memory_space<vmem>>) offsets(%dma_start3A_197 : memref<128xi32, #tpu.memory_space<vmem>>) semaphore(%arg13 : memref<!tpu.dma_semaphore, #tpu.memory_space<semaphore_mem>>)
        %run_scoped3A_205 = arith.constant 6 : i32
        "tpu.region"() ({
          %run_scoped3A_840 = tpu.sem_alloc : memref<!tpu.dma_semaphore, #tpu.memory_space<semaphore_mem>>
          %dma_start3A_841 = arith.constant 0 : i32
          %dma_start3A_842 = tpu.memref_slice %arg8[%run_scoped3A_205, %dma_start3A_841] : memref<35x128xi32, #tpu.memory_space<vmem>> -> memref<1x128xi32, #tpu.memory_space<vmem>>
          %dma_start3A_843 = tpu.memref_squeeze %dma_start3A_842 : memref<1x128xi32, #tpu.memory_space<vmem>> -> memref<128xi32, #tpu.memory_space<vmem>>
          %dma_start3A_844 = arith.constant 0 : i32
          %dma_start3A_845 = arith.constant 0 : i32
          %dma_start3A_846 = tpu.memref_slice %arg11[%dma_start3A_844, %dma_start3A_845] : memref<10008x128xf32, #tpu.memory_space<vmem_shared>> -> memref<10008x128xf32, #tpu.memory_space<vmem_shared>>
          tpu.enqueue_indirect_dma source(%arg9 : memref<128x128xf32, #tpu.memory_space<vmem>>) target(%dma_start3A_846 : memref<10008x128xf32, #tpu.memory_space<vmem_shared>>) offsets(%dma_start3A_843 : memref<128xi32, #tpu.memory_space<vmem>>) semaphore(%run_scoped3A_840 : memref<!tpu.dma_semaphore, #tpu.memory_space<semaphore_mem>>) {add = true}
          %dma_wait3A_847 = arith.constant 0 : i32
          %dma_wait3A_848 = tpu.memref_slice %arg8[%run_scoped3A_205, %dma_wait3A_847] : memref<35x128xi32, #tpu.memory_space<vmem>> -> memref<1x128xi32, #tpu.memory_space<vmem>>
          %dma_wait3A_849 = tpu.memref_squeeze %dma_wait3A_848 : memref<1x128xi32, #tpu.memory_space<vmem>> -> memref<128xi32, #tpu.memory_space<vmem>>
          %dma_wait3A_850 = arith.constant 0 : i32
          %dma_wait3A_851 = arith.constant 0 : i32
          %dma_wait3A_852 = tpu.memref_slice %arg11[%dma_wait3A_850, %dma_wait3A_851] : memref<10008x128xf32, #tpu.memory_space<vmem_shared>> -> memref<10008x128xf32, #tpu.memory_space<vmem_shared>>
          tpu.wait_indirect_dma semaphore(%run_scoped3A_840 : memref<!tpu.dma_semaphore, #tpu.memory_space<semaphore_mem>>) src(%arg9 : memref<128x128xf32, #tpu.memory_space<vmem>>) dst(%dma_wait3A_852 : memref<10008x128xf32, #tpu.memory_space<vmem_shared>>)
          tpu.yield
        }) : () -> ()
        %dma_wait3A_206 = arith.constant 7 : i32
        %dma_wait3A_207 = arith.constant 0 : i32
        %dma_wait3A_208 = tpu.memref_slice %arg7[%dma_wait3A_206, %dma_wait3A_207] : memref<35x128xi32, #tpu.memory_space<vmem>> -> memref<1x128xi32, #tpu.memory_space<vmem>>
        %dma_wait3A_209 = tpu.memref_squeeze %dma_wait3A_208 : memref<1x128xi32, #tpu.memory_space<vmem>> -> memref<128xi32, #tpu.memory_space<vmem>>
        %dma_wait3A_210 = arith.constant 0 : i32
        %dma_wait3A_211 = arith.constant 0 : i32
        %dma_wait3A_212 = tpu.memref_slice %arg2[%scan3A, %dma_wait3A_210, %dma_wait3A_211] : memref<2x10000x128xf32, #tpu.memory_space<hbm>> -> memref<1x10000x128xf32, #tpu.memory_space<hbm>>
        %dma_wait3A_213 = tpu.memref_squeeze %dma_wait3A_212 : memref<1x10000x128xf32, #tpu.memory_space<hbm>> -> memref<10000x128xf32, #tpu.memory_space<hbm>>
        %dma_wait3A_214 = arith.constant 0 : i32
        %dma_wait3A_215 = arith.constant 0 : i32
        %dma_wait3A_216 = tpu.memref_slice %dma_wait3A_213[%dma_wait3A_214, %dma_wait3A_215] : memref<10000x128xf32, #tpu.memory_space<hbm>> -> memref<10000x128xf32, #tpu.memory_space<hbm>>
        tpu.wait_indirect_dma semaphore(%arg13 : memref<!tpu.dma_semaphore, #tpu.memory_space<semaphore_mem>>) src(%dma_wait3A_216 : memref<10000x128xf32, #tpu.memory_space<hbm>>) dst(%arg10 : memref<128x128xf32, #tpu.memory_space<vmem>>)
        %dma_start3A_217 = arith.constant 8 : i32
        %dma_start3A_218 = arith.constant 0 : i32
        %dma_start3A_219 = tpu.memref_slice %arg7[%dma_start3A_217, %dma_start3A_218] : memref<35x128xi32, #tpu.memory_space<vmem>> -> memref<1x128xi32, #tpu.memory_space<vmem>>
        %dma_start3A_220 = tpu.memref_squeeze %dma_start3A_219 : memref<1x128xi32, #tpu.memory_space<vmem>> -> memref<128xi32, #tpu.memory_space<vmem>>
        %dma_start3A_221 = arith.constant 0 : i32
        %dma_start3A_222 = arith.constant 0 : i32
        %dma_start3A_223 = tpu.memref_slice %arg2[%scan3A, %dma_start3A_221, %dma_start3A_222] : memref<2x10000x128xf32, #tpu.memory_space<hbm>> -> memref<1x10000x128xf32, #tpu.memory_space<hbm>>
        %dma_start3A_224 = tpu.memref_squeeze %dma_start3A_223 : memref<1x10000x128xf32, #tpu.memory_space<hbm>> -> memref<10000x128xf32, #tpu.memory_space<hbm>>
        %dma_start3A_225 = arith.constant 0 : i32
        %dma_start3A_226 = arith.constant 0 : i32
        %dma_start3A_227 = tpu.memref_slice %dma_start3A_224[%dma_start3A_225, %dma_start3A_226] : memref<10000x128xf32, #tpu.memory_space<hbm>> -> memref<10000x128xf32, #tpu.memory_space<hbm>>
        tpu.enqueue_indirect_dma source(%dma_start3A_227 : memref<10000x128xf32, #tpu.memory_space<hbm>>) target(%arg9 : memref<128x128xf32, #tpu.memory_space<vmem>>) offsets(%dma_start3A_220 : memref<128xi32, #tpu.memory_space<vmem>>) semaphore(%arg12 : memref<!tpu.dma_semaphore, #tpu.memory_space<semaphore_mem>>)
        %run_scoped3A_228 = arith.constant 7 : i32
        "tpu.region"() ({
          %run_scoped3A_840 = tpu.sem_alloc : memref<!tpu.dma_semaphore, #tpu.memory_space<semaphore_mem>>
          %dma_start3A_841 = arith.constant 0 : i32
          %dma_start3A_842 = tpu.memref_slice %arg8[%run_scoped3A_228, %dma_start3A_841] : memref<35x128xi32, #tpu.memory_space<vmem>> -> memref<1x128xi32, #tpu.memory_space<vmem>>
          %dma_start3A_843 = tpu.memref_squeeze %dma_start3A_842 : memref<1x128xi32, #tpu.memory_space<vmem>> -> memref<128xi32, #tpu.memory_space<vmem>>
          %dma_start3A_844 = arith.constant 0 : i32
          %dma_start3A_845 = arith.constant 0 : i32
          %dma_start3A_846 = tpu.memref_slice %arg11[%dma_start3A_844, %dma_start3A_845] : memref<10008x128xf32, #tpu.memory_space<vmem_shared>> -> memref<10008x128xf32, #tpu.memory_space<vmem_shared>>
          tpu.enqueue_indirect_dma source(%arg10 : memref<128x128xf32, #tpu.memory_space<vmem>>) target(%dma_start3A_846 : memref<10008x128xf32, #tpu.memory_space<vmem_shared>>) offsets(%dma_start3A_843 : memref<128xi32, #tpu.memory_space<vmem>>) semaphore(%run_scoped3A_840 : memref<!tpu.dma_semaphore, #tpu.memory_space<semaphore_mem>>) {add = true}
          %dma_wait3A_847 = arith.constant 0 : i32
          %dma_wait3A_848 = tpu.memref_slice %arg8[%run_scoped3A_228, %dma_wait3A_847] : memref<35x128xi32, #tpu.memory_space<vmem>> -> memref<1x128xi32, #tpu.memory_space<vmem>>
          %dma_wait3A_849 = tpu.memref_squeeze %dma_wait3A_848 : memref<1x128xi32, #tpu.memory_space<vmem>> -> memref<128xi32, #tpu.memory_space<vmem>>
          %dma_wait3A_850 = arith.constant 0 : i32
          %dma_wait3A_851 = arith.constant 0 : i32
          %dma_wait3A_852 = tpu.memref_slice %arg11[%dma_wait3A_850, %dma_wait3A_851] : memref<10008x128xf32, #tpu.memory_space<vmem_shared>> -> memref<10008x128xf32, #tpu.memory_space<vmem_shared>>
          tpu.wait_indirect_dma semaphore(%run_scoped3A_840 : memref<!tpu.dma_semaphore, #tpu.memory_space<semaphore_mem>>) src(%arg10 : memref<128x128xf32, #tpu.memory_space<vmem>>) dst(%dma_wait3A_852 : memref<10008x128xf32, #tpu.memory_space<vmem_shared>>)
          tpu.yield
        }) : () -> ()
        %dma_wait3A_229 = arith.constant 8 : i32
        %dma_wait3A_230 = arith.constant 0 : i32
        %dma_wait3A_231 = tpu.memref_slice %arg7[%dma_wait3A_229, %dma_wait3A_230] : memref<35x128xi32, #tpu.memory_space<vmem>> -> memref<1x128xi32, #tpu.memory_space<vmem>>
        %dma_wait3A_232 = tpu.memref_squeeze %dma_wait3A_231 : memref<1x128xi32, #tpu.memory_space<vmem>> -> memref<128xi32, #tpu.memory_space<vmem>>
        %dma_wait3A_233 = arith.constant 0 : i32
        %dma_wait3A_234 = arith.constant 0 : i32
        %dma_wait3A_235 = tpu.memref_slice %arg2[%scan3A, %dma_wait3A_233, %dma_wait3A_234] : memref<2x10000x128xf32, #tpu.memory_space<hbm>> -> memref<1x10000x128xf32, #tpu.memory_space<hbm>>
        %dma_wait3A_236 = tpu.memref_squeeze %dma_wait3A_235 : memref<1x10000x128xf32, #tpu.memory_space<hbm>> -> memref<10000x128xf32, #tpu.memory_space<hbm>>
        %dma_wait3A_237 = arith.constant 0 : i32
        %dma_wait3A_238 = arith.constant 0 : i32
        %dma_wait3A_239 = tpu.memref_slice %dma_wait3A_236[%dma_wait3A_237, %dma_wait3A_238] : memref<10000x128xf32, #tpu.memory_space<hbm>> -> memref<10000x128xf32, #tpu.memory_space<hbm>>
        tpu.wait_indirect_dma semaphore(%arg12 : memref<!tpu.dma_semaphore, #tpu.memory_space<semaphore_mem>>) src(%dma_wait3A_239 : memref<10000x128xf32, #tpu.memory_space<hbm>>) dst(%arg9 : memref<128x128xf32, #tpu.memory_space<vmem>>)
        %dma_start3A_240 = arith.constant 9 : i32
        %dma_start3A_241 = arith.constant 0 : i32
        %dma_start3A_242 = tpu.memref_slice %arg7[%dma_start3A_240, %dma_start3A_241] : memref<35x128xi32, #tpu.memory_space<vmem>> -> memref<1x128xi32, #tpu.memory_space<vmem>>
        %dma_start3A_243 = tpu.memref_squeeze %dma_start3A_242 : memref<1x128xi32, #tpu.memory_space<vmem>> -> memref<128xi32, #tpu.memory_space<vmem>>
        %dma_start3A_244 = arith.constant 0 : i32
        %dma_start3A_245 = arith.constant 0 : i32
        %dma_start3A_246 = tpu.memref_slice %arg2[%scan3A, %dma_start3A_244, %dma_start3A_245] : memref<2x10000x128xf32, #tpu.memory_space<hbm>> -> memref<1x10000x128xf32, #tpu.memory_space<hbm>>
        %dma_start3A_247 = tpu.memref_squeeze %dma_start3A_246 : memref<1x10000x128xf32, #tpu.memory_space<hbm>> -> memref<10000x128xf32, #tpu.memory_space<hbm>>
        %dma_start3A_248 = arith.constant 0 : i32
        %dma_start3A_249 = arith.constant 0 : i32
        %dma_start3A_250 = tpu.memref_slice %dma_start3A_247[%dma_start3A_248, %dma_start3A_249] : memref<10000x128xf32, #tpu.memory_space<hbm>> -> memref<10000x128xf32, #tpu.memory_space<hbm>>
        tpu.enqueue_indirect_dma source(%dma_start3A_250 : memref<10000x128xf32, #tpu.memory_space<hbm>>) target(%arg10 : memref<128x128xf32, #tpu.memory_space<vmem>>) offsets(%dma_start3A_243 : memref<128xi32, #tpu.memory_space<vmem>>) semaphore(%arg13 : memref<!tpu.dma_semaphore, #tpu.memory_space<semaphore_mem>>)
        %run_scoped3A_251 = arith.constant 8 : i32
        "tpu.region"() ({
          %run_scoped3A_840 = tpu.sem_alloc : memref<!tpu.dma_semaphore, #tpu.memory_space<semaphore_mem>>
          %dma_start3A_841 = arith.constant 0 : i32
          %dma_start3A_842 = tpu.memref_slice %arg8[%run_scoped3A_251, %dma_start3A_841] : memref<35x128xi32, #tpu.memory_space<vmem>> -> memref<1x128xi32, #tpu.memory_space<vmem>>
          %dma_start3A_843 = tpu.memref_squeeze %dma_start3A_842 : memref<1x128xi32, #tpu.memory_space<vmem>> -> memref<128xi32, #tpu.memory_space<vmem>>
          %dma_start3A_844 = arith.constant 0 : i32
          %dma_start3A_845 = arith.constant 0 : i32
          %dma_start3A_846 = tpu.memref_slice %arg11[%dma_start3A_844, %dma_start3A_845] : memref<10008x128xf32, #tpu.memory_space<vmem_shared>> -> memref<10008x128xf32, #tpu.memory_space<vmem_shared>>
          tpu.enqueue_indirect_dma source(%arg9 : memref<128x128xf32, #tpu.memory_space<vmem>>) target(%dma_start3A_846 : memref<10008x128xf32, #tpu.memory_space<vmem_shared>>) offsets(%dma_start3A_843 : memref<128xi32, #tpu.memory_space<vmem>>) semaphore(%run_scoped3A_840 : memref<!tpu.dma_semaphore, #tpu.memory_space<semaphore_mem>>) {add = true}
          %dma_wait3A_847 = arith.constant 0 : i32
          %dma_wait3A_848 = tpu.memref_slice %arg8[%run_scoped3A_251, %dma_wait3A_847] : memref<35x128xi32, #tpu.memory_space<vmem>> -> memref<1x128xi32, #tpu.memory_space<vmem>>
          %dma_wait3A_849 = tpu.memref_squeeze %dma_wait3A_848 : memref<1x128xi32, #tpu.memory_space<vmem>> -> memref<128xi32, #tpu.memory_space<vmem>>
          %dma_wait3A_850 = arith.constant 0 : i32
          %dma_wait3A_851 = arith.constant 0 : i32
          %dma_wait3A_852 = tpu.memref_slice %arg11[%dma_wait3A_850, %dma_wait3A_851] : memref<10008x128xf32, #tpu.memory_space<vmem_shared>> -> memref<10008x128xf32, #tpu.memory_space<vmem_shared>>
          tpu.wait_indirect_dma semaphore(%run_scoped3A_840 : memref<!tpu.dma_semaphore, #tpu.memory_space<semaphore_mem>>) src(%arg9 : memref<128x128xf32, #tpu.memory_space<vmem>>) dst(%dma_wait3A_852 : memref<10008x128xf32, #tpu.memory_space<vmem_shared>>)
          tpu.yield
        }) : () -> ()
        %dma_wait3A_252 = arith.constant 9 : i32
        %dma_wait3A_253 = arith.constant 0 : i32
        %dma_wait3A_254 = tpu.memref_slice %arg7[%dma_wait3A_252, %dma_wait3A_253] : memref<35x128xi32, #tpu.memory_space<vmem>> -> memref<1x128xi32, #tpu.memory_space<vmem>>
        %dma_wait3A_255 = tpu.memref_squeeze %dma_wait3A_254 : memref<1x128xi32, #tpu.memory_space<vmem>> -> memref<128xi32, #tpu.memory_space<vmem>>
        %dma_wait3A_256 = arith.constant 0 : i32
        %dma_wait3A_257 = arith.constant 0 : i32
        %dma_wait3A_258 = tpu.memref_slice %arg2[%scan3A, %dma_wait3A_256, %dma_wait3A_257] : memref<2x10000x128xf32, #tpu.memory_space<hbm>> -> memref<1x10000x128xf32, #tpu.memory_space<hbm>>
        %dma_wait3A_259 = tpu.memref_squeeze %dma_wait3A_258 : memref<1x10000x128xf32, #tpu.memory_space<hbm>> -> memref<10000x128xf32, #tpu.memory_space<hbm>>
        %dma_wait3A_260 = arith.constant 0 : i32
        %dma_wait3A_261 = arith.constant 0 : i32
        %dma_wait3A_262 = tpu.memref_slice %dma_wait3A_259[%dma_wait3A_260, %dma_wait3A_261] : memref<10000x128xf32, #tpu.memory_space<hbm>> -> memref<10000x128xf32, #tpu.memory_space<hbm>>
        tpu.wait_indirect_dma semaphore(%arg13 : memref<!tpu.dma_semaphore, #tpu.memory_space<semaphore_mem>>) src(%dma_wait3A_262 : memref<10000x128xf32, #tpu.memory_space<hbm>>) dst(%arg10 : memref<128x128xf32, #tpu.memory_space<vmem>>)
        %dma_start3A_263 = arith.constant 10 : i32
        %dma_start3A_264 = arith.constant 0 : i32
        %dma_start3A_265 = tpu.memref_slice %arg7[%dma_start3A_263, %dma_start3A_264] : memref<35x128xi32, #tpu.memory_space<vmem>> -> memref<1x128xi32, #tpu.memory_space<vmem>>
        %dma_start3A_266 = tpu.memref_squeeze %dma_start3A_265 : memref<1x128xi32, #tpu.memory_space<vmem>> -> memref<128xi32, #tpu.memory_space<vmem>>
        %dma_start3A_267 = arith.constant 0 : i32
        %dma_start3A_268 = arith.constant 0 : i32
        %dma_start3A_269 = tpu.memref_slice %arg2[%scan3A, %dma_start3A_267, %dma_start3A_268] : memref<2x10000x128xf32, #tpu.memory_space<hbm>> -> memref<1x10000x128xf32, #tpu.memory_space<hbm>>
        %dma_start3A_270 = tpu.memref_squeeze %dma_start3A_269 : memref<1x10000x128xf32, #tpu.memory_space<hbm>> -> memref<10000x128xf32, #tpu.memory_space<hbm>>
        %dma_start3A_271 = arith.constant 0 : i32
        %dma_start3A_272 = arith.constant 0 : i32
        %dma_start3A_273 = tpu.memref_slice %dma_start3A_270[%dma_start3A_271, %dma_start3A_272] : memref<10000x128xf32, #tpu.memory_space<hbm>> -> memref<10000x128xf32, #tpu.memory_space<hbm>>
        tpu.enqueue_indirect_dma source(%dma_start3A_273 : memref<10000x128xf32, #tpu.memory_space<hbm>>) target(%arg9 : memref<128x128xf32, #tpu.memory_space<vmem>>) offsets(%dma_start3A_266 : memref<128xi32, #tpu.memory_space<vmem>>) semaphore(%arg12 : memref<!tpu.dma_semaphore, #tpu.memory_space<semaphore_mem>>)
        %run_scoped3A_274 = arith.constant 9 : i32
        "tpu.region"() ({
          %run_scoped3A_840 = tpu.sem_alloc : memref<!tpu.dma_semaphore, #tpu.memory_space<semaphore_mem>>
          %dma_start3A_841 = arith.constant 0 : i32
          %dma_start3A_842 = tpu.memref_slice %arg8[%run_scoped3A_274, %dma_start3A_841] : memref<35x128xi32, #tpu.memory_space<vmem>> -> memref<1x128xi32, #tpu.memory_space<vmem>>
          %dma_start3A_843 = tpu.memref_squeeze %dma_start3A_842 : memref<1x128xi32, #tpu.memory_space<vmem>> -> memref<128xi32, #tpu.memory_space<vmem>>
          %dma_start3A_844 = arith.constant 0 : i32
          %dma_start3A_845 = arith.constant 0 : i32
          %dma_start3A_846 = tpu.memref_slice %arg11[%dma_start3A_844, %dma_start3A_845] : memref<10008x128xf32, #tpu.memory_space<vmem_shared>> -> memref<10008x128xf32, #tpu.memory_space<vmem_shared>>
          tpu.enqueue_indirect_dma source(%arg10 : memref<128x128xf32, #tpu.memory_space<vmem>>) target(%dma_start3A_846 : memref<10008x128xf32, #tpu.memory_space<vmem_shared>>) offsets(%dma_start3A_843 : memref<128xi32, #tpu.memory_space<vmem>>) semaphore(%run_scoped3A_840 : memref<!tpu.dma_semaphore, #tpu.memory_space<semaphore_mem>>) {add = true}
          %dma_wait3A_847 = arith.constant 0 : i32
          %dma_wait3A_848 = tpu.memref_slice %arg8[%run_scoped3A_274, %dma_wait3A_847] : memref<35x128xi32, #tpu.memory_space<vmem>> -> memref<1x128xi32, #tpu.memory_space<vmem>>
          %dma_wait3A_849 = tpu.memref_squeeze %dma_wait3A_848 : memref<1x128xi32, #tpu.memory_space<vmem>> -> memref<128xi32, #tpu.memory_space<vmem>>
          %dma_wait3A_850 = arith.constant 0 : i32
          %dma_wait3A_851 = arith.constant 0 : i32
          %dma_wait3A_852 = tpu.memref_slice %arg11[%dma_wait3A_850, %dma_wait3A_851] : memref<10008x128xf32, #tpu.memory_space<vmem_shared>> -> memref<10008x128xf32, #tpu.memory_space<vmem_shared>>
          tpu.wait_indirect_dma semaphore(%run_scoped3A_840 : memref<!tpu.dma_semaphore, #tpu.memory_space<semaphore_mem>>) src(%arg10 : memref<128x128xf32, #tpu.memory_space<vmem>>) dst(%dma_wait3A_852 : memref<10008x128xf32, #tpu.memory_space<vmem_shared>>)
          tpu.yield
        }) : () -> ()
        %dma_wait3A_275 = arith.constant 10 : i32
        %dma_wait3A_276 = arith.constant 0 : i32
        %dma_wait3A_277 = tpu.memref_slice %arg7[%dma_wait3A_275, %dma_wait3A_276] : memref<35x128xi32, #tpu.memory_space<vmem>> -> memref<1x128xi32, #tpu.memory_space<vmem>>
        %dma_wait3A_278 = tpu.memref_squeeze %dma_wait3A_277 : memref<1x128xi32, #tpu.memory_space<vmem>> -> memref<128xi32, #tpu.memory_space<vmem>>
        %dma_wait3A_279 = arith.constant 0 : i32
        %dma_wait3A_280 = arith.constant 0 : i32
        %dma_wait3A_281 = tpu.memref_slice %arg2[%scan3A, %dma_wait3A_279, %dma_wait3A_280] : memref<2x10000x128xf32, #tpu.memory_space<hbm>> -> memref<1x10000x128xf32, #tpu.memory_space<hbm>>
        %dma_wait3A_282 = tpu.memref_squeeze %dma_wait3A_281 : memref<1x10000x128xf32, #tpu.memory_space<hbm>> -> memref<10000x128xf32, #tpu.memory_space<hbm>>
        %dma_wait3A_283 = arith.constant 0 : i32
        %dma_wait3A_284 = arith.constant 0 : i32
        %dma_wait3A_285 = tpu.memref_slice %dma_wait3A_282[%dma_wait3A_283, %dma_wait3A_284] : memref<10000x128xf32, #tpu.memory_space<hbm>> -> memref<10000x128xf32, #tpu.memory_space<hbm>>
        tpu.wait_indirect_dma semaphore(%arg12 : memref<!tpu.dma_semaphore, #tpu.memory_space<semaphore_mem>>) src(%dma_wait3A_285 : memref<10000x128xf32, #tpu.memory_space<hbm>>) dst(%arg9 : memref<128x128xf32, #tpu.memory_space<vmem>>)
        %dma_start3A_286 = arith.constant 11 : i32
        %dma_start3A_287 = arith.constant 0 : i32
        %dma_start3A_288 = tpu.memref_slice %arg7[%dma_start3A_286, %dma_start3A_287] : memref<35x128xi32, #tpu.memory_space<vmem>> -> memref<1x128xi32, #tpu.memory_space<vmem>>
        %dma_start3A_289 = tpu.memref_squeeze %dma_start3A_288 : memref<1x128xi32, #tpu.memory_space<vmem>> -> memref<128xi32, #tpu.memory_space<vmem>>
        %dma_start3A_290 = arith.constant 0 : i32
        %dma_start3A_291 = arith.constant 0 : i32
        %dma_start3A_292 = tpu.memref_slice %arg2[%scan3A, %dma_start3A_290, %dma_start3A_291] : memref<2x10000x128xf32, #tpu.memory_space<hbm>> -> memref<1x10000x128xf32, #tpu.memory_space<hbm>>
        %dma_start3A_293 = tpu.memref_squeeze %dma_start3A_292 : memref<1x10000x128xf32, #tpu.memory_space<hbm>> -> memref<10000x128xf32, #tpu.memory_space<hbm>>
        %dma_start3A_294 = arith.constant 0 : i32
        %dma_start3A_295 = arith.constant 0 : i32
        %dma_start3A_296 = tpu.memref_slice %dma_start3A_293[%dma_start3A_294, %dma_start3A_295] : memref<10000x128xf32, #tpu.memory_space<hbm>> -> memref<10000x128xf32, #tpu.memory_space<hbm>>
        tpu.enqueue_indirect_dma source(%dma_start3A_296 : memref<10000x128xf32, #tpu.memory_space<hbm>>) target(%arg10 : memref<128x128xf32, #tpu.memory_space<vmem>>) offsets(%dma_start3A_289 : memref<128xi32, #tpu.memory_space<vmem>>) semaphore(%arg13 : memref<!tpu.dma_semaphore, #tpu.memory_space<semaphore_mem>>)
        %run_scoped3A_297 = arith.constant 10 : i32
        "tpu.region"() ({
          %run_scoped3A_840 = tpu.sem_alloc : memref<!tpu.dma_semaphore, #tpu.memory_space<semaphore_mem>>
          %dma_start3A_841 = arith.constant 0 : i32
          %dma_start3A_842 = tpu.memref_slice %arg8[%run_scoped3A_297, %dma_start3A_841] : memref<35x128xi32, #tpu.memory_space<vmem>> -> memref<1x128xi32, #tpu.memory_space<vmem>>
          %dma_start3A_843 = tpu.memref_squeeze %dma_start3A_842 : memref<1x128xi32, #tpu.memory_space<vmem>> -> memref<128xi32, #tpu.memory_space<vmem>>
          %dma_start3A_844 = arith.constant 0 : i32
          %dma_start3A_845 = arith.constant 0 : i32
          %dma_start3A_846 = tpu.memref_slice %arg11[%dma_start3A_844, %dma_start3A_845] : memref<10008x128xf32, #tpu.memory_space<vmem_shared>> -> memref<10008x128xf32, #tpu.memory_space<vmem_shared>>
          tpu.enqueue_indirect_dma source(%arg9 : memref<128x128xf32, #tpu.memory_space<vmem>>) target(%dma_start3A_846 : memref<10008x128xf32, #tpu.memory_space<vmem_shared>>) offsets(%dma_start3A_843 : memref<128xi32, #tpu.memory_space<vmem>>) semaphore(%run_scoped3A_840 : memref<!tpu.dma_semaphore, #tpu.memory_space<semaphore_mem>>) {add = true}
          %dma_wait3A_847 = arith.constant 0 : i32
          %dma_wait3A_848 = tpu.memref_slice %arg8[%run_scoped3A_297, %dma_wait3A_847] : memref<35x128xi32, #tpu.memory_space<vmem>> -> memref<1x128xi32, #tpu.memory_space<vmem>>
          %dma_wait3A_849 = tpu.memref_squeeze %dma_wait3A_848 : memref<1x128xi32, #tpu.memory_space<vmem>> -> memref<128xi32, #tpu.memory_space<vmem>>
          %dma_wait3A_850 = arith.constant 0 : i32
          %dma_wait3A_851 = arith.constant 0 : i32
          %dma_wait3A_852 = tpu.memref_slice %arg11[%dma_wait3A_850, %dma_wait3A_851] : memref<10008x128xf32, #tpu.memory_space<vmem_shared>> -> memref<10008x128xf32, #tpu.memory_space<vmem_shared>>
          tpu.wait_indirect_dma semaphore(%run_scoped3A_840 : memref<!tpu.dma_semaphore, #tpu.memory_space<semaphore_mem>>) src(%arg9 : memref<128x128xf32, #tpu.memory_space<vmem>>) dst(%dma_wait3A_852 : memref<10008x128xf32, #tpu.memory_space<vmem_shared>>)
          tpu.yield
        }) : () -> ()
        %dma_wait3A_298 = arith.constant 11 : i32
        %dma_wait3A_299 = arith.constant 0 : i32
        %dma_wait3A_300 = tpu.memref_slice %arg7[%dma_wait3A_298, %dma_wait3A_299] : memref<35x128xi32, #tpu.memory_space<vmem>> -> memref<1x128xi32, #tpu.memory_space<vmem>>
        %dma_wait3A_301 = tpu.memref_squeeze %dma_wait3A_300 : memref<1x128xi32, #tpu.memory_space<vmem>> -> memref<128xi32, #tpu.memory_space<vmem>>
        %dma_wait3A_302 = arith.constant 0 : i32
        %dma_wait3A_303 = arith.constant 0 : i32
        %dma_wait3A_304 = tpu.memref_slice %arg2[%scan3A, %dma_wait3A_302, %dma_wait3A_303] : memref<2x10000x128xf32, #tpu.memory_space<hbm>> -> memref<1x10000x128xf32, #tpu.memory_space<hbm>>
        %dma_wait3A_305 = tpu.memref_squeeze %dma_wait3A_304 : memref<1x10000x128xf32, #tpu.memory_space<hbm>> -> memref<10000x128xf32, #tpu.memory_space<hbm>>
        %dma_wait3A_306 = arith.constant 0 : i32
        %dma_wait3A_307 = arith.constant 0 : i32
        %dma_wait3A_308 = tpu.memref_slice %dma_wait3A_305[%dma_wait3A_306, %dma_wait3A_307] : memref<10000x128xf32, #tpu.memory_space<hbm>> -> memref<10000x128xf32, #tpu.memory_space<hbm>>
        tpu.wait_indirect_dma semaphore(%arg13 : memref<!tpu.dma_semaphore, #tpu.memory_space<semaphore_mem>>) src(%dma_wait3A_308 : memref<10000x128xf32, #tpu.memory_space<hbm>>) dst(%arg10 : memref<128x128xf32, #tpu.memory_space<vmem>>)
        %dma_start3A_309 = arith.constant 12 : i32
        %dma_start3A_310 = arith.constant 0 : i32
        %dma_start3A_311 = tpu.memref_slice %arg7[%dma_start3A_309, %dma_start3A_310] : memref<35x128xi32, #tpu.memory_space<vmem>> -> memref<1x128xi32, #tpu.memory_space<vmem>>
        %dma_start3A_312 = tpu.memref_squeeze %dma_start3A_311 : memref<1x128xi32, #tpu.memory_space<vmem>> -> memref<128xi32, #tpu.memory_space<vmem>>
        %dma_start3A_313 = arith.constant 0 : i32
        %dma_start3A_314 = arith.constant 0 : i32
        %dma_start3A_315 = tpu.memref_slice %arg2[%scan3A, %dma_start3A_313, %dma_start3A_314] : memref<2x10000x128xf32, #tpu.memory_space<hbm>> -> memref<1x10000x128xf32, #tpu.memory_space<hbm>>
        %dma_start3A_316 = tpu.memref_squeeze %dma_start3A_315 : memref<1x10000x128xf32, #tpu.memory_space<hbm>> -> memref<10000x128xf32, #tpu.memory_space<hbm>>
        %dma_start3A_317 = arith.constant 0 : i32
        %dma_start3A_318 = arith.constant 0 : i32
        %dma_start3A_319 = tpu.memref_slice %dma_start3A_316[%dma_start3A_317, %dma_start3A_318] : memref<10000x128xf32, #tpu.memory_space<hbm>> -> memref<10000x128xf32, #tpu.memory_space<hbm>>
        tpu.enqueue_indirect_dma source(%dma_start3A_319 : memref<10000x128xf32, #tpu.memory_space<hbm>>) target(%arg9 : memref<128x128xf32, #tpu.memory_space<vmem>>) offsets(%dma_start3A_312 : memref<128xi32, #tpu.memory_space<vmem>>) semaphore(%arg12 : memref<!tpu.dma_semaphore, #tpu.memory_space<semaphore_mem>>)
        %run_scoped3A_320 = arith.constant 11 : i32
        "tpu.region"() ({
          %run_scoped3A_840 = tpu.sem_alloc : memref<!tpu.dma_semaphore, #tpu.memory_space<semaphore_mem>>
          %dma_start3A_841 = arith.constant 0 : i32
          %dma_start3A_842 = tpu.memref_slice %arg8[%run_scoped3A_320, %dma_start3A_841] : memref<35x128xi32, #tpu.memory_space<vmem>> -> memref<1x128xi32, #tpu.memory_space<vmem>>
          %dma_start3A_843 = tpu.memref_squeeze %dma_start3A_842 : memref<1x128xi32, #tpu.memory_space<vmem>> -> memref<128xi32, #tpu.memory_space<vmem>>
          %dma_start3A_844 = arith.constant 0 : i32
          %dma_start3A_845 = arith.constant 0 : i32
          %dma_start3A_846 = tpu.memref_slice %arg11[%dma_start3A_844, %dma_start3A_845] : memref<10008x128xf32, #tpu.memory_space<vmem_shared>> -> memref<10008x128xf32, #tpu.memory_space<vmem_shared>>
          tpu.enqueue_indirect_dma source(%arg10 : memref<128x128xf32, #tpu.memory_space<vmem>>) target(%dma_start3A_846 : memref<10008x128xf32, #tpu.memory_space<vmem_shared>>) offsets(%dma_start3A_843 : memref<128xi32, #tpu.memory_space<vmem>>) semaphore(%run_scoped3A_840 : memref<!tpu.dma_semaphore, #tpu.memory_space<semaphore_mem>>) {add = true}
          %dma_wait3A_847 = arith.constant 0 : i32
          %dma_wait3A_848 = tpu.memref_slice %arg8[%run_scoped3A_320, %dma_wait3A_847] : memref<35x128xi32, #tpu.memory_space<vmem>> -> memref<1x128xi32, #tpu.memory_space<vmem>>
          %dma_wait3A_849 = tpu.memref_squeeze %dma_wait3A_848 : memref<1x128xi32, #tpu.memory_space<vmem>> -> memref<128xi32, #tpu.memory_space<vmem>>
          %dma_wait3A_850 = arith.constant 0 : i32
          %dma_wait3A_851 = arith.constant 0 : i32
          %dma_wait3A_852 = tpu.memref_slice %arg11[%dma_wait3A_850, %dma_wait3A_851] : memref<10008x128xf32, #tpu.memory_space<vmem_shared>> -> memref<10008x128xf32, #tpu.memory_space<vmem_shared>>
          tpu.wait_indirect_dma semaphore(%run_scoped3A_840 : memref<!tpu.dma_semaphore, #tpu.memory_space<semaphore_mem>>) src(%arg10 : memref<128x128xf32, #tpu.memory_space<vmem>>) dst(%dma_wait3A_852 : memref<10008x128xf32, #tpu.memory_space<vmem_shared>>)
          tpu.yield
        }) : () -> ()
        %dma_wait3A_321 = arith.constant 12 : i32
        %dma_wait3A_322 = arith.constant 0 : i32
        %dma_wait3A_323 = tpu.memref_slice %arg7[%dma_wait3A_321, %dma_wait3A_322] : memref<35x128xi32, #tpu.memory_space<vmem>> -> memref<1x128xi32, #tpu.memory_space<vmem>>
        %dma_wait3A_324 = tpu.memref_squeeze %dma_wait3A_323 : memref<1x128xi32, #tpu.memory_space<vmem>> -> memref<128xi32, #tpu.memory_space<vmem>>
        %dma_wait3A_325 = arith.constant 0 : i32
        %dma_wait3A_326 = arith.constant 0 : i32
        %dma_wait3A_327 = tpu.memref_slice %arg2[%scan3A, %dma_wait3A_325, %dma_wait3A_326] : memref<2x10000x128xf32, #tpu.memory_space<hbm>> -> memref<1x10000x128xf32, #tpu.memory_space<hbm>>
        %dma_wait3A_328 = tpu.memref_squeeze %dma_wait3A_327 : memref<1x10000x128xf32, #tpu.memory_space<hbm>> -> memref<10000x128xf32, #tpu.memory_space<hbm>>
        %dma_wait3A_329 = arith.constant 0 : i32
        %dma_wait3A_330 = arith.constant 0 : i32
        %dma_wait3A_331 = tpu.memref_slice %dma_wait3A_328[%dma_wait3A_329, %dma_wait3A_330] : memref<10000x128xf32, #tpu.memory_space<hbm>> -> memref<10000x128xf32, #tpu.memory_space<hbm>>
        tpu.wait_indirect_dma semaphore(%arg12 : memref<!tpu.dma_semaphore, #tpu.memory_space<semaphore_mem>>) src(%dma_wait3A_331 : memref<10000x128xf32, #tpu.memory_space<hbm>>) dst(%arg9 : memref<128x128xf32, #tpu.memory_space<vmem>>)
        %dma_start3A_332 = arith.constant 13 : i32
        %dma_start3A_333 = arith.constant 0 : i32
        %dma_start3A_334 = tpu.memref_slice %arg7[%dma_start3A_332, %dma_start3A_333] : memref<35x128xi32, #tpu.memory_space<vmem>> -> memref<1x128xi32, #tpu.memory_space<vmem>>
        %dma_start3A_335 = tpu.memref_squeeze %dma_start3A_334 : memref<1x128xi32, #tpu.memory_space<vmem>> -> memref<128xi32, #tpu.memory_space<vmem>>
        %dma_start3A_336 = arith.constant 0 : i32
        %dma_start3A_337 = arith.constant 0 : i32
        %dma_start3A_338 = tpu.memref_slice %arg2[%scan3A, %dma_start3A_336, %dma_start3A_337] : memref<2x10000x128xf32, #tpu.memory_space<hbm>> -> memref<1x10000x128xf32, #tpu.memory_space<hbm>>
        %dma_start3A_339 = tpu.memref_squeeze %dma_start3A_338 : memref<1x10000x128xf32, #tpu.memory_space<hbm>> -> memref<10000x128xf32, #tpu.memory_space<hbm>>
        %dma_start3A_340 = arith.constant 0 : i32
        %dma_start3A_341 = arith.constant 0 : i32
        %dma_start3A_342 = tpu.memref_slice %dma_start3A_339[%dma_start3A_340, %dma_start3A_341] : memref<10000x128xf32, #tpu.memory_space<hbm>> -> memref<10000x128xf32, #tpu.memory_space<hbm>>
        tpu.enqueue_indirect_dma source(%dma_start3A_342 : memref<10000x128xf32, #tpu.memory_space<hbm>>) target(%arg10 : memref<128x128xf32, #tpu.memory_space<vmem>>) offsets(%dma_start3A_335 : memref<128xi32, #tpu.memory_space<vmem>>) semaphore(%arg13 : memref<!tpu.dma_semaphore, #tpu.memory_space<semaphore_mem>>)
        %run_scoped3A_343 = arith.constant 12 : i32
        "tpu.region"() ({
          %run_scoped3A_840 = tpu.sem_alloc : memref<!tpu.dma_semaphore, #tpu.memory_space<semaphore_mem>>
          %dma_start3A_841 = arith.constant 0 : i32
          %dma_start3A_842 = tpu.memref_slice %arg8[%run_scoped3A_343, %dma_start3A_841] : memref<35x128xi32, #tpu.memory_space<vmem>> -> memref<1x128xi32, #tpu.memory_space<vmem>>
          %dma_start3A_843 = tpu.memref_squeeze %dma_start3A_842 : memref<1x128xi32, #tpu.memory_space<vmem>> -> memref<128xi32, #tpu.memory_space<vmem>>
          %dma_start3A_844 = arith.constant 0 : i32
          %dma_start3A_845 = arith.constant 0 : i32
          %dma_start3A_846 = tpu.memref_slice %arg11[%dma_start3A_844, %dma_start3A_845] : memref<10008x128xf32, #tpu.memory_space<vmem_shared>> -> memref<10008x128xf32, #tpu.memory_space<vmem_shared>>
          tpu.enqueue_indirect_dma source(%arg9 : memref<128x128xf32, #tpu.memory_space<vmem>>) target(%dma_start3A_846 : memref<10008x128xf32, #tpu.memory_space<vmem_shared>>) offsets(%dma_start3A_843 : memref<128xi32, #tpu.memory_space<vmem>>) semaphore(%run_scoped3A_840 : memref<!tpu.dma_semaphore, #tpu.memory_space<semaphore_mem>>) {add = true}
          %dma_wait3A_847 = arith.constant 0 : i32
          %dma_wait3A_848 = tpu.memref_slice %arg8[%run_scoped3A_343, %dma_wait3A_847] : memref<35x128xi32, #tpu.memory_space<vmem>> -> memref<1x128xi32, #tpu.memory_space<vmem>>
          %dma_wait3A_849 = tpu.memref_squeeze %dma_wait3A_848 : memref<1x128xi32, #tpu.memory_space<vmem>> -> memref<128xi32, #tpu.memory_space<vmem>>
          %dma_wait3A_850 = arith.constant 0 : i32
          %dma_wait3A_851 = arith.constant 0 : i32
          %dma_wait3A_852 = tpu.memref_slice %arg11[%dma_wait3A_850, %dma_wait3A_851] : memref<10008x128xf32, #tpu.memory_space<vmem_shared>> -> memref<10008x128xf32, #tpu.memory_space<vmem_shared>>
          tpu.wait_indirect_dma semaphore(%run_scoped3A_840 : memref<!tpu.dma_semaphore, #tpu.memory_space<semaphore_mem>>) src(%arg9 : memref<128x128xf32, #tpu.memory_space<vmem>>) dst(%dma_wait3A_852 : memref<10008x128xf32, #tpu.memory_space<vmem_shared>>)
          tpu.yield
        }) : () -> ()
        %dma_wait3A_344 = arith.constant 13 : i32
        %dma_wait3A_345 = arith.constant 0 : i32
        %dma_wait3A_346 = tpu.memref_slice %arg7[%dma_wait3A_344, %dma_wait3A_345] : memref<35x128xi32, #tpu.memory_space<vmem>> -> memref<1x128xi32, #tpu.memory_space<vmem>>
        %dma_wait3A_347 = tpu.memref_squeeze %dma_wait3A_346 : memref<1x128xi32, #tpu.memory_space<vmem>> -> memref<128xi32, #tpu.memory_space<vmem>>
        %dma_wait3A_348 = arith.constant 0 : i32
        %dma_wait3A_349 = arith.constant 0 : i32
        %dma_wait3A_350 = tpu.memref_slice %arg2[%scan3A, %dma_wait3A_348, %dma_wait3A_349] : memref<2x10000x128xf32, #tpu.memory_space<hbm>> -> memref<1x10000x128xf32, #tpu.memory_space<hbm>>
        %dma_wait3A_351 = tpu.memref_squeeze %dma_wait3A_350 : memref<1x10000x128xf32, #tpu.memory_space<hbm>> -> memref<10000x128xf32, #tpu.memory_space<hbm>>
        %dma_wait3A_352 = arith.constant 0 : i32
        %dma_wait3A_353 = arith.constant 0 : i32
        %dma_wait3A_354 = tpu.memref_slice %dma_wait3A_351[%dma_wait3A_352, %dma_wait3A_353] : memref<10000x128xf32, #tpu.memory_space<hbm>> -> memref<10000x128xf32, #tpu.memory_space<hbm>>
        tpu.wait_indirect_dma semaphore(%arg13 : memref<!tpu.dma_semaphore, #tpu.memory_space<semaphore_mem>>) src(%dma_wait3A_354 : memref<10000x128xf32, #tpu.memory_space<hbm>>) dst(%arg10 : memref<128x128xf32, #tpu.memory_space<vmem>>)
        %dma_start3A_355 = arith.constant 14 : i32
        %dma_start3A_356 = arith.constant 0 : i32
        %dma_start3A_357 = tpu.memref_slice %arg7[%dma_start3A_355, %dma_start3A_356] : memref<35x128xi32, #tpu.memory_space<vmem>> -> memref<1x128xi32, #tpu.memory_space<vmem>>
        %dma_start3A_358 = tpu.memref_squeeze %dma_start3A_357 : memref<1x128xi32, #tpu.memory_space<vmem>> -> memref<128xi32, #tpu.memory_space<vmem>>
        %dma_start3A_359 = arith.constant 0 : i32
        %dma_start3A_360 = arith.constant 0 : i32
        %dma_start3A_361 = tpu.memref_slice %arg2[%scan3A, %dma_start3A_359, %dma_start3A_360] : memref<2x10000x128xf32, #tpu.memory_space<hbm>> -> memref<1x10000x128xf32, #tpu.memory_space<hbm>>
        %dma_start3A_362 = tpu.memref_squeeze %dma_start3A_361 : memref<1x10000x128xf32, #tpu.memory_space<hbm>> -> memref<10000x128xf32, #tpu.memory_space<hbm>>
        %dma_start3A_363 = arith.constant 0 : i32
        %dma_start3A_364 = arith.constant 0 : i32
        %dma_start3A_365 = tpu.memref_slice %dma_start3A_362[%dma_start3A_363, %dma_start3A_364] : memref<10000x128xf32, #tpu.memory_space<hbm>> -> memref<10000x128xf32, #tpu.memory_space<hbm>>
        tpu.enqueue_indirect_dma source(%dma_start3A_365 : memref<10000x128xf32, #tpu.memory_space<hbm>>) target(%arg9 : memref<128x128xf32, #tpu.memory_space<vmem>>) offsets(%dma_start3A_358 : memref<128xi32, #tpu.memory_space<vmem>>) semaphore(%arg12 : memref<!tpu.dma_semaphore, #tpu.memory_space<semaphore_mem>>)
        %run_scoped3A_366 = arith.constant 13 : i32
        "tpu.region"() ({
          %run_scoped3A_840 = tpu.sem_alloc : memref<!tpu.dma_semaphore, #tpu.memory_space<semaphore_mem>>
          %dma_start3A_841 = arith.constant 0 : i32
          %dma_start3A_842 = tpu.memref_slice %arg8[%run_scoped3A_366, %dma_start3A_841] : memref<35x128xi32, #tpu.memory_space<vmem>> -> memref<1x128xi32, #tpu.memory_space<vmem>>
          %dma_start3A_843 = tpu.memref_squeeze %dma_start3A_842 : memref<1x128xi32, #tpu.memory_space<vmem>> -> memref<128xi32, #tpu.memory_space<vmem>>
          %dma_start3A_844 = arith.constant 0 : i32
          %dma_start3A_845 = arith.constant 0 : i32
          %dma_start3A_846 = tpu.memref_slice %arg11[%dma_start3A_844, %dma_start3A_845] : memref<10008x128xf32, #tpu.memory_space<vmem_shared>> -> memref<10008x128xf32, #tpu.memory_space<vmem_shared>>
          tpu.enqueue_indirect_dma source(%arg10 : memref<128x128xf32, #tpu.memory_space<vmem>>) target(%dma_start3A_846 : memref<10008x128xf32, #tpu.memory_space<vmem_shared>>) offsets(%dma_start3A_843 : memref<128xi32, #tpu.memory_space<vmem>>) semaphore(%run_scoped3A_840 : memref<!tpu.dma_semaphore, #tpu.memory_space<semaphore_mem>>) {add = true}
          %dma_wait3A_847 = arith.constant 0 : i32
          %dma_wait3A_848 = tpu.memref_slice %arg8[%run_scoped3A_366, %dma_wait3A_847] : memref<35x128xi32, #tpu.memory_space<vmem>> -> memref<1x128xi32, #tpu.memory_space<vmem>>
          %dma_wait3A_849 = tpu.memref_squeeze %dma_wait3A_848 : memref<1x128xi32, #tpu.memory_space<vmem>> -> memref<128xi32, #tpu.memory_space<vmem>>
          %dma_wait3A_850 = arith.constant 0 : i32
          %dma_wait3A_851 = arith.constant 0 : i32
          %dma_wait3A_852 = tpu.memref_slice %arg11[%dma_wait3A_850, %dma_wait3A_851] : memref<10008x128xf32, #tpu.memory_space<vmem_shared>> -> memref<10008x128xf32, #tpu.memory_space<vmem_shared>>
          tpu.wait_indirect_dma semaphore(%run_scoped3A_840 : memref<!tpu.dma_semaphore, #tpu.memory_space<semaphore_mem>>) src(%arg10 : memref<128x128xf32, #tpu.memory_space<vmem>>) dst(%dma_wait3A_852 : memref<10008x128xf32, #tpu.memory_space<vmem_shared>>)
          tpu.yield
        }) : () -> ()
        %dma_wait3A_367 = arith.constant 14 : i32
        %dma_wait3A_368 = arith.constant 0 : i32
        %dma_wait3A_369 = tpu.memref_slice %arg7[%dma_wait3A_367, %dma_wait3A_368] : memref<35x128xi32, #tpu.memory_space<vmem>> -> memref<1x128xi32, #tpu.memory_space<vmem>>
        %dma_wait3A_370 = tpu.memref_squeeze %dma_wait3A_369 : memref<1x128xi32, #tpu.memory_space<vmem>> -> memref<128xi32, #tpu.memory_space<vmem>>
        %dma_wait3A_371 = arith.constant 0 : i32
        %dma_wait3A_372 = arith.constant 0 : i32
        %dma_wait3A_373 = tpu.memref_slice %arg2[%scan3A, %dma_wait3A_371, %dma_wait3A_372] : memref<2x10000x128xf32, #tpu.memory_space<hbm>> -> memref<1x10000x128xf32, #tpu.memory_space<hbm>>
        %dma_wait3A_374 = tpu.memref_squeeze %dma_wait3A_373 : memref<1x10000x128xf32, #tpu.memory_space<hbm>> -> memref<10000x128xf32, #tpu.memory_space<hbm>>
        %dma_wait3A_375 = arith.constant 0 : i32
        %dma_wait3A_376 = arith.constant 0 : i32
        %dma_wait3A_377 = tpu.memref_slice %dma_wait3A_374[%dma_wait3A_375, %dma_wait3A_376] : memref<10000x128xf32, #tpu.memory_space<hbm>> -> memref<10000x128xf32, #tpu.memory_space<hbm>>
        tpu.wait_indirect_dma semaphore(%arg12 : memref<!tpu.dma_semaphore, #tpu.memory_space<semaphore_mem>>) src(%dma_wait3A_377 : memref<10000x128xf32, #tpu.memory_space<hbm>>) dst(%arg9 : memref<128x128xf32, #tpu.memory_space<vmem>>)
        %dma_start3A_378 = arith.constant 15 : i32
        %dma_start3A_379 = arith.constant 0 : i32
        %dma_start3A_380 = tpu.memref_slice %arg7[%dma_start3A_378, %dma_start3A_379] : memref<35x128xi32, #tpu.memory_space<vmem>> -> memref<1x128xi32, #tpu.memory_space<vmem>>
        %dma_start3A_381 = tpu.memref_squeeze %dma_start3A_380 : memref<1x128xi32, #tpu.memory_space<vmem>> -> memref<128xi32, #tpu.memory_space<vmem>>
        %dma_start3A_382 = arith.constant 0 : i32
        %dma_start3A_383 = arith.constant 0 : i32
        %dma_start3A_384 = tpu.memref_slice %arg2[%scan3A, %dma_start3A_382, %dma_start3A_383] : memref<2x10000x128xf32, #tpu.memory_space<hbm>> -> memref<1x10000x128xf32, #tpu.memory_space<hbm>>
        %dma_start3A_385 = tpu.memref_squeeze %dma_start3A_384 : memref<1x10000x128xf32, #tpu.memory_space<hbm>> -> memref<10000x128xf32, #tpu.memory_space<hbm>>
        %dma_start3A_386 = arith.constant 0 : i32
        %dma_start3A_387 = arith.constant 0 : i32
        %dma_start3A_388 = tpu.memref_slice %dma_start3A_385[%dma_start3A_386, %dma_start3A_387] : memref<10000x128xf32, #tpu.memory_space<hbm>> -> memref<10000x128xf32, #tpu.memory_space<hbm>>
        tpu.enqueue_indirect_dma source(%dma_start3A_388 : memref<10000x128xf32, #tpu.memory_space<hbm>>) target(%arg10 : memref<128x128xf32, #tpu.memory_space<vmem>>) offsets(%dma_start3A_381 : memref<128xi32, #tpu.memory_space<vmem>>) semaphore(%arg13 : memref<!tpu.dma_semaphore, #tpu.memory_space<semaphore_mem>>)
        %run_scoped3A_389 = arith.constant 14 : i32
        "tpu.region"() ({
          %run_scoped3A_840 = tpu.sem_alloc : memref<!tpu.dma_semaphore, #tpu.memory_space<semaphore_mem>>
          %dma_start3A_841 = arith.constant 0 : i32
          %dma_start3A_842 = tpu.memref_slice %arg8[%run_scoped3A_389, %dma_start3A_841] : memref<35x128xi32, #tpu.memory_space<vmem>> -> memref<1x128xi32, #tpu.memory_space<vmem>>
          %dma_start3A_843 = tpu.memref_squeeze %dma_start3A_842 : memref<1x128xi32, #tpu.memory_space<vmem>> -> memref<128xi32, #tpu.memory_space<vmem>>
          %dma_start3A_844 = arith.constant 0 : i32
          %dma_start3A_845 = arith.constant 0 : i32
          %dma_start3A_846 = tpu.memref_slice %arg11[%dma_start3A_844, %dma_start3A_845] : memref<10008x128xf32, #tpu.memory_space<vmem_shared>> -> memref<10008x128xf32, #tpu.memory_space<vmem_shared>>
          tpu.enqueue_indirect_dma source(%arg9 : memref<128x128xf32, #tpu.memory_space<vmem>>) target(%dma_start3A_846 : memref<10008x128xf32, #tpu.memory_space<vmem_shared>>) offsets(%dma_start3A_843 : memref<128xi32, #tpu.memory_space<vmem>>) semaphore(%run_scoped3A_840 : memref<!tpu.dma_semaphore, #tpu.memory_space<semaphore_mem>>) {add = true}
          %dma_wait3A_847 = arith.constant 0 : i32
          %dma_wait3A_848 = tpu.memref_slice %arg8[%run_scoped3A_389, %dma_wait3A_847] : memref<35x128xi32, #tpu.memory_space<vmem>> -> memref<1x128xi32, #tpu.memory_space<vmem>>
          %dma_wait3A_849 = tpu.memref_squeeze %dma_wait3A_848 : memref<1x128xi32, #tpu.memory_space<vmem>> -> memref<128xi32, #tpu.memory_space<vmem>>
          %dma_wait3A_850 = arith.constant 0 : i32
          %dma_wait3A_851 = arith.constant 0 : i32
          %dma_wait3A_852 = tpu.memref_slice %arg11[%dma_wait3A_850, %dma_wait3A_851] : memref<10008x128xf32, #tpu.memory_space<vmem_shared>> -> memref<10008x128xf32, #tpu.memory_space<vmem_shared>>
          tpu.wait_indirect_dma semaphore(%run_scoped3A_840 : memref<!tpu.dma_semaphore, #tpu.memory_space<semaphore_mem>>) src(%arg9 : memref<128x128xf32, #tpu.memory_space<vmem>>) dst(%dma_wait3A_852 : memref<10008x128xf32, #tpu.memory_space<vmem_shared>>)
          tpu.yield
        }) : () -> ()
        %dma_wait3A_390 = arith.constant 15 : i32
        %dma_wait3A_391 = arith.constant 0 : i32
        %dma_wait3A_392 = tpu.memref_slice %arg7[%dma_wait3A_390, %dma_wait3A_391] : memref<35x128xi32, #tpu.memory_space<vmem>> -> memref<1x128xi32, #tpu.memory_space<vmem>>
        %dma_wait3A_393 = tpu.memref_squeeze %dma_wait3A_392 : memref<1x128xi32, #tpu.memory_space<vmem>> -> memref<128xi32, #tpu.memory_space<vmem>>
        %dma_wait3A_394 = arith.constant 0 : i32
        %dma_wait3A_395 = arith.constant 0 : i32
        %dma_wait3A_396 = tpu.memref_slice %arg2[%scan3A, %dma_wait3A_394, %dma_wait3A_395] : memref<2x10000x128xf32, #tpu.memory_space<hbm>> -> memref<1x10000x128xf32, #tpu.memory_space<hbm>>
        %dma_wait3A_397 = tpu.memref_squeeze %dma_wait3A_396 : memref<1x10000x128xf32, #tpu.memory_space<hbm>> -> memref<10000x128xf32, #tpu.memory_space<hbm>>
        %dma_wait3A_398 = arith.constant 0 : i32
        %dma_wait3A_399 = arith.constant 0 : i32
        %dma_wait3A_400 = tpu.memref_slice %dma_wait3A_397[%dma_wait3A_398, %dma_wait3A_399] : memref<10000x128xf32, #tpu.memory_space<hbm>> -> memref<10000x128xf32, #tpu.memory_space<hbm>>
        tpu.wait_indirect_dma semaphore(%arg13 : memref<!tpu.dma_semaphore, #tpu.memory_space<semaphore_mem>>) src(%dma_wait3A_400 : memref<10000x128xf32, #tpu.memory_space<hbm>>) dst(%arg10 : memref<128x128xf32, #tpu.memory_space<vmem>>)
        %dma_start3A_401 = arith.constant 16 : i32
        %dma_start3A_402 = arith.constant 0 : i32
        %dma_start3A_403 = tpu.memref_slice %arg7[%dma_start3A_401, %dma_start3A_402] : memref<35x128xi32, #tpu.memory_space<vmem>> -> memref<1x128xi32, #tpu.memory_space<vmem>>
        %dma_start3A_404 = tpu.memref_squeeze %dma_start3A_403 : memref<1x128xi32, #tpu.memory_space<vmem>> -> memref<128xi32, #tpu.memory_space<vmem>>
        %dma_start3A_405 = arith.constant 0 : i32
        %dma_start3A_406 = arith.constant 0 : i32
        %dma_start3A_407 = tpu.memref_slice %arg2[%scan3A, %dma_start3A_405, %dma_start3A_406] : memref<2x10000x128xf32, #tpu.memory_space<hbm>> -> memref<1x10000x128xf32, #tpu.memory_space<hbm>>
        %dma_start3A_408 = tpu.memref_squeeze %dma_start3A_407 : memref<1x10000x128xf32, #tpu.memory_space<hbm>> -> memref<10000x128xf32, #tpu.memory_space<hbm>>
        %dma_start3A_409 = arith.constant 0 : i32
        %dma_start3A_410 = arith.constant 0 : i32
        %dma_start3A_411 = tpu.memref_slice %dma_start3A_408[%dma_start3A_409, %dma_start3A_410] : memref<10000x128xf32, #tpu.memory_space<hbm>> -> memref<10000x128xf32, #tpu.memory_space<hbm>>
        tpu.enqueue_indirect_dma source(%dma_start3A_411 : memref<10000x128xf32, #tpu.memory_space<hbm>>) target(%arg9 : memref<128x128xf32, #tpu.memory_space<vmem>>) offsets(%dma_start3A_404 : memref<128xi32, #tpu.memory_space<vmem>>) semaphore(%arg12 : memref<!tpu.dma_semaphore, #tpu.memory_space<semaphore_mem>>)
        %run_scoped3A_412 = arith.constant 15 : i32
        "tpu.region"() ({
          %run_scoped3A_840 = tpu.sem_alloc : memref<!tpu.dma_semaphore, #tpu.memory_space<semaphore_mem>>
          %dma_start3A_841 = arith.constant 0 : i32
          %dma_start3A_842 = tpu.memref_slice %arg8[%run_scoped3A_412, %dma_start3A_841] : memref<35x128xi32, #tpu.memory_space<vmem>> -> memref<1x128xi32, #tpu.memory_space<vmem>>
          %dma_start3A_843 = tpu.memref_squeeze %dma_start3A_842 : memref<1x128xi32, #tpu.memory_space<vmem>> -> memref<128xi32, #tpu.memory_space<vmem>>
          %dma_start3A_844 = arith.constant 0 : i32
          %dma_start3A_845 = arith.constant 0 : i32
          %dma_start3A_846 = tpu.memref_slice %arg11[%dma_start3A_844, %dma_start3A_845] : memref<10008x128xf32, #tpu.memory_space<vmem_shared>> -> memref<10008x128xf32, #tpu.memory_space<vmem_shared>>
          tpu.enqueue_indirect_dma source(%arg10 : memref<128x128xf32, #tpu.memory_space<vmem>>) target(%dma_start3A_846 : memref<10008x128xf32, #tpu.memory_space<vmem_shared>>) offsets(%dma_start3A_843 : memref<128xi32, #tpu.memory_space<vmem>>) semaphore(%run_scoped3A_840 : memref<!tpu.dma_semaphore, #tpu.memory_space<semaphore_mem>>) {add = true}
          %dma_wait3A_847 = arith.constant 0 : i32
          %dma_wait3A_848 = tpu.memref_slice %arg8[%run_scoped3A_412, %dma_wait3A_847] : memref<35x128xi32, #tpu.memory_space<vmem>> -> memref<1x128xi32, #tpu.memory_space<vmem>>
          %dma_wait3A_849 = tpu.memref_squeeze %dma_wait3A_848 : memref<1x128xi32, #tpu.memory_space<vmem>> -> memref<128xi32, #tpu.memory_space<vmem>>
          %dma_wait3A_850 = arith.constant 0 : i32
          %dma_wait3A_851 = arith.constant 0 : i32
          %dma_wait3A_852 = tpu.memref_slice %arg11[%dma_wait3A_850, %dma_wait3A_851] : memref<10008x128xf32, #tpu.memory_space<vmem_shared>> -> memref<10008x128xf32, #tpu.memory_space<vmem_shared>>
          tpu.wait_indirect_dma semaphore(%run_scoped3A_840 : memref<!tpu.dma_semaphore, #tpu.memory_space<semaphore_mem>>) src(%arg10 : memref<128x128xf32, #tpu.memory_space<vmem>>) dst(%dma_wait3A_852 : memref<10008x128xf32, #tpu.memory_space<vmem_shared>>)
          tpu.yield
        }) : () -> ()
        %dma_wait3A_413 = arith.constant 16 : i32
        %dma_wait3A_414 = arith.constant 0 : i32
        %dma_wait3A_415 = tpu.memref_slice %arg7[%dma_wait3A_413, %dma_wait3A_414] : memref<35x128xi32, #tpu.memory_space<vmem>> -> memref<1x128xi32, #tpu.memory_space<vmem>>
        %dma_wait3A_416 = tpu.memref_squeeze %dma_wait3A_415 : memref<1x128xi32, #tpu.memory_space<vmem>> -> memref<128xi32, #tpu.memory_space<vmem>>
        %dma_wait3A_417 = arith.constant 0 : i32
        %dma_wait3A_418 = arith.constant 0 : i32
        %dma_wait3A_419 = tpu.memref_slice %arg2[%scan3A, %dma_wait3A_417, %dma_wait3A_418] : memref<2x10000x128xf32, #tpu.memory_space<hbm>> -> memref<1x10000x128xf32, #tpu.memory_space<hbm>>
        %dma_wait3A_420 = tpu.memref_squeeze %dma_wait3A_419 : memref<1x10000x128xf32, #tpu.memory_space<hbm>> -> memref<10000x128xf32, #tpu.memory_space<hbm>>
        %dma_wait3A_421 = arith.constant 0 : i32
        %dma_wait3A_422 = arith.constant 0 : i32
        %dma_wait3A_423 = tpu.memref_slice %dma_wait3A_420[%dma_wait3A_421, %dma_wait3A_422] : memref<10000x128xf32, #tpu.memory_space<hbm>> -> memref<10000x128xf32, #tpu.memory_space<hbm>>
        tpu.wait_indirect_dma semaphore(%arg12 : memref<!tpu.dma_semaphore, #tpu.memory_space<semaphore_mem>>) src(%dma_wait3A_423 : memref<10000x128xf32, #tpu.memory_space<hbm>>) dst(%arg9 : memref<128x128xf32, #tpu.memory_space<vmem>>)
        %dma_start3A_424 = arith.constant 17 : i32
        %dma_start3A_425 = arith.constant 0 : i32
        %dma_start3A_426 = tpu.memref_slice %arg7[%dma_start3A_424, %dma_start3A_425] : memref<35x128xi32, #tpu.memory_space<vmem>> -> memref<1x128xi32, #tpu.memory_space<vmem>>
        %dma_start3A_427 = tpu.memref_squeeze %dma_start3A_426 : memref<1x128xi32, #tpu.memory_space<vmem>> -> memref<128xi32, #tpu.memory_space<vmem>>
        %dma_start3A_428 = arith.constant 0 : i32
        %dma_start3A_429 = arith.constant 0 : i32
        %dma_start3A_430 = tpu.memref_slice %arg2[%scan3A, %dma_start3A_428, %dma_start3A_429] : memref<2x10000x128xf32, #tpu.memory_space<hbm>> -> memref<1x10000x128xf32, #tpu.memory_space<hbm>>
        %dma_start3A_431 = tpu.memref_squeeze %dma_start3A_430 : memref<1x10000x128xf32, #tpu.memory_space<hbm>> -> memref<10000x128xf32, #tpu.memory_space<hbm>>
        %dma_start3A_432 = arith.constant 0 : i32
        %dma_start3A_433 = arith.constant 0 : i32
        %dma_start3A_434 = tpu.memref_slice %dma_start3A_431[%dma_start3A_432, %dma_start3A_433] : memref<10000x128xf32, #tpu.memory_space<hbm>> -> memref<10000x128xf32, #tpu.memory_space<hbm>>
        tpu.enqueue_indirect_dma source(%dma_start3A_434 : memref<10000x128xf32, #tpu.memory_space<hbm>>) target(%arg10 : memref<128x128xf32, #tpu.memory_space<vmem>>) offsets(%dma_start3A_427 : memref<128xi32, #tpu.memory_space<vmem>>) semaphore(%arg13 : memref<!tpu.dma_semaphore, #tpu.memory_space<semaphore_mem>>)
        %run_scoped3A_435 = arith.constant 16 : i32
        "tpu.region"() ({
          %run_scoped3A_840 = tpu.sem_alloc : memref<!tpu.dma_semaphore, #tpu.memory_space<semaphore_mem>>
          %dma_start3A_841 = arith.constant 0 : i32
          %dma_start3A_842 = tpu.memref_slice %arg8[%run_scoped3A_435, %dma_start3A_841] : memref<35x128xi32, #tpu.memory_space<vmem>> -> memref<1x128xi32, #tpu.memory_space<vmem>>
          %dma_start3A_843 = tpu.memref_squeeze %dma_start3A_842 : memref<1x128xi32, #tpu.memory_space<vmem>> -> memref<128xi32, #tpu.memory_space<vmem>>
          %dma_start3A_844 = arith.constant 0 : i32
          %dma_start3A_845 = arith.constant 0 : i32
          %dma_start3A_846 = tpu.memref_slice %arg11[%dma_start3A_844, %dma_start3A_845] : memref<10008x128xf32, #tpu.memory_space<vmem_shared>> -> memref<10008x128xf32, #tpu.memory_space<vmem_shared>>
          tpu.enqueue_indirect_dma source(%arg9 : memref<128x128xf32, #tpu.memory_space<vmem>>) target(%dma_start3A_846 : memref<10008x128xf32, #tpu.memory_space<vmem_shared>>) offsets(%dma_start3A_843 : memref<128xi32, #tpu.memory_space<vmem>>) semaphore(%run_scoped3A_840 : memref<!tpu.dma_semaphore, #tpu.memory_space<semaphore_mem>>) {add = true}
          %dma_wait3A_847 = arith.constant 0 : i32
          %dma_wait3A_848 = tpu.memref_slice %arg8[%run_scoped3A_435, %dma_wait3A_847] : memref<35x128xi32, #tpu.memory_space<vmem>> -> memref<1x128xi32, #tpu.memory_space<vmem>>
          %dma_wait3A_849 = tpu.memref_squeeze %dma_wait3A_848 : memref<1x128xi32, #tpu.memory_space<vmem>> -> memref<128xi32, #tpu.memory_space<vmem>>
          %dma_wait3A_850 = arith.constant 0 : i32
          %dma_wait3A_851 = arith.constant 0 : i32
          %dma_wait3A_852 = tpu.memref_slice %arg11[%dma_wait3A_850, %dma_wait3A_851] : memref<10008x128xf32, #tpu.memory_space<vmem_shared>> -> memref<10008x128xf32, #tpu.memory_space<vmem_shared>>
          tpu.wait_indirect_dma semaphore(%run_scoped3A_840 : memref<!tpu.dma_semaphore, #tpu.memory_space<semaphore_mem>>) src(%arg9 : memref<128x128xf32, #tpu.memory_space<vmem>>) dst(%dma_wait3A_852 : memref<10008x128xf32, #tpu.memory_space<vmem_shared>>)
          tpu.yield
        }) : () -> ()
        %dma_wait3A_436 = arith.constant 17 : i32
        %dma_wait3A_437 = arith.constant 0 : i32
        %dma_wait3A_438 = tpu.memref_slice %arg7[%dma_wait3A_436, %dma_wait3A_437] : memref<35x128xi32, #tpu.memory_space<vmem>> -> memref<1x128xi32, #tpu.memory_space<vmem>>
        %dma_wait3A_439 = tpu.memref_squeeze %dma_wait3A_438 : memref<1x128xi32, #tpu.memory_space<vmem>> -> memref<128xi32, #tpu.memory_space<vmem>>
        %dma_wait3A_440 = arith.constant 0 : i32
        %dma_wait3A_441 = arith.constant 0 : i32
        %dma_wait3A_442 = tpu.memref_slice %arg2[%scan3A, %dma_wait3A_440, %dma_wait3A_441] : memref<2x10000x128xf32, #tpu.memory_space<hbm>> -> memref<1x10000x128xf32, #tpu.memory_space<hbm>>
        %dma_wait3A_443 = tpu.memref_squeeze %dma_wait3A_442 : memref<1x10000x128xf32, #tpu.memory_space<hbm>> -> memref<10000x128xf32, #tpu.memory_space<hbm>>
        %dma_wait3A_444 = arith.constant 0 : i32
        %dma_wait3A_445 = arith.constant 0 : i32
        %dma_wait3A_446 = tpu.memref_slice %dma_wait3A_443[%dma_wait3A_444, %dma_wait3A_445] : memref<10000x128xf32, #tpu.memory_space<hbm>> -> memref<10000x128xf32, #tpu.memory_space<hbm>>
        tpu.wait_indirect_dma semaphore(%arg13 : memref<!tpu.dma_semaphore, #tpu.memory_space<semaphore_mem>>) src(%dma_wait3A_446 : memref<10000x128xf32, #tpu.memory_space<hbm>>) dst(%arg10 : memref<128x128xf32, #tpu.memory_space<vmem>>)
        %dma_start3A_447 = arith.constant 18 : i32
        %dma_start3A_448 = arith.constant 0 : i32
        %dma_start3A_449 = tpu.memref_slice %arg7[%dma_start3A_447, %dma_start3A_448] : memref<35x128xi32, #tpu.memory_space<vmem>> -> memref<1x128xi32, #tpu.memory_space<vmem>>
        %dma_start3A_450 = tpu.memref_squeeze %dma_start3A_449 : memref<1x128xi32, #tpu.memory_space<vmem>> -> memref<128xi32, #tpu.memory_space<vmem>>
        %dma_start3A_451 = arith.constant 0 : i32
        %dma_start3A_452 = arith.constant 0 : i32
        %dma_start3A_453 = tpu.memref_slice %arg2[%scan3A, %dma_start3A_451, %dma_start3A_452] : memref<2x10000x128xf32, #tpu.memory_space<hbm>> -> memref<1x10000x128xf32, #tpu.memory_space<hbm>>
        %dma_start3A_454 = tpu.memref_squeeze %dma_start3A_453 : memref<1x10000x128xf32, #tpu.memory_space<hbm>> -> memref<10000x128xf32, #tpu.memory_space<hbm>>
        %dma_start3A_455 = arith.constant 0 : i32
        %dma_start3A_456 = arith.constant 0 : i32
        %dma_start3A_457 = tpu.memref_slice %dma_start3A_454[%dma_start3A_455, %dma_start3A_456] : memref<10000x128xf32, #tpu.memory_space<hbm>> -> memref<10000x128xf32, #tpu.memory_space<hbm>>
        tpu.enqueue_indirect_dma source(%dma_start3A_457 : memref<10000x128xf32, #tpu.memory_space<hbm>>) target(%arg9 : memref<128x128xf32, #tpu.memory_space<vmem>>) offsets(%dma_start3A_450 : memref<128xi32, #tpu.memory_space<vmem>>) semaphore(%arg12 : memref<!tpu.dma_semaphore, #tpu.memory_space<semaphore_mem>>)
        %run_scoped3A_458 = arith.constant 17 : i32
        "tpu.region"() ({
          %run_scoped3A_840 = tpu.sem_alloc : memref<!tpu.dma_semaphore, #tpu.memory_space<semaphore_mem>>
          %dma_start3A_841 = arith.constant 0 : i32
          %dma_start3A_842 = tpu.memref_slice %arg8[%run_scoped3A_458, %dma_start3A_841] : memref<35x128xi32, #tpu.memory_space<vmem>> -> memref<1x128xi32, #tpu.memory_space<vmem>>
          %dma_start3A_843 = tpu.memref_squeeze %dma_start3A_842 : memref<1x128xi32, #tpu.memory_space<vmem>> -> memref<128xi32, #tpu.memory_space<vmem>>
          %dma_start3A_844 = arith.constant 0 : i32
          %dma_start3A_845 = arith.constant 0 : i32
          %dma_start3A_846 = tpu.memref_slice %arg11[%dma_start3A_844, %dma_start3A_845] : memref<10008x128xf32, #tpu.memory_space<vmem_shared>> -> memref<10008x128xf32, #tpu.memory_space<vmem_shared>>
          tpu.enqueue_indirect_dma source(%arg10 : memref<128x128xf32, #tpu.memory_space<vmem>>) target(%dma_start3A_846 : memref<10008x128xf32, #tpu.memory_space<vmem_shared>>) offsets(%dma_start3A_843 : memref<128xi32, #tpu.memory_space<vmem>>) semaphore(%run_scoped3A_840 : memref<!tpu.dma_semaphore, #tpu.memory_space<semaphore_mem>>) {add = true}
          %dma_wait3A_847 = arith.constant 0 : i32
          %dma_wait3A_848 = tpu.memref_slice %arg8[%run_scoped3A_458, %dma_wait3A_847] : memref<35x128xi32, #tpu.memory_space<vmem>> -> memref<1x128xi32, #tpu.memory_space<vmem>>
          %dma_wait3A_849 = tpu.memref_squeeze %dma_wait3A_848 : memref<1x128xi32, #tpu.memory_space<vmem>> -> memref<128xi32, #tpu.memory_space<vmem>>
          %dma_wait3A_850 = arith.constant 0 : i32
          %dma_wait3A_851 = arith.constant 0 : i32
          %dma_wait3A_852 = tpu.memref_slice %arg11[%dma_wait3A_850, %dma_wait3A_851] : memref<10008x128xf32, #tpu.memory_space<vmem_shared>> -> memref<10008x128xf32, #tpu.memory_space<vmem_shared>>
          tpu.wait_indirect_dma semaphore(%run_scoped3A_840 : memref<!tpu.dma_semaphore, #tpu.memory_space<semaphore_mem>>) src(%arg10 : memref<128x128xf32, #tpu.memory_space<vmem>>) dst(%dma_wait3A_852 : memref<10008x128xf32, #tpu.memory_space<vmem_shared>>)
          tpu.yield
        }) : () -> ()
        %dma_wait3A_459 = arith.constant 18 : i32
        %dma_wait3A_460 = arith.constant 0 : i32
        %dma_wait3A_461 = tpu.memref_slice %arg7[%dma_wait3A_459, %dma_wait3A_460] : memref<35x128xi32, #tpu.memory_space<vmem>> -> memref<1x128xi32, #tpu.memory_space<vmem>>
        %dma_wait3A_462 = tpu.memref_squeeze %dma_wait3A_461 : memref<1x128xi32, #tpu.memory_space<vmem>> -> memref<128xi32, #tpu.memory_space<vmem>>
        %dma_wait3A_463 = arith.constant 0 : i32
        %dma_wait3A_464 = arith.constant 0 : i32
        %dma_wait3A_465 = tpu.memref_slice %arg2[%scan3A, %dma_wait3A_463, %dma_wait3A_464] : memref<2x10000x128xf32, #tpu.memory_space<hbm>> -> memref<1x10000x128xf32, #tpu.memory_space<hbm>>
        %dma_wait3A_466 = tpu.memref_squeeze %dma_wait3A_465 : memref<1x10000x128xf32, #tpu.memory_space<hbm>> -> memref<10000x128xf32, #tpu.memory_space<hbm>>
        %dma_wait3A_467 = arith.constant 0 : i32
        %dma_wait3A_468 = arith.constant 0 : i32
        %dma_wait3A_469 = tpu.memref_slice %dma_wait3A_466[%dma_wait3A_467, %dma_wait3A_468] : memref<10000x128xf32, #tpu.memory_space<hbm>> -> memref<10000x128xf32, #tpu.memory_space<hbm>>
        tpu.wait_indirect_dma semaphore(%arg12 : memref<!tpu.dma_semaphore, #tpu.memory_space<semaphore_mem>>) src(%dma_wait3A_469 : memref<10000x128xf32, #tpu.memory_space<hbm>>) dst(%arg9 : memref<128x128xf32, #tpu.memory_space<vmem>>)
        %dma_start3A_470 = arith.constant 19 : i32
        %dma_start3A_471 = arith.constant 0 : i32
        %dma_start3A_472 = tpu.memref_slice %arg7[%dma_start3A_470, %dma_start3A_471] : memref<35x128xi32, #tpu.memory_space<vmem>> -> memref<1x128xi32, #tpu.memory_space<vmem>>
        %dma_start3A_473 = tpu.memref_squeeze %dma_start3A_472 : memref<1x128xi32, #tpu.memory_space<vmem>> -> memref<128xi32, #tpu.memory_space<vmem>>
        %dma_start3A_474 = arith.constant 0 : i32
        %dma_start3A_475 = arith.constant 0 : i32
        %dma_start3A_476 = tpu.memref_slice %arg2[%scan3A, %dma_start3A_474, %dma_start3A_475] : memref<2x10000x128xf32, #tpu.memory_space<hbm>> -> memref<1x10000x128xf32, #tpu.memory_space<hbm>>
        %dma_start3A_477 = tpu.memref_squeeze %dma_start3A_476 : memref<1x10000x128xf32, #tpu.memory_space<hbm>> -> memref<10000x128xf32, #tpu.memory_space<hbm>>
        %dma_start3A_478 = arith.constant 0 : i32
        %dma_start3A_479 = arith.constant 0 : i32
        %dma_start3A_480 = tpu.memref_slice %dma_start3A_477[%dma_start3A_478, %dma_start3A_479] : memref<10000x128xf32, #tpu.memory_space<hbm>> -> memref<10000x128xf32, #tpu.memory_space<hbm>>
        tpu.enqueue_indirect_dma source(%dma_start3A_480 : memref<10000x128xf32, #tpu.memory_space<hbm>>) target(%arg10 : memref<128x128xf32, #tpu.memory_space<vmem>>) offsets(%dma_start3A_473 : memref<128xi32, #tpu.memory_space<vmem>>) semaphore(%arg13 : memref<!tpu.dma_semaphore, #tpu.memory_space<semaphore_mem>>)
        %run_scoped3A_481 = arith.constant 18 : i32
        "tpu.region"() ({
          %run_scoped3A_840 = tpu.sem_alloc : memref<!tpu.dma_semaphore, #tpu.memory_space<semaphore_mem>>
          %dma_start3A_841 = arith.constant 0 : i32
          %dma_start3A_842 = tpu.memref_slice %arg8[%run_scoped3A_481, %dma_start3A_841] : memref<35x128xi32, #tpu.memory_space<vmem>> -> memref<1x128xi32, #tpu.memory_space<vmem>>
          %dma_start3A_843 = tpu.memref_squeeze %dma_start3A_842 : memref<1x128xi32, #tpu.memory_space<vmem>> -> memref<128xi32, #tpu.memory_space<vmem>>
          %dma_start3A_844 = arith.constant 0 : i32
          %dma_start3A_845 = arith.constant 0 : i32
          %dma_start3A_846 = tpu.memref_slice %arg11[%dma_start3A_844, %dma_start3A_845] : memref<10008x128xf32, #tpu.memory_space<vmem_shared>> -> memref<10008x128xf32, #tpu.memory_space<vmem_shared>>
          tpu.enqueue_indirect_dma source(%arg9 : memref<128x128xf32, #tpu.memory_space<vmem>>) target(%dma_start3A_846 : memref<10008x128xf32, #tpu.memory_space<vmem_shared>>) offsets(%dma_start3A_843 : memref<128xi32, #tpu.memory_space<vmem>>) semaphore(%run_scoped3A_840 : memref<!tpu.dma_semaphore, #tpu.memory_space<semaphore_mem>>) {add = true}
          %dma_wait3A_847 = arith.constant 0 : i32
          %dma_wait3A_848 = tpu.memref_slice %arg8[%run_scoped3A_481, %dma_wait3A_847] : memref<35x128xi32, #tpu.memory_space<vmem>> -> memref<1x128xi32, #tpu.memory_space<vmem>>
          %dma_wait3A_849 = tpu.memref_squeeze %dma_wait3A_848 : memref<1x128xi32, #tpu.memory_space<vmem>> -> memref<128xi32, #tpu.memory_space<vmem>>
          %dma_wait3A_850 = arith.constant 0 : i32
          %dma_wait3A_851 = arith.constant 0 : i32
          %dma_wait3A_852 = tpu.memref_slice %arg11[%dma_wait3A_850, %dma_wait3A_851] : memref<10008x128xf32, #tpu.memory_space<vmem_shared>> -> memref<10008x128xf32, #tpu.memory_space<vmem_shared>>
          tpu.wait_indirect_dma semaphore(%run_scoped3A_840 : memref<!tpu.dma_semaphore, #tpu.memory_space<semaphore_mem>>) src(%arg9 : memref<128x128xf32, #tpu.memory_space<vmem>>) dst(%dma_wait3A_852 : memref<10008x128xf32, #tpu.memory_space<vmem_shared>>)
          tpu.yield
        }) : () -> ()
        %dma_wait3A_482 = arith.constant 19 : i32
        %dma_wait3A_483 = arith.constant 0 : i32
        %dma_wait3A_484 = tpu.memref_slice %arg7[%dma_wait3A_482, %dma_wait3A_483] : memref<35x128xi32, #tpu.memory_space<vmem>> -> memref<1x128xi32, #tpu.memory_space<vmem>>
        %dma_wait3A_485 = tpu.memref_squeeze %dma_wait3A_484 : memref<1x128xi32, #tpu.memory_space<vmem>> -> memref<128xi32, #tpu.memory_space<vmem>>
        %dma_wait3A_486 = arith.constant 0 : i32
        %dma_wait3A_487 = arith.constant 0 : i32
        %dma_wait3A_488 = tpu.memref_slice %arg2[%scan3A, %dma_wait3A_486, %dma_wait3A_487] : memref<2x10000x128xf32, #tpu.memory_space<hbm>> -> memref<1x10000x128xf32, #tpu.memory_space<hbm>>
        %dma_wait3A_489 = tpu.memref_squeeze %dma_wait3A_488 : memref<1x10000x128xf32, #tpu.memory_space<hbm>> -> memref<10000x128xf32, #tpu.memory_space<hbm>>
        %dma_wait3A_490 = arith.constant 0 : i32
        %dma_wait3A_491 = arith.constant 0 : i32
        %dma_wait3A_492 = tpu.memref_slice %dma_wait3A_489[%dma_wait3A_490, %dma_wait3A_491] : memref<10000x128xf32, #tpu.memory_space<hbm>> -> memref<10000x128xf32, #tpu.memory_space<hbm>>
        tpu.wait_indirect_dma semaphore(%arg13 : memref<!tpu.dma_semaphore, #tpu.memory_space<semaphore_mem>>) src(%dma_wait3A_492 : memref<10000x128xf32, #tpu.memory_space<hbm>>) dst(%arg10 : memref<128x128xf32, #tpu.memory_space<vmem>>)
        %dma_start3A_493 = arith.constant 20 : i32
        %dma_start3A_494 = arith.constant 0 : i32
        %dma_start3A_495 = tpu.memref_slice %arg7[%dma_start3A_493, %dma_start3A_494] : memref<35x128xi32, #tpu.memory_space<vmem>> -> memref<1x128xi32, #tpu.memory_space<vmem>>
        %dma_start3A_496 = tpu.memref_squeeze %dma_start3A_495 : memref<1x128xi32, #tpu.memory_space<vmem>> -> memref<128xi32, #tpu.memory_space<vmem>>
        %dma_start3A_497 = arith.constant 0 : i32
        %dma_start3A_498 = arith.constant 0 : i32
        %dma_start3A_499 = tpu.memref_slice %arg2[%scan3A, %dma_start3A_497, %dma_start3A_498] : memref<2x10000x128xf32, #tpu.memory_space<hbm>> -> memref<1x10000x128xf32, #tpu.memory_space<hbm>>
        %dma_start3A_500 = tpu.memref_squeeze %dma_start3A_499 : memref<1x10000x128xf32, #tpu.memory_space<hbm>> -> memref<10000x128xf32, #tpu.memory_space<hbm>>
        %dma_start3A_501 = arith.constant 0 : i32
        %dma_start3A_502 = arith.constant 0 : i32
        %dma_start3A_503 = tpu.memref_slice %dma_start3A_500[%dma_start3A_501, %dma_start3A_502] : memref<10000x128xf32, #tpu.memory_space<hbm>> -> memref<10000x128xf32, #tpu.memory_space<hbm>>
        tpu.enqueue_indirect_dma source(%dma_start3A_503 : memref<10000x128xf32, #tpu.memory_space<hbm>>) target(%arg9 : memref<128x128xf32, #tpu.memory_space<vmem>>) offsets(%dma_start3A_496 : memref<128xi32, #tpu.memory_space<vmem>>) semaphore(%arg12 : memref<!tpu.dma_semaphore, #tpu.memory_space<semaphore_mem>>)
        %run_scoped3A_504 = arith.constant 19 : i32
        "tpu.region"() ({
          %run_scoped3A_840 = tpu.sem_alloc : memref<!tpu.dma_semaphore, #tpu.memory_space<semaphore_mem>>
          %dma_start3A_841 = arith.constant 0 : i32
          %dma_start3A_842 = tpu.memref_slice %arg8[%run_scoped3A_504, %dma_start3A_841] : memref<35x128xi32, #tpu.memory_space<vmem>> -> memref<1x128xi32, #tpu.memory_space<vmem>>
          %dma_start3A_843 = tpu.memref_squeeze %dma_start3A_842 : memref<1x128xi32, #tpu.memory_space<vmem>> -> memref<128xi32, #tpu.memory_space<vmem>>
          %dma_start3A_844 = arith.constant 0 : i32
          %dma_start3A_845 = arith.constant 0 : i32
          %dma_start3A_846 = tpu.memref_slice %arg11[%dma_start3A_844, %dma_start3A_845] : memref<10008x128xf32, #tpu.memory_space<vmem_shared>> -> memref<10008x128xf32, #tpu.memory_space<vmem_shared>>
          tpu.enqueue_indirect_dma source(%arg10 : memref<128x128xf32, #tpu.memory_space<vmem>>) target(%dma_start3A_846 : memref<10008x128xf32, #tpu.memory_space<vmem_shared>>) offsets(%dma_start3A_843 : memref<128xi32, #tpu.memory_space<vmem>>) semaphore(%run_scoped3A_840 : memref<!tpu.dma_semaphore, #tpu.memory_space<semaphore_mem>>) {add = true}
          %dma_wait3A_847 = arith.constant 0 : i32
          %dma_wait3A_848 = tpu.memref_slice %arg8[%run_scoped3A_504, %dma_wait3A_847] : memref<35x128xi32, #tpu.memory_space<vmem>> -> memref<1x128xi32, #tpu.memory_space<vmem>>
          %dma_wait3A_849 = tpu.memref_squeeze %dma_wait3A_848 : memref<1x128xi32, #tpu.memory_space<vmem>> -> memref<128xi32, #tpu.memory_space<vmem>>
          %dma_wait3A_850 = arith.constant 0 : i32
          %dma_wait3A_851 = arith.constant 0 : i32
          %dma_wait3A_852 = tpu.memref_slice %arg11[%dma_wait3A_850, %dma_wait3A_851] : memref<10008x128xf32, #tpu.memory_space<vmem_shared>> -> memref<10008x128xf32, #tpu.memory_space<vmem_shared>>
          tpu.wait_indirect_dma semaphore(%run_scoped3A_840 : memref<!tpu.dma_semaphore, #tpu.memory_space<semaphore_mem>>) src(%arg10 : memref<128x128xf32, #tpu.memory_space<vmem>>) dst(%dma_wait3A_852 : memref<10008x128xf32, #tpu.memory_space<vmem_shared>>)
          tpu.yield
        }) : () -> ()
        %dma_wait3A_505 = arith.constant 20 : i32
        %dma_wait3A_506 = arith.constant 0 : i32
        %dma_wait3A_507 = tpu.memref_slice %arg7[%dma_wait3A_505, %dma_wait3A_506] : memref<35x128xi32, #tpu.memory_space<vmem>> -> memref<1x128xi32, #tpu.memory_space<vmem>>
        %dma_wait3A_508 = tpu.memref_squeeze %dma_wait3A_507 : memref<1x128xi32, #tpu.memory_space<vmem>> -> memref<128xi32, #tpu.memory_space<vmem>>
        %dma_wait3A_509 = arith.constant 0 : i32
        %dma_wait3A_510 = arith.constant 0 : i32
        %dma_wait3A_511 = tpu.memref_slice %arg2[%scan3A, %dma_wait3A_509, %dma_wait3A_510] : memref<2x10000x128xf32, #tpu.memory_space<hbm>> -> memref<1x10000x128xf32, #tpu.memory_space<hbm>>
        %dma_wait3A_512 = tpu.memref_squeeze %dma_wait3A_511 : memref<1x10000x128xf32, #tpu.memory_space<hbm>> -> memref<10000x128xf32, #tpu.memory_space<hbm>>
        %dma_wait3A_513 = arith.constant 0 : i32
        %dma_wait3A_514 = arith.constant 0 : i32
        %dma_wait3A_515 = tpu.memref_slice %dma_wait3A_512[%dma_wait3A_513, %dma_wait3A_514] : memref<10000x128xf32, #tpu.memory_space<hbm>> -> memref<10000x128xf32, #tpu.memory_space<hbm>>
        tpu.wait_indirect_dma semaphore(%arg12 : memref<!tpu.dma_semaphore, #tpu.memory_space<semaphore_mem>>) src(%dma_wait3A_515 : memref<10000x128xf32, #tpu.memory_space<hbm>>) dst(%arg9 : memref<128x128xf32, #tpu.memory_space<vmem>>)
        %dma_start3A_516 = arith.constant 21 : i32
        %dma_start3A_517 = arith.constant 0 : i32
        %dma_start3A_518 = tpu.memref_slice %arg7[%dma_start3A_516, %dma_start3A_517] : memref<35x128xi32, #tpu.memory_space<vmem>> -> memref<1x128xi32, #tpu.memory_space<vmem>>
        %dma_start3A_519 = tpu.memref_squeeze %dma_start3A_518 : memref<1x128xi32, #tpu.memory_space<vmem>> -> memref<128xi32, #tpu.memory_space<vmem>>
        %dma_start3A_520 = arith.constant 0 : i32
        %dma_start3A_521 = arith.constant 0 : i32
        %dma_start3A_522 = tpu.memref_slice %arg2[%scan3A, %dma_start3A_520, %dma_start3A_521] : memref<2x10000x128xf32, #tpu.memory_space<hbm>> -> memref<1x10000x128xf32, #tpu.memory_space<hbm>>
        %dma_start3A_523 = tpu.memref_squeeze %dma_start3A_522 : memref<1x10000x128xf32, #tpu.memory_space<hbm>> -> memref<10000x128xf32, #tpu.memory_space<hbm>>
        %dma_start3A_524 = arith.constant 0 : i32
        %dma_start3A_525 = arith.constant 0 : i32
        %dma_start3A_526 = tpu.memref_slice %dma_start3A_523[%dma_start3A_524, %dma_start3A_525] : memref<10000x128xf32, #tpu.memory_space<hbm>> -> memref<10000x128xf32, #tpu.memory_space<hbm>>
        tpu.enqueue_indirect_dma source(%dma_start3A_526 : memref<10000x128xf32, #tpu.memory_space<hbm>>) target(%arg10 : memref<128x128xf32, #tpu.memory_space<vmem>>) offsets(%dma_start3A_519 : memref<128xi32, #tpu.memory_space<vmem>>) semaphore(%arg13 : memref<!tpu.dma_semaphore, #tpu.memory_space<semaphore_mem>>)
        %run_scoped3A_527 = arith.constant 20 : i32
        "tpu.region"() ({
          %run_scoped3A_840 = tpu.sem_alloc : memref<!tpu.dma_semaphore, #tpu.memory_space<semaphore_mem>>
          %dma_start3A_841 = arith.constant 0 : i32
          %dma_start3A_842 = tpu.memref_slice %arg8[%run_scoped3A_527, %dma_start3A_841] : memref<35x128xi32, #tpu.memory_space<vmem>> -> memref<1x128xi32, #tpu.memory_space<vmem>>
          %dma_start3A_843 = tpu.memref_squeeze %dma_start3A_842 : memref<1x128xi32, #tpu.memory_space<vmem>> -> memref<128xi32, #tpu.memory_space<vmem>>
          %dma_start3A_844 = arith.constant 0 : i32
          %dma_start3A_845 = arith.constant 0 : i32
          %dma_start3A_846 = tpu.memref_slice %arg11[%dma_start3A_844, %dma_start3A_845] : memref<10008x128xf32, #tpu.memory_space<vmem_shared>> -> memref<10008x128xf32, #tpu.memory_space<vmem_shared>>
          tpu.enqueue_indirect_dma source(%arg9 : memref<128x128xf32, #tpu.memory_space<vmem>>) target(%dma_start3A_846 : memref<10008x128xf32, #tpu.memory_space<vmem_shared>>) offsets(%dma_start3A_843 : memref<128xi32, #tpu.memory_space<vmem>>) semaphore(%run_scoped3A_840 : memref<!tpu.dma_semaphore, #tpu.memory_space<semaphore_mem>>) {add = true}
          %dma_wait3A_847 = arith.constant 0 : i32
          %dma_wait3A_848 = tpu.memref_slice %arg8[%run_scoped3A_527, %dma_wait3A_847] : memref<35x128xi32, #tpu.memory_space<vmem>> -> memref<1x128xi32, #tpu.memory_space<vmem>>
          %dma_wait3A_849 = tpu.memref_squeeze %dma_wait3A_848 : memref<1x128xi32, #tpu.memory_space<vmem>> -> memref<128xi32, #tpu.memory_space<vmem>>
          %dma_wait3A_850 = arith.constant 0 : i32
          %dma_wait3A_851 = arith.constant 0 : i32
          %dma_wait3A_852 = tpu.memref_slice %arg11[%dma_wait3A_850, %dma_wait3A_851] : memref<10008x128xf32, #tpu.memory_space<vmem_shared>> -> memref<10008x128xf32, #tpu.memory_space<vmem_shared>>
          tpu.wait_indirect_dma semaphore(%run_scoped3A_840 : memref<!tpu.dma_semaphore, #tpu.memory_space<semaphore_mem>>) src(%arg9 : memref<128x128xf32, #tpu.memory_space<vmem>>) dst(%dma_wait3A_852 : memref<10008x128xf32, #tpu.memory_space<vmem_shared>>)
          tpu.yield
        }) : () -> ()
        %dma_wait3A_528 = arith.constant 21 : i32
        %dma_wait3A_529 = arith.constant 0 : i32
        %dma_wait3A_530 = tpu.memref_slice %arg7[%dma_wait3A_528, %dma_wait3A_529] : memref<35x128xi32, #tpu.memory_space<vmem>> -> memref<1x128xi32, #tpu.memory_space<vmem>>
        %dma_wait3A_531 = tpu.memref_squeeze %dma_wait3A_530 : memref<1x128xi32, #tpu.memory_space<vmem>> -> memref<128xi32, #tpu.memory_space<vmem>>
        %dma_wait3A_532 = arith.constant 0 : i32
        %dma_wait3A_533 = arith.constant 0 : i32
        %dma_wait3A_534 = tpu.memref_slice %arg2[%scan3A, %dma_wait3A_532, %dma_wait3A_533] : memref<2x10000x128xf32, #tpu.memory_space<hbm>> -> memref<1x10000x128xf32, #tpu.memory_space<hbm>>
        %dma_wait3A_535 = tpu.memref_squeeze %dma_wait3A_534 : memref<1x10000x128xf32, #tpu.memory_space<hbm>> -> memref<10000x128xf32, #tpu.memory_space<hbm>>
        %dma_wait3A_536 = arith.constant 0 : i32
        %dma_wait3A_537 = arith.constant 0 : i32
        %dma_wait3A_538 = tpu.memref_slice %dma_wait3A_535[%dma_wait3A_536, %dma_wait3A_537] : memref<10000x128xf32, #tpu.memory_space<hbm>> -> memref<10000x128xf32, #tpu.memory_space<hbm>>
        tpu.wait_indirect_dma semaphore(%arg13 : memref<!tpu.dma_semaphore, #tpu.memory_space<semaphore_mem>>) src(%dma_wait3A_538 : memref<10000x128xf32, #tpu.memory_space<hbm>>) dst(%arg10 : memref<128x128xf32, #tpu.memory_space<vmem>>)
        %dma_start3A_539 = arith.constant 22 : i32
        %dma_start3A_540 = arith.constant 0 : i32
        %dma_start3A_541 = tpu.memref_slice %arg7[%dma_start3A_539, %dma_start3A_540] : memref<35x128xi32, #tpu.memory_space<vmem>> -> memref<1x128xi32, #tpu.memory_space<vmem>>
        %dma_start3A_542 = tpu.memref_squeeze %dma_start3A_541 : memref<1x128xi32, #tpu.memory_space<vmem>> -> memref<128xi32, #tpu.memory_space<vmem>>
        %dma_start3A_543 = arith.constant 0 : i32
        %dma_start3A_544 = arith.constant 0 : i32
        %dma_start3A_545 = tpu.memref_slice %arg2[%scan3A, %dma_start3A_543, %dma_start3A_544] : memref<2x10000x128xf32, #tpu.memory_space<hbm>> -> memref<1x10000x128xf32, #tpu.memory_space<hbm>>
        %dma_start3A_546 = tpu.memref_squeeze %dma_start3A_545 : memref<1x10000x128xf32, #tpu.memory_space<hbm>> -> memref<10000x128xf32, #tpu.memory_space<hbm>>
        %dma_start3A_547 = arith.constant 0 : i32
        %dma_start3A_548 = arith.constant 0 : i32
        %dma_start3A_549 = tpu.memref_slice %dma_start3A_546[%dma_start3A_547, %dma_start3A_548] : memref<10000x128xf32, #tpu.memory_space<hbm>> -> memref<10000x128xf32, #tpu.memory_space<hbm>>
        tpu.enqueue_indirect_dma source(%dma_start3A_549 : memref<10000x128xf32, #tpu.memory_space<hbm>>) target(%arg9 : memref<128x128xf32, #tpu.memory_space<vmem>>) offsets(%dma_start3A_542 : memref<128xi32, #tpu.memory_space<vmem>>) semaphore(%arg12 : memref<!tpu.dma_semaphore, #tpu.memory_space<semaphore_mem>>)
        %run_scoped3A_550 = arith.constant 21 : i32
        "tpu.region"() ({
          %run_scoped3A_840 = tpu.sem_alloc : memref<!tpu.dma_semaphore, #tpu.memory_space<semaphore_mem>>
          %dma_start3A_841 = arith.constant 0 : i32
          %dma_start3A_842 = tpu.memref_slice %arg8[%run_scoped3A_550, %dma_start3A_841] : memref<35x128xi32, #tpu.memory_space<vmem>> -> memref<1x128xi32, #tpu.memory_space<vmem>>
          %dma_start3A_843 = tpu.memref_squeeze %dma_start3A_842 : memref<1x128xi32, #tpu.memory_space<vmem>> -> memref<128xi32, #tpu.memory_space<vmem>>
          %dma_start3A_844 = arith.constant 0 : i32
          %dma_start3A_845 = arith.constant 0 : i32
          %dma_start3A_846 = tpu.memref_slice %arg11[%dma_start3A_844, %dma_start3A_845] : memref<10008x128xf32, #tpu.memory_space<vmem_shared>> -> memref<10008x128xf32, #tpu.memory_space<vmem_shared>>
          tpu.enqueue_indirect_dma source(%arg10 : memref<128x128xf32, #tpu.memory_space<vmem>>) target(%dma_start3A_846 : memref<10008x128xf32, #tpu.memory_space<vmem_shared>>) offsets(%dma_start3A_843 : memref<128xi32, #tpu.memory_space<vmem>>) semaphore(%run_scoped3A_840 : memref<!tpu.dma_semaphore, #tpu.memory_space<semaphore_mem>>) {add = true}
          %dma_wait3A_847 = arith.constant 0 : i32
          %dma_wait3A_848 = tpu.memref_slice %arg8[%run_scoped3A_550, %dma_wait3A_847] : memref<35x128xi32, #tpu.memory_space<vmem>> -> memref<1x128xi32, #tpu.memory_space<vmem>>
          %dma_wait3A_849 = tpu.memref_squeeze %dma_wait3A_848 : memref<1x128xi32, #tpu.memory_space<vmem>> -> memref<128xi32, #tpu.memory_space<vmem>>
          %dma_wait3A_850 = arith.constant 0 : i32
          %dma_wait3A_851 = arith.constant 0 : i32
          %dma_wait3A_852 = tpu.memref_slice %arg11[%dma_wait3A_850, %dma_wait3A_851] : memref<10008x128xf32, #tpu.memory_space<vmem_shared>> -> memref<10008x128xf32, #tpu.memory_space<vmem_shared>>
          tpu.wait_indirect_dma semaphore(%run_scoped3A_840 : memref<!tpu.dma_semaphore, #tpu.memory_space<semaphore_mem>>) src(%arg10 : memref<128x128xf32, #tpu.memory_space<vmem>>) dst(%dma_wait3A_852 : memref<10008x128xf32, #tpu.memory_space<vmem_shared>>)
          tpu.yield
        }) : () -> ()
        %dma_wait3A_551 = arith.constant 22 : i32
        %dma_wait3A_552 = arith.constant 0 : i32
        %dma_wait3A_553 = tpu.memref_slice %arg7[%dma_wait3A_551, %dma_wait3A_552] : memref<35x128xi32, #tpu.memory_space<vmem>> -> memref<1x128xi32, #tpu.memory_space<vmem>>
        %dma_wait3A_554 = tpu.memref_squeeze %dma_wait3A_553 : memref<1x128xi32, #tpu.memory_space<vmem>> -> memref<128xi32, #tpu.memory_space<vmem>>
        %dma_wait3A_555 = arith.constant 0 : i32
        %dma_wait3A_556 = arith.constant 0 : i32
        %dma_wait3A_557 = tpu.memref_slice %arg2[%scan3A, %dma_wait3A_555, %dma_wait3A_556] : memref<2x10000x128xf32, #tpu.memory_space<hbm>> -> memref<1x10000x128xf32, #tpu.memory_space<hbm>>
        %dma_wait3A_558 = tpu.memref_squeeze %dma_wait3A_557 : memref<1x10000x128xf32, #tpu.memory_space<hbm>> -> memref<10000x128xf32, #tpu.memory_space<hbm>>
        %dma_wait3A_559 = arith.constant 0 : i32
        %dma_wait3A_560 = arith.constant 0 : i32
        %dma_wait3A_561 = tpu.memref_slice %dma_wait3A_558[%dma_wait3A_559, %dma_wait3A_560] : memref<10000x128xf32, #tpu.memory_space<hbm>> -> memref<10000x128xf32, #tpu.memory_space<hbm>>
        tpu.wait_indirect_dma semaphore(%arg12 : memref<!tpu.dma_semaphore, #tpu.memory_space<semaphore_mem>>) src(%dma_wait3A_561 : memref<10000x128xf32, #tpu.memory_space<hbm>>) dst(%arg9 : memref<128x128xf32, #tpu.memory_space<vmem>>)
        %dma_start3A_562 = arith.constant 23 : i32
        %dma_start3A_563 = arith.constant 0 : i32
        %dma_start3A_564 = tpu.memref_slice %arg7[%dma_start3A_562, %dma_start3A_563] : memref<35x128xi32, #tpu.memory_space<vmem>> -> memref<1x128xi32, #tpu.memory_space<vmem>>
        %dma_start3A_565 = tpu.memref_squeeze %dma_start3A_564 : memref<1x128xi32, #tpu.memory_space<vmem>> -> memref<128xi32, #tpu.memory_space<vmem>>
        %dma_start3A_566 = arith.constant 0 : i32
        %dma_start3A_567 = arith.constant 0 : i32
        %dma_start3A_568 = tpu.memref_slice %arg2[%scan3A, %dma_start3A_566, %dma_start3A_567] : memref<2x10000x128xf32, #tpu.memory_space<hbm>> -> memref<1x10000x128xf32, #tpu.memory_space<hbm>>
        %dma_start3A_569 = tpu.memref_squeeze %dma_start3A_568 : memref<1x10000x128xf32, #tpu.memory_space<hbm>> -> memref<10000x128xf32, #tpu.memory_space<hbm>>
        %dma_start3A_570 = arith.constant 0 : i32
        %dma_start3A_571 = arith.constant 0 : i32
        %dma_start3A_572 = tpu.memref_slice %dma_start3A_569[%dma_start3A_570, %dma_start3A_571] : memref<10000x128xf32, #tpu.memory_space<hbm>> -> memref<10000x128xf32, #tpu.memory_space<hbm>>
        tpu.enqueue_indirect_dma source(%dma_start3A_572 : memref<10000x128xf32, #tpu.memory_space<hbm>>) target(%arg10 : memref<128x128xf32, #tpu.memory_space<vmem>>) offsets(%dma_start3A_565 : memref<128xi32, #tpu.memory_space<vmem>>) semaphore(%arg13 : memref<!tpu.dma_semaphore, #tpu.memory_space<semaphore_mem>>)
        %run_scoped3A_573 = arith.constant 22 : i32
        "tpu.region"() ({
          %run_scoped3A_840 = tpu.sem_alloc : memref<!tpu.dma_semaphore, #tpu.memory_space<semaphore_mem>>
          %dma_start3A_841 = arith.constant 0 : i32
          %dma_start3A_842 = tpu.memref_slice %arg8[%run_scoped3A_573, %dma_start3A_841] : memref<35x128xi32, #tpu.memory_space<vmem>> -> memref<1x128xi32, #tpu.memory_space<vmem>>
          %dma_start3A_843 = tpu.memref_squeeze %dma_start3A_842 : memref<1x128xi32, #tpu.memory_space<vmem>> -> memref<128xi32, #tpu.memory_space<vmem>>
          %dma_start3A_844 = arith.constant 0 : i32
          %dma_start3A_845 = arith.constant 0 : i32
          %dma_start3A_846 = tpu.memref_slice %arg11[%dma_start3A_844, %dma_start3A_845] : memref<10008x128xf32, #tpu.memory_space<vmem_shared>> -> memref<10008x128xf32, #tpu.memory_space<vmem_shared>>
          tpu.enqueue_indirect_dma source(%arg9 : memref<128x128xf32, #tpu.memory_space<vmem>>) target(%dma_start3A_846 : memref<10008x128xf32, #tpu.memory_space<vmem_shared>>) offsets(%dma_start3A_843 : memref<128xi32, #tpu.memory_space<vmem>>) semaphore(%run_scoped3A_840 : memref<!tpu.dma_semaphore, #tpu.memory_space<semaphore_mem>>) {add = true}
          %dma_wait3A_847 = arith.constant 0 : i32
          %dma_wait3A_848 = tpu.memref_slice %arg8[%run_scoped3A_573, %dma_wait3A_847] : memref<35x128xi32, #tpu.memory_space<vmem>> -> memref<1x128xi32, #tpu.memory_space<vmem>>
          %dma_wait3A_849 = tpu.memref_squeeze %dma_wait3A_848 : memref<1x128xi32, #tpu.memory_space<vmem>> -> memref<128xi32, #tpu.memory_space<vmem>>
          %dma_wait3A_850 = arith.constant 0 : i32
          %dma_wait3A_851 = arith.constant 0 : i32
          %dma_wait3A_852 = tpu.memref_slice %arg11[%dma_wait3A_850, %dma_wait3A_851] : memref<10008x128xf32, #tpu.memory_space<vmem_shared>> -> memref<10008x128xf32, #tpu.memory_space<vmem_shared>>
          tpu.wait_indirect_dma semaphore(%run_scoped3A_840 : memref<!tpu.dma_semaphore, #tpu.memory_space<semaphore_mem>>) src(%arg9 : memref<128x128xf32, #tpu.memory_space<vmem>>) dst(%dma_wait3A_852 : memref<10008x128xf32, #tpu.memory_space<vmem_shared>>)
          tpu.yield
        }) : () -> ()
        %dma_wait3A_574 = arith.constant 23 : i32
        %dma_wait3A_575 = arith.constant 0 : i32
        %dma_wait3A_576 = tpu.memref_slice %arg7[%dma_wait3A_574, %dma_wait3A_575] : memref<35x128xi32, #tpu.memory_space<vmem>> -> memref<1x128xi32, #tpu.memory_space<vmem>>
        %dma_wait3A_577 = tpu.memref_squeeze %dma_wait3A_576 : memref<1x128xi32, #tpu.memory_space<vmem>> -> memref<128xi32, #tpu.memory_space<vmem>>
        %dma_wait3A_578 = arith.constant 0 : i32
        %dma_wait3A_579 = arith.constant 0 : i32
        %dma_wait3A_580 = tpu.memref_slice %arg2[%scan3A, %dma_wait3A_578, %dma_wait3A_579] : memref<2x10000x128xf32, #tpu.memory_space<hbm>> -> memref<1x10000x128xf32, #tpu.memory_space<hbm>>
        %dma_wait3A_581 = tpu.memref_squeeze %dma_wait3A_580 : memref<1x10000x128xf32, #tpu.memory_space<hbm>> -> memref<10000x128xf32, #tpu.memory_space<hbm>>
        %dma_wait3A_582 = arith.constant 0 : i32
        %dma_wait3A_583 = arith.constant 0 : i32
        %dma_wait3A_584 = tpu.memref_slice %dma_wait3A_581[%dma_wait3A_582, %dma_wait3A_583] : memref<10000x128xf32, #tpu.memory_space<hbm>> -> memref<10000x128xf32, #tpu.memory_space<hbm>>
        tpu.wait_indirect_dma semaphore(%arg13 : memref<!tpu.dma_semaphore, #tpu.memory_space<semaphore_mem>>) src(%dma_wait3A_584 : memref<10000x128xf32, #tpu.memory_space<hbm>>) dst(%arg10 : memref<128x128xf32, #tpu.memory_space<vmem>>)
        %dma_start3A_585 = arith.constant 24 : i32
        %dma_start3A_586 = arith.constant 0 : i32
        %dma_start3A_587 = tpu.memref_slice %arg7[%dma_start3A_585, %dma_start3A_586] : memref<35x128xi32, #tpu.memory_space<vmem>> -> memref<1x128xi32, #tpu.memory_space<vmem>>
        %dma_start3A_588 = tpu.memref_squeeze %dma_start3A_587 : memref<1x128xi32, #tpu.memory_space<vmem>> -> memref<128xi32, #tpu.memory_space<vmem>>
        %dma_start3A_589 = arith.constant 0 : i32
        %dma_start3A_590 = arith.constant 0 : i32
        %dma_start3A_591 = tpu.memref_slice %arg2[%scan3A, %dma_start3A_589, %dma_start3A_590] : memref<2x10000x128xf32, #tpu.memory_space<hbm>> -> memref<1x10000x128xf32, #tpu.memory_space<hbm>>
        %dma_start3A_592 = tpu.memref_squeeze %dma_start3A_591 : memref<1x10000x128xf32, #tpu.memory_space<hbm>> -> memref<10000x128xf32, #tpu.memory_space<hbm>>
        %dma_start3A_593 = arith.constant 0 : i32
        %dma_start3A_594 = arith.constant 0 : i32
        %dma_start3A_595 = tpu.memref_slice %dma_start3A_592[%dma_start3A_593, %dma_start3A_594] : memref<10000x128xf32, #tpu.memory_space<hbm>> -> memref<10000x128xf32, #tpu.memory_space<hbm>>
        tpu.enqueue_indirect_dma source(%dma_start3A_595 : memref<10000x128xf32, #tpu.memory_space<hbm>>) target(%arg9 : memref<128x128xf32, #tpu.memory_space<vmem>>) offsets(%dma_start3A_588 : memref<128xi32, #tpu.memory_space<vmem>>) semaphore(%arg12 : memref<!tpu.dma_semaphore, #tpu.memory_space<semaphore_mem>>)
        %run_scoped3A_596 = arith.constant 23 : i32
        "tpu.region"() ({
          %run_scoped3A_840 = tpu.sem_alloc : memref<!tpu.dma_semaphore, #tpu.memory_space<semaphore_mem>>
          %dma_start3A_841 = arith.constant 0 : i32
          %dma_start3A_842 = tpu.memref_slice %arg8[%run_scoped3A_596, %dma_start3A_841] : memref<35x128xi32, #tpu.memory_space<vmem>> -> memref<1x128xi32, #tpu.memory_space<vmem>>
          %dma_start3A_843 = tpu.memref_squeeze %dma_start3A_842 : memref<1x128xi32, #tpu.memory_space<vmem>> -> memref<128xi32, #tpu.memory_space<vmem>>
          %dma_start3A_844 = arith.constant 0 : i32
          %dma_start3A_845 = arith.constant 0 : i32
          %dma_start3A_846 = tpu.memref_slice %arg11[%dma_start3A_844, %dma_start3A_845] : memref<10008x128xf32, #tpu.memory_space<vmem_shared>> -> memref<10008x128xf32, #tpu.memory_space<vmem_shared>>
          tpu.enqueue_indirect_dma source(%arg10 : memref<128x128xf32, #tpu.memory_space<vmem>>) target(%dma_start3A_846 : memref<10008x128xf32, #tpu.memory_space<vmem_shared>>) offsets(%dma_start3A_843 : memref<128xi32, #tpu.memory_space<vmem>>) semaphore(%run_scoped3A_840 : memref<!tpu.dma_semaphore, #tpu.memory_space<semaphore_mem>>) {add = true}
          %dma_wait3A_847 = arith.constant 0 : i32
          %dma_wait3A_848 = tpu.memref_slice %arg8[%run_scoped3A_596, %dma_wait3A_847] : memref<35x128xi32, #tpu.memory_space<vmem>> -> memref<1x128xi32, #tpu.memory_space<vmem>>
          %dma_wait3A_849 = tpu.memref_squeeze %dma_wait3A_848 : memref<1x128xi32, #tpu.memory_space<vmem>> -> memref<128xi32, #tpu.memory_space<vmem>>
          %dma_wait3A_850 = arith.constant 0 : i32
          %dma_wait3A_851 = arith.constant 0 : i32
          %dma_wait3A_852 = tpu.memref_slice %arg11[%dma_wait3A_850, %dma_wait3A_851] : memref<10008x128xf32, #tpu.memory_space<vmem_shared>> -> memref<10008x128xf32, #tpu.memory_space<vmem_shared>>
          tpu.wait_indirect_dma semaphore(%run_scoped3A_840 : memref<!tpu.dma_semaphore, #tpu.memory_space<semaphore_mem>>) src(%arg10 : memref<128x128xf32, #tpu.memory_space<vmem>>) dst(%dma_wait3A_852 : memref<10008x128xf32, #tpu.memory_space<vmem_shared>>)
          tpu.yield
        }) : () -> ()
        %dma_wait3A_597 = arith.constant 24 : i32
        %dma_wait3A_598 = arith.constant 0 : i32
        %dma_wait3A_599 = tpu.memref_slice %arg7[%dma_wait3A_597, %dma_wait3A_598] : memref<35x128xi32, #tpu.memory_space<vmem>> -> memref<1x128xi32, #tpu.memory_space<vmem>>
        %dma_wait3A_600 = tpu.memref_squeeze %dma_wait3A_599 : memref<1x128xi32, #tpu.memory_space<vmem>> -> memref<128xi32, #tpu.memory_space<vmem>>
        %dma_wait3A_601 = arith.constant 0 : i32
        %dma_wait3A_602 = arith.constant 0 : i32
        %dma_wait3A_603 = tpu.memref_slice %arg2[%scan3A, %dma_wait3A_601, %dma_wait3A_602] : memref<2x10000x128xf32, #tpu.memory_space<hbm>> -> memref<1x10000x128xf32, #tpu.memory_space<hbm>>
        %dma_wait3A_604 = tpu.memref_squeeze %dma_wait3A_603 : memref<1x10000x128xf32, #tpu.memory_space<hbm>> -> memref<10000x128xf32, #tpu.memory_space<hbm>>
        %dma_wait3A_605 = arith.constant 0 : i32
        %dma_wait3A_606 = arith.constant 0 : i32
        %dma_wait3A_607 = tpu.memref_slice %dma_wait3A_604[%dma_wait3A_605, %dma_wait3A_606] : memref<10000x128xf32, #tpu.memory_space<hbm>> -> memref<10000x128xf32, #tpu.memory_space<hbm>>
        tpu.wait_indirect_dma semaphore(%arg12 : memref<!tpu.dma_semaphore, #tpu.memory_space<semaphore_mem>>) src(%dma_wait3A_607 : memref<10000x128xf32, #tpu.memory_space<hbm>>) dst(%arg9 : memref<128x128xf32, #tpu.memory_space<vmem>>)
        %dma_start3A_608 = arith.constant 25 : i32
        %dma_start3A_609 = arith.constant 0 : i32
        %dma_start3A_610 = tpu.memref_slice %arg7[%dma_start3A_608, %dma_start3A_609] : memref<35x128xi32, #tpu.memory_space<vmem>> -> memref<1x128xi32, #tpu.memory_space<vmem>>
        %dma_start3A_611 = tpu.memref_squeeze %dma_start3A_610 : memref<1x128xi32, #tpu.memory_space<vmem>> -> memref<128xi32, #tpu.memory_space<vmem>>
        %dma_start3A_612 = arith.constant 0 : i32
        %dma_start3A_613 = arith.constant 0 : i32
        %dma_start3A_614 = tpu.memref_slice %arg2[%scan3A, %dma_start3A_612, %dma_start3A_613] : memref<2x10000x128xf32, #tpu.memory_space<hbm>> -> memref<1x10000x128xf32, #tpu.memory_space<hbm>>
        %dma_start3A_615 = tpu.memref_squeeze %dma_start3A_614 : memref<1x10000x128xf32, #tpu.memory_space<hbm>> -> memref<10000x128xf32, #tpu.memory_space<hbm>>
        %dma_start3A_616 = arith.constant 0 : i32
        %dma_start3A_617 = arith.constant 0 : i32
        %dma_start3A_618 = tpu.memref_slice %dma_start3A_615[%dma_start3A_616, %dma_start3A_617] : memref<10000x128xf32, #tpu.memory_space<hbm>> -> memref<10000x128xf32, #tpu.memory_space<hbm>>
        tpu.enqueue_indirect_dma source(%dma_start3A_618 : memref<10000x128xf32, #tpu.memory_space<hbm>>) target(%arg10 : memref<128x128xf32, #tpu.memory_space<vmem>>) offsets(%dma_start3A_611 : memref<128xi32, #tpu.memory_space<vmem>>) semaphore(%arg13 : memref<!tpu.dma_semaphore, #tpu.memory_space<semaphore_mem>>)
        %run_scoped3A_619 = arith.constant 24 : i32
        "tpu.region"() ({
          %run_scoped3A_840 = tpu.sem_alloc : memref<!tpu.dma_semaphore, #tpu.memory_space<semaphore_mem>>
          %dma_start3A_841 = arith.constant 0 : i32
          %dma_start3A_842 = tpu.memref_slice %arg8[%run_scoped3A_619, %dma_start3A_841] : memref<35x128xi32, #tpu.memory_space<vmem>> -> memref<1x128xi32, #tpu.memory_space<vmem>>
          %dma_start3A_843 = tpu.memref_squeeze %dma_start3A_842 : memref<1x128xi32, #tpu.memory_space<vmem>> -> memref<128xi32, #tpu.memory_space<vmem>>
          %dma_start3A_844 = arith.constant 0 : i32
          %dma_start3A_845 = arith.constant 0 : i32
          %dma_start3A_846 = tpu.memref_slice %arg11[%dma_start3A_844, %dma_start3A_845] : memref<10008x128xf32, #tpu.memory_space<vmem_shared>> -> memref<10008x128xf32, #tpu.memory_space<vmem_shared>>
          tpu.enqueue_indirect_dma source(%arg9 : memref<128x128xf32, #tpu.memory_space<vmem>>) target(%dma_start3A_846 : memref<10008x128xf32, #tpu.memory_space<vmem_shared>>) offsets(%dma_start3A_843 : memref<128xi32, #tpu.memory_space<vmem>>) semaphore(%run_scoped3A_840 : memref<!tpu.dma_semaphore, #tpu.memory_space<semaphore_mem>>) {add = true}
          %dma_wait3A_847 = arith.constant 0 : i32
          %dma_wait3A_848 = tpu.memref_slice %arg8[%run_scoped3A_619, %dma_wait3A_847] : memref<35x128xi32, #tpu.memory_space<vmem>> -> memref<1x128xi32, #tpu.memory_space<vmem>>
          %dma_wait3A_849 = tpu.memref_squeeze %dma_wait3A_848 : memref<1x128xi32, #tpu.memory_space<vmem>> -> memref<128xi32, #tpu.memory_space<vmem>>
          %dma_wait3A_850 = arith.constant 0 : i32
          %dma_wait3A_851 = arith.constant 0 : i32
          %dma_wait3A_852 = tpu.memref_slice %arg11[%dma_wait3A_850, %dma_wait3A_851] : memref<10008x128xf32, #tpu.memory_space<vmem_shared>> -> memref<10008x128xf32, #tpu.memory_space<vmem_shared>>
          tpu.wait_indirect_dma semaphore(%run_scoped3A_840 : memref<!tpu.dma_semaphore, #tpu.memory_space<semaphore_mem>>) src(%arg9 : memref<128x128xf32, #tpu.memory_space<vmem>>) dst(%dma_wait3A_852 : memref<10008x128xf32, #tpu.memory_space<vmem_shared>>)
          tpu.yield
        }) : () -> ()
        %dma_wait3A_620 = arith.constant 25 : i32
        %dma_wait3A_621 = arith.constant 0 : i32
        %dma_wait3A_622 = tpu.memref_slice %arg7[%dma_wait3A_620, %dma_wait3A_621] : memref<35x128xi32, #tpu.memory_space<vmem>> -> memref<1x128xi32, #tpu.memory_space<vmem>>
        %dma_wait3A_623 = tpu.memref_squeeze %dma_wait3A_622 : memref<1x128xi32, #tpu.memory_space<vmem>> -> memref<128xi32, #tpu.memory_space<vmem>>
        %dma_wait3A_624 = arith.constant 0 : i32
        %dma_wait3A_625 = arith.constant 0 : i32
        %dma_wait3A_626 = tpu.memref_slice %arg2[%scan3A, %dma_wait3A_624, %dma_wait3A_625] : memref<2x10000x128xf32, #tpu.memory_space<hbm>> -> memref<1x10000x128xf32, #tpu.memory_space<hbm>>
        %dma_wait3A_627 = tpu.memref_squeeze %dma_wait3A_626 : memref<1x10000x128xf32, #tpu.memory_space<hbm>> -> memref<10000x128xf32, #tpu.memory_space<hbm>>
        %dma_wait3A_628 = arith.constant 0 : i32
        %dma_wait3A_629 = arith.constant 0 : i32
        %dma_wait3A_630 = tpu.memref_slice %dma_wait3A_627[%dma_wait3A_628, %dma_wait3A_629] : memref<10000x128xf32, #tpu.memory_space<hbm>> -> memref<10000x128xf32, #tpu.memory_space<hbm>>
        tpu.wait_indirect_dma semaphore(%arg13 : memref<!tpu.dma_semaphore, #tpu.memory_space<semaphore_mem>>) src(%dma_wait3A_630 : memref<10000x128xf32, #tpu.memory_space<hbm>>) dst(%arg10 : memref<128x128xf32, #tpu.memory_space<vmem>>)
        %dma_start3A_631 = arith.constant 26 : i32
        %dma_start3A_632 = arith.constant 0 : i32
        %dma_start3A_633 = tpu.memref_slice %arg7[%dma_start3A_631, %dma_start3A_632] : memref<35x128xi32, #tpu.memory_space<vmem>> -> memref<1x128xi32, #tpu.memory_space<vmem>>
        %dma_start3A_634 = tpu.memref_squeeze %dma_start3A_633 : memref<1x128xi32, #tpu.memory_space<vmem>> -> memref<128xi32, #tpu.memory_space<vmem>>
        %dma_start3A_635 = arith.constant 0 : i32
        %dma_start3A_636 = arith.constant 0 : i32
        %dma_start3A_637 = tpu.memref_slice %arg2[%scan3A, %dma_start3A_635, %dma_start3A_636] : memref<2x10000x128xf32, #tpu.memory_space<hbm>> -> memref<1x10000x128xf32, #tpu.memory_space<hbm>>
        %dma_start3A_638 = tpu.memref_squeeze %dma_start3A_637 : memref<1x10000x128xf32, #tpu.memory_space<hbm>> -> memref<10000x128xf32, #tpu.memory_space<hbm>>
        %dma_start3A_639 = arith.constant 0 : i32
        %dma_start3A_640 = arith.constant 0 : i32
        %dma_start3A_641 = tpu.memref_slice %dma_start3A_638[%dma_start3A_639, %dma_start3A_640] : memref<10000x128xf32, #tpu.memory_space<hbm>> -> memref<10000x128xf32, #tpu.memory_space<hbm>>
        tpu.enqueue_indirect_dma source(%dma_start3A_641 : memref<10000x128xf32, #tpu.memory_space<hbm>>) target(%arg9 : memref<128x128xf32, #tpu.memory_space<vmem>>) offsets(%dma_start3A_634 : memref<128xi32, #tpu.memory_space<vmem>>) semaphore(%arg12 : memref<!tpu.dma_semaphore, #tpu.memory_space<semaphore_mem>>)
        %run_scoped3A_642 = arith.constant 25 : i32
        "tpu.region"() ({
          %run_scoped3A_840 = tpu.sem_alloc : memref<!tpu.dma_semaphore, #tpu.memory_space<semaphore_mem>>
          %dma_start3A_841 = arith.constant 0 : i32
          %dma_start3A_842 = tpu.memref_slice %arg8[%run_scoped3A_642, %dma_start3A_841] : memref<35x128xi32, #tpu.memory_space<vmem>> -> memref<1x128xi32, #tpu.memory_space<vmem>>
          %dma_start3A_843 = tpu.memref_squeeze %dma_start3A_842 : memref<1x128xi32, #tpu.memory_space<vmem>> -> memref<128xi32, #tpu.memory_space<vmem>>
          %dma_start3A_844 = arith.constant 0 : i32
          %dma_start3A_845 = arith.constant 0 : i32
          %dma_start3A_846 = tpu.memref_slice %arg11[%dma_start3A_844, %dma_start3A_845] : memref<10008x128xf32, #tpu.memory_space<vmem_shared>> -> memref<10008x128xf32, #tpu.memory_space<vmem_shared>>
          tpu.enqueue_indirect_dma source(%arg10 : memref<128x128xf32, #tpu.memory_space<vmem>>) target(%dma_start3A_846 : memref<10008x128xf32, #tpu.memory_space<vmem_shared>>) offsets(%dma_start3A_843 : memref<128xi32, #tpu.memory_space<vmem>>) semaphore(%run_scoped3A_840 : memref<!tpu.dma_semaphore, #tpu.memory_space<semaphore_mem>>) {add = true}
          %dma_wait3A_847 = arith.constant 0 : i32
          %dma_wait3A_848 = tpu.memref_slice %arg8[%run_scoped3A_642, %dma_wait3A_847] : memref<35x128xi32, #tpu.memory_space<vmem>> -> memref<1x128xi32, #tpu.memory_space<vmem>>
          %dma_wait3A_849 = tpu.memref_squeeze %dma_wait3A_848 : memref<1x128xi32, #tpu.memory_space<vmem>> -> memref<128xi32, #tpu.memory_space<vmem>>
          %dma_wait3A_850 = arith.constant 0 : i32
          %dma_wait3A_851 = arith.constant 0 : i32
          %dma_wait3A_852 = tpu.memref_slice %arg11[%dma_wait3A_850, %dma_wait3A_851] : memref<10008x128xf32, #tpu.memory_space<vmem_shared>> -> memref<10008x128xf32, #tpu.memory_space<vmem_shared>>
          tpu.wait_indirect_dma semaphore(%run_scoped3A_840 : memref<!tpu.dma_semaphore, #tpu.memory_space<semaphore_mem>>) src(%arg10 : memref<128x128xf32, #tpu.memory_space<vmem>>) dst(%dma_wait3A_852 : memref<10008x128xf32, #tpu.memory_space<vmem_shared>>)
          tpu.yield
        }) : () -> ()
        %dma_wait3A_643 = arith.constant 26 : i32
        %dma_wait3A_644 = arith.constant 0 : i32
        %dma_wait3A_645 = tpu.memref_slice %arg7[%dma_wait3A_643, %dma_wait3A_644] : memref<35x128xi32, #tpu.memory_space<vmem>> -> memref<1x128xi32, #tpu.memory_space<vmem>>
        %dma_wait3A_646 = tpu.memref_squeeze %dma_wait3A_645 : memref<1x128xi32, #tpu.memory_space<vmem>> -> memref<128xi32, #tpu.memory_space<vmem>>
        %dma_wait3A_647 = arith.constant 0 : i32
        %dma_wait3A_648 = arith.constant 0 : i32
        %dma_wait3A_649 = tpu.memref_slice %arg2[%scan3A, %dma_wait3A_647, %dma_wait3A_648] : memref<2x10000x128xf32, #tpu.memory_space<hbm>> -> memref<1x10000x128xf32, #tpu.memory_space<hbm>>
        %dma_wait3A_650 = tpu.memref_squeeze %dma_wait3A_649 : memref<1x10000x128xf32, #tpu.memory_space<hbm>> -> memref<10000x128xf32, #tpu.memory_space<hbm>>
        %dma_wait3A_651 = arith.constant 0 : i32
        %dma_wait3A_652 = arith.constant 0 : i32
        %dma_wait3A_653 = tpu.memref_slice %dma_wait3A_650[%dma_wait3A_651, %dma_wait3A_652] : memref<10000x128xf32, #tpu.memory_space<hbm>> -> memref<10000x128xf32, #tpu.memory_space<hbm>>
        tpu.wait_indirect_dma semaphore(%arg12 : memref<!tpu.dma_semaphore, #tpu.memory_space<semaphore_mem>>) src(%dma_wait3A_653 : memref<10000x128xf32, #tpu.memory_space<hbm>>) dst(%arg9 : memref<128x128xf32, #tpu.memory_space<vmem>>)
        %dma_start3A_654 = arith.constant 27 : i32
        %dma_start3A_655 = arith.constant 0 : i32
        %dma_start3A_656 = tpu.memref_slice %arg7[%dma_start3A_654, %dma_start3A_655] : memref<35x128xi32, #tpu.memory_space<vmem>> -> memref<1x128xi32, #tpu.memory_space<vmem>>
        %dma_start3A_657 = tpu.memref_squeeze %dma_start3A_656 : memref<1x128xi32, #tpu.memory_space<vmem>> -> memref<128xi32, #tpu.memory_space<vmem>>
        %dma_start3A_658 = arith.constant 0 : i32
        %dma_start3A_659 = arith.constant 0 : i32
        %dma_start3A_660 = tpu.memref_slice %arg2[%scan3A, %dma_start3A_658, %dma_start3A_659] : memref<2x10000x128xf32, #tpu.memory_space<hbm>> -> memref<1x10000x128xf32, #tpu.memory_space<hbm>>
        %dma_start3A_661 = tpu.memref_squeeze %dma_start3A_660 : memref<1x10000x128xf32, #tpu.memory_space<hbm>> -> memref<10000x128xf32, #tpu.memory_space<hbm>>
        %dma_start3A_662 = arith.constant 0 : i32
        %dma_start3A_663 = arith.constant 0 : i32
        %dma_start3A_664 = tpu.memref_slice %dma_start3A_661[%dma_start3A_662, %dma_start3A_663] : memref<10000x128xf32, #tpu.memory_space<hbm>> -> memref<10000x128xf32, #tpu.memory_space<hbm>>
        tpu.enqueue_indirect_dma source(%dma_start3A_664 : memref<10000x128xf32, #tpu.memory_space<hbm>>) target(%arg10 : memref<128x128xf32, #tpu.memory_space<vmem>>) offsets(%dma_start3A_657 : memref<128xi32, #tpu.memory_space<vmem>>) semaphore(%arg13 : memref<!tpu.dma_semaphore, #tpu.memory_space<semaphore_mem>>)
        %run_scoped3A_665 = arith.constant 26 : i32
        "tpu.region"() ({
          %run_scoped3A_840 = tpu.sem_alloc : memref<!tpu.dma_semaphore, #tpu.memory_space<semaphore_mem>>
          %dma_start3A_841 = arith.constant 0 : i32
          %dma_start3A_842 = tpu.memref_slice %arg8[%run_scoped3A_665, %dma_start3A_841] : memref<35x128xi32, #tpu.memory_space<vmem>> -> memref<1x128xi32, #tpu.memory_space<vmem>>
          %dma_start3A_843 = tpu.memref_squeeze %dma_start3A_842 : memref<1x128xi32, #tpu.memory_space<vmem>> -> memref<128xi32, #tpu.memory_space<vmem>>
          %dma_start3A_844 = arith.constant 0 : i32
          %dma_start3A_845 = arith.constant 0 : i32
          %dma_start3A_846 = tpu.memref_slice %arg11[%dma_start3A_844, %dma_start3A_845] : memref<10008x128xf32, #tpu.memory_space<vmem_shared>> -> memref<10008x128xf32, #tpu.memory_space<vmem_shared>>
          tpu.enqueue_indirect_dma source(%arg9 : memref<128x128xf32, #tpu.memory_space<vmem>>) target(%dma_start3A_846 : memref<10008x128xf32, #tpu.memory_space<vmem_shared>>) offsets(%dma_start3A_843 : memref<128xi32, #tpu.memory_space<vmem>>) semaphore(%run_scoped3A_840 : memref<!tpu.dma_semaphore, #tpu.memory_space<semaphore_mem>>) {add = true}
          %dma_wait3A_847 = arith.constant 0 : i32
          %dma_wait3A_848 = tpu.memref_slice %arg8[%run_scoped3A_665, %dma_wait3A_847] : memref<35x128xi32, #tpu.memory_space<vmem>> -> memref<1x128xi32, #tpu.memory_space<vmem>>
          %dma_wait3A_849 = tpu.memref_squeeze %dma_wait3A_848 : memref<1x128xi32, #tpu.memory_space<vmem>> -> memref<128xi32, #tpu.memory_space<vmem>>
          %dma_wait3A_850 = arith.constant 0 : i32
          %dma_wait3A_851 = arith.constant 0 : i32
          %dma_wait3A_852 = tpu.memref_slice %arg11[%dma_wait3A_850, %dma_wait3A_851] : memref<10008x128xf32, #tpu.memory_space<vmem_shared>> -> memref<10008x128xf32, #tpu.memory_space<vmem_shared>>
          tpu.wait_indirect_dma semaphore(%run_scoped3A_840 : memref<!tpu.dma_semaphore, #tpu.memory_space<semaphore_mem>>) src(%arg9 : memref<128x128xf32, #tpu.memory_space<vmem>>) dst(%dma_wait3A_852 : memref<10008x128xf32, #tpu.memory_space<vmem_shared>>)
          tpu.yield
        }) : () -> ()
        %dma_wait3A_666 = arith.constant 27 : i32
        %dma_wait3A_667 = arith.constant 0 : i32
        %dma_wait3A_668 = tpu.memref_slice %arg7[%dma_wait3A_666, %dma_wait3A_667] : memref<35x128xi32, #tpu.memory_space<vmem>> -> memref<1x128xi32, #tpu.memory_space<vmem>>
        %dma_wait3A_669 = tpu.memref_squeeze %dma_wait3A_668 : memref<1x128xi32, #tpu.memory_space<vmem>> -> memref<128xi32, #tpu.memory_space<vmem>>
        %dma_wait3A_670 = arith.constant 0 : i32
        %dma_wait3A_671 = arith.constant 0 : i32
        %dma_wait3A_672 = tpu.memref_slice %arg2[%scan3A, %dma_wait3A_670, %dma_wait3A_671] : memref<2x10000x128xf32, #tpu.memory_space<hbm>> -> memref<1x10000x128xf32, #tpu.memory_space<hbm>>
        %dma_wait3A_673 = tpu.memref_squeeze %dma_wait3A_672 : memref<1x10000x128xf32, #tpu.memory_space<hbm>> -> memref<10000x128xf32, #tpu.memory_space<hbm>>
        %dma_wait3A_674 = arith.constant 0 : i32
        %dma_wait3A_675 = arith.constant 0 : i32
        %dma_wait3A_676 = tpu.memref_slice %dma_wait3A_673[%dma_wait3A_674, %dma_wait3A_675] : memref<10000x128xf32, #tpu.memory_space<hbm>> -> memref<10000x128xf32, #tpu.memory_space<hbm>>
        tpu.wait_indirect_dma semaphore(%arg13 : memref<!tpu.dma_semaphore, #tpu.memory_space<semaphore_mem>>) src(%dma_wait3A_676 : memref<10000x128xf32, #tpu.memory_space<hbm>>) dst(%arg10 : memref<128x128xf32, #tpu.memory_space<vmem>>)
        %dma_start3A_677 = arith.constant 28 : i32
        %dma_start3A_678 = arith.constant 0 : i32
        %dma_start3A_679 = tpu.memref_slice %arg7[%dma_start3A_677, %dma_start3A_678] : memref<35x128xi32, #tpu.memory_space<vmem>> -> memref<1x128xi32, #tpu.memory_space<vmem>>
        %dma_start3A_680 = tpu.memref_squeeze %dma_start3A_679 : memref<1x128xi32, #tpu.memory_space<vmem>> -> memref<128xi32, #tpu.memory_space<vmem>>
        %dma_start3A_681 = arith.constant 0 : i32
        %dma_start3A_682 = arith.constant 0 : i32
        %dma_start3A_683 = tpu.memref_slice %arg2[%scan3A, %dma_start3A_681, %dma_start3A_682] : memref<2x10000x128xf32, #tpu.memory_space<hbm>> -> memref<1x10000x128xf32, #tpu.memory_space<hbm>>
        %dma_start3A_684 = tpu.memref_squeeze %dma_start3A_683 : memref<1x10000x128xf32, #tpu.memory_space<hbm>> -> memref<10000x128xf32, #tpu.memory_space<hbm>>
        %dma_start3A_685 = arith.constant 0 : i32
        %dma_start3A_686 = arith.constant 0 : i32
        %dma_start3A_687 = tpu.memref_slice %dma_start3A_684[%dma_start3A_685, %dma_start3A_686] : memref<10000x128xf32, #tpu.memory_space<hbm>> -> memref<10000x128xf32, #tpu.memory_space<hbm>>
        tpu.enqueue_indirect_dma source(%dma_start3A_687 : memref<10000x128xf32, #tpu.memory_space<hbm>>) target(%arg9 : memref<128x128xf32, #tpu.memory_space<vmem>>) offsets(%dma_start3A_680 : memref<128xi32, #tpu.memory_space<vmem>>) semaphore(%arg12 : memref<!tpu.dma_semaphore, #tpu.memory_space<semaphore_mem>>)
        %run_scoped3A_688 = arith.constant 27 : i32
        "tpu.region"() ({
          %run_scoped3A_840 = tpu.sem_alloc : memref<!tpu.dma_semaphore, #tpu.memory_space<semaphore_mem>>
          %dma_start3A_841 = arith.constant 0 : i32
          %dma_start3A_842 = tpu.memref_slice %arg8[%run_scoped3A_688, %dma_start3A_841] : memref<35x128xi32, #tpu.memory_space<vmem>> -> memref<1x128xi32, #tpu.memory_space<vmem>>
          %dma_start3A_843 = tpu.memref_squeeze %dma_start3A_842 : memref<1x128xi32, #tpu.memory_space<vmem>> -> memref<128xi32, #tpu.memory_space<vmem>>
          %dma_start3A_844 = arith.constant 0 : i32
          %dma_start3A_845 = arith.constant 0 : i32
          %dma_start3A_846 = tpu.memref_slice %arg11[%dma_start3A_844, %dma_start3A_845] : memref<10008x128xf32, #tpu.memory_space<vmem_shared>> -> memref<10008x128xf32, #tpu.memory_space<vmem_shared>>
          tpu.enqueue_indirect_dma source(%arg10 : memref<128x128xf32, #tpu.memory_space<vmem>>) target(%dma_start3A_846 : memref<10008x128xf32, #tpu.memory_space<vmem_shared>>) offsets(%dma_start3A_843 : memref<128xi32, #tpu.memory_space<vmem>>) semaphore(%run_scoped3A_840 : memref<!tpu.dma_semaphore, #tpu.memory_space<semaphore_mem>>) {add = true}
          %dma_wait3A_847 = arith.constant 0 : i32
          %dma_wait3A_848 = tpu.memref_slice %arg8[%run_scoped3A_688, %dma_wait3A_847] : memref<35x128xi32, #tpu.memory_space<vmem>> -> memref<1x128xi32, #tpu.memory_space<vmem>>
          %dma_wait3A_849 = tpu.memref_squeeze %dma_wait3A_848 : memref<1x128xi32, #tpu.memory_space<vmem>> -> memref<128xi32, #tpu.memory_space<vmem>>
          %dma_wait3A_850 = arith.constant 0 : i32
          %dma_wait3A_851 = arith.constant 0 : i32
          %dma_wait3A_852 = tpu.memref_slice %arg11[%dma_wait3A_850, %dma_wait3A_851] : memref<10008x128xf32, #tpu.memory_space<vmem_shared>> -> memref<10008x128xf32, #tpu.memory_space<vmem_shared>>
          tpu.wait_indirect_dma semaphore(%run_scoped3A_840 : memref<!tpu.dma_semaphore, #tpu.memory_space<semaphore_mem>>) src(%arg10 : memref<128x128xf32, #tpu.memory_space<vmem>>) dst(%dma_wait3A_852 : memref<10008x128xf32, #tpu.memory_space<vmem_shared>>)
          tpu.yield
        }) : () -> ()
        %dma_wait3A_689 = arith.constant 28 : i32
        %dma_wait3A_690 = arith.constant 0 : i32
        %dma_wait3A_691 = tpu.memref_slice %arg7[%dma_wait3A_689, %dma_wait3A_690] : memref<35x128xi32, #tpu.memory_space<vmem>> -> memref<1x128xi32, #tpu.memory_space<vmem>>
        %dma_wait3A_692 = tpu.memref_squeeze %dma_wait3A_691 : memref<1x128xi32, #tpu.memory_space<vmem>> -> memref<128xi32, #tpu.memory_space<vmem>>
        %dma_wait3A_693 = arith.constant 0 : i32
        %dma_wait3A_694 = arith.constant 0 : i32
        %dma_wait3A_695 = tpu.memref_slice %arg2[%scan3A, %dma_wait3A_693, %dma_wait3A_694] : memref<2x10000x128xf32, #tpu.memory_space<hbm>> -> memref<1x10000x128xf32, #tpu.memory_space<hbm>>
        %dma_wait3A_696 = tpu.memref_squeeze %dma_wait3A_695 : memref<1x10000x128xf32, #tpu.memory_space<hbm>> -> memref<10000x128xf32, #tpu.memory_space<hbm>>
        %dma_wait3A_697 = arith.constant 0 : i32
        %dma_wait3A_698 = arith.constant 0 : i32
        %dma_wait3A_699 = tpu.memref_slice %dma_wait3A_696[%dma_wait3A_697, %dma_wait3A_698] : memref<10000x128xf32, #tpu.memory_space<hbm>> -> memref<10000x128xf32, #tpu.memory_space<hbm>>
        tpu.wait_indirect_dma semaphore(%arg12 : memref<!tpu.dma_semaphore, #tpu.memory_space<semaphore_mem>>) src(%dma_wait3A_699 : memref<10000x128xf32, #tpu.memory_space<hbm>>) dst(%arg9 : memref<128x128xf32, #tpu.memory_space<vmem>>)
        %dma_start3A_700 = arith.constant 29 : i32
        %dma_start3A_701 = arith.constant 0 : i32
        %dma_start3A_702 = tpu.memref_slice %arg7[%dma_start3A_700, %dma_start3A_701] : memref<35x128xi32, #tpu.memory_space<vmem>> -> memref<1x128xi32, #tpu.memory_space<vmem>>
        %dma_start3A_703 = tpu.memref_squeeze %dma_start3A_702 : memref<1x128xi32, #tpu.memory_space<vmem>> -> memref<128xi32, #tpu.memory_space<vmem>>
        %dma_start3A_704 = arith.constant 0 : i32
        %dma_start3A_705 = arith.constant 0 : i32
        %dma_start3A_706 = tpu.memref_slice %arg2[%scan3A, %dma_start3A_704, %dma_start3A_705] : memref<2x10000x128xf32, #tpu.memory_space<hbm>> -> memref<1x10000x128xf32, #tpu.memory_space<hbm>>
        %dma_start3A_707 = tpu.memref_squeeze %dma_start3A_706 : memref<1x10000x128xf32, #tpu.memory_space<hbm>> -> memref<10000x128xf32, #tpu.memory_space<hbm>>
        %dma_start3A_708 = arith.constant 0 : i32
        %dma_start3A_709 = arith.constant 0 : i32
        %dma_start3A_710 = tpu.memref_slice %dma_start3A_707[%dma_start3A_708, %dma_start3A_709] : memref<10000x128xf32, #tpu.memory_space<hbm>> -> memref<10000x128xf32, #tpu.memory_space<hbm>>
        tpu.enqueue_indirect_dma source(%dma_start3A_710 : memref<10000x128xf32, #tpu.memory_space<hbm>>) target(%arg10 : memref<128x128xf32, #tpu.memory_space<vmem>>) offsets(%dma_start3A_703 : memref<128xi32, #tpu.memory_space<vmem>>) semaphore(%arg13 : memref<!tpu.dma_semaphore, #tpu.memory_space<semaphore_mem>>)
        %run_scoped3A_711 = arith.constant 28 : i32
        "tpu.region"() ({
          %run_scoped3A_840 = tpu.sem_alloc : memref<!tpu.dma_semaphore, #tpu.memory_space<semaphore_mem>>
          %dma_start3A_841 = arith.constant 0 : i32
          %dma_start3A_842 = tpu.memref_slice %arg8[%run_scoped3A_711, %dma_start3A_841] : memref<35x128xi32, #tpu.memory_space<vmem>> -> memref<1x128xi32, #tpu.memory_space<vmem>>
          %dma_start3A_843 = tpu.memref_squeeze %dma_start3A_842 : memref<1x128xi32, #tpu.memory_space<vmem>> -> memref<128xi32, #tpu.memory_space<vmem>>
          %dma_start3A_844 = arith.constant 0 : i32
          %dma_start3A_845 = arith.constant 0 : i32
          %dma_start3A_846 = tpu.memref_slice %arg11[%dma_start3A_844, %dma_start3A_845] : memref<10008x128xf32, #tpu.memory_space<vmem_shared>> -> memref<10008x128xf32, #tpu.memory_space<vmem_shared>>
          tpu.enqueue_indirect_dma source(%arg9 : memref<128x128xf32, #tpu.memory_space<vmem>>) target(%dma_start3A_846 : memref<10008x128xf32, #tpu.memory_space<vmem_shared>>) offsets(%dma_start3A_843 : memref<128xi32, #tpu.memory_space<vmem>>) semaphore(%run_scoped3A_840 : memref<!tpu.dma_semaphore, #tpu.memory_space<semaphore_mem>>) {add = true}
          %dma_wait3A_847 = arith.constant 0 : i32
          %dma_wait3A_848 = tpu.memref_slice %arg8[%run_scoped3A_711, %dma_wait3A_847] : memref<35x128xi32, #tpu.memory_space<vmem>> -> memref<1x128xi32, #tpu.memory_space<vmem>>
          %dma_wait3A_849 = tpu.memref_squeeze %dma_wait3A_848 : memref<1x128xi32, #tpu.memory_space<vmem>> -> memref<128xi32, #tpu.memory_space<vmem>>
          %dma_wait3A_850 = arith.constant 0 : i32
          %dma_wait3A_851 = arith.constant 0 : i32
          %dma_wait3A_852 = tpu.memref_slice %arg11[%dma_wait3A_850, %dma_wait3A_851] : memref<10008x128xf32, #tpu.memory_space<vmem_shared>> -> memref<10008x128xf32, #tpu.memory_space<vmem_shared>>
          tpu.wait_indirect_dma semaphore(%run_scoped3A_840 : memref<!tpu.dma_semaphore, #tpu.memory_space<semaphore_mem>>) src(%arg9 : memref<128x128xf32, #tpu.memory_space<vmem>>) dst(%dma_wait3A_852 : memref<10008x128xf32, #tpu.memory_space<vmem_shared>>)
          tpu.yield
        }) : () -> ()
        %dma_wait3A_712 = arith.constant 29 : i32
        %dma_wait3A_713 = arith.constant 0 : i32
        %dma_wait3A_714 = tpu.memref_slice %arg7[%dma_wait3A_712, %dma_wait3A_713] : memref<35x128xi32, #tpu.memory_space<vmem>> -> memref<1x128xi32, #tpu.memory_space<vmem>>
        %dma_wait3A_715 = tpu.memref_squeeze %dma_wait3A_714 : memref<1x128xi32, #tpu.memory_space<vmem>> -> memref<128xi32, #tpu.memory_space<vmem>>
        %dma_wait3A_716 = arith.constant 0 : i32
        %dma_wait3A_717 = arith.constant 0 : i32
        %dma_wait3A_718 = tpu.memref_slice %arg2[%scan3A, %dma_wait3A_716, %dma_wait3A_717] : memref<2x10000x128xf32, #tpu.memory_space<hbm>> -> memref<1x10000x128xf32, #tpu.memory_space<hbm>>
        %dma_wait3A_719 = tpu.memref_squeeze %dma_wait3A_718 : memref<1x10000x128xf32, #tpu.memory_space<hbm>> -> memref<10000x128xf32, #tpu.memory_space<hbm>>
        %dma_wait3A_720 = arith.constant 0 : i32
        %dma_wait3A_721 = arith.constant 0 : i32
        %dma_wait3A_722 = tpu.memref_slice %dma_wait3A_719[%dma_wait3A_720, %dma_wait3A_721] : memref<10000x128xf32, #tpu.memory_space<hbm>> -> memref<10000x128xf32, #tpu.memory_space<hbm>>
        tpu.wait_indirect_dma semaphore(%arg13 : memref<!tpu.dma_semaphore, #tpu.memory_space<semaphore_mem>>) src(%dma_wait3A_722 : memref<10000x128xf32, #tpu.memory_space<hbm>>) dst(%arg10 : memref<128x128xf32, #tpu.memory_space<vmem>>)
        %dma_start3A_723 = arith.constant 30 : i32
        %dma_start3A_724 = arith.constant 0 : i32
        %dma_start3A_725 = tpu.memref_slice %arg7[%dma_start3A_723, %dma_start3A_724] : memref<35x128xi32, #tpu.memory_space<vmem>> -> memref<1x128xi32, #tpu.memory_space<vmem>>
        %dma_start3A_726 = tpu.memref_squeeze %dma_start3A_725 : memref<1x128xi32, #tpu.memory_space<vmem>> -> memref<128xi32, #tpu.memory_space<vmem>>
        %dma_start3A_727 = arith.constant 0 : i32
        %dma_start3A_728 = arith.constant 0 : i32
        %dma_start3A_729 = tpu.memref_slice %arg2[%scan3A, %dma_start3A_727, %dma_start3A_728] : memref<2x10000x128xf32, #tpu.memory_space<hbm>> -> memref<1x10000x128xf32, #tpu.memory_space<hbm>>
        %dma_start3A_730 = tpu.memref_squeeze %dma_start3A_729 : memref<1x10000x128xf32, #tpu.memory_space<hbm>> -> memref<10000x128xf32, #tpu.memory_space<hbm>>
        %dma_start3A_731 = arith.constant 0 : i32
        %dma_start3A_732 = arith.constant 0 : i32
        %dma_start3A_733 = tpu.memref_slice %dma_start3A_730[%dma_start3A_731, %dma_start3A_732] : memref<10000x128xf32, #tpu.memory_space<hbm>> -> memref<10000x128xf32, #tpu.memory_space<hbm>>
        tpu.enqueue_indirect_dma source(%dma_start3A_733 : memref<10000x128xf32, #tpu.memory_space<hbm>>) target(%arg9 : memref<128x128xf32, #tpu.memory_space<vmem>>) offsets(%dma_start3A_726 : memref<128xi32, #tpu.memory_space<vmem>>) semaphore(%arg12 : memref<!tpu.dma_semaphore, #tpu.memory_space<semaphore_mem>>)
        %run_scoped3A_734 = arith.constant 29 : i32
        "tpu.region"() ({
          %run_scoped3A_840 = tpu.sem_alloc : memref<!tpu.dma_semaphore, #tpu.memory_space<semaphore_mem>>
          %dma_start3A_841 = arith.constant 0 : i32
          %dma_start3A_842 = tpu.memref_slice %arg8[%run_scoped3A_734, %dma_start3A_841] : memref<35x128xi32, #tpu.memory_space<vmem>> -> memref<1x128xi32, #tpu.memory_space<vmem>>
          %dma_start3A_843 = tpu.memref_squeeze %dma_start3A_842 : memref<1x128xi32, #tpu.memory_space<vmem>> -> memref<128xi32, #tpu.memory_space<vmem>>
          %dma_start3A_844 = arith.constant 0 : i32
          %dma_start3A_845 = arith.constant 0 : i32
          %dma_start3A_846 = tpu.memref_slice %arg11[%dma_start3A_844, %dma_start3A_845] : memref<10008x128xf32, #tpu.memory_space<vmem_shared>> -> memref<10008x128xf32, #tpu.memory_space<vmem_shared>>
          tpu.enqueue_indirect_dma source(%arg10 : memref<128x128xf32, #tpu.memory_space<vmem>>) target(%dma_start3A_846 : memref<10008x128xf32, #tpu.memory_space<vmem_shared>>) offsets(%dma_start3A_843 : memref<128xi32, #tpu.memory_space<vmem>>) semaphore(%run_scoped3A_840 : memref<!tpu.dma_semaphore, #tpu.memory_space<semaphore_mem>>) {add = true}
          %dma_wait3A_847 = arith.constant 0 : i32
          %dma_wait3A_848 = tpu.memref_slice %arg8[%run_scoped3A_734, %dma_wait3A_847] : memref<35x128xi32, #tpu.memory_space<vmem>> -> memref<1x128xi32, #tpu.memory_space<vmem>>
          %dma_wait3A_849 = tpu.memref_squeeze %dma_wait3A_848 : memref<1x128xi32, #tpu.memory_space<vmem>> -> memref<128xi32, #tpu.memory_space<vmem>>
          %dma_wait3A_850 = arith.constant 0 : i32
          %dma_wait3A_851 = arith.constant 0 : i32
          %dma_wait3A_852 = tpu.memref_slice %arg11[%dma_wait3A_850, %dma_wait3A_851] : memref<10008x128xf32, #tpu.memory_space<vmem_shared>> -> memref<10008x128xf32, #tpu.memory_space<vmem_shared>>
          tpu.wait_indirect_dma semaphore(%run_scoped3A_840 : memref<!tpu.dma_semaphore, #tpu.memory_space<semaphore_mem>>) src(%arg10 : memref<128x128xf32, #tpu.memory_space<vmem>>) dst(%dma_wait3A_852 : memref<10008x128xf32, #tpu.memory_space<vmem_shared>>)
          tpu.yield
        }) : () -> ()
        %dma_wait3A_735 = arith.constant 30 : i32
        %dma_wait3A_736 = arith.constant 0 : i32
        %dma_wait3A_737 = tpu.memref_slice %arg7[%dma_wait3A_735, %dma_wait3A_736] : memref<35x128xi32, #tpu.memory_space<vmem>> -> memref<1x128xi32, #tpu.memory_space<vmem>>
        %dma_wait3A_738 = tpu.memref_squeeze %dma_wait3A_737 : memref<1x128xi32, #tpu.memory_space<vmem>> -> memref<128xi32, #tpu.memory_space<vmem>>
        %dma_wait3A_739 = arith.constant 0 : i32
        %dma_wait3A_740 = arith.constant 0 : i32
        %dma_wait3A_741 = tpu.memref_slice %arg2[%scan3A, %dma_wait3A_739, %dma_wait3A_740] : memref<2x10000x128xf32, #tpu.memory_space<hbm>> -> memref<1x10000x128xf32, #tpu.memory_space<hbm>>
        %dma_wait3A_742 = tpu.memref_squeeze %dma_wait3A_741 : memref<1x10000x128xf32, #tpu.memory_space<hbm>> -> memref<10000x128xf32, #tpu.memory_space<hbm>>
        %dma_wait3A_743 = arith.constant 0 : i32
        %dma_wait3A_744 = arith.constant 0 : i32
        %dma_wait3A_745 = tpu.memref_slice %dma_wait3A_742[%dma_wait3A_743, %dma_wait3A_744] : memref<10000x128xf32, #tpu.memory_space<hbm>> -> memref<10000x128xf32, #tpu.memory_space<hbm>>
        tpu.wait_indirect_dma semaphore(%arg12 : memref<!tpu.dma_semaphore, #tpu.memory_space<semaphore_mem>>) src(%dma_wait3A_745 : memref<10000x128xf32, #tpu.memory_space<hbm>>) dst(%arg9 : memref<128x128xf32, #tpu.memory_space<vmem>>)
        %dma_start3A_746 = arith.constant 31 : i32
        %dma_start3A_747 = arith.constant 0 : i32
        %dma_start3A_748 = tpu.memref_slice %arg7[%dma_start3A_746, %dma_start3A_747] : memref<35x128xi32, #tpu.memory_space<vmem>> -> memref<1x128xi32, #tpu.memory_space<vmem>>
        %dma_start3A_749 = tpu.memref_squeeze %dma_start3A_748 : memref<1x128xi32, #tpu.memory_space<vmem>> -> memref<128xi32, #tpu.memory_space<vmem>>
        %dma_start3A_750 = arith.constant 0 : i32
        %dma_start3A_751 = arith.constant 0 : i32
        %dma_start3A_752 = tpu.memref_slice %arg2[%scan3A, %dma_start3A_750, %dma_start3A_751] : memref<2x10000x128xf32, #tpu.memory_space<hbm>> -> memref<1x10000x128xf32, #tpu.memory_space<hbm>>
        %dma_start3A_753 = tpu.memref_squeeze %dma_start3A_752 : memref<1x10000x128xf32, #tpu.memory_space<hbm>> -> memref<10000x128xf32, #tpu.memory_space<hbm>>
        %dma_start3A_754 = arith.constant 0 : i32
        %dma_start3A_755 = arith.constant 0 : i32
        %dma_start3A_756 = tpu.memref_slice %dma_start3A_753[%dma_start3A_754, %dma_start3A_755] : memref<10000x128xf32, #tpu.memory_space<hbm>> -> memref<10000x128xf32, #tpu.memory_space<hbm>>
        tpu.enqueue_indirect_dma source(%dma_start3A_756 : memref<10000x128xf32, #tpu.memory_space<hbm>>) target(%arg10 : memref<128x128xf32, #tpu.memory_space<vmem>>) offsets(%dma_start3A_749 : memref<128xi32, #tpu.memory_space<vmem>>) semaphore(%arg13 : memref<!tpu.dma_semaphore, #tpu.memory_space<semaphore_mem>>)
        %run_scoped3A_757 = arith.constant 30 : i32
        "tpu.region"() ({
          %run_scoped3A_840 = tpu.sem_alloc : memref<!tpu.dma_semaphore, #tpu.memory_space<semaphore_mem>>
          %dma_start3A_841 = arith.constant 0 : i32
          %dma_start3A_842 = tpu.memref_slice %arg8[%run_scoped3A_757, %dma_start3A_841] : memref<35x128xi32, #tpu.memory_space<vmem>> -> memref<1x128xi32, #tpu.memory_space<vmem>>
          %dma_start3A_843 = tpu.memref_squeeze %dma_start3A_842 : memref<1x128xi32, #tpu.memory_space<vmem>> -> memref<128xi32, #tpu.memory_space<vmem>>
          %dma_start3A_844 = arith.constant 0 : i32
          %dma_start3A_845 = arith.constant 0 : i32
          %dma_start3A_846 = tpu.memref_slice %arg11[%dma_start3A_844, %dma_start3A_845] : memref<10008x128xf32, #tpu.memory_space<vmem_shared>> -> memref<10008x128xf32, #tpu.memory_space<vmem_shared>>
          tpu.enqueue_indirect_dma source(%arg9 : memref<128x128xf32, #tpu.memory_space<vmem>>) target(%dma_start3A_846 : memref<10008x128xf32, #tpu.memory_space<vmem_shared>>) offsets(%dma_start3A_843 : memref<128xi32, #tpu.memory_space<vmem>>) semaphore(%run_scoped3A_840 : memref<!tpu.dma_semaphore, #tpu.memory_space<semaphore_mem>>) {add = true}
          %dma_wait3A_847 = arith.constant 0 : i32
          %dma_wait3A_848 = tpu.memref_slice %arg8[%run_scoped3A_757, %dma_wait3A_847] : memref<35x128xi32, #tpu.memory_space<vmem>> -> memref<1x128xi32, #tpu.memory_space<vmem>>
          %dma_wait3A_849 = tpu.memref_squeeze %dma_wait3A_848 : memref<1x128xi32, #tpu.memory_space<vmem>> -> memref<128xi32, #tpu.memory_space<vmem>>
          %dma_wait3A_850 = arith.constant 0 : i32
          %dma_wait3A_851 = arith.constant 0 : i32
          %dma_wait3A_852 = tpu.memref_slice %arg11[%dma_wait3A_850, %dma_wait3A_851] : memref<10008x128xf32, #tpu.memory_space<vmem_shared>> -> memref<10008x128xf32, #tpu.memory_space<vmem_shared>>
          tpu.wait_indirect_dma semaphore(%run_scoped3A_840 : memref<!tpu.dma_semaphore, #tpu.memory_space<semaphore_mem>>) src(%arg9 : memref<128x128xf32, #tpu.memory_space<vmem>>) dst(%dma_wait3A_852 : memref<10008x128xf32, #tpu.memory_space<vmem_shared>>)
          tpu.yield
        }) : () -> ()
        %dma_wait3A_758 = arith.constant 31 : i32
        %dma_wait3A_759 = arith.constant 0 : i32
        %dma_wait3A_760 = tpu.memref_slice %arg7[%dma_wait3A_758, %dma_wait3A_759] : memref<35x128xi32, #tpu.memory_space<vmem>> -> memref<1x128xi32, #tpu.memory_space<vmem>>
        %dma_wait3A_761 = tpu.memref_squeeze %dma_wait3A_760 : memref<1x128xi32, #tpu.memory_space<vmem>> -> memref<128xi32, #tpu.memory_space<vmem>>
        %dma_wait3A_762 = arith.constant 0 : i32
        %dma_wait3A_763 = arith.constant 0 : i32
        %dma_wait3A_764 = tpu.memref_slice %arg2[%scan3A, %dma_wait3A_762, %dma_wait3A_763] : memref<2x10000x128xf32, #tpu.memory_space<hbm>> -> memref<1x10000x128xf32, #tpu.memory_space<hbm>>
        %dma_wait3A_765 = tpu.memref_squeeze %dma_wait3A_764 : memref<1x10000x128xf32, #tpu.memory_space<hbm>> -> memref<10000x128xf32, #tpu.memory_space<hbm>>
        %dma_wait3A_766 = arith.constant 0 : i32
        %dma_wait3A_767 = arith.constant 0 : i32
        %dma_wait3A_768 = tpu.memref_slice %dma_wait3A_765[%dma_wait3A_766, %dma_wait3A_767] : memref<10000x128xf32, #tpu.memory_space<hbm>> -> memref<10000x128xf32, #tpu.memory_space<hbm>>
        tpu.wait_indirect_dma semaphore(%arg13 : memref<!tpu.dma_semaphore, #tpu.memory_space<semaphore_mem>>) src(%dma_wait3A_768 : memref<10000x128xf32, #tpu.memory_space<hbm>>) dst(%arg10 : memref<128x128xf32, #tpu.memory_space<vmem>>)
        %dma_start3A_769 = arith.constant 32 : i32
        %dma_start3A_770 = arith.constant 0 : i32
        %dma_start3A_771 = tpu.memref_slice %arg7[%dma_start3A_769, %dma_start3A_770] : memref<35x128xi32, #tpu.memory_space<vmem>> -> memref<1x128xi32, #tpu.memory_space<vmem>>
        %dma_start3A_772 = tpu.memref_squeeze %dma_start3A_771 : memref<1x128xi32, #tpu.memory_space<vmem>> -> memref<128xi32, #tpu.memory_space<vmem>>
        %dma_start3A_773 = arith.constant 0 : i32
        %dma_start3A_774 = arith.constant 0 : i32
        %dma_start3A_775 = tpu.memref_slice %arg2[%scan3A, %dma_start3A_773, %dma_start3A_774] : memref<2x10000x128xf32, #tpu.memory_space<hbm>> -> memref<1x10000x128xf32, #tpu.memory_space<hbm>>
        %dma_start3A_776 = tpu.memref_squeeze %dma_start3A_775 : memref<1x10000x128xf32, #tpu.memory_space<hbm>> -> memref<10000x128xf32, #tpu.memory_space<hbm>>
        %dma_start3A_777 = arith.constant 0 : i32
        %dma_start3A_778 = arith.constant 0 : i32
        %dma_start3A_779 = tpu.memref_slice %dma_start3A_776[%dma_start3A_777, %dma_start3A_778] : memref<10000x128xf32, #tpu.memory_space<hbm>> -> memref<10000x128xf32, #tpu.memory_space<hbm>>
        tpu.enqueue_indirect_dma source(%dma_start3A_779 : memref<10000x128xf32, #tpu.memory_space<hbm>>) target(%arg9 : memref<128x128xf32, #tpu.memory_space<vmem>>) offsets(%dma_start3A_772 : memref<128xi32, #tpu.memory_space<vmem>>) semaphore(%arg12 : memref<!tpu.dma_semaphore, #tpu.memory_space<semaphore_mem>>)
        %run_scoped3A_780 = arith.constant 31 : i32
        "tpu.region"() ({
          %run_scoped3A_840 = tpu.sem_alloc : memref<!tpu.dma_semaphore, #tpu.memory_space<semaphore_mem>>
          %dma_start3A_841 = arith.constant 0 : i32
          %dma_start3A_842 = tpu.memref_slice %arg8[%run_scoped3A_780, %dma_start3A_841] : memref<35x128xi32, #tpu.memory_space<vmem>> -> memref<1x128xi32, #tpu.memory_space<vmem>>
          %dma_start3A_843 = tpu.memref_squeeze %dma_start3A_842 : memref<1x128xi32, #tpu.memory_space<vmem>> -> memref<128xi32, #tpu.memory_space<vmem>>
          %dma_start3A_844 = arith.constant 0 : i32
          %dma_start3A_845 = arith.constant 0 : i32
          %dma_start3A_846 = tpu.memref_slice %arg11[%dma_start3A_844, %dma_start3A_845] : memref<10008x128xf32, #tpu.memory_space<vmem_shared>> -> memref<10008x128xf32, #tpu.memory_space<vmem_shared>>
          tpu.enqueue_indirect_dma source(%arg10 : memref<128x128xf32, #tpu.memory_space<vmem>>) target(%dma_start3A_846 : memref<10008x128xf32, #tpu.memory_space<vmem_shared>>) offsets(%dma_start3A_843 : memref<128xi32, #tpu.memory_space<vmem>>) semaphore(%run_scoped3A_840 : memref<!tpu.dma_semaphore, #tpu.memory_space<semaphore_mem>>) {add = true}
          %dma_wait3A_847 = arith.constant 0 : i32
          %dma_wait3A_848 = tpu.memref_slice %arg8[%run_scoped3A_780, %dma_wait3A_847] : memref<35x128xi32, #tpu.memory_space<vmem>> -> memref<1x128xi32, #tpu.memory_space<vmem>>
          %dma_wait3A_849 = tpu.memref_squeeze %dma_wait3A_848 : memref<1x128xi32, #tpu.memory_space<vmem>> -> memref<128xi32, #tpu.memory_space<vmem>>
          %dma_wait3A_850 = arith.constant 0 : i32
          %dma_wait3A_851 = arith.constant 0 : i32
          %dma_wait3A_852 = tpu.memref_slice %arg11[%dma_wait3A_850, %dma_wait3A_851] : memref<10008x128xf32, #tpu.memory_space<vmem_shared>> -> memref<10008x128xf32, #tpu.memory_space<vmem_shared>>
          tpu.wait_indirect_dma semaphore(%run_scoped3A_840 : memref<!tpu.dma_semaphore, #tpu.memory_space<semaphore_mem>>) src(%arg10 : memref<128x128xf32, #tpu.memory_space<vmem>>) dst(%dma_wait3A_852 : memref<10008x128xf32, #tpu.memory_space<vmem_shared>>)
          tpu.yield
        }) : () -> ()
        %dma_wait3A_781 = arith.constant 32 : i32
        %dma_wait3A_782 = arith.constant 0 : i32
        %dma_wait3A_783 = tpu.memref_slice %arg7[%dma_wait3A_781, %dma_wait3A_782] : memref<35x128xi32, #tpu.memory_space<vmem>> -> memref<1x128xi32, #tpu.memory_space<vmem>>
        %dma_wait3A_784 = tpu.memref_squeeze %dma_wait3A_783 : memref<1x128xi32, #tpu.memory_space<vmem>> -> memref<128xi32, #tpu.memory_space<vmem>>
        %dma_wait3A_785 = arith.constant 0 : i32
        %dma_wait3A_786 = arith.constant 0 : i32
        %dma_wait3A_787 = tpu.memref_slice %arg2[%scan3A, %dma_wait3A_785, %dma_wait3A_786] : memref<2x10000x128xf32, #tpu.memory_space<hbm>> -> memref<1x10000x128xf32, #tpu.memory_space<hbm>>
        %dma_wait3A_788 = tpu.memref_squeeze %dma_wait3A_787 : memref<1x10000x128xf32, #tpu.memory_space<hbm>> -> memref<10000x128xf32, #tpu.memory_space<hbm>>
        %dma_wait3A_789 = arith.constant 0 : i32
        %dma_wait3A_790 = arith.constant 0 : i32
        %dma_wait3A_791 = tpu.memref_slice %dma_wait3A_788[%dma_wait3A_789, %dma_wait3A_790] : memref<10000x128xf32, #tpu.memory_space<hbm>> -> memref<10000x128xf32, #tpu.memory_space<hbm>>
        tpu.wait_indirect_dma semaphore(%arg12 : memref<!tpu.dma_semaphore, #tpu.memory_space<semaphore_mem>>) src(%dma_wait3A_791 : memref<10000x128xf32, #tpu.memory_space<hbm>>) dst(%arg9 : memref<128x128xf32, #tpu.memory_space<vmem>>)
        %dma_start3A_792 = arith.constant 33 : i32
        %dma_start3A_793 = arith.constant 0 : i32
        %dma_start3A_794 = tpu.memref_slice %arg7[%dma_start3A_792, %dma_start3A_793] : memref<35x128xi32, #tpu.memory_space<vmem>> -> memref<1x128xi32, #tpu.memory_space<vmem>>
        %dma_start3A_795 = tpu.memref_squeeze %dma_start3A_794 : memref<1x128xi32, #tpu.memory_space<vmem>> -> memref<128xi32, #tpu.memory_space<vmem>>
        %dma_start3A_796 = arith.constant 0 : i32
        %dma_start3A_797 = arith.constant 0 : i32
        %dma_start3A_798 = tpu.memref_slice %arg2[%scan3A, %dma_start3A_796, %dma_start3A_797] : memref<2x10000x128xf32, #tpu.memory_space<hbm>> -> memref<1x10000x128xf32, #tpu.memory_space<hbm>>
        %dma_start3A_799 = tpu.memref_squeeze %dma_start3A_798 : memref<1x10000x128xf32, #tpu.memory_space<hbm>> -> memref<10000x128xf32, #tpu.memory_space<hbm>>
        %dma_start3A_800 = arith.constant 0 : i32
        %dma_start3A_801 = arith.constant 0 : i32
        %dma_start3A_802 = tpu.memref_slice %dma_start3A_799[%dma_start3A_800, %dma_start3A_801] : memref<10000x128xf32, #tpu.memory_space<hbm>> -> memref<10000x128xf32, #tpu.memory_space<hbm>>
        tpu.enqueue_indirect_dma source(%dma_start3A_802 : memref<10000x128xf32, #tpu.memory_space<hbm>>) target(%arg10 : memref<128x128xf32, #tpu.memory_space<vmem>>) offsets(%dma_start3A_795 : memref<128xi32, #tpu.memory_space<vmem>>) semaphore(%arg13 : memref<!tpu.dma_semaphore, #tpu.memory_space<semaphore_mem>>)
        %run_scoped3A_803 = arith.constant 32 : i32
        "tpu.region"() ({
          %run_scoped3A_840 = tpu.sem_alloc : memref<!tpu.dma_semaphore, #tpu.memory_space<semaphore_mem>>
          %dma_start3A_841 = arith.constant 0 : i32
          %dma_start3A_842 = tpu.memref_slice %arg8[%run_scoped3A_803, %dma_start3A_841] : memref<35x128xi32, #tpu.memory_space<vmem>> -> memref<1x128xi32, #tpu.memory_space<vmem>>
          %dma_start3A_843 = tpu.memref_squeeze %dma_start3A_842 : memref<1x128xi32, #tpu.memory_space<vmem>> -> memref<128xi32, #tpu.memory_space<vmem>>
          %dma_start3A_844 = arith.constant 0 : i32
          %dma_start3A_845 = arith.constant 0 : i32
          %dma_start3A_846 = tpu.memref_slice %arg11[%dma_start3A_844, %dma_start3A_845] : memref<10008x128xf32, #tpu.memory_space<vmem_shared>> -> memref<10008x128xf32, #tpu.memory_space<vmem_shared>>
          tpu.enqueue_indirect_dma source(%arg9 : memref<128x128xf32, #tpu.memory_space<vmem>>) target(%dma_start3A_846 : memref<10008x128xf32, #tpu.memory_space<vmem_shared>>) offsets(%dma_start3A_843 : memref<128xi32, #tpu.memory_space<vmem>>) semaphore(%run_scoped3A_840 : memref<!tpu.dma_semaphore, #tpu.memory_space<semaphore_mem>>) {add = true}
          %dma_wait3A_847 = arith.constant 0 : i32
          %dma_wait3A_848 = tpu.memref_slice %arg8[%run_scoped3A_803, %dma_wait3A_847] : memref<35x128xi32, #tpu.memory_space<vmem>> -> memref<1x128xi32, #tpu.memory_space<vmem>>
          %dma_wait3A_849 = tpu.memref_squeeze %dma_wait3A_848 : memref<1x128xi32, #tpu.memory_space<vmem>> -> memref<128xi32, #tpu.memory_space<vmem>>
          %dma_wait3A_850 = arith.constant 0 : i32
          %dma_wait3A_851 = arith.constant 0 : i32
          %dma_wait3A_852 = tpu.memref_slice %arg11[%dma_wait3A_850, %dma_wait3A_851] : memref<10008x128xf32, #tpu.memory_space<vmem_shared>> -> memref<10008x128xf32, #tpu.memory_space<vmem_shared>>
          tpu.wait_indirect_dma semaphore(%run_scoped3A_840 : memref<!tpu.dma_semaphore, #tpu.memory_space<semaphore_mem>>) src(%arg9 : memref<128x128xf32, #tpu.memory_space<vmem>>) dst(%dma_wait3A_852 : memref<10008x128xf32, #tpu.memory_space<vmem_shared>>)
          tpu.yield
        }) : () -> ()
        %dma_wait3A_804 = arith.constant 33 : i32
        %dma_wait3A_805 = arith.constant 0 : i32
        %dma_wait3A_806 = tpu.memref_slice %arg7[%dma_wait3A_804, %dma_wait3A_805] : memref<35x128xi32, #tpu.memory_space<vmem>> -> memref<1x128xi32, #tpu.memory_space<vmem>>
        %dma_wait3A_807 = tpu.memref_squeeze %dma_wait3A_806 : memref<1x128xi32, #tpu.memory_space<vmem>> -> memref<128xi32, #tpu.memory_space<vmem>>
        %dma_wait3A_808 = arith.constant 0 : i32
        %dma_wait3A_809 = arith.constant 0 : i32
        %dma_wait3A_810 = tpu.memref_slice %arg2[%scan3A, %dma_wait3A_808, %dma_wait3A_809] : memref<2x10000x128xf32, #tpu.memory_space<hbm>> -> memref<1x10000x128xf32, #tpu.memory_space<hbm>>
        %dma_wait3A_811 = tpu.memref_squeeze %dma_wait3A_810 : memref<1x10000x128xf32, #tpu.memory_space<hbm>> -> memref<10000x128xf32, #tpu.memory_space<hbm>>
        %dma_wait3A_812 = arith.constant 0 : i32
        %dma_wait3A_813 = arith.constant 0 : i32
        %dma_wait3A_814 = tpu.memref_slice %dma_wait3A_811[%dma_wait3A_812, %dma_wait3A_813] : memref<10000x128xf32, #tpu.memory_space<hbm>> -> memref<10000x128xf32, #tpu.memory_space<hbm>>
        tpu.wait_indirect_dma semaphore(%arg13 : memref<!tpu.dma_semaphore, #tpu.memory_space<semaphore_mem>>) src(%dma_wait3A_814 : memref<10000x128xf32, #tpu.memory_space<hbm>>) dst(%arg10 : memref<128x128xf32, #tpu.memory_space<vmem>>)
        %dma_start3A_815 = arith.constant 34 : i32
        %dma_start3A_816 = arith.constant 0 : i32
        %dma_start3A_817 = tpu.memref_slice %arg7[%dma_start3A_815, %dma_start3A_816] : memref<35x128xi32, #tpu.memory_space<vmem>> -> memref<1x128xi32, #tpu.memory_space<vmem>>
        %dma_start3A_818 = tpu.memref_squeeze %dma_start3A_817 : memref<1x128xi32, #tpu.memory_space<vmem>> -> memref<128xi32, #tpu.memory_space<vmem>>
        %dma_start3A_819 = arith.constant 0 : i32
        %dma_start3A_820 = arith.constant 0 : i32
        %dma_start3A_821 = tpu.memref_slice %arg2[%scan3A, %dma_start3A_819, %dma_start3A_820] : memref<2x10000x128xf32, #tpu.memory_space<hbm>> -> memref<1x10000x128xf32, #tpu.memory_space<hbm>>
        %dma_start3A_822 = tpu.memref_squeeze %dma_start3A_821 : memref<1x10000x128xf32, #tpu.memory_space<hbm>> -> memref<10000x128xf32, #tpu.memory_space<hbm>>
        %dma_start3A_823 = arith.constant 0 : i32
        %dma_start3A_824 = arith.constant 0 : i32
        %dma_start3A_825 = tpu.memref_slice %dma_start3A_822[%dma_start3A_823, %dma_start3A_824] : memref<10000x128xf32, #tpu.memory_space<hbm>> -> memref<10000x128xf32, #tpu.memory_space<hbm>>
        tpu.enqueue_indirect_dma source(%dma_start3A_825 : memref<10000x128xf32, #tpu.memory_space<hbm>>) target(%arg9 : memref<128x128xf32, #tpu.memory_space<vmem>>) offsets(%dma_start3A_818 : memref<128xi32, #tpu.memory_space<vmem>>) semaphore(%arg12 : memref<!tpu.dma_semaphore, #tpu.memory_space<semaphore_mem>>)
        %run_scoped3A_826 = arith.constant 33 : i32
        "tpu.region"() ({
          %run_scoped3A_840 = tpu.sem_alloc : memref<!tpu.dma_semaphore, #tpu.memory_space<semaphore_mem>>
          %dma_start3A_841 = arith.constant 0 : i32
          %dma_start3A_842 = tpu.memref_slice %arg8[%run_scoped3A_826, %dma_start3A_841] : memref<35x128xi32, #tpu.memory_space<vmem>> -> memref<1x128xi32, #tpu.memory_space<vmem>>
          %dma_start3A_843 = tpu.memref_squeeze %dma_start3A_842 : memref<1x128xi32, #tpu.memory_space<vmem>> -> memref<128xi32, #tpu.memory_space<vmem>>
          %dma_start3A_844 = arith.constant 0 : i32
          %dma_start3A_845 = arith.constant 0 : i32
          %dma_start3A_846 = tpu.memref_slice %arg11[%dma_start3A_844, %dma_start3A_845] : memref<10008x128xf32, #tpu.memory_space<vmem_shared>> -> memref<10008x128xf32, #tpu.memory_space<vmem_shared>>
          tpu.enqueue_indirect_dma source(%arg10 : memref<128x128xf32, #tpu.memory_space<vmem>>) target(%dma_start3A_846 : memref<10008x128xf32, #tpu.memory_space<vmem_shared>>) offsets(%dma_start3A_843 : memref<128xi32, #tpu.memory_space<vmem>>) semaphore(%run_scoped3A_840 : memref<!tpu.dma_semaphore, #tpu.memory_space<semaphore_mem>>) {add = true}
          %dma_wait3A_847 = arith.constant 0 : i32
          %dma_wait3A_848 = tpu.memref_slice %arg8[%run_scoped3A_826, %dma_wait3A_847] : memref<35x128xi32, #tpu.memory_space<vmem>> -> memref<1x128xi32, #tpu.memory_space<vmem>>
          %dma_wait3A_849 = tpu.memref_squeeze %dma_wait3A_848 : memref<1x128xi32, #tpu.memory_space<vmem>> -> memref<128xi32, #tpu.memory_space<vmem>>
          %dma_wait3A_850 = arith.constant 0 : i32
          %dma_wait3A_851 = arith.constant 0 : i32
          %dma_wait3A_852 = tpu.memref_slice %arg11[%dma_wait3A_850, %dma_wait3A_851] : memref<10008x128xf32, #tpu.memory_space<vmem_shared>> -> memref<10008x128xf32, #tpu.memory_space<vmem_shared>>
          tpu.wait_indirect_dma semaphore(%run_scoped3A_840 : memref<!tpu.dma_semaphore, #tpu.memory_space<semaphore_mem>>) src(%arg10 : memref<128x128xf32, #tpu.memory_space<vmem>>) dst(%dma_wait3A_852 : memref<10008x128xf32, #tpu.memory_space<vmem_shared>>)
          tpu.yield
        }) : () -> ()
        %dma_wait3A_827 = arith.constant 34 : i32
        %dma_wait3A_828 = arith.constant 0 : i32
        %dma_wait3A_829 = tpu.memref_slice %arg7[%dma_wait3A_827, %dma_wait3A_828] : memref<35x128xi32, #tpu.memory_space<vmem>> -> memref<1x128xi32, #tpu.memory_space<vmem>>
        %dma_wait3A_830 = tpu.memref_squeeze %dma_wait3A_829 : memref<1x128xi32, #tpu.memory_space<vmem>> -> memref<128xi32, #tpu.memory_space<vmem>>
        %dma_wait3A_831 = arith.constant 0 : i32
        %dma_wait3A_832 = arith.constant 0 : i32
        %dma_wait3A_833 = tpu.memref_slice %arg2[%scan3A, %dma_wait3A_831, %dma_wait3A_832] : memref<2x10000x128xf32, #tpu.memory_space<hbm>> -> memref<1x10000x128xf32, #tpu.memory_space<hbm>>
        %dma_wait3A_834 = tpu.memref_squeeze %dma_wait3A_833 : memref<1x10000x128xf32, #tpu.memory_space<hbm>> -> memref<10000x128xf32, #tpu.memory_space<hbm>>
        %dma_wait3A_835 = arith.constant 0 : i32
        %dma_wait3A_836 = arith.constant 0 : i32
        %dma_wait3A_837 = tpu.memref_slice %dma_wait3A_834[%dma_wait3A_835, %dma_wait3A_836] : memref<10000x128xf32, #tpu.memory_space<hbm>> -> memref<10000x128xf32, #tpu.memory_space<hbm>>
        tpu.wait_indirect_dma semaphore(%arg12 : memref<!tpu.dma_semaphore, #tpu.memory_space<semaphore_mem>>) src(%dma_wait3A_837 : memref<10000x128xf32, #tpu.memory_space<hbm>>) dst(%arg9 : memref<128x128xf32, #tpu.memory_space<vmem>>)
        %run_scoped3A_838 = arith.constant 34 : i32
        "tpu.region"() ({
          %run_scoped3A_840 = tpu.sem_alloc : memref<!tpu.dma_semaphore, #tpu.memory_space<semaphore_mem>>
          %dma_start3A_841 = arith.constant 0 : i32
          %dma_start3A_842 = tpu.memref_slice %arg8[%run_scoped3A_838, %dma_start3A_841] : memref<35x128xi32, #tpu.memory_space<vmem>> -> memref<1x128xi32, #tpu.memory_space<vmem>>
          %dma_start3A_843 = tpu.memref_squeeze %dma_start3A_842 : memref<1x128xi32, #tpu.memory_space<vmem>> -> memref<128xi32, #tpu.memory_space<vmem>>
          %dma_start3A_844 = arith.constant 0 : i32
          %dma_start3A_845 = arith.constant 0 : i32
          %dma_start3A_846 = tpu.memref_slice %arg11[%dma_start3A_844, %dma_start3A_845] : memref<10008x128xf32, #tpu.memory_space<vmem_shared>> -> memref<10008x128xf32, #tpu.memory_space<vmem_shared>>
          tpu.enqueue_indirect_dma source(%arg9 : memref<128x128xf32, #tpu.memory_space<vmem>>) target(%dma_start3A_846 : memref<10008x128xf32, #tpu.memory_space<vmem_shared>>) offsets(%dma_start3A_843 : memref<128xi32, #tpu.memory_space<vmem>>) semaphore(%run_scoped3A_840 : memref<!tpu.dma_semaphore, #tpu.memory_space<semaphore_mem>>) {add = true}
          %dma_wait3A_847 = arith.constant 0 : i32
          %dma_wait3A_848 = tpu.memref_slice %arg8[%run_scoped3A_838, %dma_wait3A_847] : memref<35x128xi32, #tpu.memory_space<vmem>> -> memref<1x128xi32, #tpu.memory_space<vmem>>
          %dma_wait3A_849 = tpu.memref_squeeze %dma_wait3A_848 : memref<1x128xi32, #tpu.memory_space<vmem>> -> memref<128xi32, #tpu.memory_space<vmem>>
          %dma_wait3A_850 = arith.constant 0 : i32
          %dma_wait3A_851 = arith.constant 0 : i32
          %dma_wait3A_852 = tpu.memref_slice %arg11[%dma_wait3A_850, %dma_wait3A_851] : memref<10008x128xf32, #tpu.memory_space<vmem_shared>> -> memref<10008x128xf32, #tpu.memory_space<vmem_shared>>
          tpu.wait_indirect_dma semaphore(%run_scoped3A_840 : memref<!tpu.dma_semaphore, #tpu.memory_space<semaphore_mem>>) src(%arg9 : memref<128x128xf32, #tpu.memory_space<vmem>>) dst(%dma_wait3A_852 : memref<10008x128xf32, #tpu.memory_space<vmem_shared>>)
          tpu.yield
        }) : () -> ()
        %scan3A_839 = arith.constant 0 : i32
        scf.yield %scan3A_839 : i32
      }
      %scan3A_23 = arith.constant 3 : i32
      %barrier3A_24 = arith.constant 0 : index
      tpu.barrier barrier_id(%barrier3A_24)
      %lt3A_25 = arith.constant 15 : i32
      %lt3A_26 = arith.cmpi slt, %arg1, %lt3A_25 : i32
      %convert_element_type3A_27 = arith.extui %lt3A_26 : i1 to i32
      %cond3A_28 = arith.constant 0 : i32
      %cond3A_29 = arith.cmpi ne, %convert_element_type3A_27, %cond3A_28 : i32
      scf.if %cond3A_29 {
        %run_scoped3A = arith.constant 1 : i32
        "tpu.region"() ({
          %run_scoped3A_35 = tpu.sem_alloc : memref<!tpu.dma_semaphore, #tpu.memory_space<semaphore_mem>>
          %dma_start3A = arith.constant 0 : i32
          %dma_start3A_36 = arith.constant 0 : i32
          %dma_start3A_37 = tpu.memref_slice %arg6[%run_scoped3A, %dma_start3A, %dma_start3A_36] : memref<2x10000x128xf32, #tpu.memory_space<hbm>> -> memref<1x10000x128xf32, #tpu.memory_space<hbm>>
          %dma_start3A_38 = tpu.memref_squeeze %dma_start3A_37 : memref<1x10000x128xf32, #tpu.memory_space<hbm>> -> memref<10000x128xf32, #tpu.memory_space<hbm>>
          %dma_start3A_39 = arith.constant 0 : i32
          %dma_start3A_40 = tpu.memref_slice %dma_start3A_38[%multiple_of3A, %dma_start3A_39] : memref<10000x128xf32, #tpu.memory_space<hbm>> -> memref<632x128xf32, #tpu.memory_space<hbm>>
          %dma_start3A_41 = arith.constant 0 : i32
          %dma_start3A_42 = tpu.memref_slice %arg11[%multiple_of3A, %dma_start3A_41] : memref<10008x128xf32, #tpu.memory_space<vmem_shared>> -> memref<632x128xf32, #tpu.memory_space<vmem_shared>>
          tpu.enqueue_dma source(%dma_start3A_42 : memref<632x128xf32, #tpu.memory_space<vmem_shared>>) target(%dma_start3A_40 : memref<632x128xf32, #tpu.memory_space<hbm>>) target_semaphore(%run_scoped3A_35 : memref<!tpu.dma_semaphore, #tpu.memory_space<semaphore_mem>>)
          %dma_wait3A = arith.constant 0 : i32
          %dma_wait3A_43 = arith.constant 0 : i32
          %dma_wait3A_44 = tpu.memref_slice %arg6[%run_scoped3A, %dma_wait3A, %dma_wait3A_43] : memref<2x10000x128xf32, #tpu.memory_space<hbm>> -> memref<1x10000x128xf32, #tpu.memory_space<hbm>>
          %dma_wait3A_45 = tpu.memref_squeeze %dma_wait3A_44 : memref<1x10000x128xf32, #tpu.memory_space<hbm>> -> memref<10000x128xf32, #tpu.memory_space<hbm>>
          %dma_wait3A_46 = arith.constant 0 : i32
          %dma_wait3A_47 = tpu.memref_slice %dma_wait3A_45[%multiple_of3A, %dma_wait3A_46] : memref<10000x128xf32, #tpu.memory_space<hbm>> -> memref<632x128xf32, #tpu.memory_space<hbm>>
          %dma_wait3A_48 = arith.constant 0 : i32
          %dma_wait3A_49 = tpu.memref_slice %arg11[%multiple_of3A, %dma_wait3A_48] : memref<10008x128xf32, #tpu.memory_space<vmem_shared>> -> memref<632x128xf32, #tpu.memory_space<vmem_shared>>
          tpu.wait_dma2 semaphore(%run_scoped3A_35 : memref<!tpu.dma_semaphore, #tpu.memory_space<semaphore_mem>>) src(%dma_wait3A_49 : memref<632x128xf32, #tpu.memory_space<vmem_shared>>) dst(%dma_wait3A_47 : memref<632x128xf32, #tpu.memory_space<hbm>>)
          tpu.yield
        }) : () -> ()
      } else {
      }
      %eq3A_30 = arith.constant 15 : i32
      %eq3A_31 = arith.cmpi eq, %arg1, %eq3A_30 : i32
      %convert_element_type3A_32 = arith.extui %eq3A_31 : i1 to i32
      %cond3A_33 = arith.constant 0 : i32
      %cond3A_34 = arith.cmpi ne, %convert_element_type3A_32, %cond3A_33 : i32
      scf.if %cond3A_34 {
        %run_scoped3A = arith.constant 1 : i32
        "tpu.region"() ({
          %run_scoped3A_35 = tpu.sem_alloc : memref<!tpu.dma_semaphore, #tpu.memory_space<semaphore_mem>>
          %dma_start3A = arith.constant 0 : i32
          %dma_start3A_36 = arith.constant 0 : i32
          %dma_start3A_37 = tpu.memref_slice %arg6[%run_scoped3A, %dma_start3A, %dma_start3A_36] : memref<2x10000x128xf32, #tpu.memory_space<hbm>> -> memref<1x10000x128xf32, #tpu.memory_space<hbm>>
          %dma_start3A_38 = tpu.memref_squeeze %dma_start3A_37 : memref<1x10000x128xf32, #tpu.memory_space<hbm>> -> memref<10000x128xf32, #tpu.memory_space<hbm>>
          %dma_start3A_39 = arith.constant 9480 : i32
          %dma_start3A_40 = arith.constant 0 : i32
          %dma_start3A_41 = tpu.memref_slice %dma_start3A_38[%dma_start3A_39, %dma_start3A_40] : memref<10000x128xf32, #tpu.memory_space<hbm>> -> memref<520x128xf32, #tpu.memory_space<hbm>>
          %dma_start3A_42 = arith.constant 9480 : i32
          %dma_start3A_43 = arith.constant 0 : i32
          %dma_start3A_44 = tpu.memref_slice %arg11[%dma_start3A_42, %dma_start3A_43] : memref<10008x128xf32, #tpu.memory_space<vmem_shared>> -> memref<520x128xf32, #tpu.memory_space<vmem_shared>>
          tpu.enqueue_dma source(%dma_start3A_44 : memref<520x128xf32, #tpu.memory_space<vmem_shared>>) target(%dma_start3A_41 : memref<520x128xf32, #tpu.memory_space<hbm>>) target_semaphore(%run_scoped3A_35 : memref<!tpu.dma_semaphore, #tpu.memory_space<semaphore_mem>>)
          %dma_wait3A = arith.constant 0 : i32
          %dma_wait3A_45 = arith.constant 0 : i32
          %dma_wait3A_46 = tpu.memref_slice %arg6[%run_scoped3A, %dma_wait3A, %dma_wait3A_45] : memref<2x10000x128xf32, #tpu.memory_space<hbm>> -> memref<1x10000x128xf32, #tpu.memory_space<hbm>>
          %dma_wait3A_47 = tpu.memref_squeeze %dma_wait3A_46 : memref<1x10000x128xf32, #tpu.memory_space<hbm>> -> memref<10000x128xf32, #tpu.memory_space<hbm>>
          %dma_wait3A_48 = arith.constant 9480 : i32
          %dma_wait3A_49 = arith.constant 0 : i32
          %dma_wait3A_50 = tpu.memref_slice %dma_wait3A_47[%dma_wait3A_48, %dma_wait3A_49] : memref<10000x128xf32, #tpu.memory_space<hbm>> -> memref<520x128xf32, #tpu.memory_space<hbm>>
          %dma_wait3A_51 = arith.constant 9480 : i32
          %dma_wait3A_52 = arith.constant 0 : i32
          %dma_wait3A_53 = tpu.memref_slice %arg11[%dma_wait3A_51, %dma_wait3A_52] : memref<10008x128xf32, #tpu.memory_space<vmem_shared>> -> memref<520x128xf32, #tpu.memory_space<vmem_shared>>
          tpu.wait_dma2 semaphore(%run_scoped3A_35 : memref<!tpu.dma_semaphore, #tpu.memory_space<semaphore_mem>>) src(%dma_wait3A_53 : memref<520x128xf32, #tpu.memory_space<vmem_shared>>) dst(%dma_wait3A_50 : memref<520x128xf32, #tpu.memory_space<hbm>>)
          tpu.yield
        }) : () -> ()
      } else {
      }
    } else {
    }
    return
  }
}

</mosaic_0001>

<sc_bundles>
// kernel: _sc_segsum.3.cloned.1.call-start
scs
__scs_entry_jumppad:
0x0: {  	(pc) =	sbr.rel $0x88, $3  }
0x1: {  	(tag) =	ssettag $0x0;
	lr =	simm.s32 $0x1  }
0x2: {  	[smem:$0x3F9D] =	sst lr;
	_ =	strace $0xD0000000  }
0x3: {  	_ = 	snop  }
0x4: {  	_ = 	snop  }
0x5: {  	_ = 	snop  }
0x6: {  	_ = 	snop  }
0x7: {  	_ = 	snop  }
__scs_overlays_trampoline_lowered:
0x8: {  	[smem:$0x3FAC] =	sst s0  }
0x9: {  	[smem:$0x3FAD] =	sst s1  }
0xa: {  	[smem:$0x3FAE] =	sst s2  }
0xb: {  	[smem:$0x3FAF] =	sst s3  }
0xc: {  	[smem:$0x3FB0] =	sst s4  }
0xd: {  	[smem:$0x3FB1] =	sst s5  }
0xe: {  	[smem:$0x3FB2] =	sst s6  }
0xf: {  	[smem:$0x3FB3] =	sst s7  }
0x10: {  	[smem:$0x3FB4] =	sst s8  }
0x11: {  	[smem:$0x3FB5] =	sst s9;
	s0 =	simm.s32 @!p0 $0x0  }
0x12: {  	s1 =	sld [smem:$0x3F9B];
	s0 =	simm.s32 @p0 $0x1  }
0x13: {  	[smem:$0x3FB6] =	sst s0;
	s0 =	simm.s32 @!p1 $0x0  }
0x14: {  	s2 =	sld [smem:$0x3F9A];
	s0 =	simm.s32 @p1 $0x1  }
0x15: {  	[smem:$0x3FB7] =	sst s0;
	s0 =	simm.s32 @!p2 $0x0  }
0x16: {  	s3 =	sld [smem:$0x3FDB];
	s0 =	simm.s32 @p2 $0x1  }
0x17: {  	s4 =	simm.s32 $0x1BF5;
	[smem:$0x3FB9] =	sst s0  }
0x18: {  	s0 =	sld [smem:$0x3F9C];
	_ =	swait.ge [sflag:s4], $0x0  }
0x19: {  	s7 =	sld [smem:$0x3F9D]  }
0x1a: {  	s8 =	sadd.s32 $0xFFFFE003, lr  }
0x1b: {  	s9 =	sadd.s32 $0xFFFFFEF7, lr;
	s5 =	simm.s32 $0xFFFFFFFF;
	p2 =	slt.u32 s8, $0xFFFFF086  }
0x1c: {  	p1 =	slt.u32 s9, $0xF7A;
	s5 =	simm.s32 @!p2 $0x0  }
0x1d: {  	s5 =	simm.s32 @p1 $0x1;
	p0 =	seq.s32 s7, s2  }
0x1e: {  	s7 =	smul.u32 @!p0 $0xF7A, s2;
	p2 =	seq.s32 @!p0 s5, $0x0  }
0x1f: {  	s9 =	smul.u32 $0xF7A, s1;
	s8 =	simm.s32 @!p0 $0x1BF5;
	p2 =	por !p2, p0  }
0x20: {  	[sflag:s8] =	ssyncset.s32 @!p0 $0xFFFFF086;
	s6 =	sadd.s32 @!p0 s3, s7;
	s7 =	simm.s32 @!p0 $0x108  }
0x21: {  	s3 =	sadd.s32 s3, s9;
	s6 =	sadd.s32 @!p0 $0x88, s6;
	s7 =	simm.s32 @p2 $0x1082  }
0x22: {  	[simem:s7], [sflag:s8] =	dma.local @!p0 [hbm:s6], $0xF7A  }
0x23: {  	s9 =	sor.u32 $0xD0000000, s2;
	s6 =	simm.s32 $0x108;
	_ =	swait.ge @!p0 [sflag:s8], $0x0  }
0x24: {  	s3 =	sadd.s32 $0x88, s3;
	s6 =	simm.s32 @!p1 $0x1082;
	[sflag:s4] =	ssyncset.s32 $0xFFFFF086  }
0x25: {  	[simem:s6], [sflag:s4] =	dma.local [hbm:s3], $0xF7A  }
0x26: {  	[smem:$0x3F9D] =	sst s1;
	(tag) =	ssettag s2;
	_ =	strace s9  }
0x27: {  	s1 =	sld [smem:$0x3FAD]  }
0x28: {  	s2 =	sld [smem:$0x3FAE]  }
0x29: {  	s4 =	sld [smem:$0x3FB0]  }
0x2a: {  	p0 =	seq.s32 s5, $0x0;
	s5 =	sld [smem:$0x3FB1]  }
0x2b: {  	s6 =	sld [smem:$0x3FB2]  }
0x2c: {  	s7 =	sld [smem:$0x3FB3]  }
0x2d: {  	s3 =	simm.s32 $0x108;
	s8 =	sld [smem:$0x3FB4]  }
0x2e: {  	s3 =	simm.s32 @!p0 $0x1082;
	s9 =	sld [smem:$0x3FB5]  }
0x2f: {  	lr =	sadd.s32 s0, s3;
	s0 =	sld [smem:$0x3FAC]  }
0x30: {  	s3 =	sld [smem:$0x3FAF]  }
0x31: {  	[smem:$0x3FB8] =	sst s10  }
0x32: {  	s10 =	sld [smem:$0x3FB6];
	_ =	sdelay $0x3  }
0x33: {  	p0 =	seq.s32 s10, $0x1;
	s10 =	sld [smem:$0x3FB8];
	_ =	sdelay $0x3  }
0x34: {  	[smem:$0x3FB8] =	sst s10  }
0x35: {  	s10 =	sld [smem:$0x3FB7];
	_ =	sdelay $0x3  }
0x36: {  	p1 =	seq.s32 s10, $0x1;
	s10 =	sld [smem:$0x3FB8];
	_ =	sdelay $0x3  }
0x37: {  	[smem:$0x3FB8] =	sst s10  }
0x38: {  	s10 =	sld [smem:$0x3FB9]  }
0x39: {  	_ = 	snop;
	(pc) =	sbr.ind lr, $3  }
0x3a: {  	_ = 	snop  }
0x3b: {  	_ = 	snop  }
0x3c: {  	p2 =	seq.s32 s10, $0x1;
	s10 =	sld [smem:$0x3FB8]  }
0x3d: {  	_ =	shalt  }
0x3e: {  	_ =	shalt  }
0x3f: {  	_ =	shalt  }
0x40: {  	_ =	shalt  }
0x41: {  	_ =	shalt  }
0x42: {  	_ =	shalt  }
0x43: {  	_ =	shalt  }
0x44: {  	_ =	shalt  }
0x45: {  	_ =	shalt  }
0x46: {  	_ =	shalt  }
0x47: {  	_ =	shalt  }
0x48: {  	_ =	shalt  }
0x49: {  	_ =	shalt  }
0x4a: {  	_ =	shalt  }
0x4b: {  	_ =	shalt  }
0x4c: {  	_ =	shalt  }
0x4d: {  	_ =	shalt  }
0x4e: {  	_ =	shalt  }
0x4f: {  	_ =	shalt  }
0x50: {  	_ =	shalt  }
0x51: {  	_ =	shalt  }
0x52: {  	_ =	shalt  }
0x53: {  	_ =	shalt  }
0x54: {  	_ =	shalt  }
0x55: {  	_ =	shalt  }
0x56: {  	_ =	shalt  }
0x57: {  	_ =	shalt  }
0x58: {  	_ =	shalt  }
0x59: {  	_ =	shalt  }
0x5a: {  	_ =	shalt  }
0x5b: {  	_ =	shalt  }
0x5c: {  	_ =	shalt  }
0x5d: {  	_ =	shalt  }
0x5e: {  	_ =	shalt  }
0x5f: {  	_ =	shalt  }
0x60: {  	_ =	shalt  }
0x61: {  	_ =	shalt  }
0x62: {  	_ =	shalt  }
0x63: {  	_ =	shalt  }
0x64: {  	_ =	shalt  }
0x65: {  	_ =	shalt  }
0x66: {  	_ =	shalt  }
0x67: {  	_ =	shalt  }
0x68: {  	_ =	shalt  }
0x69: {  	_ =	shalt  }
0x6a: {  	_ =	shalt  }
0x6b: {  	_ =	shalt  }
0x6c: {  	_ =	shalt  }
0x6d: {  	_ =	shalt  }
0x6e: {  	_ =	shalt  }
0x6f: {  	_ =	shalt  }
0x70: {  	_ =	shalt  }
0x71: {  	_ =	shalt  }
0x72: {  	_ =	shalt  }
0x73: {  	_ =	shalt  }
0x74: {  	_ =	shalt  }
0x75: {  	_ =	shalt  }
0x76: {  	_ =	shalt  }
0x77: {  	_ =	shalt  }
0x78: {  	_ =	shalt  }
0x79: {  	_ =	shalt  }
0x7a: {  	_ =	shalt  }
0x7b: {  	_ =	shalt  }
0x7c: {  	_ =	shalt  }
0x7d: {  	_ =	shalt  }
0x7e: {  	_ =	shalt  }
0x7f: {  	_ =	shalt  }
0x80: {  	_ =	shalt  }
0x81: {  	_ =	shalt  }
0x82: {  	_ =	shalt  }
0x83: {  	_ =	shalt  }
0x84: {  	_ =	shalt  }
0x85: {  	_ =	shalt  }
0x86: {  	_ =	shalt  }
0x87: {  	_ =	shalt  }
.Lfunc_end0:
.L_simem_size_0:
called_computation_lowered:
.L_overlay_start_0:
0x88: {  	s2 =	sld [smem:$0x3FD9]  }
0x89: {  	s3 =	sld [smem:$0x3FFE];
	_ =	sdelay $0x1  }
0x8a: {  	s1 =	srdreg.scid  }
0x8b: {  	s0 =	sand.u32 $0x1, s1  }
0x8c: {  	s17 =	sshll.u32 s0, $0xA;
	s2 =	sadd.s32 s3, s2  }
0x8d: {  	s2 =	sadd.s32 s2, s17  }
0x8e: {  	[smem:$0x3FC4] =	sst s2  }
0x8f: {  	_ = 	snop  }
0x90: {  	s2 =	sld [smem:$0x3FC9]  }
0x91: {  	s18 =	sld [smem:$0x3FC6]  }
0x92: {  	s4 =	sld [smem:$0x3FD0];
	(tm) =	ssettm $0x1  }
0x93: {  	s5 =	sld [smem:$0x3FFB];
	_ =	sdelay $0x3  }
0x94: {  	_ =	strace s5  }
0x95: {  	s5 =	sld [smem:$0x3FFC];
	_ =	sdelay $0x3  }
0x96: {  	_ =	strace s5  }
0x97: {  	s5 =	sld [smem:$0x3FFD];
	_ =	sdelay $0x3  }
0x98: {  	_ =	strace s5  }
0x99: {  	_ =	strace $0x8FFFFFFF  }
0x9a: {  	s19 =	sld [smem:$0x3FDB];
	_ =	sdelay $0x1  }
0x9b: {  	s6 =	simm.s32 $_scs_section_size  }
0x9c: {  	s7 =	simm.s32 $_size__tile_overlayer_lowered;
	s8 =	simm.s32 $_tile_overlayer_lowered  }
0x9d: {  	s22 =	simm.s32 $0x1BFF;
	s21 =	sshll.u32 s8, $0x1;
	s5 =	sadd.s32 s6, s19  }
0x9e: {  	s9 =	simm.s32 $0x0;
	s20 =	sshll.u32 s7, $0x1;
	s7 =	sadd.s32 s21, s5  }
0x9f: {  	[timem:s9], [sflag:s22] =	dma.local [hbm:s7], s20  }
0xa0: {  	_ =	swait.ge [sflag:s22], s20  }
0xa1: {  	s6 =	ssub.s32 $0x0, s20;
	[sflag:s22] =	ssyncset.done $0x0  }
0xa2: {  	[sflag:s22] =	ssyncadd.s32 s6;
	_ =	sdelay $0x1  }
0xa3: {  	s23 =	simm.s32 $0x1B8B  }
0xa4: {  	_ =	swait.ge [sflag:s23], $0x1  }
0xa5: {  	[sflag:s23] =	ssyncset.done $0x0  }
0xa6: {  	s25 =	simm.s32 $0x1B8E;
	s24 =	sld [smem:$0x3FFE];
	[sflag:s23] =	ssyncadd.s32 $0xFFFFFFFF  }
0xa7: {  	s26 =	simm.s32 $execute0_lowered;
	[smem:$0x3FD2] =	sst s25  }
0xa8: {  	s7 =	sshll.u32 s26, $0x1;
	_ =	strace $0x80000046;
	[dreg:$0x1] =	wrdreg $0xFFFFFFFF  }
0xa9: {  	s28 =	simm.s32 $_size_execute0_lowered;
	s5 =	sadd.s32 s5, s7;
	[dreg:$0x0] =	wrdreg $0x0  }
0xaa: {  	s7 =	sshll.u32 s28, $0x1;
	[dreg:$0x2] =	wrdreg s5  }
0xab: {  	[dreg:$0x3] =	wrdreg s7  }
0xac: {  	[dreg:$0x4] =	wrdreg $0xC0  }
0xad: {  	_ =	task [dreg:s9], $0x5FFFF  }
0xae: {  	[dreg:$0x1] =	wrdreg $0xFFFFFFFF  }
0xaf: {  	[dreg:$0x0] =	wrdreg $0x60  }
0xb0: {  	[dreg:$0x2] =	wrdreg s2  }
0xb1: {  	[dreg:$0x3] =	wrdreg s24  }
0xb2: {  	[dreg:$0x4] =	wrdreg s18  }
0xb3: {  	[dreg:$0x5] =	wrdreg s4  }
0xb4: {  	[dreg:$0x6] =	wrdreg $0xA8000  }
0xb5: {  	[dreg:$0x7] =	wrdreg $0x9  }
0xb6: {  	_ =	task.clear_ibuf [dreg:s9], $0x8FFFF;
	_ =	strace $0x90000046  }
0xb7: {  	s29 =	simm.s32 $0x9;
	_ =	strace $0x80000048  }
0xb8: {  	_ =	swait.ge [sflag:s29], $0x1  }
0xb9: {  	[sflag:s29] =	ssyncadd.s32 $0xFFFFFFFF  }
0xba: {  	_ =	strace $0x90000048  }
0xbb: {  	_ =	sfence  }
0xbc: {  	s30 =	sld [smem:$0x0];
	_ =	sdelay $0x2  }
0xbd: {  	s31 =	sshll.u32 s1, $0xD;
	s1 =	sshrl.u32 s1, $0x2  }
0xbe: {  	s3 =	sand.u32 $0x4000, s31;
	s1 =	sadd.s32 s1, s30  }
0xbf: {  	s0 =	sor.u32 s3, s0;
	s1 =	sshll.u32 s1, $0x11  }
0xc0: {  	s0 =	sor.u32 s1, s0  }
0xc1: {  	s0 =	sadd.s32 $0x8F2B, s0  }
0xc2: {  	[sflag:s0] =	ssyncadd.remote.s32 $0x1  }
0xc3: {  	_ =	sfence.sel $0xFFFF  }
0xc4: {  	[dreg:$0x0] =	wrdreg $0xFFFFFFFF;
	(pc) =	sbr.abs _section_cstart, $3  }
0xc5: {  	[dreg:$0x1] =	wrdreg $0xFFFFFFFF  }
0xc6: {  	_ =	task.clear_ibuf [dreg:s9], $0x2FFFF;
	_ =	strace $0x9FFFFFFF  }
0xc7: {  	(tm) =	ssettm $0x7FFFFFFF  }
tec
execute0_lowered:
.L_overlay_start_1:
0x0: {  	(tag) =	ssettag $0x1  }
0x1: {  	s1 =	rddreg [dreg:$0x0]  }
0x2: {  	s0 =	rddreg [dreg:$0x1]  }
0x3: {  	s2 =	rddreg [dreg:$0x3]  }
0x4: {  	s4 =	rddreg [dreg:$0x4]  }
0x5: {  	s10 =	stileid.u32;
	s3 =	srdreg.scid  }
0x6: {  	s5 =	simm.s32 $0x0;
	s17 =	simm.s32 $0x3;
	s18 =	simm.s32 $0x1400  }
0x7: {  	s19 =	simm.s32 $0x80;
	s20 =	simm.s32 $0x2800;
	s21 =	simm.s32 $0x1  }
0x8: {  	s22 =	simm.s32 $0x6800;
	s23 =	simm.s32 $0x2;
	s6 =	smul.u32 $0x780, s10  }
0x9: {  	s16 =	simm.s32 $0x2380;
	s24 =	simm.s32 $0x1080;
	s8 =	smul.u32 $0x4F000, s10  }
0xa: {  	s3 =	sand.u32 $0x1, s3;
	[smem:$0x7FF] =	sst s5;
	s11 =	smul.u32 $0x2780, s10  }
0xb: {  	s9 =	sadd.s32 $0x128400, s4;
	s29 =	sadd.s32 $0x25080, s2;
	p1 =	seq.s32 s10, $0xF  }
0xc: {  	s30 =	sadd.s32 $0x27100, s2;
	_ =	strace $0x80000047;
	[dreg:$0x8] =	wrdreg s29  }
0xd: {  	s7 =	ssub.s32 $0x2, s3;
	p0 =	seq.s32 s3, $0x1;
	[dreg:$0x9] =	wrdreg s30  }
0xe: {  	s0 =	sadd.s32 s6, s0;
	s25 =	sshrl.u32 s7, $0x1;
	s26 =	sshrl.u32 s8, $0x2  }
0xf: {  	[dreg:$0x6] =	wrdreg s11;
	s28 =	sadd.s32 s2, s11;
	s11 =	sadd.s32 $0x27100, s1  }
0x10: {  	s2 =	sshrl.u32 @p1 s9, $0x3;
	s6 =	ssub.s32 s7, s25;
	s7 =	sadd.s32 $0x400, s0  }
.Ltmp0:
0x11: {  	s8 =	sadd.s32 $0x7C00, s0;
	[dreg:$0x7] =	wrdreg s28;
	(pc) =	sbr.rel .LBB2_1-.Ltmp0, $4  }
0x12: {  	s0 =	sshll.u32 @!p1 s10, $0x6;
	[dreg:$0xb] =	wrdreg s2;
	s31 =	smax.u32 s6, $0x1  }
0x13: {  	s3 =	sadd.s32 s26, s4;
	s0 =	sor.u32 @!p1 $0x1C03, s0;
	[dreg:$0xa] =	wrdreg s31  }
0x14: {  	s25 =	simm.s32 $0x2400;
	[dreg:$0xc] =	wrdreg s0;
	s0 =	sshrl.u32 @!p1 s3, $0x3  }
0x15: {  	s26 =	simm.s32 $0x2480;
	[dreg:$0xd] =	wrdreg s0;
	s0 =	simm.s32 $0x0  }
.LBB2_7:
0x16: {  	[sflag:s17] =	ssyncadd.s32 $0xFFFFC000  }
0x17: {  	[bflag:$0x0] =	sbarrier.arrive $0xFFFF  }
0x18: {  	s14 =	rddreg [dreg:$0x9]  }
0x19: {  	s13 =	simm.s32 @p1 $0x1FC3;
	s12 =	rddreg [dreg:$0xb];
	s0 =	sadd.s32 @p1 $0x25080, s14  }
0x1a: {  	[hbm:s0], [sflag:s13] =	dma.local @p1 [spmem:s12], $0x2080  }
0x1b: {  	s12 =	simm.s32 @p1 $0x3  }
0x1c: {  	_ =	swait.ge @p1 [sflag:s12], $0x2080  }
0x1d: {  	[sflag:s12] =	ssyncset.done @p1 $0x0;
	s13 =	rddreg [dreg:$0xc]  }
0x1e: {  	[sflag:s12] =	ssyncadd.s32 @p1 $0xFFFFDF80;
	s12 =	rddreg [dreg:$0x6]  }
0x1f: {  	s12 =	sadd.s32 @!p1 s12, s14;
	s14 =	rddreg [dreg:$0xd]  }
0x20: {  	[hbm:s12], [sflag:s13] =	dma.local @!p1 [spmem:s14], $0x2780  }
0x21: {  	s12 =	simm.s32 @!p1 $0x3  }
0x22: {  	_ =	swait.ge @!p1 [sflag:s12], $0x2780  }
0x23: {  	[sflag:s12] =	ssyncset.done @!p1 $0x0  }
0x24: {  	s0 =	rddreg [dreg:$0xe];
	[sflag:s12] =	ssyncadd.s32 @!p1 $0xFFFFD880  }
.LBB2_8:
0x25: {  	s0 =	sadd.s32 $0x1, s0;
	s12 =	rddreg [dreg:$0xa]  }
0x26: {  	p2 =	sne.s32 s0, s12  }
.Ltmp1:
0x27: {  	_ = 	snop;
	(pc) =	sbr.rel @!p2 .LBB2_9-.Ltmp1, $3  }
0x28: {  	_ =	sdelay $0x1  }
0x29: {  	s16 =	simm.s32 $0x2380  }
0x2a: {  	s24 =	simm.s32 $0x1080;
	s26 =	simm.s32 $0x2480;
	s25 =	simm.s32 $0x2400  }
.LBB2_1:
.Ltmp2:
0x2b: {  	(pc) =	sbr.rel @!p0 .LBB2_2-.Ltmp2, $2  }
0x2c: {  	_ =	sdelay $0x2  }
0x2d: {  	[dreg:$0xe] =	wrdreg s0  }
0x2e: {  	s13 =	rddreg [dreg:$0x2]  }
0x2f: {  	s12 =	simm.s32 @p1 $0x1FC3;
	s14 =	rddreg [dreg:$0xb]  }
0x30: {  	[spmem:s14], [sflag:s12] =	dma.local @p1 [hbm:s13], $0x2100  }
0x31: {  	s12 =	simm.s32 @p1 $0x3  }
0x32: {  	_ =	swait.ge @p1 [sflag:s12], $0x2100  }
0x33: {  	[sflag:s12] =	ssyncset.done @p1 $0x0;
	s14 =	rddreg [dreg:$0xd]  }
0x34: {  	[sflag:s12] =	ssyncadd.s32 @p1 $0xFFFFDF00;
	s12 =	rddreg [dreg:$0xc]  }
0x35: {  	[spmem:s14], [sflag:s12] =	dma.local @!p1 [hbm:s13], $0x2780  }
0x36: {  	s12 =	simm.s32 @!p1 $0x3  }
0x37: {  	_ =	swait.ge @!p1 [sflag:s12], $0x2780  }
0x38: {  	[sflag:s12] =	ssyncset.done @!p1 $0x0  }
0x39: {  	[sflag:s12] =	ssyncadd.s32 @!p1 $0xFFFFD880  }
0x3a: {  	s3 =	sadd.s32 $0x0, s7;
	[bflag:$0x0] =	sbarrier.arrive $0xFFFF  }
0x3b: {  	[tilespmem:s5], [sflag:$0x3] =	stream.linear.gather [hbm4b:s3+s5], $0x1180, $0x38;
	[tilespmem:$0x1E0C0] =	vst v63  }
0x3c: {  	_ =	swait.ge [sflag:s17], $0x1180  }
0x3d: {  	[sflag:s17] =	ssyncset.done $0x0  }
0x3e: {  	s6 =	sadd.s32 $0x0, s8;
	[sflag:s17] =	ssyncadd.s32 $0xFFFFEE80  }
0x3f: {  	[tilespmem:s18], [sflag:$0x3] =	stream.linear.gather [hbm4b:s6+s5], $0x1180, $0x38;
	[tilespmem:$0x1E0C0] =	vst v63  }
0x40: {  	_ =	swait.ge [sflag:s17], $0x1180  }
0x41: {  	[sflag:s17] =	ssyncset.done $0x0  }
0x42: {  	[sflag:s17] =	ssyncadd.s32 $0xFFFFEE80  }
0x43: {  	[tilespmem:s20], [sflag:$0x1] =	stream.indirect.gather [hbm4b:s11+s19], $0x80, s5, s19, $0xb8;
	[tilespmem:$0x1E0C0] =	vst v63  }
0x44: {  	_ =	swait.ge [sflag:s21], $0x4000  }
0x45: {  	[sflag:s21] =	ssyncset.done $0x0  }
0x46: {  	[sflag:s21] =	ssyncadd.s32 $0xFFFFC000  }
0x47: {  	[tilespmem:s22], [sflag:$0x2] =	stream.indirect.gather [hbm4b:s11+s19], $0x80, s19, s19, $0xb8;
	[tilespmem:$0x1E0C0] =	vst v63  }
0x48: {  	_ = 	snop  }
0x49: {  	[spmem:s4] =	stream.indirect.scatter.add.f32 [tilespmem:s20], [sflag:$0x3], $0x80, s18, s19, $0xb8;
	[tilespmem:$0x1E0C0] =	vst v63  }
0x4a: {  	_ =	swait.ge [sflag:s17], $0x4000  }
0x4b: {  	[sflag:s17] =	ssyncset.done $0x0  }
0x4c: {  	[sflag:s17] =	ssyncadd.s32 $0xFFFFC000  }
0x4d: {  	_ =	swait.ge [sflag:s23], $0x4000  }
0x4e: {  	[sflag:s23] =	ssyncset.done $0x0  }
0x4f: {  	s0 =	simm.s32 $0x100;
	[sflag:s23] =	ssyncadd.s32 $0xFFFFC000  }
0x50: {  	[tilespmem:s20], [sflag:$0x1] =	stream.indirect.gather [hbm4b:s11+s19], $0x80, s0, s19, $0xb8;
	[tilespmem:$0x1E0C0] =	vst v63  }
0x51: {  	s9 =	simm.s32 $0x1480  }
0x52: {  	[spmem:s4] =	stream.indirect.scatter.add.f32 [tilespmem:s22], [sflag:$0x3], $0x80, s9, s19, $0xb8;
	[tilespmem:$0x1E0C0] =	vst v63  }
0x53: {  	_ =	swait.ge [sflag:s17], $0x4000  }
0x54: {  	[sflag:s17] =	ssyncset.done $0x0  }
0x55: {  	[sflag:s17] =	ssyncadd.s32 $0xFFFFC000  }
0x56: {  	_ =	swait.ge [sflag:s21], $0x4000  }
0x57: {  	[sflag:s21] =	ssyncset.done $0x0  }
0x58: {  	s10 =	simm.s32 $0x180;
	[sflag:s21] =	ssyncadd.s32 $0xFFFFC000  }
0x59: {  	[tilespmem:s22], [sflag:$0x2] =	stream.indirect.gather [hbm4b:s11+s19], $0x80, s10, s19, $0xb8;
	[tilespmem:$0x1E0C0] =	vst v63  }
0x5a: {  	s12 =	simm.s32 $0x1500  }
0x5b: {  	[spmem:s4] =	stream.indirect.scatter.add.f32 [tilespmem:s20], [sflag:$0x3], $0x80, s12, s19, $0xb8;
	[tilespmem:$0x1E0C0] =	vst v63  }
0x5c: {  	_ =	swait.ge [sflag:s17], $0x4000  }
0x5d: {  	[sflag:s17] =	ssyncset.done $0x0  }
0x5e: {  	[sflag:s17] =	ssyncadd.s32 $0xFFFFC000  }
0x5f: {  	_ =	swait.ge [sflag:s23], $0x4000  }
0x60: {  	[sflag:s23] =	ssyncset.done $0x0  }
0x61: {  	s13 =	simm.s32 $0x200;
	[sflag:s23] =	ssyncadd.s32 $0xFFFFC000  }
0x62: {  	[tilespmem:s20], [sflag:$0x1] =	stream.indirect.gather [hbm4b:s11+s19], $0x80, s13, s19, $0xb8;
	[tilespmem:$0x1E0C0] =	vst v63  }
0x63: {  	s14 =	simm.s32 $0x1580  }
0x64: {  	[spmem:s4] =	stream.indirect.scatter.add.f32 [tilespmem:s22], [sflag:$0x3], $0x80, s14, s19, $0xb8;
	[tilespmem:$0x1E0C0] =	vst v63  }
0x65: {  	_ =	swait.ge [sflag:s17], $0x4000  }
0x66: {  	[sflag:s17] =	ssyncset.done $0x0  }
0x67: {  	[sflag:s17] =	ssyncadd.s32 $0xFFFFC000  }
0x68: {  	_ =	swait.ge [sflag:s21], $0x4000  }
0x69: {  	[sflag:s21] =	ssyncset.done $0x0  }
0x6a: {  	s15 =	simm.s32 $0x280;
	[sflag:s21] =	ssyncadd.s32 $0xFFFFC000  }
0x6b: {  	[tilespmem:s22], [sflag:$0x2] =	stream.indirect.gather [hbm4b:s11+s19], $0x80, s15, s19, $0xb8;
	[tilespmem:$0x1E0C0] =	vst v63  }
0x6c: {  	s2 =	simm.s32 $0x1600  }
0x6d: {  	[spmem:s4] =	stream.indirect.scatter.add.f32 [tilespmem:s20], [sflag:$0x3], $0x80, s2, s19, $0xb8;
	[tilespmem:$0x1E0C0] =	vst v63  }
0x6e: {  	_ =	swait.ge [sflag:s17], $0x4000  }
0x6f: {  	[sflag:s17] =	ssyncset.done $0x0  }
0x70: {  	[sflag:s17] =	ssyncadd.s32 $0xFFFFC000  }
0x71: {  	_ =	swait.ge [sflag:s23], $0x4000  }
0x72: {  	[sflag:s23] =	ssyncset.done $0x0  }
0x73: {  	s3 =	simm.s32 $0x300;
	[sflag:s23] =	ssyncadd.s32 $0xFFFFC000  }
0x74: {  	[tilespmem:s20], [sflag:$0x1] =	stream.indirect.gather [hbm4b:s11+s19], $0x80, s3, s19, $0xb8;
	[tilespmem:$0x1E0C0] =	vst v63  }
0x75: {  	s6 =	simm.s32 $0x1680  }
0x76: {  	[spmem:s4] =	stream.indirect.scatter.add.f32 [tilespmem:s22], [sflag:$0x3], $0x80, s6, s19, $0xb8;
	[tilespmem:$0x1E0C0] =	vst v63  }
0x77: {  	_ =	swait.ge [sflag:s17], $0x4000  }
0x78: {  	[sflag:s17] =	ssyncset.done $0x0  }
0x79: {  	[sflag:s17] =	ssyncadd.s32 $0xFFFFC000  }
0x7a: {  	_ =	swait.ge [sflag:s21], $0x4000  }
0x7b: {  	[sflag:s21] =	ssyncset.done $0x0  }
0x7c: {  	s9 =	simm.s32 $0x380;
	[sflag:s21] =	ssyncadd.s32 $0xFFFFC000  }
0x7d: {  	[tilespmem:s22], [sflag:$0x2] =	stream.indirect.gather [hbm4b:s11+s19], $0x80, s9, s19, $0xb8;
	[tilespmem:$0x1E0C0] =	vst v63  }
0x7e: {  	s10 =	simm.s32 $0x1700  }
0x7f: {  	[spmem:s4] =	stream.indirect.scatter.add.f32 [tilespmem:s20], [sflag:$0x3], $0x80, s10, s19, $0xb8;
	[tilespmem:$0x1E0C0] =	vst v63  }
0x80: {  	_ =	swait.ge [sflag:s17], $0x4000  }
0x81: {  	[sflag:s17] =	ssyncset.done $0x0  }
0x82: {  	[sflag:s17] =	ssyncadd.s32 $0xFFFFC000  }
0x83: {  	_ =	swait.ge [sflag:s23], $0x4000  }
0x84: {  	[sflag:s23] =	ssyncset.done $0x0  }
0x85: {  	s12 =	simm.s32 $0x400;
	[sflag:s23] =	ssyncadd.s32 $0xFFFFC000  }
0x86: {  	[tilespmem:s20], [sflag:$0x1] =	stream.indirect.gather [hbm4b:s11+s19], $0x80, s12, s19, $0xb8;
	[tilespmem:$0x1E0C0] =	vst v63  }
0x87: {  	s13 =	simm.s32 $0x1780  }
0x88: {  	[spmem:s4] =	stream.indirect.scatter.add.f32 [tilespmem:s22], [sflag:$0x3], $0x80, s13, s19, $0xb8;
	[tilespmem:$0x1E0C0] =	vst v63  }
0x89: {  	_ =	swait.ge [sflag:s17], $0x4000  }
0x8a: {  	[sflag:s17] =	ssyncset.done $0x0  }
0x8b: {  	[sflag:s17] =	ssyncadd.s32 $0xFFFFC000  }
0x8c: {  	_ =	swait.ge [sflag:s21], $0x4000  }
0x8d: {  	[sflag:s21] =	ssyncset.done $0x0  }
0x8e: {  	s14 =	simm.s32 $0x480;
	[sflag:s21] =	ssyncadd.s32 $0xFFFFC000  }
0x8f: {  	[tilespmem:s22], [sflag:$0x2] =	stream.indirect.gather [hbm4b:s11+s19], $0x80, s14, s19, $0xb8;
	[tilespmem:$0x1E0C0] =	vst v63  }
0x90: {  	s15 =	simm.s32 $0x1800  }
0x91: {  	[spmem:s4] =	stream.indirect.scatter.add.f32 [tilespmem:s20], [sflag:$0x3], $0x80, s15, s19, $0xb8;
	[tilespmem:$0x1E0C0] =	vst v63  }
0x92: {  	_ =	swait.ge [sflag:s17], $0x4000  }
0x93: {  	[sflag:s17] =	ssyncset.done $0x0  }
0x94: {  	[sflag:s17] =	ssyncadd.s32 $0xFFFFC000  }
0x95: {  	_ =	swait.ge [sflag:s23], $0x4000  }
0x96: {  	[sflag:s23] =	ssyncset.done $0x0  }
0x97: {  	s2 =	simm.s32 $0x500;
	[sflag:s23] =	ssyncadd.s32 $0xFFFFC000  }
0x98: {  	[tilespmem:s20], [sflag:$0x1] =	stream.indirect.gather [hbm4b:s11+s19], $0x80, s2, s19, $0xb8;
	[tilespmem:$0x1E0C0] =	vst v63  }
0x99: {  	s3 =	simm.s32 $0x1880  }
0x9a: {  	[spmem:s4] =	stream.indirect.scatter.add.f32 [tilespmem:s22], [sflag:$0x3], $0x80, s3, s19, $0xb8;
	[tilespmem:$0x1E0C0] =	vst v63  }
0x9b: {  	_ =	swait.ge [sflag:s17], $0x4000  }
0x9c: {  	[sflag:s17] =	ssyncset.done $0x0  }
0x9d: {  	[sflag:s17] =	ssyncadd.s32 $0xFFFFC000  }
0x9e: {  	_ =	swait.ge [sflag:s21], $0x4000  }
0x9f: {  	[sflag:s21] =	ssyncset.done $0x0  }
0xa0: {  	s6 =	simm.s32 $0x580;
	[sflag:s21] =	ssyncadd.s32 $0xFFFFC000  }
0xa1: {  	[tilespmem:s22], [sflag:$0x2] =	stream.indirect.gather [hbm4b:s11+s19], $0x80, s6, s19, $0xb8;
	[tilespmem:$0x1E0C0] =	vst v63  }
0xa2: {  	s9 =	simm.s32 $0x1900  }
0xa3: {  	[spmem:s4] =	stream.indirect.scatter.add.f32 [tilespmem:s20], [sflag:$0x3], $0x80, s9, s19, $0xb8;
	[tilespmem:$0x1E0C0] =	vst v63  }
0xa4: {  	_ =	swait.ge [sflag:s17], $0x4000  }
0xa5: {  	[sflag:s17] =	ssyncset.done $0x0  }
0xa6: {  	[sflag:s17] =	ssyncadd.s32 $0xFFFFC000  }
0xa7: {  	_ =	swait.ge [sflag:s23], $0x4000  }
0xa8: {  	[sflag:s23] =	ssyncset.done $0x0  }
0xa9: {  	s10 =	simm.s32 $0x600;
	[sflag:s23] =	ssyncadd.s32 $0xFFFFC000  }
0xaa: {  	[tilespmem:s20], [sflag:$0x1] =	stream.indirect.gather [hbm4b:s11+s19], $0x80, s10, s19, $0xb8;
	[tilespmem:$0x1E0C0] =	vst v63  }
0xab: {  	s12 =	simm.s32 $0x1980  }
0xac: {  	[spmem:s4] =	stream.indirect.scatter.add.f32 [tilespmem:s22], [sflag:$0x3], $0x80, s12, s19, $0xb8;
	[tilespmem:$0x1E0C0] =	vst v63  }
0xad: {  	_ =	swait.ge [sflag:s17], $0x4000  }
0xae: {  	[sflag:s17] =	ssyncset.done $0x0  }
0xaf: {  	[sflag:s17] =	ssyncadd.s32 $0xFFFFC000  }
0xb0: {  	_ =	swait.ge [sflag:s21], $0x4000  }
0xb1: {  	[sflag:s21] =	ssyncset.done $0x0  }
0xb2: {  	s13 =	simm.s32 $0x680;
	[sflag:s21] =	ssyncadd.s32 $0xFFFFC000  }
0xb3: {  	[tilespmem:s22], [sflag:$0x2] =	stream.indirect.gather [hbm4b:s11+s19], $0x80, s13, s19, $0xb8;
	[tilespmem:$0x1E0C0] =	vst v63  }
0xb4: {  	s14 =	simm.s32 $0x1A00  }
0xb5: {  	[spmem:s4] =	stream.indirect.scatter.add.f32 [tilespmem:s20], [sflag:$0x3], $0x80, s14, s19, $0xb8;
	[tilespmem:$0x1E0C0] =	vst v63  }
0xb6: {  	_ =	swait.ge [sflag:s17], $0x4000  }
0xb7: {  	[sflag:s17] =	ssyncset.done $0x0  }
0xb8: {  	[sflag:s17] =	ssyncadd.s32 $0xFFFFC000  }
0xb9: {  	_ =	swait.ge [sflag:s23], $0x4000  }
0xba: {  	[sflag:s23] =	ssyncset.done $0x0  }
0xbb: {  	s15 =	simm.s32 $0x700;
	[sflag:s23] =	ssyncadd.s32 $0xFFFFC000  }
0xbc: {  	[tilespmem:s20], [sflag:$0x1] =	stream.indirect.gather [hbm4b:s11+s19], $0x80, s15, s19, $0xb8;
	[tilespmem:$0x1E0C0] =	vst v63  }
0xbd: {  	s2 =	simm.s32 $0x1A80  }
0xbe: {  	[spmem:s4] =	stream.indirect.scatter.add.f32 [tilespmem:s22], [sflag:$0x3], $0x80, s2, s19, $0xb8;
	[tilespmem:$0x1E0C0] =	vst v63  }
0xbf: {  	_ =	swait.ge [sflag:s17], $0x4000  }
0xc0: {  	[sflag:s17] =	ssyncset.done $0x0  }
0xc1: {  	[sflag:s17] =	ssyncadd.s32 $0xFFFFC000  }
0xc2: {  	_ =	swait.ge [sflag:s21], $0x4000  }
0xc3: {  	[sflag:s21] =	ssyncset.done $0x0  }
0xc4: {  	s3 =	simm.s32 $0x780;
	[sflag:s21] =	ssyncadd.s32 $0xFFFFC000  }
0xc5: {  	[tilespmem:s22], [sflag:$0x2] =	stream.indirect.gather [hbm4b:s11+s19], $0x80, s3, s19, $0xb8;
	[tilespmem:$0x1E0C0] =	vst v63  }
0xc6: {  	s6 =	simm.s32 $0x1B00  }
0xc7: {  	[spmem:s4] =	stream.indirect.scatter.add.f32 [tilespmem:s20], [sflag:$0x3], $0x80, s6, s19, $0xb8;
	[tilespmem:$0x1E0C0] =	vst v63  }
0xc8: {  	_ =	swait.ge [sflag:s17], $0x4000  }
0xc9: {  	[sflag:s17] =	ssyncset.done $0x0  }
0xca: {  	[sflag:s17] =	ssyncadd.s32 $0xFFFFC000  }
0xcb: {  	_ =	swait.ge [sflag:s23], $0x4000  }
0xcc: {  	[sflag:s23] =	ssyncset.done $0x0  }
0xcd: {  	s9 =	simm.s32 $0x800;
	[sflag:s23] =	ssyncadd.s32 $0xFFFFC000  }
0xce: {  	[tilespmem:s20], [sflag:$0x1] =	stream.indirect.gather [hbm4b:s11+s19], $0x80, s9, s19, $0xb8;
	[tilespmem:$0x1E0C0] =	vst v63  }
0xcf: {  	s10 =	simm.s32 $0x1B80  }
0xd0: {  	[spmem:s4] =	stream.indirect.scatter.add.f32 [tilespmem:s22], [sflag:$0x3], $0x80, s10, s19, $0xb8;
	[tilespmem:$0x1E0C0] =	vst v63  }
0xd1: {  	_ =	swait.ge [sflag:s17], $0x4000  }
0xd2: {  	[sflag:s17] =	ssyncset.done $0x0  }
0xd3: {  	[sflag:s17] =	ssyncadd.s32 $0xFFFFC000  }
0xd4: {  	_ =	swait.ge [sflag:s21], $0x4000  }
0xd5: {  	[sflag:s21] =	ssyncset.done $0x0  }
0xd6: {  	s12 =	simm.s32 $0x880;
	[sflag:s21] =	ssyncadd.s32 $0xFFFFC000  }
0xd7: {  	[tilespmem:s22], [sflag:$0x2] =	stream.indirect.gather [hbm4b:s11+s19], $0x80, s12, s19, $0xb8;
	[tilespmem:$0x1E0C0] =	vst v63  }
0xd8: {  	s13 =	simm.s32 $0x1C00  }
0xd9: {  	[spmem:s4] =	stream.indirect.scatter.add.f32 [tilespmem:s20], [sflag:$0x3], $0x80, s13, s19, $0xb8;
	[tilespmem:$0x1E0C0] =	vst v63  }
0xda: {  	_ =	swait.ge [sflag:s17], $0x4000  }
0xdb: {  	[sflag:s17] =	ssyncset.done $0x0  }
0xdc: {  	[sflag:s17] =	ssyncadd.s32 $0xFFFFC000  }
0xdd: {  	_ =	swait.ge [sflag:s23], $0x4000  }
0xde: {  	[sflag:s23] =	ssyncset.done $0x0  }
0xdf: {  	s14 =	simm.s32 $0x900;
	[sflag:s23] =	ssyncadd.s32 $0xFFFFC000  }
0xe0: {  	[tilespmem:s20], [sflag:$0x1] =	stream.indirect.gather [hbm4b:s11+s19], $0x80, s14, s19, $0xb8;
	[tilespmem:$0x1E0C0] =	vst v63  }
0xe1: {  	s15 =	simm.s32 $0x1C80  }
0xe2: {  	[spmem:s4] =	stream.indirect.scatter.add.f32 [tilespmem:s22], [sflag:$0x3], $0x80, s15, s19, $0xb8;
	[tilespmem:$0x1E0C0] =	vst v63  }
0xe3: {  	_ =	swait.ge [sflag:s17], $0x4000  }
0xe4: {  	[sflag:s17] =	ssyncset.done $0x0  }
0xe5: {  	[sflag:s17] =	ssyncadd.s32 $0xFFFFC000  }
0xe6: {  	_ =	swait.ge [sflag:s21], $0x4000  }
0xe7: {  	[sflag:s21] =	ssyncset.done $0x0  }
0xe8: {  	s2 =	simm.s32 $0x980;
	[sflag:s21] =	ssyncadd.s32 $0xFFFFC000  }
0xe9: {  	[tilespmem:s22], [sflag:$0x2] =	stream.indirect.gather [hbm4b:s11+s19], $0x80, s2, s19, $0xb8;
	[tilespmem:$0x1E0C0] =	vst v63  }
0xea: {  	s3 =	simm.s32 $0x1D00  }
0xeb: {  	[spmem:s4] =	stream.indirect.scatter.add.f32 [tilespmem:s20], [sflag:$0x3], $0x80, s3, s19, $0xb8;
	[tilespmem:$0x1E0C0] =	vst v63  }
0xec: {  	_ =	swait.ge [sflag:s17], $0x4000  }
0xed: {  	[sflag:s17] =	ssyncset.done $0x0  }
0xee: {  	[sflag:s17] =	ssyncadd.s32 $0xFFFFC000  }
0xef: {  	_ =	swait.ge [sflag:s23], $0x4000  }
0xf0: {  	[sflag:s23] =	ssyncset.done $0x0  }
0xf1: {  	s6 =	simm.s32 $0xA00;
	[sflag:s23] =	ssyncadd.s32 $0xFFFFC000  }
0xf2: {  	[tilespmem:s20], [sflag:$0x1] =	stream.indirect.gather [hbm4b:s11+s19], $0x80, s6, s19, $0xb8;
	[tilespmem:$0x1E0C0] =	vst v63  }
0xf3: {  	s9 =	simm.s32 $0x1D80  }
0xf4: {  	[spmem:s4] =	stream.indirect.scatter.add.f32 [tilespmem:s22], [sflag:$0x3], $0x80, s9, s19, $0xb8;
	[tilespmem:$0x1E0C0] =	vst v63  }
0xf5: {  	_ =	swait.ge [sflag:s17], $0x4000  }
0xf6: {  	[sflag:s17] =	ssyncset.done $0x0  }
0xf7: {  	[sflag:s17] =	ssyncadd.s32 $0xFFFFC000  }
0xf8: {  	_ =	swait.ge [sflag:s21], $0x4000  }
0xf9: {  	[sflag:s21] =	ssyncset.done $0x0  }
0xfa: {  	s10 =	simm.s32 $0xA80;
	[sflag:s21] =	ssyncadd.s32 $0xFFFFC000  }
0xfb: {  	[tilespmem:s22], [sflag:$0x2] =	stream.indirect.gather [hbm4b:s11+s19], $0x80, s10, s19, $0xb8;
	[tilespmem:$0x1E0C0] =	vst v63  }
0xfc: {  	s12 =	simm.s32 $0x1E00  }
0xfd: {  	[spmem:s4] =	stream.indirect.scatter.add.f32 [tilespmem:s20], [sflag:$0x3], $0x80, s12, s19, $0xb8;
	[tilespmem:$0x1E0C0] =	vst v63  }
0xfe: {  	_ =	swait.ge [sflag:s17], $0x4000  }
0xff: {  	[sflag:s17] =	ssyncset.done $0x0  }
0x100: {  	[sflag:s17] =	ssyncadd.s32 $0xFFFFC000  }
0x101: {  	_ =	swait.ge [sflag:s23], $0x4000  }
0x102: {  	[sflag:s23] =	ssyncset.done $0x0  }
0x103: {  	s13 =	simm.s32 $0xB00;
	[sflag:s23] =	ssyncadd.s32 $0xFFFFC000  }
0x104: {  	[tilespmem:s20], [sflag:$0x1] =	stream.indirect.gather [hbm4b:s11+s19], $0x80, s13, s19, $0xb8;
	[tilespmem:$0x1E0C0] =	vst v63  }
0x105: {  	s14 =	simm.s32 $0x1E80  }
0x106: {  	[spmem:s4] =	stream.indirect.scatter.add.f32 [tilespmem:s22], [sflag:$0x3], $0x80, s14, s19, $0xb8;
	[tilespmem:$0x1E0C0] =	vst v63  }
0x107: {  	_ =	swait.ge [sflag:s17], $0x4000  }
0x108: {  	[sflag:s17] =	ssyncset.done $0x0  }
0x109: {  	[sflag:s17] =	ssyncadd.s32 $0xFFFFC000  }
0x10a: {  	_ =	swait.ge [sflag:s21], $0x4000  }
0x10b: {  	[sflag:s21] =	ssyncset.done $0x0  }
0x10c: {  	s15 =	simm.s32 $0xB80;
	[sflag:s21] =	ssyncadd.s32 $0xFFFFC000  }
0x10d: {  	[tilespmem:s22], [sflag:$0x2] =	stream.indirect.gather [hbm4b:s11+s19], $0x80, s15, s19, $0xb8;
	[tilespmem:$0x1E0C0] =	vst v63  }
0x10e: {  	s2 =	simm.s32 $0x1F00  }
0x10f: {  	[spmem:s4] =	stream.indirect.scatter.add.f32 [tilespmem:s20], [sflag:$0x3], $0x80, s2, s19, $0xb8;
	[tilespmem:$0x1E0C0] =	vst v63  }
0x110: {  	_ =	swait.ge [sflag:s17], $0x4000  }
0x111: {  	[sflag:s17] =	ssyncset.done $0x0  }
0x112: {  	[sflag:s17] =	ssyncadd.s32 $0xFFFFC000  }
0x113: {  	_ =	swait.ge [sflag:s23], $0x4000  }
0x114: {  	[sflag:s23] =	ssyncset.done $0x0  }
0x115: {  	s3 =	simm.s32 $0xC00;
	[sflag:s23] =	ssyncadd.s32 $0xFFFFC000  }
0x116: {  	[tilespmem:s20], [sflag:$0x1] =	stream.indirect.gather [hbm4b:s11+s19], $0x80, s3, s19, $0xb8;
	[tilespmem:$0x1E0C0] =	vst v63  }
0x117: {  	s6 =	simm.s32 $0x1F80  }
0x118: {  	[spmem:s4] =	stream.indirect.scatter.add.f32 [tilespmem:s22], [sflag:$0x3], $0x80, s6, s19, $0xb8;
	[tilespmem:$0x1E0C0] =	vst v63  }
0x119: {  	_ =	swait.ge [sflag:s17], $0x4000  }
0x11a: {  	[sflag:s17] =	ssyncset.done $0x0  }
0x11b: {  	[sflag:s17] =	ssyncadd.s32 $0xFFFFC000  }
0x11c: {  	_ =	swait.ge [sflag:s21], $0x4000  }
0x11d: {  	[sflag:s21] =	ssyncset.done $0x0  }
0x11e: {  	s9 =	simm.s32 $0xC80;
	[sflag:s21] =	ssyncadd.s32 $0xFFFFC000  }
0x11f: {  	[tilespmem:s22], [sflag:$0x2] =	stream.indirect.gather [hbm4b:s11+s19], $0x80, s9, s19, $0xb8;
	[tilespmem:$0x1E0C0] =	vst v63  }
0x120: {  	s10 =	simm.s32 $0x2000  }
0x121: {  	[spmem:s4] =	stream.indirect.scatter.add.f32 [tilespmem:s20], [sflag:$0x3], $0x80, s10, s19, $0xb8;
	[tilespmem:$0x1E0C0] =	vst v63  }
0x122: {  	_ =	swait.ge [sflag:s17], $0x4000  }
0x123: {  	[sflag:s17] =	ssyncset.done $0x0  }
0x124: {  	[sflag:s17] =	ssyncadd.s32 $0xFFFFC000  }
0x125: {  	_ =	swait.ge [sflag:s23], $0x4000  }
0x126: {  	[sflag:s23] =	ssyncset.done $0x0  }
0x127: {  	s12 =	simm.s32 $0xD00;
	[sflag:s23] =	ssyncadd.s32 $0xFFFFC000  }
0x128: {  	[tilespmem:s20], [sflag:$0x1] =	stream.indirect.gather [hbm4b:s11+s19], $0x80, s12, s19, $0xb8;
	[tilespmem:$0x1E0C0] =	vst v63  }
0x129: {  	s13 =	simm.s32 $0x2080  }
0x12a: {  	[spmem:s4] =	stream.indirect.scatter.add.f32 [tilespmem:s22], [sflag:$0x3], $0x80, s13, s19, $0xb8;
	[tilespmem:$0x1E0C0] =	vst v63  }
0x12b: {  	_ =	swait.ge [sflag:s17], $0x4000  }
0x12c: {  	[sflag:s17] =	ssyncset.done $0x0  }
0x12d: {  	[sflag:s17] =	ssyncadd.s32 $0xFFFFC000  }
0x12e: {  	_ =	swait.ge [sflag:s21], $0x4000  }
0x12f: {  	[sflag:s21] =	ssyncset.done $0x0  }
0x130: {  	s14 =	simm.s32 $0xD80;
	[sflag:s21] =	ssyncadd.s32 $0xFFFFC000  }
0x131: {  	[tilespmem:s22], [sflag:$0x2] =	stream.indirect.gather [hbm4b:s11+s19], $0x80, s14, s19, $0xb8;
	[tilespmem:$0x1E0C0] =	vst v63  }
0x132: {  	s15 =	simm.s32 $0x2100  }
0x133: {  	[spmem:s4] =	stream.indirect.scatter.add.f32 [tilespmem:s20], [sflag:$0x3], $0x80, s15, s19, $0xb8;
	[tilespmem:$0x1E0C0] =	vst v63  }
0x134: {  	_ =	swait.ge [sflag:s17], $0x4000  }
0x135: {  	[sflag:s17] =	ssyncset.done $0x0  }
0x136: {  	[sflag:s17] =	ssyncadd.s32 $0xFFFFC000  }
0x137: {  	_ =	swait.ge [sflag:s23], $0x4000  }
0x138: {  	[sflag:s23] =	ssyncset.done $0x0  }
0x139: {  	s30 =	simm.s32 $0xE00;
	[sflag:s23] =	ssyncadd.s32 $0xFFFFC000  }
0x13a: {  	[tilespmem:s20], [sflag:$0x1] =	stream.indirect.gather [hbm4b:s11+s19], $0x80, s30, s19, $0xb8;
	[tilespmem:$0x1E0C0] =	vst v63  }
0x13b: {  	s31 =	simm.s32 $0x2180  }
0x13c: {  	[spmem:s4] =	stream.indirect.scatter.add.f32 [tilespmem:s22], [sflag:$0x3], $0x80, s31, s19, $0xb8;
	[tilespmem:$0x1E0C0] =	vst v63  }
0x13d: {  	_ =	swait.ge [sflag:s17], $0x4000  }
0x13e: {  	[sflag:s17] =	ssyncset.done $0x0  }
0x13f: {  	[sflag:s17] =	ssyncadd.s32 $0xFFFFC000  }
0x140: {  	_ =	swait.ge [sflag:s21], $0x4000  }
0x141: {  	[sflag:s21] =	ssyncset.done $0x0  }
0x142: {  	s0 =	simm.s32 $0xE80;
	[sflag:s21] =	ssyncadd.s32 $0xFFFFC000  }
0x143: {  	[tilespmem:s22], [sflag:$0x2] =	stream.indirect.gather [hbm4b:s11+s19], $0x80, s0, s19, $0xb8;
	[tilespmem:$0x1E0C0] =	vst v63  }
0x144: {  	s2 =	simm.s32 $0x2200  }
0x145: {  	[spmem:s4] =	stream.indirect.scatter.add.f32 [tilespmem:s20], [sflag:$0x3], $0x80, s2, s19, $0xb8;
	[tilespmem:$0x1E0C0] =	vst v63  }
0x146: {  	_ =	swait.ge [sflag:s17], $0x4000  }
0x147: {  	[sflag:s17] =	ssyncset.done $0x0  }
0x148: {  	[sflag:s17] =	ssyncadd.s32 $0xFFFFC000  }
0x149: {  	_ =	swait.ge [sflag:s23], $0x4000  }
0x14a: {  	[sflag:s23] =	ssyncset.done $0x0  }
0x14b: {  	s9 =	simm.s32 $0xF00;
	[sflag:s23] =	ssyncadd.s32 $0xFFFFC000  }
0x14c: {  	[tilespmem:s20], [sflag:$0x1] =	stream.indirect.gather [hbm4b:s11+s19], $0x80, s9, s19, $0xb8;
	[tilespmem:$0x1E0C0] =	vst v63  }
0x14d: {  	s10 =	simm.s32 $0x2280  }
0x14e: {  	[spmem:s4] =	stream.indirect.scatter.add.f32 [tilespmem:s22], [sflag:$0x3], $0x80, s10, s19, $0xb8;
	[tilespmem:$0x1E0C0] =	vst v63  }
0x14f: {  	_ =	swait.ge [sflag:s17], $0x4000  }
0x150: {  	[sflag:s17] =	ssyncset.done $0x0  }
0x151: {  	[sflag:s17] =	ssyncadd.s32 $0xFFFFC000  }
0x152: {  	_ =	swait.ge [sflag:s21], $0x4000  }
0x153: {  	[sflag:s21] =	ssyncset.done $0x0  }
0x154: {  	s6 =	simm.s32 $0xF80;
	[sflag:s21] =	ssyncadd.s32 $0xFFFFC000  }
0x155: {  	[tilespmem:s22], [sflag:$0x2] =	stream.indirect.gather [hbm4b:s11+s19], $0x80, s6, s19, $0xb8;
	[tilespmem:$0x1E0C0] =	vst v63  }
0x156: {  	s3 =	simm.s32 $0x2300  }
0x157: {  	[spmem:s4] =	stream.indirect.scatter.add.f32 [tilespmem:s20], [sflag:$0x3], $0x80, s3, s19, $0xb8;
	[tilespmem:$0x1E0C0] =	vst v63  }
0x158: {  	_ =	swait.ge [sflag:s17], $0x4000  }
0x159: {  	[sflag:s17] =	ssyncset.done $0x0  }
0x15a: {  	[sflag:s17] =	ssyncadd.s32 $0xFFFFC000  }
0x15b: {  	_ =	swait.ge [sflag:s23], $0x4000  }
0x15c: {  	[sflag:s23] =	ssyncset.done $0x0  }
0x15d: {  	s15 =	simm.s32 $0x1000;
	[sflag:s23] =	ssyncadd.s32 $0xFFFFC000  }
0x15e: {  	[tilespmem:s20], [sflag:$0x1] =	stream.indirect.gather [hbm4b:s11+s19], $0x80, s15, s19, $0xb8;
	[tilespmem:$0x1E0C0] =	vst v63  }
0x15f: {  	_ = 	snop  }
0x160: {  	[spmem:s4] =	stream.indirect.scatter.add.f32 [tilespmem:s22], [sflag:$0x3], $0x80, s16, s19, $0xb8;
	[tilespmem:$0x1E0C0] =	vst v63  }
0x161: {  	_ =	swait.ge [sflag:s17], $0x4000  }
0x162: {  	[sflag:s17] =	ssyncset.done $0x0  }
0x163: {  	[sflag:s17] =	ssyncadd.s32 $0xFFFFC000  }
0x164: {  	_ =	swait.ge [sflag:s21], $0x4000  }
0x165: {  	[sflag:s21] =	ssyncset.done $0x0  }
0x166: {  	[sflag:s21] =	ssyncadd.s32 $0xFFFFC000  }
0x167: {  	[tilespmem:s22], [sflag:$0x2] =	stream.indirect.gather [hbm4b:s11+s19], $0x80, s24, s19, $0xb8;
	[tilespmem:$0x1E0C0] =	vst v63  }
0x168: {  	_ = 	snop  }
0x169: {  	[spmem:s4] =	stream.indirect.scatter.add.f32 [tilespmem:s20], [sflag:$0x3], $0x80, s25, s19, $0xb8;
	[tilespmem:$0x1E0C0] =	vst v63  }
0x16a: {  	_ =	swait.ge [sflag:s17], $0x4000  }
0x16b: {  	[sflag:s17] =	ssyncset.done $0x0  }
0x16c: {  	[sflag:s17] =	ssyncadd.s32 $0xFFFFC000  }
0x16d: {  	_ =	swait.ge [sflag:s23], $0x4000  }
0x16e: {  	[sflag:s23] =	ssyncset.done $0x0  }
0x16f: {  	s16 =	simm.s32 $0x1100;
	[sflag:s23] =	ssyncadd.s32 $0xFFFFC000  }
0x170: {  	[tilespmem:s20], [sflag:$0x1] =	stream.indirect.gather [hbm4b:s11+s19], $0x80, s16, s19, $0xb8;
	[tilespmem:$0x1E0C0] =	vst v63  }
0x171: {  	_ = 	snop  }
0x172: {  	[spmem:s4] =	stream.indirect.scatter.add.f32 [tilespmem:s22], [sflag:$0x3], $0x80, s26, s19, $0xb8;
	[tilespmem:$0x1E0C0] =	vst v63  }
0x173: {  	_ =	swait.ge [sflag:s17], $0x4000  }
0x174: {  	[sflag:s17] =	ssyncset.done $0x0  }
0x175: {  	[sflag:s17] =	ssyncadd.s32 $0xFFFFC000  }
0x176: {  	_ =	swait.ge [sflag:s21], $0x4000  }
0x177: {  	[sflag:s21] =	ssyncset.done $0x0  }
0x178: {  	s29 =	simm.s32 $0x2400;
	s24 =	simm.s32 $0x2500;
	[sflag:s21] =	ssyncadd.s32 $0xFFFFC000  }
0x179: {  	[spmem:s4] =	stream.indirect.scatter.add.f32 [tilespmem:s20], [sflag:$0x3], $0x80, s24, s19, $0xb8;
	[tilespmem:$0x1E0C0] =	vst v63  }
0x17a: {  	s28 =	simm.s32 $0x2480;
	s12 =	simm.s32 $0x280;
	_ =	swait.ge [sflag:s17], $0x4000  }
0x17b: {  	s25 =	simm.s32 $0x2380;
	s26 =	simm.s32 $0x1080;
	[sflag:s17] =	ssyncset.done $0x0  }
.LBB2_6:
0x17c: {  	p2 =	sne.s32 s12, $0x500  }
0x17d: {  	[sflag:s17] =	ssyncadd.s32 $0xFFFFC000;
	s13 =	smov.u32 s12;
	s12 =	sadd.s32 $0x280, s12  }
0x17e: {  	s14 =	sadd.s32 s13, s7  }
0x17f: {  	[tilespmem:s5], [sflag:$0x3] =	stream.linear.gather [hbm4b:s14+s5], $0x1180, $0x38;
	[tilespmem:$0x1E0C0] =	vst v63  }
0x180: {  	_ =	swait.ge [sflag:s17], $0x1180  }
0x181: {  	[sflag:s17] =	ssyncset.done $0x0  }
0x182: {  	s13 =	sadd.s32 s13, s8;
	[sflag:s17] =	ssyncadd.s32 $0xFFFFEE80  }
0x183: {  	[tilespmem:s18], [sflag:$0x3] =	stream.linear.gather [hbm4b:s13+s5], $0x1180, $0x38;
	[tilespmem:$0x1E0C0] =	vst v63  }
0x184: {  	_ =	swait.ge [sflag:s17], $0x1180  }
0x185: {  	[sflag:s17] =	ssyncset.done $0x0  }
0x186: {  	[sflag:s17] =	ssyncadd.s32 $0xFFFFEE80  }
0x187: {  	[tilespmem:s20], [sflag:$0x1] =	stream.indirect.gather [hbm4b:s11+s19], $0x80, s5, s19, $0xb8;
	[tilespmem:$0x1E0C0] =	vst v63  }
0x188: {  	_ =	swait.ge [sflag:s21], $0x4000  }
0x189: {  	[sflag:s21] =	ssyncset.done $0x0  }
0x18a: {  	[sflag:s21] =	ssyncadd.s32 $0xFFFFC000  }
0x18b: {  	[tilespmem:s22], [sflag:$0x2] =	stream.indirect.gather [hbm4b:s11+s19], $0x80, s19, s19, $0xb8;
	[tilespmem:$0x1E0C0] =	vst v63  }
0x18c: {  	_ = 	snop  }
0x18d: {  	[spmem:s4] =	stream.indirect.scatter.add.f32 [tilespmem:s20], [sflag:$0x3], $0x80, s18, s19, $0xb8;
	[tilespmem:$0x1E0C0] =	vst v63  }
0x18e: {  	_ =	swait.ge [sflag:s17], $0x4000  }
0x18f: {  	[sflag:s17] =	ssyncset.done $0x0  }
0x190: {  	[sflag:s17] =	ssyncadd.s32 $0xFFFFC000  }
0x191: {  	_ =	swait.ge [sflag:s23], $0x4000  }
0x192: {  	[sflag:s23] =	ssyncset.done $0x0  }
0x193: {  	s13 =	simm.s32 $0x100;
	[sflag:s23] =	ssyncadd.s32 $0xFFFFC000  }
0x194: {  	[tilespmem:s20], [sflag:$0x1] =	stream.indirect.gather [hbm4b:s11+s19], $0x80, s13, s19, $0xb8;
	[tilespmem:$0x1E0C0] =	vst v63  }
0x195: {  	s13 =	simm.s32 $0x1480  }
0x196: {  	[spmem:s4] =	stream.indirect.scatter.add.f32 [tilespmem:s22], [sflag:$0x3], $0x80, s13, s19, $0xb8;
	[tilespmem:$0x1E0C0] =	vst v63  }
0x197: {  	_ =	swait.ge [sflag:s17], $0x4000  }
0x198: {  	[sflag:s17] =	ssyncset.done $0x0  }
0x199: {  	[sflag:s17] =	ssyncadd.s32 $0xFFFFC000  }
0x19a: {  	_ =	swait.ge [sflag:s21], $0x4000  }
0x19b: {  	[sflag:s21] =	ssyncset.done $0x0  }
0x19c: {  	s13 =	simm.s32 $0x180;
	[sflag:s21] =	ssyncadd.s32 $0xFFFFC000  }
0x19d: {  	[tilespmem:s22], [sflag:$0x2] =	stream.indirect.gather [hbm4b:s11+s19], $0x80, s13, s19, $0xb8;
	[tilespmem:$0x1E0C0] =	vst v63  }
0x19e: {  	s13 =	simm.s32 $0x1500  }
0x19f: {  	[spmem:s4] =	stream.indirect.scatter.add.f32 [tilespmem:s20], [sflag:$0x3], $0x80, s13, s19, $0xb8;
	[tilespmem:$0x1E0C0] =	vst v63  }
0x1a0: {  	_ =	swait.ge [sflag:s17], $0x4000  }
0x1a1: {  	[sflag:s17] =	ssyncset.done $0x0  }
0x1a2: {  	[sflag:s17] =	ssyncadd.s32 $0xFFFFC000  }
0x1a3: {  	_ =	swait.ge [sflag:s23], $0x4000  }
0x1a4: {  	[sflag:s23] =	ssyncset.done $0x0  }
0x1a5: {  	s13 =	simm.s32 $0x200;
	[sflag:s23] =	ssyncadd.s32 $0xFFFFC000  }
0x1a6: {  	[tilespmem:s20], [sflag:$0x1] =	stream.indirect.gather [hbm4b:s11+s19], $0x80, s13, s19, $0xb8;
	[tilespmem:$0x1E0C0] =	vst v63  }
0x1a7: {  	s13 =	simm.s32 $0x1580  }
0x1a8: {  	[spmem:s4] =	stream.indirect.scatter.add.f32 [tilespmem:s22], [sflag:$0x3], $0x80, s13, s19, $0xb8;
	[tilespmem:$0x1E0C0] =	vst v63  }
0x1a9: {  	_ =	swait.ge [sflag:s17], $0x4000  }
0x1aa: {  	[sflag:s17] =	ssyncset.done $0x0  }
0x1ab: {  	[sflag:s17] =	ssyncadd.s32 $0xFFFFC000  }
0x1ac: {  	_ =	swait.ge [sflag:s21], $0x4000  }
0x1ad: {  	[sflag:s21] =	ssyncset.done $0x0  }
0x1ae: {  	s13 =	simm.s32 $0x280;
	[sflag:s21] =	ssyncadd.s32 $0xFFFFC000  }
0x1af: {  	[tilespmem:s22], [sflag:$0x2] =	stream.indirect.gather [hbm4b:s11+s19], $0x80, s13, s19, $0xb8;
	[tilespmem:$0x1E0C0] =	vst v63  }
0x1b0: {  	s13 =	simm.s32 $0x1600  }
0x1b1: {  	[spmem:s4] =	stream.indirect.scatter.add.f32 [tilespmem:s20], [sflag:$0x3], $0x80, s13, s19, $0xb8;
	[tilespmem:$0x1E0C0] =	vst v63  }
0x1b2: {  	_ =	swait.ge [sflag:s17], $0x4000  }
0x1b3: {  	[sflag:s17] =	ssyncset.done $0x0  }
0x1b4: {  	[sflag:s17] =	ssyncadd.s32 $0xFFFFC000  }
0x1b5: {  	_ =	swait.ge [sflag:s23], $0x4000  }
0x1b6: {  	[sflag:s23] =	ssyncset.done $0x0  }
0x1b7: {  	s13 =	simm.s32 $0x300;
	[sflag:s23] =	ssyncadd.s32 $0xFFFFC000  }
0x1b8: {  	[tilespmem:s20], [sflag:$0x1] =	stream.indirect.gather [hbm4b:s11+s19], $0x80, s13, s19, $0xb8;
	[tilespmem:$0x1E0C0] =	vst v63  }
0x1b9: {  	s13 =	simm.s32 $0x1680  }
0x1ba: {  	[spmem:s4] =	stream.indirect.scatter.add.f32 [tilespmem:s22], [sflag:$0x3], $0x80, s13, s19, $0xb8;
	[tilespmem:$0x1E0C0] =	vst v63  }
0x1bb: {  	_ =	swait.ge [sflag:s17], $0x4000  }
0x1bc: {  	[sflag:s17] =	ssyncset.done $0x0  }
0x1bd: {  	[sflag:s17] =	ssyncadd.s32 $0xFFFFC000  }
0x1be: {  	_ =	swait.ge [sflag:s21], $0x4000  }
0x1bf: {  	[sflag:s21] =	ssyncset.done $0x0  }
0x1c0: {  	s13 =	simm.s32 $0x380;
	[sflag:s21] =	ssyncadd.s32 $0xFFFFC000  }
0x1c1: {  	[tilespmem:s22], [sflag:$0x2] =	stream.indirect.gather [hbm4b:s11+s19], $0x80, s13, s19, $0xb8;
	[tilespmem:$0x1E0C0] =	vst v63  }
0x1c2: {  	s13 =	simm.s32 $0x1700  }
0x1c3: {  	[spmem:s4] =	stream.indirect.scatter.add.f32 [tilespmem:s20], [sflag:$0x3], $0x80, s13, s19, $0xb8;
	[tilespmem:$0x1E0C0] =	vst v63  }
0x1c4: {  	_ =	swait.ge [sflag:s17], $0x4000  }
0x1c5: {  	[sflag:s17] =	ssyncset.done $0x0  }
0x1c6: {  	[sflag:s17] =	ssyncadd.s32 $0xFFFFC000  }
0x1c7: {  	_ =	swait.ge [sflag:s23], $0x4000  }
0x1c8: {  	[sflag:s23] =	ssyncset.done $0x0  }
0x1c9: {  	s13 =	simm.s32 $0x400;
	[sflag:s23] =	ssyncadd.s32 $0xFFFFC000  }
0x1ca: {  	[tilespmem:s20], [sflag:$0x1] =	stream.indirect.gather [hbm4b:s11+s19], $0x80, s13, s19, $0xb8;
	[tilespmem:$0x1E0C0] =	vst v63  }
0x1cb: {  	s13 =	simm.s32 $0x1780  }
0x1cc: {  	[spmem:s4] =	stream.indirect.scatter.add.f32 [tilespmem:s22], [sflag:$0x3], $0x80, s13, s19, $0xb8;
	[tilespmem:$0x1E0C0] =	vst v63  }
0x1cd: {  	_ =	swait.ge [sflag:s17], $0x4000  }
0x1ce: {  	[sflag:s17] =	ssyncset.done $0x0  }
0x1cf: {  	[sflag:s17] =	ssyncadd.s32 $0xFFFFC000  }
0x1d0: {  	_ =	swait.ge [sflag:s21], $0x4000  }
0x1d1: {  	[sflag:s21] =	ssyncset.done $0x0  }
0x1d2: {  	s13 =	simm.s32 $0x480;
	[sflag:s21] =	ssyncadd.s32 $0xFFFFC000  }
0x1d3: {  	[tilespmem:s22], [sflag:$0x2] =	stream.indirect.gather [hbm4b:s11+s19], $0x80, s13, s19, $0xb8;
	[tilespmem:$0x1E0C0] =	vst v63  }
0x1d4: {  	s13 =	simm.s32 $0x1800  }
0x1d5: {  	[spmem:s4] =	stream.indirect.scatter.add.f32 [tilespmem:s20], [sflag:$0x3], $0x80, s13, s19, $0xb8;
	[tilespmem:$0x1E0C0] =	vst v63  }
0x1d6: {  	_ =	swait.ge [sflag:s17], $0x4000  }
0x1d7: {  	[sflag:s17] =	ssyncset.done $0x0  }
0x1d8: {  	[sflag:s17] =	ssyncadd.s32 $0xFFFFC000  }
0x1d9: {  	_ =	swait.ge [sflag:s23], $0x4000  }
0x1da: {  	[sflag:s23] =	ssyncset.done $0x0  }
0x1db: {  	s13 =	simm.s32 $0x500;
	[sflag:s23] =	ssyncadd.s32 $0xFFFFC000  }
0x1dc: {  	[tilespmem:s20], [sflag:$0x1] =	stream.indirect.gather [hbm4b:s11+s19], $0x80, s13, s19, $0xb8;
	[tilespmem:$0x1E0C0] =	vst v63  }
0x1dd: {  	s13 =	simm.s32 $0x1880  }
0x1de: {  	[spmem:s4] =	stream.indirect.scatter.add.f32 [tilespmem:s22], [sflag:$0x3], $0x80, s13, s19, $0xb8;
	[tilespmem:$0x1E0C0] =	vst v63  }
0x1df: {  	_ =	swait.ge [sflag:s17], $0x4000  }
0x1e0: {  	[sflag:s17] =	ssyncset.done $0x0  }
0x1e1: {  	[sflag:s17] =	ssyncadd.s32 $0xFFFFC000  }
0x1e2: {  	_ =	swait.ge [sflag:s21], $0x4000  }
0x1e3: {  	[sflag:s21] =	ssyncset.done $0x0  }
0x1e4: {  	s13 =	simm.s32 $0x580;
	[sflag:s21] =	ssyncadd.s32 $0xFFFFC000  }
0x1e5: {  	[tilespmem:s22], [sflag:$0x2] =	stream.indirect.gather [hbm4b:s11+s19], $0x80, s13, s19, $0xb8;
	[tilespmem:$0x1E0C0] =	vst v63  }
0x1e6: {  	s13 =	simm.s32 $0x1900  }
0x1e7: {  	[spmem:s4] =	stream.indirect.scatter.add.f32 [tilespmem:s20], [sflag:$0x3], $0x80, s13, s19, $0xb8;
	[tilespmem:$0x1E0C0] =	vst v63  }
0x1e8: {  	_ =	swait.ge [sflag:s17], $0x4000  }
0x1e9: {  	[sflag:s17] =	ssyncset.done $0x0  }
0x1ea: {  	[sflag:s17] =	ssyncadd.s32 $0xFFFFC000  }
0x1eb: {  	_ =	swait.ge [sflag:s23], $0x4000  }
0x1ec: {  	[sflag:s23] =	ssyncset.done $0x0  }
0x1ed: {  	s13 =	simm.s32 $0x600;
	[sflag:s23] =	ssyncadd.s32 $0xFFFFC000  }
0x1ee: {  	[tilespmem:s20], [sflag:$0x1] =	stream.indirect.gather [hbm4b:s11+s19], $0x80, s13, s19, $0xb8;
	[tilespmem:$0x1E0C0] =	vst v63  }
0x1ef: {  	s13 =	simm.s32 $0x1980  }
0x1f0: {  	[spmem:s4] =	stream.indirect.scatter.add.f32 [tilespmem:s22], [sflag:$0x3], $0x80, s13, s19, $0xb8;
	[tilespmem:$0x1E0C0] =	vst v63  }
0x1f1: {  	_ =	swait.ge [sflag:s17], $0x4000  }
0x1f2: {  	[sflag:s17] =	ssyncset.done $0x0  }
0x1f3: {  	[sflag:s17] =	ssyncadd.s32 $0xFFFFC000  }
0x1f4: {  	_ =	swait.ge [sflag:s21], $0x4000  }
0x1f5: {  	[sflag:s21] =	ssyncset.done $0x0  }
0x1f6: {  	s13 =	simm.s32 $0x680;
	[sflag:s21] =	ssyncadd.s32 $0xFFFFC000  }
0x1f7: {  	[tilespmem:s22], [sflag:$0x2] =	stream.indirect.gather [hbm4b:s11+s19], $0x80, s13, s19, $0xb8;
	[tilespmem:$0x1E0C0] =	vst v63  }
0x1f8: {  	s13 =	simm.s32 $0x1A00  }
0x1f9: {  	[spmem:s4] =	stream.indirect.scatter.add.f32 [tilespmem:s20], [sflag:$0x3], $0x80, s13, s19, $0xb8;
	[tilespmem:$0x1E0C0] =	vst v63  }
0x1fa: {  	_ =	swait.ge [sflag:s17], $0x4000  }
0x1fb: {  	[sflag:s17] =	ssyncset.done $0x0  }
0x1fc: {  	[sflag:s17] =	ssyncadd.s32 $0xFFFFC000  }
0x1fd: {  	_ =	swait.ge [sflag:s23], $0x4000  }
0x1fe: {  	[sflag:s23] =	ssyncset.done $0x0  }
0x1ff: {  	s13 =	simm.s32 $0x700;
	[sflag:s23] =	ssyncadd.s32 $0xFFFFC000  }
0x200: {  	[tilespmem:s20], [sflag:$0x1] =	stream.indirect.gather [hbm4b:s11+s19], $0x80, s13, s19, $0xb8;
	[tilespmem:$0x1E0C0] =	vst v63  }
0x201: {  	s13 =	simm.s32 $0x1A80  }
0x202: {  	[spmem:s4] =	stream.indirect.scatter.add.f32 [tilespmem:s22], [sflag:$0x3], $0x80, s13, s19, $0xb8;
	[tilespmem:$0x1E0C0] =	vst v63  }
0x203: {  	_ =	swait.ge [sflag:s17], $0x4000  }
0x204: {  	[sflag:s17] =	ssyncset.done $0x0  }
0x205: {  	[sflag:s17] =	ssyncadd.s32 $0xFFFFC000  }
0x206: {  	_ =	swait.ge [sflag:s21], $0x4000  }
0x207: {  	[sflag:s21] =	ssyncset.done $0x0  }
0x208: {  	s13 =	simm.s32 $0x780;
	[sflag:s21] =	ssyncadd.s32 $0xFFFFC000  }
0x209: {  	[tilespmem:s22], [sflag:$0x2] =	stream.indirect.gather [hbm4b:s11+s19], $0x80, s13, s19, $0xb8;
	[tilespmem:$0x1E0C0] =	vst v63  }
0x20a: {  	s13 =	simm.s32 $0x1B00  }
0x20b: {  	[spmem:s4] =	stream.indirect.scatter.add.f32 [tilespmem:s20], [sflag:$0x3], $0x80, s13, s19, $0xb8;
	[tilespmem:$0x1E0C0] =	vst v63  }
0x20c: {  	_ =	swait.ge [sflag:s17], $0x4000  }
0x20d: {  	[sflag:s17] =	ssyncset.done $0x0  }
0x20e: {  	[sflag:s17] =	ssyncadd.s32 $0xFFFFC000  }
0x20f: {  	_ =	swait.ge [sflag:s23], $0x4000  }
0x210: {  	[sflag:s23] =	ssyncset.done $0x0  }
0x211: {  	s13 =	simm.s32 $0x800;
	[sflag:s23] =	ssyncadd.s32 $0xFFFFC000  }
0x212: {  	[tilespmem:s20], [sflag:$0x1] =	stream.indirect.gather [hbm4b:s11+s19], $0x80, s13, s19, $0xb8;
	[tilespmem:$0x1E0C0] =	vst v63  }
0x213: {  	s13 =	simm.s32 $0x1B80  }
0x214: {  	[spmem:s4] =	stream.indirect.scatter.add.f32 [tilespmem:s22], [sflag:$0x3], $0x80, s13, s19, $0xb8;
	[tilespmem:$0x1E0C0] =	vst v63  }
0x215: {  	_ =	swait.ge [sflag:s17], $0x4000  }
0x216: {  	[sflag:s17] =	ssyncset.done $0x0  }
0x217: {  	[sflag:s17] =	ssyncadd.s32 $0xFFFFC000  }
0x218: {  	_ =	swait.ge [sflag:s21], $0x4000  }
0x219: {  	[sflag:s21] =	ssyncset.done $0x0  }
0x21a: {  	s13 =	simm.s32 $0x880;
	[sflag:s21] =	ssyncadd.s32 $0xFFFFC000  }
0x21b: {  	[tilespmem:s22], [sflag:$0x2] =	stream.indirect.gather [hbm4b:s11+s19], $0x80, s13, s19, $0xb8;
	[tilespmem:$0x1E0C0] =	vst v63  }
0x21c: {  	s13 =	simm.s32 $0x1C00  }
0x21d: {  	[spmem:s4] =	stream.indirect.scatter.add.f32 [tilespmem:s20], [sflag:$0x3], $0x80, s13, s19, $0xb8;
	[tilespmem:$0x1E0C0] =	vst v63  }
0x21e: {  	_ =	swait.ge [sflag:s17], $0x4000  }
0x21f: {  	[sflag:s17] =	ssyncset.done $0x0  }
0x220: {  	[sflag:s17] =	ssyncadd.s32 $0xFFFFC000  }
0x221: {  	_ =	swait.ge [sflag:s23], $0x4000  }
0x222: {  	[sflag:s23] =	ssyncset.done $0x0  }
0x223: {  	s13 =	simm.s32 $0x900;
	[sflag:s23] =	ssyncadd.s32 $0xFFFFC000  }
0x224: {  	[tilespmem:s20], [sflag:$0x1] =	stream.indirect.gather [hbm4b:s11+s19], $0x80, s13, s19, $0xb8;
	[tilespmem:$0x1E0C0] =	vst v63  }
0x225: {  	s13 =	simm.s32 $0x1C80  }
0x226: {  	[spmem:s4] =	stream.indirect.scatter.add.f32 [tilespmem:s22], [sflag:$0x3], $0x80, s13, s19, $0xb8;
	[tilespmem:$0x1E0C0] =	vst v63  }
0x227: {  	_ =	swait.ge [sflag:s17], $0x4000  }
0x228: {  	[sflag:s17] =	ssyncset.done $0x0  }
0x229: {  	[sflag:s17] =	ssyncadd.s32 $0xFFFFC000  }
0x22a: {  	_ =	swait.ge [sflag:s21], $0x4000  }
0x22b: {  	[sflag:s21] =	ssyncset.done $0x0  }
0x22c: {  	s13 =	simm.s32 $0x980;
	[sflag:s21] =	ssyncadd.s32 $0xFFFFC000  }
0x22d: {  	[tilespmem:s22], [sflag:$0x2] =	stream.indirect.gather [hbm4b:s11+s19], $0x80, s13, s19, $0xb8;
	[tilespmem:$0x1E0C0] =	vst v63  }
0x22e: {  	s13 =	simm.s32 $0x1D00  }
0x22f: {  	[spmem:s4] =	stream.indirect.scatter.add.f32 [tilespmem:s20], [sflag:$0x3], $0x80, s13, s19, $0xb8;
	[tilespmem:$0x1E0C0] =	vst v63  }
0x230: {  	_ =	swait.ge [sflag:s17], $0x4000  }
0x231: {  	[sflag:s17] =	ssyncset.done $0x0  }
0x232: {  	[sflag:s17] =	ssyncadd.s32 $0xFFFFC000  }
0x233: {  	_ =	swait.ge [sflag:s23], $0x4000  }
0x234: {  	[sflag:s23] =	ssyncset.done $0x0  }
0x235: {  	s13 =	simm.s32 $0xA00;
	[sflag:s23] =	ssyncadd.s32 $0xFFFFC000  }
0x236: {  	[tilespmem:s20], [sflag:$0x1] =	stream.indirect.gather [hbm4b:s11+s19], $0x80, s13, s19, $0xb8;
	[tilespmem:$0x1E0C0] =	vst v63  }
0x237: {  	s13 =	simm.s32 $0x1D80  }
0x238: {  	[spmem:s4] =	stream.indirect.scatter.add.f32 [tilespmem:s22], [sflag:$0x3], $0x80, s13, s19, $0xb8;
	[tilespmem:$0x1E0C0] =	vst v63  }
0x239: {  	_ =	swait.ge [sflag:s17], $0x4000  }
0x23a: {  	[sflag:s17] =	ssyncset.done $0x0  }
0x23b: {  	[sflag:s17] =	ssyncadd.s32 $0xFFFFC000  }
0x23c: {  	_ =	swait.ge [sflag:s21], $0x4000  }
0x23d: {  	[sflag:s21] =	ssyncset.done $0x0  }
0x23e: {  	s13 =	simm.s32 $0xA80;
	[sflag:s21] =	ssyncadd.s32 $0xFFFFC000  }
0x23f: {  	[tilespmem:s22], [sflag:$0x2] =	stream.indirect.gather [hbm4b:s11+s19], $0x80, s13, s19, $0xb8;
	[tilespmem:$0x1E0C0] =	vst v63  }
0x240: {  	s13 =	simm.s32 $0x1E00  }
0x241: {  	[spmem:s4] =	stream.indirect.scatter.add.f32 [tilespmem:s20], [sflag:$0x3], $0x80, s13, s19, $0xb8;
	[tilespmem:$0x1E0C0] =	vst v63  }
0x242: {  	_ =	swait.ge [sflag:s17], $0x4000  }
0x243: {  	[sflag:s17] =	ssyncset.done $0x0  }
0x244: {  	[sflag:s17] =	ssyncadd.s32 $0xFFFFC000  }
0x245: {  	_ =	swait.ge [sflag:s23], $0x4000  }
0x246: {  	[sflag:s23] =	ssyncset.done $0x0  }
0x247: {  	s13 =	simm.s32 $0xB00;
	[sflag:s23] =	ssyncadd.s32 $0xFFFFC000  }
0x248: {  	[tilespmem:s20], [sflag:$0x1] =	stream.indirect.gather [hbm4b:s11+s19], $0x80, s13, s19, $0xb8;
	[tilespmem:$0x1E0C0] =	vst v63  }
0x249: {  	s13 =	simm.s32 $0x1E80  }
0x24a: {  	[spmem:s4] =	stream.indirect.scatter.add.f32 [tilespmem:s22], [sflag:$0x3], $0x80, s13, s19, $0xb8;
	[tilespmem:$0x1E0C0] =	vst v63  }
0x24b: {  	_ =	swait.ge [sflag:s17], $0x4000  }
0x24c: {  	[sflag:s17] =	ssyncset.done $0x0  }
0x24d: {  	[sflag:s17] =	ssyncadd.s32 $0xFFFFC000  }
0x24e: {  	_ =	swait.ge [sflag:s21], $0x4000  }
0x24f: {  	[sflag:s21] =	ssyncset.done $0x0  }
0x250: {  	s13 =	simm.s32 $0xB80;
	[sflag:s21] =	ssyncadd.s32 $0xFFFFC000  }
0x251: {  	[tilespmem:s22], [sflag:$0x2] =	stream.indirect.gather [hbm4b:s11+s19], $0x80, s13, s19, $0xb8;
	[tilespmem:$0x1E0C0] =	vst v63  }
0x252: {  	s13 =	simm.s32 $0x1F00  }
0x253: {  	[spmem:s4] =	stream.indirect.scatter.add.f32 [tilespmem:s20], [sflag:$0x3], $0x80, s13, s19, $0xb8;
	[tilespmem:$0x1E0C0] =	vst v63  }
0x254: {  	_ =	swait.ge [sflag:s17], $0x4000  }
0x255: {  	[sflag:s17] =	ssyncset.done $0x0  }
0x256: {  	[sflag:s17] =	ssyncadd.s32 $0xFFFFC000  }
0x257: {  	_ =	swait.ge [sflag:s23], $0x4000  }
0x258: {  	[sflag:s23] =	ssyncset.done $0x0  }
0x259: {  	s13 =	simm.s32 $0xC00;
	[sflag:s23] =	ssyncadd.s32 $0xFFFFC000  }
0x25a: {  	[tilespmem:s20], [sflag:$0x1] =	stream.indirect.gather [hbm4b:s11+s19], $0x80, s13, s19, $0xb8;
	[tilespmem:$0x1E0C0] =	vst v63  }
0x25b: {  	s13 =	simm.s32 $0x1F80  }
0x25c: {  	[spmem:s4] =	stream.indirect.scatter.add.f32 [tilespmem:s22], [sflag:$0x3], $0x80, s13, s19, $0xb8;
	[tilespmem:$0x1E0C0] =	vst v63  }
0x25d: {  	_ =	swait.ge [sflag:s17], $0x4000  }
0x25e: {  	[sflag:s17] =	ssyncset.done $0x0  }
0x25f: {  	[sflag:s17] =	ssyncadd.s32 $0xFFFFC000  }
0x260: {  	_ =	swait.ge [sflag:s21], $0x4000  }
0x261: {  	[sflag:s21] =	ssyncset.done $0x0  }
0x262: {  	s13 =	simm.s32 $0xC80;
	[sflag:s21] =	ssyncadd.s32 $0xFFFFC000  }
0x263: {  	[tilespmem:s22], [sflag:$0x2] =	stream.indirect.gather [hbm4b:s11+s19], $0x80, s13, s19, $0xb8;
	[tilespmem:$0x1E0C0] =	vst v63  }
0x264: {  	s13 =	simm.s32 $0x2000  }
0x265: {  	[spmem:s4] =	stream.indirect.scatter.add.f32 [tilespmem:s20], [sflag:$0x3], $0x80, s13, s19, $0xb8;
	[tilespmem:$0x1E0C0] =	vst v63  }
0x266: {  	_ =	swait.ge [sflag:s17], $0x4000  }
0x267: {  	[sflag:s17] =	ssyncset.done $0x0  }
0x268: {  	[sflag:s17] =	ssyncadd.s32 $0xFFFFC000  }
0x269: {  	_ =	swait.ge [sflag:s23], $0x4000  }
0x26a: {  	[sflag:s23] =	ssyncset.done $0x0  }
0x26b: {  	s13 =	simm.s32 $0xD00;
	[sflag:s23] =	ssyncadd.s32 $0xFFFFC000  }
0x26c: {  	[tilespmem:s20], [sflag:$0x1] =	stream.indirect.gather [hbm4b:s11+s19], $0x80, s13, s19, $0xb8;
	[tilespmem:$0x1E0C0] =	vst v63  }
0x26d: {  	s13 =	simm.s32 $0x2080  }
0x26e: {  	[spmem:s4] =	stream.indirect.scatter.add.f32 [tilespmem:s22], [sflag:$0x3], $0x80, s13, s19, $0xb8;
	[tilespmem:$0x1E0C0] =	vst v63  }
0x26f: {  	_ =	swait.ge [sflag:s17], $0x4000  }
0x270: {  	[sflag:s17] =	ssyncset.done $0x0  }
0x271: {  	[sflag:s17] =	ssyncadd.s32 $0xFFFFC000  }
0x272: {  	_ =	swait.ge [sflag:s21], $0x4000  }
0x273: {  	[sflag:s21] =	ssyncset.done $0x0  }
0x274: {  	s13 =	simm.s32 $0xD80;
	[sflag:s21] =	ssyncadd.s32 $0xFFFFC000  }
0x275: {  	[tilespmem:s22], [sflag:$0x2] =	stream.indirect.gather [hbm4b:s11+s19], $0x80, s13, s19, $0xb8;
	[tilespmem:$0x1E0C0] =	vst v63  }
0x276: {  	s13 =	simm.s32 $0x2100  }
0x277: {  	[spmem:s4] =	stream.indirect.scatter.add.f32 [tilespmem:s20], [sflag:$0x3], $0x80, s13, s19, $0xb8;
	[tilespmem:$0x1E0C0] =	vst v63  }
0x278: {  	_ =	swait.ge [sflag:s17], $0x4000  }
0x279: {  	[sflag:s17] =	ssyncset.done $0x0  }
0x27a: {  	[sflag:s17] =	ssyncadd.s32 $0xFFFFC000  }
0x27b: {  	_ =	swait.ge [sflag:s23], $0x4000  }
0x27c: {  	[sflag:s23] =	ssyncset.done $0x0  }
0x27d: {  	[sflag:s23] =	ssyncadd.s32 $0xFFFFC000  }
0x27e: {  	[tilespmem:s20], [sflag:$0x1] =	stream.indirect.gather [hbm4b:s11+s19], $0x80, s30, s19, $0xb8;
	[tilespmem:$0x1E0C0] =	vst v63  }
0x27f: {  	_ = 	snop  }
0x280: {  	[spmem:s4] =	stream.indirect.scatter.add.f32 [tilespmem:s22], [sflag:$0x3], $0x80, s31, s19, $0xb8;
	[tilespmem:$0x1E0C0] =	vst v63  }
0x281: {  	_ =	swait.ge [sflag:s17], $0x4000  }
0x282: {  	[sflag:s17] =	ssyncset.done $0x0  }
0x283: {  	[sflag:s17] =	ssyncadd.s32 $0xFFFFC000  }
0x284: {  	_ =	swait.ge [sflag:s21], $0x4000  }
0x285: {  	[sflag:s21] =	ssyncset.done $0x0  }
0x286: {  	[sflag:s21] =	ssyncadd.s32 $0xFFFFC000  }
0x287: {  	[tilespmem:s22], [sflag:$0x2] =	stream.indirect.gather [hbm4b:s11+s19], $0x80, s0, s19, $0xb8;
	[tilespmem:$0x1E0C0] =	vst v63  }
0x288: {  	_ = 	snop  }
0x289: {  	[spmem:s4] =	stream.indirect.scatter.add.f32 [tilespmem:s20], [sflag:$0x3], $0x80, s2, s19, $0xb8;
	[tilespmem:$0x1E0C0] =	vst v63  }
0x28a: {  	_ =	swait.ge [sflag:s17], $0x4000  }
0x28b: {  	[sflag:s17] =	ssyncset.done $0x0  }
0x28c: {  	[sflag:s17] =	ssyncadd.s32 $0xFFFFC000  }
0x28d: {  	_ =	swait.ge [sflag:s23], $0x4000  }
0x28e: {  	[sflag:s23] =	ssyncset.done $0x0  }
0x28f: {  	[sflag:s23] =	ssyncadd.s32 $0xFFFFC000  }
0x290: {  	[tilespmem:s20], [sflag:$0x1] =	stream.indirect.gather [hbm4b:s11+s19], $0x80, s9, s19, $0xb8;
	[tilespmem:$0x1E0C0] =	vst v63  }
0x291: {  	_ = 	snop  }
0x292: {  	[spmem:s4] =	stream.indirect.scatter.add.f32 [tilespmem:s22], [sflag:$0x3], $0x80, s10, s19, $0xb8;
	[tilespmem:$0x1E0C0] =	vst v63  }
0x293: {  	_ =	swait.ge [sflag:s17], $0x4000  }
0x294: {  	[sflag:s17] =	ssyncset.done $0x0  }
0x295: {  	[sflag:s17] =	ssyncadd.s32 $0xFFFFC000  }
0x296: {  	_ =	swait.ge [sflag:s21], $0x4000  }
0x297: {  	[sflag:s21] =	ssyncset.done $0x0  }
0x298: {  	[sflag:s21] =	ssyncadd.s32 $0xFFFFC000  }
0x299: {  	[tilespmem:s22], [sflag:$0x2] =	stream.indirect.gather [hbm4b:s11+s19], $0x80, s6, s19, $0xb8;
	[tilespmem:$0x1E0C0] =	vst v63  }
0x29a: {  	_ = 	snop  }
0x29b: {  	[spmem:s4] =	stream.indirect.scatter.add.f32 [tilespmem:s20], [sflag:$0x3], $0x80, s3, s19, $0xb8;
	[tilespmem:$0x1E0C0] =	vst v63  }
0x29c: {  	_ =	swait.ge [sflag:s17], $0x4000  }
0x29d: {  	[sflag:s17] =	ssyncset.done $0x0  }
0x29e: {  	[sflag:s17] =	ssyncadd.s32 $0xFFFFC000  }
0x29f: {  	_ =	swait.ge [sflag:s23], $0x4000  }
0x2a0: {  	[sflag:s23] =	ssyncset.done $0x0  }
0x2a1: {  	[sflag:s23] =	ssyncadd.s32 $0xFFFFC000  }
0x2a2: {  	[tilespmem:s20], [sflag:$0x1] =	stream.indirect.gather [hbm4b:s11+s19], $0x80, s15, s19, $0xb8;
	[tilespmem:$0x1E0C0] =	vst v63  }
0x2a3: {  	_ = 	snop  }
0x2a4: {  	[spmem:s4] =	stream.indirect.scatter.add.f32 [tilespmem:s22], [sflag:$0x3], $0x80, s25, s19, $0xb8;
	[tilespmem:$0x1E0C0] =	vst v63  }
0x2a5: {  	_ =	swait.ge [sflag:s17], $0x4000  }
0x2a6: {  	[sflag:s17] =	ssyncset.done $0x0  }
0x2a7: {  	[sflag:s17] =	ssyncadd.s32 $0xFFFFC000  }
0x2a8: {  	_ =	swait.ge [sflag:s21], $0x4000  }
0x2a9: {  	[sflag:s21] =	ssyncset.done $0x0  }
0x2aa: {  	[sflag:s21] =	ssyncadd.s32 $0xFFFFC000  }
0x2ab: {  	[tilespmem:s22], [sflag:$0x2] =	stream.indirect.gather [hbm4b:s11+s19], $0x80, s26, s19, $0xb8;
	[tilespmem:$0x1E0C0] =	vst v63  }
0x2ac: {  	_ = 	snop  }
0x2ad: {  	[spmem:s4] =	stream.indirect.scatter.add.f32 [tilespmem:s20], [sflag:$0x3], $0x80, s29, s19, $0xb8;
	[tilespmem:$0x1E0C0] =	vst v63  }
0x2ae: {  	_ =	swait.ge [sflag:s17], $0x4000  }
0x2af: {  	[sflag:s17] =	ssyncset.done $0x0  }
0x2b0: {  	[sflag:s17] =	ssyncadd.s32 $0xFFFFC000  }
0x2b1: {  	_ =	swait.ge [sflag:s23], $0x4000  }
0x2b2: {  	[sflag:s23] =	ssyncset.done $0x0  }
0x2b3: {  	[sflag:s23] =	ssyncadd.s32 $0xFFFFC000  }
0x2b4: {  	[tilespmem:s20], [sflag:$0x1] =	stream.indirect.gather [hbm4b:s11+s19], $0x80, s16, s19, $0xb8;
	[tilespmem:$0x1E0C0] =	vst v63  }
0x2b5: {  	_ = 	snop  }
0x2b6: {  	[spmem:s4] =	stream.indirect.scatter.add.f32 [tilespmem:s22], [sflag:$0x3], $0x80, s28, s19, $0xb8;
	[tilespmem:$0x1E0C0] =	vst v63  }
0x2b7: {  	_ =	swait.ge [sflag:s17], $0x4000  }
0x2b8: {  	[sflag:s17] =	ssyncset.done $0x0  }
0x2b9: {  	[sflag:s17] =	ssyncadd.s32 $0xFFFFC000  }
0x2ba: {  	_ =	swait.ge [sflag:s21], $0x4000  }
.Ltmp3:
0x2bb: {  	[sflag:s21] =	ssyncset.done $0x0;
	(pc) =	sbr.rel @p2 .LBB2_6-.Ltmp3, $4  }
0x2bc: {  	[sflag:s21] =	ssyncadd.s32 $0xFFFFC000  }
0x2bd: {  	[spmem:s4] =	stream.indirect.scatter.add.f32 [tilespmem:s20], [sflag:$0x3], $0x80, s24, s19, $0xb8;
	[tilespmem:$0x1E0C0] =	vst v63  }
0x2be: {  	_ =	swait.ge [sflag:s17], $0x4000  }
0x2bf: {  	[sflag:s17] =	ssyncset.done $0x0  }
.Ltmp4:
0x2c0: {  	_ = 	snop;
	(pc) =	sbr.rel .LBB2_7-.Ltmp4, $1  }
0x2c1: {  	_ =	sdelay $0x3  }
.LBB2_2:
0x2c2: {  	s13 =	rddreg [dreg:$0x2]  }
0x2c3: {  	s12 =	simm.s32 @p1 $0x1FC3;
	s14 =	rddreg [dreg:$0xb]  }
0x2c4: {  	[spmem:s14], [sflag:s12] =	dma.local @p1 [hbm:s13], $0x2100  }
0x2c5: {  	s12 =	simm.s32 @p1 $0x3  }
0x2c6: {  	_ =	swait.ge @p1 [sflag:s12], $0x2100  }
0x2c7: {  	[sflag:s12] =	ssyncset.done @p1 $0x0;
	s14 =	rddreg [dreg:$0xd]  }
0x2c8: {  	[sflag:s12] =	ssyncadd.s32 @p1 $0xFFFFDF00;
	s12 =	rddreg [dreg:$0xc]  }
0x2c9: {  	[spmem:s14], [sflag:s12] =	dma.local @!p1 [hbm:s13], $0x2780  }
0x2ca: {  	s12 =	simm.s32 @!p1 $0x3  }
0x2cb: {  	_ =	swait.ge @!p1 [sflag:s12], $0x2780  }
0x2cc: {  	[sflag:s12] =	ssyncset.done @!p1 $0x0  }
0x2cd: {  	[sflag:s12] =	ssyncadd.s32 @!p1 $0xFFFFD880  }
0x2ce: {  	s3 =	sadd.s32 $0x0, s7;
	[bflag:$0x0] =	sbarrier.arrive $0xFFFF  }
0x2cf: {  	[tilespmem:s5], [sflag:$0x3] =	stream.linear.gather [hbm4b:s3+s5], $0x1180, $0x38;
	[tilespmem:$0x1E0C0] =	vst v63  }
0x2d0: {  	_ =	swait.ge [sflag:s17], $0x1180  }
0x2d1: {  	[sflag:s17] =	ssyncset.done $0x0  }
0x2d2: {  	s6 =	sadd.s32 $0x0, s8;
	[sflag:s17] =	ssyncadd.s32 $0xFFFFEE80  }
0x2d3: {  	[tilespmem:s18], [sflag:$0x3] =	stream.linear.gather [hbm4b:s6+s5], $0x1180, $0x38;
	[tilespmem:$0x1E0C0] =	vst v63  }
0x2d4: {  	_ =	swait.ge [sflag:s17], $0x1180  }
0x2d5: {  	[sflag:s17] =	ssyncset.done $0x0  }
0x2d6: {  	[sflag:s17] =	ssyncadd.s32 $0xFFFFEE80  }
0x2d7: {  	[tilespmem:s20], [sflag:$0x1] =	stream.indirect.gather [hbm4b:s1+s19], $0x80, s5, s19, $0xb8;
	[tilespmem:$0x1E0C0] =	vst v63  }
0x2d8: {  	_ =	swait.ge [sflag:s21], $0x4000  }
0x2d9: {  	[sflag:s21] =	ssyncset.done $0x0  }
0x2da: {  	[sflag:s21] =	ssyncadd.s32 $0xFFFFC000  }
0x2db: {  	[tilespmem:s22], [sflag:$0x2] =	stream.indirect.gather [hbm4b:s1+s19], $0x80, s19, s19, $0xb8;
	[tilespmem:$0x1E0C0] =	vst v63  }
0x2dc: {  	_ = 	snop  }
0x2dd: {  	[spmem:s4] =	stream.indirect.scatter.add.f32 [tilespmem:s20], [sflag:$0x3], $0x80, s18, s19, $0xb8;
	[tilespmem:$0x1E0C0] =	vst v63  }
0x2de: {  	_ =	swait.ge [sflag:s17], $0x4000  }
0x2df: {  	[sflag:s17] =	ssyncset.done $0x0  }
0x2e0: {  	[sflag:s17] =	ssyncadd.s32 $0xFFFFC000  }
0x2e1: {  	_ =	swait.ge [sflag:s23], $0x4000  }
0x2e2: {  	[sflag:s23] =	ssyncset.done $0x0  }
0x2e3: {  	s0 =	simm.s32 $0x100;
	[sflag:s23] =	ssyncadd.s32 $0xFFFFC000  }
0x2e4: {  	[tilespmem:s20], [sflag:$0x1] =	stream.indirect.gather [hbm4b:s1+s19], $0x80, s0, s19, $0xb8;
	[tilespmem:$0x1E0C0] =	vst v63  }
0x2e5: {  	s9 =	simm.s32 $0x1480  }
0x2e6: {  	[spmem:s4] =	stream.indirect.scatter.add.f32 [tilespmem:s22], [sflag:$0x3], $0x80, s9, s19, $0xb8;
	[tilespmem:$0x1E0C0] =	vst v63  }
0x2e7: {  	_ =	swait.ge [sflag:s17], $0x4000  }
0x2e8: {  	[sflag:s17] =	ssyncset.done $0x0  }
0x2e9: {  	[sflag:s17] =	ssyncadd.s32 $0xFFFFC000  }
0x2ea: {  	_ =	swait.ge [sflag:s21], $0x4000  }
0x2eb: {  	[sflag:s21] =	ssyncset.done $0x0  }
0x2ec: {  	s10 =	simm.s32 $0x180;
	[sflag:s21] =	ssyncadd.s32 $0xFFFFC000  }
0x2ed: {  	[tilespmem:s22], [sflag:$0x2] =	stream.indirect.gather [hbm4b:s1+s19], $0x80, s10, s19, $0xb8;
	[tilespmem:$0x1E0C0] =	vst v63  }
0x2ee: {  	s12 =	simm.s32 $0x1500  }
0x2ef: {  	[spmem:s4] =	stream.indirect.scatter.add.f32 [tilespmem:s20], [sflag:$0x3], $0x80, s12, s19, $0xb8;
	[tilespmem:$0x1E0C0] =	vst v63  }
0x2f0: {  	_ =	swait.ge [sflag:s17], $0x4000  }
0x2f1: {  	[sflag:s17] =	ssyncset.done $0x0  }
0x2f2: {  	[sflag:s17] =	ssyncadd.s32 $0xFFFFC000  }
0x2f3: {  	_ =	swait.ge [sflag:s23], $0x4000  }
0x2f4: {  	[sflag:s23] =	ssyncset.done $0x0  }
0x2f5: {  	s13 =	simm.s32 $0x200;
	[sflag:s23] =	ssyncadd.s32 $0xFFFFC000  }
0x2f6: {  	[tilespmem:s20], [sflag:$0x1] =	stream.indirect.gather [hbm4b:s1+s19], $0x80, s13, s19, $0xb8;
	[tilespmem:$0x1E0C0] =	vst v63  }
0x2f7: {  	s14 =	simm.s32 $0x1580  }
0x2f8: {  	[spmem:s4] =	stream.indirect.scatter.add.f32 [tilespmem:s22], [sflag:$0x3], $0x80, s14, s19, $0xb8;
	[tilespmem:$0x1E0C0] =	vst v63  }
0x2f9: {  	_ =	swait.ge [sflag:s17], $0x4000  }
0x2fa: {  	[sflag:s17] =	ssyncset.done $0x0  }
0x2fb: {  	[sflag:s17] =	ssyncadd.s32 $0xFFFFC000  }
0x2fc: {  	_ =	swait.ge [sflag:s21], $0x4000  }
0x2fd: {  	[sflag:s21] =	ssyncset.done $0x0  }
0x2fe: {  	s15 =	simm.s32 $0x280;
	[sflag:s21] =	ssyncadd.s32 $0xFFFFC000  }
0x2ff: {  	[tilespmem:s22], [sflag:$0x2] =	stream.indirect.gather [hbm4b:s1+s19], $0x80, s15, s19, $0xb8;
	[tilespmem:$0x1E0C0] =	vst v63  }
0x300: {  	s2 =	simm.s32 $0x1600  }
0x301: {  	[spmem:s4] =	stream.indirect.scatter.add.f32 [tilespmem:s20], [sflag:$0x3], $0x80, s2, s19, $0xb8;
	[tilespmem:$0x1E0C0] =	vst v63  }
0x302: {  	_ =	swait.ge [sflag:s17], $0x4000  }
0x303: {  	[sflag:s17] =	ssyncset.done $0x0  }
0x304: {  	[sflag:s17] =	ssyncadd.s32 $0xFFFFC000  }
0x305: {  	_ =	swait.ge [sflag:s23], $0x4000  }
0x306: {  	[sflag:s23] =	ssyncset.done $0x0  }
0x307: {  	s3 =	simm.s32 $0x300;
	[sflag:s23] =	ssyncadd.s32 $0xFFFFC000  }
0x308: {  	[tilespmem:s20], [sflag:$0x1] =	stream.indirect.gather [hbm4b:s1+s19], $0x80, s3, s19, $0xb8;
	[tilespmem:$0x1E0C0] =	vst v63  }
0x309: {  	s6 =	simm.s32 $0x1680  }
0x30a: {  	[spmem:s4] =	stream.indirect.scatter.add.f32 [tilespmem:s22], [sflag:$0x3], $0x80, s6, s19, $0xb8;
	[tilespmem:$0x1E0C0] =	vst v63  }
0x30b: {  	_ =	swait.ge [sflag:s17], $0x4000  }
0x30c: {  	[sflag:s17] =	ssyncset.done $0x0  }
0x30d: {  	[sflag:s17] =	ssyncadd.s32 $0xFFFFC000  }
0x30e: {  	_ =	swait.ge [sflag:s21], $0x4000  }
0x30f: {  	[sflag:s21] =	ssyncset.done $0x0  }
0x310: {  	s9 =	simm.s32 $0x380;
	[sflag:s21] =	ssyncadd.s32 $0xFFFFC000  }
0x311: {  	[tilespmem:s22], [sflag:$0x2] =	stream.indirect.gather [hbm4b:s1+s19], $0x80, s9, s19, $0xb8;
	[tilespmem:$0x1E0C0] =	vst v63  }
0x312: {  	s10 =	simm.s32 $0x1700  }
0x313: {  	[spmem:s4] =	stream.indirect.scatter.add.f32 [tilespmem:s20], [sflag:$0x3], $0x80, s10, s19, $0xb8;
	[tilespmem:$0x1E0C0] =	vst v63  }
0x314: {  	_ =	swait.ge [sflag:s17], $0x4000  }
0x315: {  	[sflag:s17] =	ssyncset.done $0x0  }
0x316: {  	[sflag:s17] =	ssyncadd.s32 $0xFFFFC000  }
0x317: {  	_ =	swait.ge [sflag:s23], $0x4000  }
0x318: {  	[sflag:s23] =	ssyncset.done $0x0  }
0x319: {  	s12 =	simm.s32 $0x400;
	[sflag:s23] =	ssyncadd.s32 $0xFFFFC000  }
0x31a: {  	[tilespmem:s20], [sflag:$0x1] =	stream.indirect.gather [hbm4b:s1+s19], $0x80, s12, s19, $0xb8;
	[tilespmem:$0x1E0C0] =	vst v63  }
0x31b: {  	s13 =	simm.s32 $0x1780  }
0x31c: {  	[spmem:s4] =	stream.indirect.scatter.add.f32 [tilespmem:s22], [sflag:$0x3], $0x80, s13, s19, $0xb8;
	[tilespmem:$0x1E0C0] =	vst v63  }
0x31d: {  	_ =	swait.ge [sflag:s17], $0x4000  }
0x31e: {  	[sflag:s17] =	ssyncset.done $0x0  }
0x31f: {  	[sflag:s17] =	ssyncadd.s32 $0xFFFFC000  }
0x320: {  	_ =	swait.ge [sflag:s21], $0x4000  }
0x321: {  	[sflag:s21] =	ssyncset.done $0x0  }
0x322: {  	s14 =	simm.s32 $0x480;
	[sflag:s21] =	ssyncadd.s32 $0xFFFFC000  }
0x323: {  	[tilespmem:s22], [sflag:$0x2] =	stream.indirect.gather [hbm4b:s1+s19], $0x80, s14, s19, $0xb8;
	[tilespmem:$0x1E0C0] =	vst v63  }
0x324: {  	s15 =	simm.s32 $0x1800  }
0x325: {  	[spmem:s4] =	stream.indirect.scatter.add.f32 [tilespmem:s20], [sflag:$0x3], $0x80, s15, s19, $0xb8;
	[tilespmem:$0x1E0C0] =	vst v63  }
0x326: {  	_ =	swait.ge [sflag:s17], $0x4000  }
0x327: {  	[sflag:s17] =	ssyncset.done $0x0  }
0x328: {  	[sflag:s17] =	ssyncadd.s32 $0xFFFFC000  }
0x329: {  	_ =	swait.ge [sflag:s23], $0x4000  }
0x32a: {  	[sflag:s23] =	ssyncset.done $0x0  }
0x32b: {  	s2 =	simm.s32 $0x500;
	[sflag:s23] =	ssyncadd.s32 $0xFFFFC000  }
0x32c: {  	[tilespmem:s20], [sflag:$0x1] =	stream.indirect.gather [hbm4b:s1+s19], $0x80, s2, s19, $0xb8;
	[tilespmem:$0x1E0C0] =	vst v63  }
0x32d: {  	s3 =	simm.s32 $0x1880  }
0x32e: {  	[spmem:s4] =	stream.indirect.scatter.add.f32 [tilespmem:s22], [sflag:$0x3], $0x80, s3, s19, $0xb8;
	[tilespmem:$0x1E0C0] =	vst v63  }
0x32f: {  	_ =	swait.ge [sflag:s17], $0x4000  }
0x330: {  	[sflag:s17] =	ssyncset.done $0x0  }
0x331: {  	[sflag:s17] =	ssyncadd.s32 $0xFFFFC000  }
0x332: {  	_ =	swait.ge [sflag:s21], $0x4000  }
0x333: {  	[sflag:s21] =	ssyncset.done $0x0  }
0x334: {  	s6 =	simm.s32 $0x580;
	[sflag:s21] =	ssyncadd.s32 $0xFFFFC000  }
0x335: {  	[tilespmem:s22], [sflag:$0x2] =	stream.indirect.gather [hbm4b:s1+s19], $0x80, s6, s19, $0xb8;
	[tilespmem:$0x1E0C0] =	vst v63  }
0x336: {  	s9 =	simm.s32 $0x1900  }
0x337: {  	[spmem:s4] =	stream.indirect.scatter.add.f32 [tilespmem:s20], [sflag:$0x3], $0x80, s9, s19, $0xb8;
	[tilespmem:$0x1E0C0] =	vst v63  }
0x338: {  	_ =	swait.ge [sflag:s17], $0x4000  }
0x339: {  	[sflag:s17] =	ssyncset.done $0x0  }
0x33a: {  	[sflag:s17] =	ssyncadd.s32 $0xFFFFC000  }
0x33b: {  	_ =	swait.ge [sflag:s23], $0x4000  }
0x33c: {  	[sflag:s23] =	ssyncset.done $0x0  }
0x33d: {  	s10 =	simm.s32 $0x600;
	[sflag:s23] =	ssyncadd.s32 $0xFFFFC000  }
0x33e: {  	[tilespmem:s20], [sflag:$0x1] =	stream.indirect.gather [hbm4b:s1+s19], $0x80, s10, s19, $0xb8;
	[tilespmem:$0x1E0C0] =	vst v63  }
0x33f: {  	s12 =	simm.s32 $0x1980  }
0x340: {  	[spmem:s4] =	stream.indirect.scatter.add.f32 [tilespmem:s22], [sflag:$0x3], $0x80, s12, s19, $0xb8;
	[tilespmem:$0x1E0C0] =	vst v63  }
0x341: {  	_ =	swait.ge [sflag:s17], $0x4000  }
0x342: {  	[sflag:s17] =	ssyncset.done $0x0  }
0x343: {  	[sflag:s17] =	ssyncadd.s32 $0xFFFFC000  }
0x344: {  	_ =	swait.ge [sflag:s21], $0x4000  }
0x345: {  	[sflag:s21] =	ssyncset.done $0x0  }
0x346: {  	s13 =	simm.s32 $0x680;
	[sflag:s21] =	ssyncadd.s32 $0xFFFFC000  }
0x347: {  	[tilespmem:s22], [sflag:$0x2] =	stream.indirect.gather [hbm4b:s1+s19], $0x80, s13, s19, $0xb8;
	[tilespmem:$0x1E0C0] =	vst v63  }
0x348: {  	s14 =	simm.s32 $0x1A00  }
0x349: {  	[spmem:s4] =	stream.indirect.scatter.add.f32 [tilespmem:s20], [sflag:$0x3], $0x80, s14, s19, $0xb8;
	[tilespmem:$0x1E0C0] =	vst v63  }
0x34a: {  	_ =	swait.ge [sflag:s17], $0x4000  }
0x34b: {  	[sflag:s17] =	ssyncset.done $0x0  }
0x34c: {  	[sflag:s17] =	ssyncadd.s32 $0xFFFFC000  }
0x34d: {  	_ =	swait.ge [sflag:s23], $0x4000  }
0x34e: {  	[sflag:s23] =	ssyncset.done $0x0  }
0x34f: {  	s15 =	simm.s32 $0x700;
	[sflag:s23] =	ssyncadd.s32 $0xFFFFC000  }
0x350: {  	[tilespmem:s20], [sflag:$0x1] =	stream.indirect.gather [hbm4b:s1+s19], $0x80, s15, s19, $0xb8;
	[tilespmem:$0x1E0C0] =	vst v63  }
0x351: {  	s2 =	simm.s32 $0x1A80  }
0x352: {  	[spmem:s4] =	stream.indirect.scatter.add.f32 [tilespmem:s22], [sflag:$0x3], $0x80, s2, s19, $0xb8;
	[tilespmem:$0x1E0C0] =	vst v63  }
0x353: {  	_ =	swait.ge [sflag:s17], $0x4000  }
0x354: {  	[sflag:s17] =	ssyncset.done $0x0  }
0x355: {  	[sflag:s17] =	ssyncadd.s32 $0xFFFFC000  }
0x356: {  	_ =	swait.ge [sflag:s21], $0x4000  }
0x357: {  	[sflag:s21] =	ssyncset.done $0x0  }
0x358: {  	s3 =	simm.s32 $0x780;
	[sflag:s21] =	ssyncadd.s32 $0xFFFFC000  }
0x359: {  	[tilespmem:s22], [sflag:$0x2] =	stream.indirect.gather [hbm4b:s1+s19], $0x80, s3, s19, $0xb8;
	[tilespmem:$0x1E0C0] =	vst v63  }
0x35a: {  	s6 =	simm.s32 $0x1B00  }
0x35b: {  	[spmem:s4] =	stream.indirect.scatter.add.f32 [tilespmem:s20], [sflag:$0x3], $0x80, s6, s19, $0xb8;
	[tilespmem:$0x1E0C0] =	vst v63  }
0x35c: {  	_ =	swait.ge [sflag:s17], $0x4000  }
0x35d: {  	[sflag:s17] =	ssyncset.done $0x0  }
0x35e: {  	[sflag:s17] =	ssyncadd.s32 $0xFFFFC000  }
0x35f: {  	_ =	swait.ge [sflag:s23], $0x4000  }
0x360: {  	[sflag:s23] =	ssyncset.done $0x0  }
0x361: {  	s9 =	simm.s32 $0x800;
	[sflag:s23] =	ssyncadd.s32 $0xFFFFC000  }
0x362: {  	[tilespmem:s20], [sflag:$0x1] =	stream.indirect.gather [hbm4b:s1+s19], $0x80, s9, s19, $0xb8;
	[tilespmem:$0x1E0C0] =	vst v63  }
0x363: {  	s10 =	simm.s32 $0x1B80  }
0x364: {  	[spmem:s4] =	stream.indirect.scatter.add.f32 [tilespmem:s22], [sflag:$0x3], $0x80, s10, s19, $0xb8;
	[tilespmem:$0x1E0C0] =	vst v63  }
0x365: {  	_ =	swait.ge [sflag:s17], $0x4000  }
0x366: {  	[sflag:s17] =	ssyncset.done $0x0  }
0x367: {  	[sflag:s17] =	ssyncadd.s32 $0xFFFFC000  }
0x368: {  	_ =	swait.ge [sflag:s21], $0x4000  }
0x369: {  	[sflag:s21] =	ssyncset.done $0x0  }
0x36a: {  	s12 =	simm.s32 $0x880;
	[sflag:s21] =	ssyncadd.s32 $0xFFFFC000  }
0x36b: {  	[tilespmem:s22], [sflag:$0x2] =	stream.indirect.gather [hbm4b:s1+s19], $0x80, s12, s19, $0xb8;
	[tilespmem:$0x1E0C0] =	vst v63  }
0x36c: {  	s13 =	simm.s32 $0x1C00  }
0x36d: {  	[spmem:s4] =	stream.indirect.scatter.add.f32 [tilespmem:s20], [sflag:$0x3], $0x80, s13, s19, $0xb8;
	[tilespmem:$0x1E0C0] =	vst v63  }
0x36e: {  	_ =	swait.ge [sflag:s17], $0x4000  }
0x36f: {  	[sflag:s17] =	ssyncset.done $0x0  }
0x370: {  	[sflag:s17] =	ssyncadd.s32 $0xFFFFC000  }
0x371: {  	_ =	swait.ge [sflag:s23], $0x4000  }
0x372: {  	[sflag:s23] =	ssyncset.done $0x0  }
0x373: {  	s14 =	simm.s32 $0x900;
	[sflag:s23] =	ssyncadd.s32 $0xFFFFC000  }
0x374: {  	[tilespmem:s20], [sflag:$0x1] =	stream.indirect.gather [hbm4b:s1+s19], $0x80, s14, s19, $0xb8;
	[tilespmem:$0x1E0C0] =	vst v63  }
0x375: {  	s15 =	simm.s32 $0x1C80  }
0x376: {  	[spmem:s4] =	stream.indirect.scatter.add.f32 [tilespmem:s22], [sflag:$0x3], $0x80, s15, s19, $0xb8;
	[tilespmem:$0x1E0C0] =	vst v63  }
0x377: {  	_ =	swait.ge [sflag:s17], $0x4000  }
0x378: {  	[sflag:s17] =	ssyncset.done $0x0  }
0x379: {  	[sflag:s17] =	ssyncadd.s32 $0xFFFFC000  }
0x37a: {  	_ =	swait.ge [sflag:s21], $0x4000  }
0x37b: {  	[sflag:s21] =	ssyncset.done $0x0  }
0x37c: {  	s2 =	simm.s32 $0x980;
	[sflag:s21] =	ssyncadd.s32 $0xFFFFC000  }
0x37d: {  	[tilespmem:s22], [sflag:$0x2] =	stream.indirect.gather [hbm4b:s1+s19], $0x80, s2, s19, $0xb8;
	[tilespmem:$0x1E0C0] =	vst v63  }
0x37e: {  	s3 =	simm.s32 $0x1D00  }
0x37f: {  	[spmem:s4] =	stream.indirect.scatter.add.f32 [tilespmem:s20], [sflag:$0x3], $0x80, s3, s19, $0xb8;
	[tilespmem:$0x1E0C0] =	vst v63  }
0x380: {  	_ =	swait.ge [sflag:s17], $0x4000  }
0x381: {  	[sflag:s17] =	ssyncset.done $0x0  }
0x382: {  	[sflag:s17] =	ssyncadd.s32 $0xFFFFC000  }
0x383: {  	_ =	swait.ge [sflag:s23], $0x4000  }
0x384: {  	[sflag:s23] =	ssyncset.done $0x0  }
0x385: {  	s6 =	simm.s32 $0xA00;
	[sflag:s23] =	ssyncadd.s32 $0xFFFFC000  }
0x386: {  	[tilespmem:s20], [sflag:$0x1] =	stream.indirect.gather [hbm4b:s1+s19], $0x80, s6, s19, $0xb8;
	[tilespmem:$0x1E0C0] =	vst v63  }
0x387: {  	s9 =	simm.s32 $0x1D80  }
0x388: {  	[spmem:s4] =	stream.indirect.scatter.add.f32 [tilespmem:s22], [sflag:$0x3], $0x80, s9, s19, $0xb8;
	[tilespmem:$0x1E0C0] =	vst v63  }
0x389: {  	_ =	swait.ge [sflag:s17], $0x4000  }
0x38a: {  	[sflag:s17] =	ssyncset.done $0x0  }
0x38b: {  	[sflag:s17] =	ssyncadd.s32 $0xFFFFC000  }
0x38c: {  	_ =	swait.ge [sflag:s21], $0x4000  }
0x38d: {  	[sflag:s21] =	ssyncset.done $0x0  }
0x38e: {  	s10 =	simm.s32 $0xA80;
	[sflag:s21] =	ssyncadd.s32 $0xFFFFC000  }
0x38f: {  	[tilespmem:s22], [sflag:$0x2] =	stream.indirect.gather [hbm4b:s1+s19], $0x80, s10, s19, $0xb8;
	[tilespmem:$0x1E0C0] =	vst v63  }
0x390: {  	s12 =	simm.s32 $0x1E00  }
0x391: {  	[spmem:s4] =	stream.indirect.scatter.add.f32 [tilespmem:s20], [sflag:$0x3], $0x80, s12, s19, $0xb8;
	[tilespmem:$0x1E0C0] =	vst v63  }
0x392: {  	_ =	swait.ge [sflag:s17], $0x4000  }
0x393: {  	[sflag:s17] =	ssyncset.done $0x0  }
0x394: {  	[sflag:s17] =	ssyncadd.s32 $0xFFFFC000  }
0x395: {  	_ =	swait.ge [sflag:s23], $0x4000  }
0x396: {  	[sflag:s23] =	ssyncset.done $0x0  }
0x397: {  	s13 =	simm.s32 $0xB00;
	[sflag:s23] =	ssyncadd.s32 $0xFFFFC000  }
0x398: {  	[tilespmem:s20], [sflag:$0x1] =	stream.indirect.gather [hbm4b:s1+s19], $0x80, s13, s19, $0xb8;
	[tilespmem:$0x1E0C0] =	vst v63  }
0x399: {  	s14 =	simm.s32 $0x1E80  }
0x39a: {  	[spmem:s4] =	stream.indirect.scatter.add.f32 [tilespmem:s22], [sflag:$0x3], $0x80, s14, s19, $0xb8;
	[tilespmem:$0x1E0C0] =	vst v63  }
0x39b: {  	_ =	swait.ge [sflag:s17], $0x4000  }
0x39c: {  	[sflag:s17] =	ssyncset.done $0x0  }
0x39d: {  	[sflag:s17] =	ssyncadd.s32 $0xFFFFC000  }
0x39e: {  	_ =	swait.ge [sflag:s21], $0x4000  }
0x39f: {  	[sflag:s21] =	ssyncset.done $0x0  }
0x3a0: {  	s15 =	simm.s32 $0xB80;
	[sflag:s21] =	ssyncadd.s32 $0xFFFFC000  }
0x3a1: {  	[tilespmem:s22], [sflag:$0x2] =	stream.indirect.gather [hbm4b:s1+s19], $0x80, s15, s19, $0xb8;
	[tilespmem:$0x1E0C0] =	vst v63  }
0x3a2: {  	s2 =	simm.s32 $0x1F00  }
0x3a3: {  	[spmem:s4] =	stream.indirect.scatter.add.f32 [tilespmem:s20], [sflag:$0x3], $0x80, s2, s19, $0xb8;
	[tilespmem:$0x1E0C0] =	vst v63  }
0x3a4: {  	_ =	swait.ge [sflag:s17], $0x4000  }
0x3a5: {  	[sflag:s17] =	ssyncset.done $0x0  }
0x3a6: {  	[sflag:s17] =	ssyncadd.s32 $0xFFFFC000  }
0x3a7: {  	_ =	swait.ge [sflag:s23], $0x4000  }
0x3a8: {  	[sflag:s23] =	ssyncset.done $0x0  }
0x3a9: {  	s3 =	simm.s32 $0xC00;
	[sflag:s23] =	ssyncadd.s32 $0xFFFFC000  }
0x3aa: {  	[tilespmem:s20], [sflag:$0x1] =	stream.indirect.gather [hbm4b:s1+s19], $0x80, s3, s19, $0xb8;
	[tilespmem:$0x1E0C0] =	vst v63  }
0x3ab: {  	s6 =	simm.s32 $0x1F80  }
0x3ac: {  	[spmem:s4] =	stream.indirect.scatter.add.f32 [tilespmem:s22], [sflag:$0x3], $0x80, s6, s19, $0xb8;
	[tilespmem:$0x1E0C0] =	vst v63  }
0x3ad: {  	_ =	swait.ge [sflag:s17], $0x4000  }
0x3ae: {  	[sflag:s17] =	ssyncset.done $0x0  }
0x3af: {  	[sflag:s17] =	ssyncadd.s32 $0xFFFFC000  }
0x3b0: {  	_ =	swait.ge [sflag:s21], $0x4000  }
0x3b1: {  	[sflag:s21] =	ssyncset.done $0x0  }
0x3b2: {  	s9 =	simm.s32 $0xC80;
	[sflag:s21] =	ssyncadd.s32 $0xFFFFC000  }
0x3b3: {  	[tilespmem:s22], [sflag:$0x2] =	stream.indirect.gather [hbm4b:s1+s19], $0x80, s9, s19, $0xb8;
	[tilespmem:$0x1E0C0] =	vst v63  }
0x3b4: {  	s10 =	simm.s32 $0x2000  }
0x3b5: {  	[spmem:s4] =	stream.indirect.scatter.add.f32 [tilespmem:s20], [sflag:$0x3], $0x80, s10, s19, $0xb8;
	[tilespmem:$0x1E0C0] =	vst v63  }
0x3b6: {  	_ =	swait.ge [sflag:s17], $0x4000  }
0x3b7: {  	[sflag:s17] =	ssyncset.done $0x0  }
0x3b8: {  	[sflag:s17] =	ssyncadd.s32 $0xFFFFC000  }
0x3b9: {  	_ =	swait.ge [sflag:s23], $0x4000  }
0x3ba: {  	[sflag:s23] =	ssyncset.done $0x0  }
0x3bb: {  	s12 =	simm.s32 $0xD00;
	[sflag:s23] =	ssyncadd.s32 $0xFFFFC000  }
0x3bc: {  	[tilespmem:s20], [sflag:$0x1] =	stream.indirect.gather [hbm4b:s1+s19], $0x80, s12, s19, $0xb8;
	[tilespmem:$0x1E0C0] =	vst v63  }
0x3bd: {  	s13 =	simm.s32 $0x2080  }
0x3be: {  	[spmem:s4] =	stream.indirect.scatter.add.f32 [tilespmem:s22], [sflag:$0x3], $0x80, s13, s19, $0xb8;
	[tilespmem:$0x1E0C0] =	vst v63  }
0x3bf: {  	_ =	swait.ge [sflag:s17], $0x4000  }
0x3c0: {  	[sflag:s17] =	ssyncset.done $0x0  }
0x3c1: {  	[sflag:s17] =	ssyncadd.s32 $0xFFFFC000  }
0x3c2: {  	_ =	swait.ge [sflag:s21], $0x4000  }
0x3c3: {  	[sflag:s21] =	ssyncset.done $0x0  }
0x3c4: {  	s14 =	simm.s32 $0xD80;
	[sflag:s21] =	ssyncadd.s32 $0xFFFFC000  }
0x3c5: {  	[tilespmem:s22], [sflag:$0x2] =	stream.indirect.gather [hbm4b:s1+s19], $0x80, s14, s19, $0xb8;
	[tilespmem:$0x1E0C0] =	vst v63  }
0x3c6: {  	s15 =	simm.s32 $0x2100  }
0x3c7: {  	[spmem:s4] =	stream.indirect.scatter.add.f32 [tilespmem:s20], [sflag:$0x3], $0x80, s15, s19, $0xb8;
	[tilespmem:$0x1E0C0] =	vst v63  }
0x3c8: {  	_ =	swait.ge [sflag:s17], $0x4000  }
0x3c9: {  	[sflag:s17] =	ssyncset.done $0x0  }
0x3ca: {  	[sflag:s17] =	ssyncadd.s32 $0xFFFFC000  }
0x3cb: {  	_ =	swait.ge [sflag:s23], $0x4000  }
0x3cc: {  	[sflag:s23] =	ssyncset.done $0x0  }
0x3cd: {  	s30 =	simm.s32 $0xE00;
	[sflag:s23] =	ssyncadd.s32 $0xFFFFC000  }
0x3ce: {  	[tilespmem:s20], [sflag:$0x1] =	stream.indirect.gather [hbm4b:s1+s19], $0x80, s30, s19, $0xb8;
	[tilespmem:$0x1E0C0] =	vst v63  }
0x3cf: {  	s31 =	simm.s32 $0x2180  }
0x3d0: {  	[spmem:s4] =	stream.indirect.scatter.add.f32 [tilespmem:s22], [sflag:$0x3], $0x80, s31, s19, $0xb8;
	[tilespmem:$0x1E0C0] =	vst v63  }
0x3d1: {  	_ =	swait.ge [sflag:s17], $0x4000  }
0x3d2: {  	[sflag:s17] =	ssyncset.done $0x0  }
0x3d3: {  	[sflag:s17] =	ssyncadd.s32 $0xFFFFC000  }
0x3d4: {  	_ =	swait.ge [sflag:s21], $0x4000  }
0x3d5: {  	[sflag:s21] =	ssyncset.done $0x0  }
0x3d6: {  	s0 =	simm.s32 $0xE80;
	[sflag:s21] =	ssyncadd.s32 $0xFFFFC000  }
0x3d7: {  	[tilespmem:s22], [sflag:$0x2] =	stream.indirect.gather [hbm4b:s1+s19], $0x80, s0, s19, $0xb8;
	[tilespmem:$0x1E0C0] =	vst v63  }
0x3d8: {  	s2 =	simm.s32 $0x2200  }
0x3d9: {  	[spmem:s4] =	stream.indirect.scatter.add.f32 [tilespmem:s20], [sflag:$0x3], $0x80, s2, s19, $0xb8;
	[tilespmem:$0x1E0C0] =	vst v63  }
0x3da: {  	_ =	swait.ge [sflag:s17], $0x4000  }
0x3db: {  	[sflag:s17] =	ssyncset.done $0x0  }
0x3dc: {  	[sflag:s17] =	ssyncadd.s32 $0xFFFFC000  }
0x3dd: {  	_ =	swait.ge [sflag:s23], $0x4000  }
0x3de: {  	[sflag:s23] =	ssyncset.done $0x0  }
0x3df: {  	s9 =	simm.s32 $0xF00;
	[sflag:s23] =	ssyncadd.s32 $0xFFFFC000  }
0x3e0: {  	[tilespmem:s20], [sflag:$0x1] =	stream.indirect.gather [hbm4b:s1+s19], $0x80, s9, s19, $0xb8;
	[tilespmem:$0x1E0C0] =	vst v63  }
0x3e1: {  	s10 =	simm.s32 $0x2280  }
0x3e2: {  	[spmem:s4] =	stream.indirect.scatter.add.f32 [tilespmem:s22], [sflag:$0x3], $0x80, s10, s19, $0xb8;
	[tilespmem:$0x1E0C0] =	vst v63  }
0x3e3: {  	_ =	swait.ge [sflag:s17], $0x4000  }
0x3e4: {  	[sflag:s17] =	ssyncset.done $0x0  }
0x3e5: {  	[sflag:s17] =	ssyncadd.s32 $0xFFFFC000  }
0x3e6: {  	_ =	swait.ge [sflag:s21], $0x4000  }
0x3e7: {  	[sflag:s21] =	ssyncset.done $0x0  }
0x3e8: {  	s6 =	simm.s32 $0xF80;
	[sflag:s21] =	ssyncadd.s32 $0xFFFFC000  }
0x3e9: {  	[tilespmem:s22], [sflag:$0x2] =	stream.indirect.gather [hbm4b:s1+s19], $0x80, s6, s19, $0xb8;
	[tilespmem:$0x1E0C0] =	vst v63  }
0x3ea: {  	s3 =	simm.s32 $0x2300  }
0x3eb: {  	[spmem:s4] =	stream.indirect.scatter.add.f32 [tilespmem:s20], [sflag:$0x3], $0x80, s3, s19, $0xb8;
	[tilespmem:$0x1E0C0] =	vst v63  }
0x3ec: {  	_ =	swait.ge [sflag:s17], $0x4000  }
0x3ed: {  	[sflag:s17] =	ssyncset.done $0x0  }
0x3ee: {  	[sflag:s17] =	ssyncadd.s32 $0xFFFFC000  }
0x3ef: {  	_ =	swait.ge [sflag:s23], $0x4000  }
0x3f0: {  	[sflag:s23] =	ssyncset.done $0x0  }
0x3f1: {  	s15 =	simm.s32 $0x1000;
	[sflag:s23] =	ssyncadd.s32 $0xFFFFC000  }
0x3f2: {  	[tilespmem:s20], [sflag:$0x1] =	stream.indirect.gather [hbm4b:s1+s19], $0x80, s15, s19, $0xb8;
	[tilespmem:$0x1E0C0] =	vst v63  }
0x3f3: {  	_ = 	snop  }
0x3f4: {  	[spmem:s4] =	stream.indirect.scatter.add.f32 [tilespmem:s22], [sflag:$0x3], $0x80, s16, s19, $0xb8;
	[tilespmem:$0x1E0C0] =	vst v63  }
0x3f5: {  	_ =	swait.ge [sflag:s17], $0x4000  }
0x3f6: {  	[sflag:s17] =	ssyncset.done $0x0  }
0x3f7: {  	[sflag:s17] =	ssyncadd.s32 $0xFFFFC000  }
0x3f8: {  	_ =	swait.ge [sflag:s21], $0x4000  }
0x3f9: {  	[sflag:s21] =	ssyncset.done $0x0  }
0x3fa: {  	[sflag:s21] =	ssyncadd.s32 $0xFFFFC000  }
0x3fb: {  	[tilespmem:s22], [sflag:$0x2] =	stream.indirect.gather [hbm4b:s1+s19], $0x80, s24, s19, $0xb8;
	[tilespmem:$0x1E0C0] =	vst v63  }
0x3fc: {  	_ = 	snop  }
0x3fd: {  	[spmem:s4] =	stream.indirect.scatter.add.f32 [tilespmem:s20], [sflag:$0x3], $0x80, s25, s19, $0xb8;
	[tilespmem:$0x1E0C0] =	vst v63  }
0x3fe: {  	_ =	swait.ge [sflag:s17], $0x4000  }
0x3ff: {  	[sflag:s17] =	ssyncset.done $0x0  }
0x400: {  	[sflag:s17] =	ssyncadd.s32 $0xFFFFC000  }
0x401: {  	_ =	swait.ge [sflag:s23], $0x4000  }
0x402: {  	[sflag:s23] =	ssyncset.done $0x0  }
0x403: {  	s16 =	simm.s32 $0x1100;
	[sflag:s23] =	ssyncadd.s32 $0xFFFFC000  }
0x404: {  	[tilespmem:s20], [sflag:$0x1] =	stream.indirect.gather [hbm4b:s1+s19], $0x80, s16, s19, $0xb8;
	[tilespmem:$0x1E0C0] =	vst v63  }
0x405: {  	_ = 	snop  }
0x406: {  	[spmem:s4] =	stream.indirect.scatter.add.f32 [tilespmem:s22], [sflag:$0x3], $0x80, s26, s19, $0xb8;
	[tilespmem:$0x1E0C0] =	vst v63  }
0x407: {  	_ =	swait.ge [sflag:s17], $0x4000  }
0x408: {  	[sflag:s17] =	ssyncset.done $0x0  }
0x409: {  	[sflag:s17] =	ssyncadd.s32 $0xFFFFC000  }
0x40a: {  	_ =	swait.ge [sflag:s21], $0x4000  }
0x40b: {  	[sflag:s21] =	ssyncset.done $0x0  }
0x40c: {  	s29 =	simm.s32 $0x2400;
	s24 =	simm.s32 $0x2500;
	[sflag:s21] =	ssyncadd.s32 $0xFFFFC000  }
0x40d: {  	[spmem:s4] =	stream.indirect.scatter.add.f32 [tilespmem:s20], [sflag:$0x3], $0x80, s24, s19, $0xb8;
	[tilespmem:$0x1E0C0] =	vst v63  }
0x40e: {  	s28 =	simm.s32 $0x2480;
	s12 =	simm.s32 $0x280;
	_ =	swait.ge [sflag:s17], $0x4000  }
0x40f: {  	s25 =	simm.s32 $0x2380;
	s26 =	simm.s32 $0x1080;
	[sflag:s17] =	ssyncset.done $0x0  }
.LBB2_3:
0x410: {  	p2 =	sne.s32 s12, $0x500  }
0x411: {  	[sflag:s17] =	ssyncadd.s32 $0xFFFFC000;
	s13 =	smov.u32 s12;
	s12 =	sadd.s32 $0x280, s12  }
0x412: {  	s14 =	sadd.s32 s13, s7  }
0x413: {  	[tilespmem:s5], [sflag:$0x3] =	stream.linear.gather [hbm4b:s14+s5], $0x1180, $0x38;
	[tilespmem:$0x1E0C0] =	vst v63  }
0x414: {  	_ =	swait.ge [sflag:s17], $0x1180  }
0x415: {  	[sflag:s17] =	ssyncset.done $0x0  }
0x416: {  	s13 =	sadd.s32 s13, s8;
	[sflag:s17] =	ssyncadd.s32 $0xFFFFEE80  }
0x417: {  	[tilespmem:s18], [sflag:$0x3] =	stream.linear.gather [hbm4b:s13+s5], $0x1180, $0x38;
	[tilespmem:$0x1E0C0] =	vst v63  }
0x418: {  	_ =	swait.ge [sflag:s17], $0x1180  }
0x419: {  	[sflag:s17] =	ssyncset.done $0x0  }
0x41a: {  	[sflag:s17] =	ssyncadd.s32 $0xFFFFEE80  }
0x41b: {  	[tilespmem:s20], [sflag:$0x1] =	stream.indirect.gather [hbm4b:s1+s19], $0x80, s5, s19, $0xb8;
	[tilespmem:$0x1E0C0] =	vst v63  }
0x41c: {  	_ =	swait.ge [sflag:s21], $0x4000  }
0x41d: {  	[sflag:s21] =	ssyncset.done $0x0  }
0x41e: {  	[sflag:s21] =	ssyncadd.s32 $0xFFFFC000  }
0x41f: {  	[tilespmem:s22], [sflag:$0x2] =	stream.indirect.gather [hbm4b:s1+s19], $0x80, s19, s19, $0xb8;
	[tilespmem:$0x1E0C0] =	vst v63  }
0x420: {  	_ = 	snop  }
0x421: {  	[spmem:s4] =	stream.indirect.scatter.add.f32 [tilespmem:s20], [sflag:$0x3], $0x80, s18, s19, $0xb8;
	[tilespmem:$0x1E0C0] =	vst v63  }
0x422: {  	_ =	swait.ge [sflag:s17], $0x4000  }
0x423: {  	[sflag:s17] =	ssyncset.done $0x0  }
0x424: {  	[sflag:s17] =	ssyncadd.s32 $0xFFFFC000  }
0x425: {  	_ =	swait.ge [sflag:s23], $0x4000  }
0x426: {  	[sflag:s23] =	ssyncset.done $0x0  }
0x427: {  	s13 =	simm.s32 $0x100;
	[sflag:s23] =	ssyncadd.s32 $0xFFFFC000  }
0x428: {  	[tilespmem:s20], [sflag:$0x1] =	stream.indirect.gather [hbm4b:s1+s19], $0x80, s13, s19, $0xb8;
	[tilespmem:$0x1E0C0] =	vst v63  }
0x429: {  	s13 =	simm.s32 $0x1480  }
0x42a: {  	[spmem:s4] =	stream.indirect.scatter.add.f32 [tilespmem:s22], [sflag:$0x3], $0x80, s13, s19, $0xb8;
	[tilespmem:$0x1E0C0] =	vst v63  }
0x42b: {  	_ =	swait.ge [sflag:s17], $0x4000  }
0x42c: {  	[sflag:s17] =	ssyncset.done $0x0  }
0x42d: {  	[sflag:s17] =	ssyncadd.s32 $0xFFFFC000  }
0x42e: {  	_ =	swait.ge [sflag:s21], $0x4000  }
0x42f: {  	[sflag:s21] =	ssyncset.done $0x0  }
0x430: {  	s13 =	simm.s32 $0x180;
	[sflag:s21] =	ssyncadd.s32 $0xFFFFC000  }
0x431: {  	[tilespmem:s22], [sflag:$0x2] =	stream.indirect.gather [hbm4b:s1+s19], $0x80, s13, s19, $0xb8;
	[tilespmem:$0x1E0C0] =	vst v63  }
0x432: {  	s13 =	simm.s32 $0x1500  }
0x433: {  	[spmem:s4] =	stream.indirect.scatter.add.f32 [tilespmem:s20], [sflag:$0x3], $0x80, s13, s19, $0xb8;
	[tilespmem:$0x1E0C0] =	vst v63  }
0x434: {  	_ =	swait.ge [sflag:s17], $0x4000  }
0x435: {  	[sflag:s17] =	ssyncset.done $0x0  }
0x436: {  	[sflag:s17] =	ssyncadd.s32 $0xFFFFC000  }
0x437: {  	_ =	swait.ge [sflag:s23], $0x4000  }
0x438: {  	[sflag:s23] =	ssyncset.done $0x0  }
0x439: {  	s13 =	simm.s32 $0x200;
	[sflag:s23] =	ssyncadd.s32 $0xFFFFC000  }
0x43a: {  	[tilespmem:s20], [sflag:$0x1] =	stream.indirect.gather [hbm4b:s1+s19], $0x80, s13, s19, $0xb8;
	[tilespmem:$0x1E0C0] =	vst v63  }
0x43b: {  	s13 =	simm.s32 $0x1580  }
0x43c: {  	[spmem:s4] =	stream.indirect.scatter.add.f32 [tilespmem:s22], [sflag:$0x3], $0x80, s13, s19, $0xb8;
	[tilespmem:$0x1E0C0] =	vst v63  }
0x43d: {  	_ =	swait.ge [sflag:s17], $0x4000  }
0x43e: {  	[sflag:s17] =	ssyncset.done $0x0  }
0x43f: {  	[sflag:s17] =	ssyncadd.s32 $0xFFFFC000  }
0x440: {  	_ =	swait.ge [sflag:s21], $0x4000  }
0x441: {  	[sflag:s21] =	ssyncset.done $0x0  }
0x442: {  	s13 =	simm.s32 $0x280;
	[sflag:s21] =	ssyncadd.s32 $0xFFFFC000  }
0x443: {  	[tilespmem:s22], [sflag:$0x2] =	stream.indirect.gather [hbm4b:s1+s19], $0x80, s13, s19, $0xb8;
	[tilespmem:$0x1E0C0] =	vst v63  }
0x444: {  	s13 =	simm.s32 $0x1600  }
0x445: {  	[spmem:s4] =	stream.indirect.scatter.add.f32 [tilespmem:s20], [sflag:$0x3], $0x80, s13, s19, $0xb8;
	[tilespmem:$0x1E0C0] =	vst v63  }
0x446: {  	_ =	swait.ge [sflag:s17], $0x4000  }
0x447: {  	[sflag:s17] =	ssyncset.done $0x0  }
0x448: {  	[sflag:s17] =	ssyncadd.s32 $0xFFFFC000  }
0x449: {  	_ =	swait.ge [sflag:s23], $0x4000  }
0x44a: {  	[sflag:s23] =	ssyncset.done $0x0  }
0x44b: {  	s13 =	simm.s32 $0x300;
	[sflag:s23] =	ssyncadd.s32 $0xFFFFC000  }
0x44c: {  	[tilespmem:s20], [sflag:$0x1] =	stream.indirect.gather [hbm4b:s1+s19], $0x80, s13, s19, $0xb8;
	[tilespmem:$0x1E0C0] =	vst v63  }
0x44d: {  	s13 =	simm.s32 $0x1680  }
0x44e: {  	[spmem:s4] =	stream.indirect.scatter.add.f32 [tilespmem:s22], [sflag:$0x3], $0x80, s13, s19, $0xb8;
	[tilespmem:$0x1E0C0] =	vst v63  }
0x44f: {  	_ =	swait.ge [sflag:s17], $0x4000  }
0x450: {  	[sflag:s17] =	ssyncset.done $0x0  }
0x451: {  	[sflag:s17] =	ssyncadd.s32 $0xFFFFC000  }
0x452: {  	_ =	swait.ge [sflag:s21], $0x4000  }
0x453: {  	[sflag:s21] =	ssyncset.done $0x0  }
0x454: {  	s13 =	simm.s32 $0x380;
	[sflag:s21] =	ssyncadd.s32 $0xFFFFC000  }
0x455: {  	[tilespmem:s22], [sflag:$0x2] =	stream.indirect.gather [hbm4b:s1+s19], $0x80, s13, s19, $0xb8;
	[tilespmem:$0x1E0C0] =	vst v63  }
0x456: {  	s13 =	simm.s32 $0x1700  }
0x457: {  	[spmem:s4] =	stream.indirect.scatter.add.f32 [tilespmem:s20], [sflag:$0x3], $0x80, s13, s19, $0xb8;
	[tilespmem:$0x1E0C0] =	vst v63  }
0x458: {  	_ =	swait.ge [sflag:s17], $0x4000  }
0x459: {  	[sflag:s17] =	ssyncset.done $0x0  }
0x45a: {  	[sflag:s17] =	ssyncadd.s32 $0xFFFFC000  }
0x45b: {  	_ =	swait.ge [sflag:s23], $0x4000  }
0x45c: {  	[sflag:s23] =	ssyncset.done $0x0  }
0x45d: {  	s13 =	simm.s32 $0x400;
	[sflag:s23] =	ssyncadd.s32 $0xFFFFC000  }
0x45e: {  	[tilespmem:s20], [sflag:$0x1] =	stream.indirect.gather [hbm4b:s1+s19], $0x80, s13, s19, $0xb8;
	[tilespmem:$0x1E0C0] =	vst v63  }
0x45f: {  	s13 =	simm.s32 $0x1780  }
0x460: {  	[spmem:s4] =	stream.indirect.scatter.add.f32 [tilespmem:s22], [sflag:$0x3], $0x80, s13, s19, $0xb8;
	[tilespmem:$0x1E0C0] =	vst v63  }
0x461: {  	_ =	swait.ge [sflag:s17], $0x4000  }
0x462: {  	[sflag:s17] =	ssyncset.done $0x0  }
0x463: {  	[sflag:s17] =	ssyncadd.s32 $0xFFFFC000  }
0x464: {  	_ =	swait.ge [sflag:s21], $0x4000  }
0x465: {  	[sflag:s21] =	ssyncset.done $0x0  }
0x466: {  	s13 =	simm.s32 $0x480;
	[sflag:s21] =	ssyncadd.s32 $0xFFFFC000  }
0x467: {  	[tilespmem:s22], [sflag:$0x2] =	stream.indirect.gather [hbm4b:s1+s19], $0x80, s13, s19, $0xb8;
	[tilespmem:$0x1E0C0] =	vst v63  }
0x468: {  	s13 =	simm.s32 $0x1800  }
0x469: {  	[spmem:s4] =	stream.indirect.scatter.add.f32 [tilespmem:s20], [sflag:$0x3], $0x80, s13, s19, $0xb8;
	[tilespmem:$0x1E0C0] =	vst v63  }
0x46a: {  	_ =	swait.ge [sflag:s17], $0x4000  }
0x46b: {  	[sflag:s17] =	ssyncset.done $0x0  }
0x46c: {  	[sflag:s17] =	ssyncadd.s32 $0xFFFFC000  }
0x46d: {  	_ =	swait.ge [sflag:s23], $0x4000  }
0x46e: {  	[sflag:s23] =	ssyncset.done $0x0  }
0x46f: {  	s13 =	simm.s32 $0x500;
	[sflag:s23] =	ssyncadd.s32 $0xFFFFC000  }
0x470: {  	[tilespmem:s20], [sflag:$0x1] =	stream.indirect.gather [hbm4b:s1+s19], $0x80, s13, s19, $0xb8;
	[tilespmem:$0x1E0C0] =	vst v63  }
0x471: {  	s13 =	simm.s32 $0x1880  }
0x472: {  	[spmem:s4] =	stream.indirect.scatter.add.f32 [tilespmem:s22], [sflag:$0x3], $0x80, s13, s19, $0xb8;
	[tilespmem:$0x1E0C0] =	vst v63  }
0x473: {  	_ =	swait.ge [sflag:s17], $0x4000  }
0x474: {  	[sflag:s17] =	ssyncset.done $0x0  }
0x475: {  	[sflag:s17] =	ssyncadd.s32 $0xFFFFC000  }
0x476: {  	_ =	swait.ge [sflag:s21], $0x4000  }
0x477: {  	[sflag:s21] =	ssyncset.done $0x0  }
0x478: {  	s13 =	simm.s32 $0x580;
	[sflag:s21] =	ssyncadd.s32 $0xFFFFC000  }
0x479: {  	[tilespmem:s22], [sflag:$0x2] =	stream.indirect.gather [hbm4b:s1+s19], $0x80, s13, s19, $0xb8;
	[tilespmem:$0x1E0C0] =	vst v63  }
0x47a: {  	s13 =	simm.s32 $0x1900  }
0x47b: {  	[spmem:s4] =	stream.indirect.scatter.add.f32 [tilespmem:s20], [sflag:$0x3], $0x80, s13, s19, $0xb8;
	[tilespmem:$0x1E0C0] =	vst v63  }
0x47c: {  	_ =	swait.ge [sflag:s17], $0x4000  }
0x47d: {  	[sflag:s17] =	ssyncset.done $0x0  }
0x47e: {  	[sflag:s17] =	ssyncadd.s32 $0xFFFFC000  }
0x47f: {  	_ =	swait.ge [sflag:s23], $0x4000  }
0x480: {  	[sflag:s23] =	ssyncset.done $0x0  }
0x481: {  	s13 =	simm.s32 $0x600;
	[sflag:s23] =	ssyncadd.s32 $0xFFFFC000  }
0x482: {  	[tilespmem:s20], [sflag:$0x1] =	stream.indirect.gather [hbm4b:s1+s19], $0x80, s13, s19, $0xb8;
	[tilespmem:$0x1E0C0] =	vst v63  }
0x483: {  	s13 =	simm.s32 $0x1980  }
0x484: {  	[spmem:s4] =	stream.indirect.scatter.add.f32 [tilespmem:s22], [sflag:$0x3], $0x80, s13, s19, $0xb8;
	[tilespmem:$0x1E0C0] =	vst v63  }
0x485: {  	_ =	swait.ge [sflag:s17], $0x4000  }
0x486: {  	[sflag:s17] =	ssyncset.done $0x0  }
0x487: {  	[sflag:s17] =	ssyncadd.s32 $0xFFFFC000  }
0x488: {  	_ =	swait.ge [sflag:s21], $0x4000  }
0x489: {  	[sflag:s21] =	ssyncset.done $0x0  }
0x48a: {  	s13 =	simm.s32 $0x680;
	[sflag:s21] =	ssyncadd.s32 $0xFFFFC000  }
0x48b: {  	[tilespmem:s22], [sflag:$0x2] =	stream.indirect.gather [hbm4b:s1+s19], $0x80, s13, s19, $0xb8;
	[tilespmem:$0x1E0C0] =	vst v63  }
0x48c: {  	s13 =	simm.s32 $0x1A00  }
0x48d: {  	[spmem:s4] =	stream.indirect.scatter.add.f32 [tilespmem:s20], [sflag:$0x3], $0x80, s13, s19, $0xb8;
	[tilespmem:$0x1E0C0] =	vst v63  }
0x48e: {  	_ =	swait.ge [sflag:s17], $0x4000  }
0x48f: {  	[sflag:s17] =	ssyncset.done $0x0  }
0x490: {  	[sflag:s17] =	ssyncadd.s32 $0xFFFFC000  }
0x491: {  	_ =	swait.ge [sflag:s23], $0x4000  }
0x492: {  	[sflag:s23] =	ssyncset.done $0x0  }
0x493: {  	s13 =	simm.s32 $0x700;
	[sflag:s23] =	ssyncadd.s32 $0xFFFFC000  }
0x494: {  	[tilespmem:s20], [sflag:$0x1] =	stream.indirect.gather [hbm4b:s1+s19], $0x80, s13, s19, $0xb8;
	[tilespmem:$0x1E0C0] =	vst v63  }
0x495: {  	s13 =	simm.s32 $0x1A80  }
0x496: {  	[spmem:s4] =	stream.indirect.scatter.add.f32 [tilespmem:s22], [sflag:$0x3], $0x80, s13, s19, $0xb8;
	[tilespmem:$0x1E0C0] =	vst v63  }
0x497: {  	_ =	swait.ge [sflag:s17], $0x4000  }
0x498: {  	[sflag:s17] =	ssyncset.done $0x0  }
0x499: {  	[sflag:s17] =	ssyncadd.s32 $0xFFFFC000  }
0x49a: {  	_ =	swait.ge [sflag:s21], $0x4000  }
0x49b: {  	[sflag:s21] =	ssyncset.done $0x0  }
0x49c: {  	s13 =	simm.s32 $0x780;
	[sflag:s21] =	ssyncadd.s32 $0xFFFFC000  }
0x49d: {  	[tilespmem:s22], [sflag:$0x2] =	stream.indirect.gather [hbm4b:s1+s19], $0x80, s13, s19, $0xb8;
	[tilespmem:$0x1E0C0] =	vst v63  }
0x49e: {  	s13 =	simm.s32 $0x1B00  }
0x49f: {  	[spmem:s4] =	stream.indirect.scatter.add.f32 [tilespmem:s20], [sflag:$0x3], $0x80, s13, s19, $0xb8;
	[tilespmem:$0x1E0C0] =	vst v63  }
0x4a0: {  	_ =	swait.ge [sflag:s17], $0x4000  }
0x4a1: {  	[sflag:s17] =	ssyncset.done $0x0  }
0x4a2: {  	[sflag:s17] =	ssyncadd.s32 $0xFFFFC000  }
0x4a3: {  	_ =	swait.ge [sflag:s23], $0x4000  }
0x4a4: {  	[sflag:s23] =	ssyncset.done $0x0  }
0x4a5: {  	s13 =	simm.s32 $0x800;
	[sflag:s23] =	ssyncadd.s32 $0xFFFFC000  }
0x4a6: {  	[tilespmem:s20], [sflag:$0x1] =	stream.indirect.gather [hbm4b:s1+s19], $0x80, s13, s19, $0xb8;
	[tilespmem:$0x1E0C0] =	vst v63  }
0x4a7: {  	s13 =	simm.s32 $0x1B80  }
0x4a8: {  	[spmem:s4] =	stream.indirect.scatter.add.f32 [tilespmem:s22], [sflag:$0x3], $0x80, s13, s19, $0xb8;
	[tilespmem:$0x1E0C0] =	vst v63  }
0x4a9: {  	_ =	swait.ge [sflag:s17], $0x4000  }
0x4aa: {  	[sflag:s17] =	ssyncset.done $0x0  }
0x4ab: {  	[sflag:s17] =	ssyncadd.s32 $0xFFFFC000  }
0x4ac: {  	_ =	swait.ge [sflag:s21], $0x4000  }
0x4ad: {  	[sflag:s21] =	ssyncset.done $0x0  }
0x4ae: {  	s13 =	simm.s32 $0x880;
	[sflag:s21] =	ssyncadd.s32 $0xFFFFC000  }
0x4af: {  	[tilespmem:s22], [sflag:$0x2] =	stream.indirect.gather [hbm4b:s1+s19], $0x80, s13, s19, $0xb8;
	[tilespmem:$0x1E0C0] =	vst v63  }
0x4b0: {  	s13 =	simm.s32 $0x1C00  }
0x4b1: {  	[spmem:s4] =	stream.indirect.scatter.add.f32 [tilespmem:s20], [sflag:$0x3], $0x80, s13, s19, $0xb8;
	[tilespmem:$0x1E0C0] =	vst v63  }
0x4b2: {  	_ =	swait.ge [sflag:s17], $0x4000  }
0x4b3: {  	[sflag:s17] =	ssyncset.done $0x0  }
0x4b4: {  	[sflag:s17] =	ssyncadd.s32 $0xFFFFC000  }
0x4b5: {  	_ =	swait.ge [sflag:s23], $0x4000  }
0x4b6: {  	[sflag:s23] =	ssyncset.done $0x0  }
0x4b7: {  	s13 =	simm.s32 $0x900;
	[sflag:s23] =	ssyncadd.s32 $0xFFFFC000  }
0x4b8: {  	[tilespmem:s20], [sflag:$0x1] =	stream.indirect.gather [hbm4b:s1+s19], $0x80, s13, s19, $0xb8;
	[tilespmem:$0x1E0C0] =	vst v63  }
0x4b9: {  	s13 =	simm.s32 $0x1C80  }
0x4ba: {  	[spmem:s4] =	stream.indirect.scatter.add.f32 [tilespmem:s22], [sflag:$0x3], $0x80, s13, s19, $0xb8;
	[tilespmem:$0x1E0C0] =	vst v63  }
0x4bb: {  	_ =	swait.ge [sflag:s17], $0x4000  }
0x4bc: {  	[sflag:s17] =	ssyncset.done $0x0  }
0x4bd: {  	[sflag:s17] =	ssyncadd.s32 $0xFFFFC000  }
0x4be: {  	_ =	swait.ge [sflag:s21], $0x4000  }
0x4bf: {  	[sflag:s21] =	ssyncset.done $0x0  }
0x4c0: {  	s13 =	simm.s32 $0x980;
	[sflag:s21] =	ssyncadd.s32 $0xFFFFC000  }
0x4c1: {  	[tilespmem:s22], [sflag:$0x2] =	stream.indirect.gather [hbm4b:s1+s19], $0x80, s13, s19, $0xb8;
	[tilespmem:$0x1E0C0] =	vst v63  }
0x4c2: {  	s13 =	simm.s32 $0x1D00  }
0x4c3: {  	[spmem:s4] =	stream.indirect.scatter.add.f32 [tilespmem:s20], [sflag:$0x3], $0x80, s13, s19, $0xb8;
	[tilespmem:$0x1E0C0] =	vst v63  }
0x4c4: {  	_ =	swait.ge [sflag:s17], $0x4000  }
0x4c5: {  	[sflag:s17] =	ssyncset.done $0x0  }
0x4c6: {  	[sflag:s17] =	ssyncadd.s32 $0xFFFFC000  }
0x4c7: {  	_ =	swait.ge [sflag:s23], $0x4000  }
0x4c8: {  	[sflag:s23] =	ssyncset.done $0x0  }
0x4c9: {  	s13 =	simm.s32 $0xA00;
	[sflag:s23] =	ssyncadd.s32 $0xFFFFC000  }
0x4ca: {  	[tilespmem:s20], [sflag:$0x1] =	stream.indirect.gather [hbm4b:s1+s19], $0x80, s13, s19, $0xb8;
	[tilespmem:$0x1E0C0] =	vst v63  }
0x4cb: {  	s13 =	simm.s32 $0x1D80  }
0x4cc: {  	[spmem:s4] =	stream.indirect.scatter.add.f32 [tilespmem:s22], [sflag:$0x3], $0x80, s13, s19, $0xb8;
	[tilespmem:$0x1E0C0] =	vst v63  }
0x4cd: {  	_ =	swait.ge [sflag:s17], $0x4000  }
0x4ce: {  	[sflag:s17] =	ssyncset.done $0x0  }
0x4cf: {  	[sflag:s17] =	ssyncadd.s32 $0xFFFFC000  }
0x4d0: {  	_ =	swait.ge [sflag:s21], $0x4000  }
0x4d1: {  	[sflag:s21] =	ssyncset.done $0x0  }
0x4d2: {  	s13 =	simm.s32 $0xA80;
	[sflag:s21] =	ssyncadd.s32 $0xFFFFC000  }
0x4d3: {  	[tilespmem:s22], [sflag:$0x2] =	stream.indirect.gather [hbm4b:s1+s19], $0x80, s13, s19, $0xb8;
	[tilespmem:$0x1E0C0] =	vst v63  }
0x4d4: {  	s13 =	simm.s32 $0x1E00  }
0x4d5: {  	[spmem:s4] =	stream.indirect.scatter.add.f32 [tilespmem:s20], [sflag:$0x3], $0x80, s13, s19, $0xb8;
	[tilespmem:$0x1E0C0] =	vst v63  }
0x4d6: {  	_ =	swait.ge [sflag:s17], $0x4000  }
0x4d7: {  	[sflag:s17] =	ssyncset.done $0x0  }
0x4d8: {  	[sflag:s17] =	ssyncadd.s32 $0xFFFFC000  }
0x4d9: {  	_ =	swait.ge [sflag:s23], $0x4000  }
0x4da: {  	[sflag:s23] =	ssyncset.done $0x0  }
0x4db: {  	s13 =	simm.s32 $0xB00;
	[sflag:s23] =	ssyncadd.s32 $0xFFFFC000  }
0x4dc: {  	[tilespmem:s20], [sflag:$0x1] =	stream.indirect.gather [hbm4b:s1+s19], $0x80, s13, s19, $0xb8;
	[tilespmem:$0x1E0C0] =	vst v63  }
0x4dd: {  	s13 =	simm.s32 $0x1E80  }
0x4de: {  	[spmem:s4] =	stream.indirect.scatter.add.f32 [tilespmem:s22], [sflag:$0x3], $0x80, s13, s19, $0xb8;
	[tilespmem:$0x1E0C0] =	vst v63  }
0x4df: {  	_ =	swait.ge [sflag:s17], $0x4000  }
0x4e0: {  	[sflag:s17] =	ssyncset.done $0x0  }
0x4e1: {  	[sflag:s17] =	ssyncadd.s32 $0xFFFFC000  }
0x4e2: {  	_ =	swait.ge [sflag:s21], $0x4000  }
0x4e3: {  	[sflag:s21] =	ssyncset.done $0x0  }
0x4e4: {  	s13 =	simm.s32 $0xB80;
	[sflag:s21] =	ssyncadd.s32 $0xFFFFC000  }
0x4e5: {  	[tilespmem:s22], [sflag:$0x2] =	stream.indirect.gather [hbm4b:s1+s19], $0x80, s13, s19, $0xb8;
	[tilespmem:$0x1E0C0] =	vst v63  }
0x4e6: {  	s13 =	simm.s32 $0x1F00  }
0x4e7: {  	[spmem:s4] =	stream.indirect.scatter.add.f32 [tilespmem:s20], [sflag:$0x3], $0x80, s13, s19, $0xb8;
	[tilespmem:$0x1E0C0] =	vst v63  }
0x4e8: {  	_ =	swait.ge [sflag:s17], $0x4000  }
0x4e9: {  	[sflag:s17] =	ssyncset.done $0x0  }
0x4ea: {  	[sflag:s17] =	ssyncadd.s32 $0xFFFFC000  }
0x4eb: {  	_ =	swait.ge [sflag:s23], $0x4000  }
0x4ec: {  	[sflag:s23] =	ssyncset.done $0x0  }
0x4ed: {  	s13 =	simm.s32 $0xC00;
	[sflag:s23] =	ssyncadd.s32 $0xFFFFC000  }
0x4ee: {  	[tilespmem:s20], [sflag:$0x1] =	stream.indirect.gather [hbm4b:s1+s19], $0x80, s13, s19, $0xb8;
	[tilespmem:$0x1E0C0] =	vst v63  }
0x4ef: {  	s13 =	simm.s32 $0x1F80  }
0x4f0: {  	[spmem:s4] =	stream.indirect.scatter.add.f32 [tilespmem:s22], [sflag:$0x3], $0x80, s13, s19, $0xb8;
	[tilespmem:$0x1E0C0] =	vst v63  }
0x4f1: {  	_ =	swait.ge [sflag:s17], $0x4000  }
0x4f2: {  	[sflag:s17] =	ssyncset.done $0x0  }
0x4f3: {  	[sflag:s17] =	ssyncadd.s32 $0xFFFFC000  }
0x4f4: {  	_ =	swait.ge [sflag:s21], $0x4000  }
0x4f5: {  	[sflag:s21] =	ssyncset.done $0x0  }
0x4f6: {  	s13 =	simm.s32 $0xC80;
	[sflag:s21] =	ssyncadd.s32 $0xFFFFC000  }
0x4f7: {  	[tilespmem:s22], [sflag:$0x2] =	stream.indirect.gather [hbm4b:s1+s19], $0x80, s13, s19, $0xb8;
	[tilespmem:$0x1E0C0] =	vst v63  }
0x4f8: {  	s13 =	simm.s32 $0x2000  }
0x4f9: {  	[spmem:s4] =	stream.indirect.scatter.add.f32 [tilespmem:s20], [sflag:$0x3], $0x80, s13, s19, $0xb8;
	[tilespmem:$0x1E0C0] =	vst v63  }
0x4fa: {  	_ =	swait.ge [sflag:s17], $0x4000  }
0x4fb: {  	[sflag:s17] =	ssyncset.done $0x0  }
0x4fc: {  	[sflag:s17] =	ssyncadd.s32 $0xFFFFC000  }
0x4fd: {  	_ =	swait.ge [sflag:s23], $0x4000  }
0x4fe: {  	[sflag:s23] =	ssyncset.done $0x0  }
0x4ff: {  	s13 =	simm.s32 $0xD00;
	[sflag:s23] =	ssyncadd.s32 $0xFFFFC000  }
0x500: {  	[tilespmem:s20], [sflag:$0x1] =	stream.indirect.gather [hbm4b:s1+s19], $0x80, s13, s19, $0xb8;
	[tilespmem:$0x1E0C0] =	vst v63  }
0x501: {  	s13 =	simm.s32 $0x2080  }
0x502: {  	[spmem:s4] =	stream.indirect.scatter.add.f32 [tilespmem:s22], [sflag:$0x3], $0x80, s13, s19, $0xb8;
	[tilespmem:$0x1E0C0] =	vst v63  }
0x503: {  	_ =	swait.ge [sflag:s17], $0x4000  }
0x504: {  	[sflag:s17] =	ssyncset.done $0x0  }
0x505: {  	[sflag:s17] =	ssyncadd.s32 $0xFFFFC000  }
0x506: {  	_ =	swait.ge [sflag:s21], $0x4000  }
0x507: {  	[sflag:s21] =	ssyncset.done $0x0  }
0x508: {  	s13 =	simm.s32 $0xD80;
	[sflag:s21] =	ssyncadd.s32 $0xFFFFC000  }
0x509: {  	[tilespmem:s22], [sflag:$0x2] =	stream.indirect.gather [hbm4b:s1+s19], $0x80, s13, s19, $0xb8;
	[tilespmem:$0x1E0C0] =	vst v63  }
0x50a: {  	s13 =	simm.s32 $0x2100  }
0x50b: {  	[spmem:s4] =	stream.indirect.scatter.add.f32 [tilespmem:s20], [sflag:$0x3], $0x80, s13, s19, $0xb8;
	[tilespmem:$0x1E0C0] =	vst v63  }
0x50c: {  	_ =	swait.ge [sflag:s17], $0x4000  }
0x50d: {  	[sflag:s17] =	ssyncset.done $0x0  }
0x50e: {  	[sflag:s17] =	ssyncadd.s32 $0xFFFFC000  }
0x50f: {  	_ =	swait.ge [sflag:s23], $0x4000  }
0x510: {  	[sflag:s23] =	ssyncset.done $0x0  }
0x511: {  	[sflag:s23] =	ssyncadd.s32 $0xFFFFC000  }
0x512: {  	[tilespmem:s20], [sflag:$0x1] =	stream.indirect.gather [hbm4b:s1+s19], $0x80, s30, s19, $0xb8;
	[tilespmem:$0x1E0C0] =	vst v63  }
0x513: {  	_ = 	snop  }
0x514: {  	[spmem:s4] =	stream.indirect.scatter.add.f32 [tilespmem:s22], [sflag:$0x3], $0x80, s31, s19, $0xb8;
	[tilespmem:$0x1E0C0] =	vst v63  }
0x515: {  	_ =	swait.ge [sflag:s17], $0x4000  }
0x516: {  	[sflag:s17] =	ssyncset.done $0x0  }
0x517: {  	[sflag:s17] =	ssyncadd.s32 $0xFFFFC000  }
0x518: {  	_ =	swait.ge [sflag:s21], $0x4000  }
0x519: {  	[sflag:s21] =	ssyncset.done $0x0  }
0x51a: {  	[sflag:s21] =	ssyncadd.s32 $0xFFFFC000  }
0x51b: {  	[tilespmem:s22], [sflag:$0x2] =	stream.indirect.gather [hbm4b:s1+s19], $0x80, s0, s19, $0xb8;
	[tilespmem:$0x1E0C0] =	vst v63  }
0x51c: {  	_ = 	snop  }
0x51d: {  	[spmem:s4] =	stream.indirect.scatter.add.f32 [tilespmem:s20], [sflag:$0x3], $0x80, s2, s19, $0xb8;
	[tilespmem:$0x1E0C0] =	vst v63  }
0x51e: {  	_ =	swait.ge [sflag:s17], $0x4000  }
0x51f: {  	[sflag:s17] =	ssyncset.done $0x0  }
0x520: {  	[sflag:s17] =	ssyncadd.s32 $0xFFFFC000  }
0x521: {  	_ =	swait.ge [sflag:s23], $0x4000  }
0x522: {  	[sflag:s23] =	ssyncset.done $0x0  }
0x523: {  	[sflag:s23] =	ssyncadd.s32 $0xFFFFC000  }
0x524: {  	[tilespmem:s20], [sflag:$0x1] =	stream.indirect.gather [hbm4b:s1+s19], $0x80, s9, s19, $0xb8;
	[tilespmem:$0x1E0C0] =	vst v63  }
0x525: {  	_ = 	snop  }
0x526: {  	[spmem:s4] =	stream.indirect.scatter.add.f32 [tilespmem:s22], [sflag:$0x3], $0x80, s10, s19, $0xb8;
	[tilespmem:$0x1E0C0] =	vst v63  }
0x527: {  	_ =	swait.ge [sflag:s17], $0x4000  }
0x528: {  	[sflag:s17] =	ssyncset.done $0x0  }
0x529: {  	[sflag:s17] =	ssyncadd.s32 $0xFFFFC000  }
0x52a: {  	_ =	swait.ge [sflag:s21], $0x4000  }
0x52b: {  	[sflag:s21] =	ssyncset.done $0x0  }
0x52c: {  	[sflag:s21] =	ssyncadd.s32 $0xFFFFC000  }
0x52d: {  	[tilespmem:s22], [sflag:$0x2] =	stream.indirect.gather [hbm4b:s1+s19], $0x80, s6, s19, $0xb8;
	[tilespmem:$0x1E0C0] =	vst v63  }
0x52e: {  	_ = 	snop  }
0x52f: {  	[spmem:s4] =	stream.indirect.scatter.add.f32 [tilespmem:s20], [sflag:$0x3], $0x80, s3, s19, $0xb8;
	[tilespmem:$0x1E0C0] =	vst v63  }
0x530: {  	_ =	swait.ge [sflag:s17], $0x4000  }
0x531: {  	[sflag:s17] =	ssyncset.done $0x0  }
0x532: {  	[sflag:s17] =	ssyncadd.s32 $0xFFFFC000  }
0x533: {  	_ =	swait.ge [sflag:s23], $0x4000  }
0x534: {  	[sflag:s23] =	ssyncset.done $0x0  }
0x535: {  	[sflag:s23] =	ssyncadd.s32 $0xFFFFC000  }
0x536: {  	[tilespmem:s20], [sflag:$0x1] =	stream.indirect.gather [hbm4b:s1+s19], $0x80, s15, s19, $0xb8;
	[tilespmem:$0x1E0C0] =	vst v63  }
0x537: {  	_ = 	snop  }
0x538: {  	[spmem:s4] =	stream.indirect.scatter.add.f32 [tilespmem:s22], [sflag:$0x3], $0x80, s25, s19, $0xb8;
	[tilespmem:$0x1E0C0] =	vst v63  }
0x539: {  	_ =	swait.ge [sflag:s17], $0x4000  }
0x53a: {  	[sflag:s17] =	ssyncset.done $0x0  }
0x53b: {  	[sflag:s17] =	ssyncadd.s32 $0xFFFFC000  }
0x53c: {  	_ =	swait.ge [sflag:s21], $0x4000  }
0x53d: {  	[sflag:s21] =	ssyncset.done $0x0  }
0x53e: {  	[sflag:s21] =	ssyncadd.s32 $0xFFFFC000  }
0x53f: {  	[tilespmem:s22], [sflag:$0x2] =	stream.indirect.gather [hbm4b:s1+s19], $0x80, s26, s19, $0xb8;
	[tilespmem:$0x1E0C0] =	vst v63  }
0x540: {  	_ = 	snop  }
0x541: {  	[spmem:s4] =	stream.indirect.scatter.add.f32 [tilespmem:s20], [sflag:$0x3], $0x80, s29, s19, $0xb8;
	[tilespmem:$0x1E0C0] =	vst v63  }
0x542: {  	_ =	swait.ge [sflag:s17], $0x4000  }
0x543: {  	[sflag:s17] =	ssyncset.done $0x0  }
0x544: {  	[sflag:s17] =	ssyncadd.s32 $0xFFFFC000  }
0x545: {  	_ =	swait.ge [sflag:s23], $0x4000  }
0x546: {  	[sflag:s23] =	ssyncset.done $0x0  }
0x547: {  	[sflag:s23] =	ssyncadd.s32 $0xFFFFC000  }
0x548: {  	[tilespmem:s20], [sflag:$0x1] =	stream.indirect.gather [hbm4b:s1+s19], $0x80, s16, s19, $0xb8;
	[tilespmem:$0x1E0C0] =	vst v63  }
0x549: {  	_ = 	snop  }
0x54a: {  	[spmem:s4] =	stream.indirect.scatter.add.f32 [tilespmem:s22], [sflag:$0x3], $0x80, s28, s19, $0xb8;
	[tilespmem:$0x1E0C0] =	vst v63  }
0x54b: {  	_ =	swait.ge [sflag:s17], $0x4000  }
0x54c: {  	[sflag:s17] =	ssyncset.done $0x0  }
0x54d: {  	[sflag:s17] =	ssyncadd.s32 $0xFFFFC000  }
0x54e: {  	_ =	swait.ge [sflag:s21], $0x4000  }
.Ltmp5:
0x54f: {  	[sflag:s21] =	ssyncset.done $0x0;
	(pc) =	sbr.rel @p2 .LBB2_3-.Ltmp5, $4  }
0x550: {  	[sflag:s21] =	ssyncadd.s32 $0xFFFFC000  }
0x551: {  	[spmem:s4] =	stream.indirect.scatter.add.f32 [tilespmem:s20], [sflag:$0x3], $0x80, s24, s19, $0xb8;
	[tilespmem:$0x1E0C0] =	vst v63  }
0x552: {  	_ =	swait.ge [sflag:s17], $0x4000  }
0x553: {  	[sflag:s17] =	ssyncset.done $0x0  }
0x554: {  	[sflag:s17] =	ssyncadd.s32 $0xFFFFC000  }
0x555: {  	[bflag:$0x0] =	sbarrier.arrive $0xFFFF  }
0x556: {  	s13 =	rddreg [dreg:$0x8]  }
0x557: {  	s12 =	simm.s32 @p1 $0x1FC3;
	s14 =	rddreg [dreg:$0xb]  }
0x558: {  	[hbm:s13], [sflag:s12] =	dma.local @p1 [spmem:s14], $0x2080  }
0x559: {  	s12 =	simm.s32 @p1 $0x3  }
0x55a: {  	_ =	swait.ge @p1 [sflag:s12], $0x2080  }
0x55b: {  	s13 =	rddreg [dreg:$0xc]  }
0x55c: {  	[sflag:s12] =	ssyncset.done @p1 $0x0;
	s14 =	rddreg [dreg:$0xd]  }
0x55d: {  	[sflag:s12] =	ssyncadd.s32 @p1 $0xFFFFDF80;
	s12 =	rddreg [dreg:$0x7]  }
0x55e: {  	[hbm:s12], [sflag:s13] =	dma.local @!p1 [spmem:s14], $0x2780  }
.Ltmp6:
0x55f: {  	_ = 	snop;
	(pc) =	sbr.rel .LBB2_8-.Ltmp6, $4  }
0x560: {  	s12 =	simm.s32 @!p1 $0x3  }
0x561: {  	_ =	swait.ge @!p1 [sflag:s12], $0x2780  }
0x562: {  	[sflag:s12] =	ssyncset.done @!p1 $0x0  }
0x563: {  	s0 =	rddreg [dreg:$0xe];
	[sflag:s12] =	ssyncadd.s32 @!p1 $0xFFFFD880  }
.LBB2_9:
0x564: {  	_ =	sfence.sel $0x180000  }
0x565: {  	[bflag:$0x0] =	sbarrier.arrive $0xFFFF  }
0x566: {  	_ =	strace $0x90000047  }
0x567: {  	s0 =	stileid.u32;
	[bflag:$0x2] =	sbarrier.arrive $0xFFFF  }
0x568: {  	p0 =	sne.s32 s0, $0x0;
	s0 =	rddreg [dreg:$0x5]  }
0x569: {  	s0 =	sadd.s32 @!p0 $0x100000, s0  }
0x56a: {  	[sflag:s0] =	ssyncadd.tile.s32 @!p0 $0x1;
	_ =	shalt  }
.Lfunc_end2:
_tile_overlayer_lowered:
.L_overlay_start_2:
0x56b: {  	(tag) =	ssettag $0x2  }
0x56c: {  	s0 =	rddreg [dreg:$0x0];
	s2 =	stileid.u32  }
0x56d: {  	s1 =	rddreg [dreg:$0x1];
	p0 =	sne.s32 s2, $0x0  }
0x56e: {  	s3 =	rddreg [dreg:$0x2];
	[bflag:$0x3] =	sbarrier.arrive $0xFFFF;
	s2 =	simm.s32 @!p0 $0x1C03  }
0x56f: {  	[timem:s3], [sflag:s2] =	dma.local @!p0 [hbm:s0], s1  }
0x570: {  	s0 =	simm.s32 @!p0 $0x3  }
0x571: {  	_ =	swait.ge @!p0 [sflag:s0], s1  }
0x572: {  	s1 =	ssub.s32 @!p0 $0x0, s1;
	[sflag:s0] =	ssyncset.done @!p0 $0x0  }
0x573: {  	[sflag:s0] =	ssyncadd.s32 @!p0 s1  }
0x574: {  	[bflag:$0x3] =	sbarrier.arrive $0xFFFF  }
0x575: {  	_ =	shalt  }

</sc_bundles>
